<compile_context>
chip_gen: v7x
topology: tpu7x:2x2x1
jax: 0.10.2.dev20260603
libtpu: 0.0.44.dev20260713+nightly
codegen_flags: <defaults>
</compile_context>

<pallas_src>
import functools

import jax
import jax.numpy as jnp
from jax import lax
from jax.experimental import pallas as pl
from jax.experimental.pallas import tpu as pltpu
from jax.experimental.pallas import tpu_sc as plsc

L = 16
CHUNK = 96
GROUPS = CHUNK // L
COLS = 128
EDGES = 300000
NW = 32
EW = 9504
EW_LAST = EDGES - (NW - 1) * EW


def _sc_body(edge_hbm, typ_hbm, ent_hbm, rel_hbm, out_hbm,
             idx_s, idx_d, idx_r, rows_s, rows_d, rows_r, outb, rel_sh,
             sem_s, sem_d, sem_r, sem_i):
    nc = 2
    sid = lax.axis_index("s")
    wid = sid * nc + lax.axis_index("c")

    @pl.when(sid == 0)
    def _():
        pltpu.sync_copy(rel_hbm, rel_sh)

    plsc.subcore_barrier()
    base0 = wid * EW
    last = wid == NW - 1
    n_chunks = jnp.where(last, EW_LAST // CHUNK, EW // CHUNK)
    iota = lax.iota(jnp.int32, L)

    def preload(n):
        ci = pltpu.async_copy(edge_hbm.at[0, pl.ds(base0, n)],
                              idx_s.at[pl.ds(0, n)], sem_i)
        cd = pltpu.async_copy(edge_hbm.at[1, pl.ds(base0, n)],
                              idx_d.at[pl.ds(0, n)], sem_i)
        cr = pltpu.async_copy(typ_hbm.at[pl.ds(base0, n)],
                              idx_r.at[pl.ds(0, n)], sem_i)
        ci.wait()
        cd.wait()
        cr.wait()

    pl.when(jnp.logical_not(last))(lambda: preload(EW))
    pl.when(last)(lambda: preload(EW_LAST))

    def issue(c, b):
        off = c * CHUNK
        pltpu.async_copy(ent_hbm.at[idx_s.at[pl.ds(off, CHUNK)]],
                         rows_s.at[b], sem_s.at[b])
        pltpu.async_copy(ent_hbm.at[idx_d.at[pl.ds(off, CHUNK)]],
                         rows_d.at[b], sem_d.at[b])
        pltpu.async_copy(rel_sh.at[idx_r.at[pl.ds(off, CHUNK)]],
                         rows_r.at[b], sem_r.at[b])

    def drain(b):
        pltpu.make_async_copy(ent_hbm.at[idx_s.at[pl.ds(0, CHUNK)]],
                              rows_s.at[b], sem_s.at[b]).wait()
        pltpu.make_async_copy(ent_hbm.at[idx_d.at[pl.ds(0, CHUNK)]],
                              rows_d.at[b], sem_d.at[b]).wait()
        pltpu.make_async_copy(rel_hbm.at[idx_r.at[pl.ds(0, CHUNK)]],
                              rows_r.at[b], sem_r.at[b]).wait()

    issue(0, 0)
    himask = jnp.full((L,), -65536, jnp.int32)

    def chunk_pair(i2, carry):
        for b in range(2):
            c = i2 * 2 + b

            @pl.when(c < n_chunks)
            def _(c=c, b=b):
                drain(b)

                @pl.when(c + 1 < n_chunks)
                def _():
                    issue(c + 1, 1 - b)

                rs, rd, rr = rows_s.at[b], rows_d.at[b], rows_r.at[b]
                for g in range(GROUPS):
                    row = iota + (g * L)

                    def dim_body(j, acc, rs=rs, rd=rd, rr=rr, row=row):
                        for k in range(8):
                            col = (iota + (j * 8 + k)) & (COLS - 1)
                            sv = plsc.load_gather(rs, [row, col])
                            dv = plsc.load_gather(rd, [row, col])
                            rv = plsc.load_gather(rr, [row, col])
                            s = plsc.bitcast(sv, jnp.bfloat16)
                            d = plsc.bitcast(dv, jnp.bfloat16)
                            r = plsc.bitcast(rv, jnp.bfloat16)
                            acc = acc + (s * r) * d
                        return acc

                    acc2 = lax.fori_loop(
                        0, COLS // 8, dim_body,
                        jnp.zeros((2 * L,), jnp.bfloat16))
                    accw = plsc.bitcast(acc2, jnp.int32)
                    acc = (plsc.bitcast(accw << 16, jnp.float32)
                           + plsc.bitcast(accw & himask, jnp.float32))
                    outb[pl.ds(c * CHUNK + g * L, L)] = (
                        1.0 / (1.0 + jnp.exp(-acc)))
        return carry

    lax.fori_loop(0, (EW // CHUNK + 1) // 2, chunk_pair, 0)

    @pl.when(jnp.logical_not(last))
    def _():
        pltpu.sync_copy(outb.at[pl.ds(0, EW)], out_hbm.at[pl.ds(base0, EW)])

    @pl.when(last)
    def _():
        pltpu.sync_copy(outb.at[pl.ds(0, EW_LAST)],
                        out_hbm.at[pl.ds(base0, EW_LAST)])


def _pack_body(x_ref, o_ref):
    u = lax.bitcast_convert_type(x_ref[...], jnp.uint32)
    r = u + jnp.uint32(0x7FFF) + ((u >> 16) & jnp.uint32(1))
    half = r.shape[1] // 2
    word = (r[:, :half] >> 16) | (r[:, half:] & jnp.uint32(0xFFFF0000))
    o_ref[...] = lax.bitcast_convert_type(word, jnp.int32)


def _pack_tc(table, block_rows):
    n, d = table.shape
    return pl.pallas_call(
        _pack_body,
        grid=(n // block_rows,),
        in_specs=[pl.BlockSpec((block_rows, d), lambda i: (i, 0))],
        out_specs=pl.BlockSpec((block_rows, d // 2), lambda i: (i, 0)),
        out_shape=jax.ShapeDtypeStruct((n, d // 2), jnp.int32),
    )(table)


@jax.jit
def _dist_mult_sc(edge_index, typ, ent, rel):
    ent_p = _pack_tc(ent, 2000)
    rel_p = _pack_tc(rel, 1000)
    mesh = plsc.VectorSubcoreMesh(core_axis_name="c", subcore_axis_name="s")
    kfn = pl.kernel(
        _sc_body,
        out_type=jax.ShapeDtypeStruct((EDGES,), jnp.float32),
        mesh=mesh,
        scratch_types=[
            pltpu.VMEM((EW,), jnp.int32),
            pltpu.VMEM((EW,), jnp.int32),
            pltpu.VMEM((EW,), jnp.int32),
            pltpu.VMEM((2, CHUNK, COLS), jnp.int32),
            pltpu.VMEM((2, CHUNK, COLS), jnp.int32),
            pltpu.VMEM((2, CHUNK, COLS), jnp.int32),
            pltpu.VMEM((EW,), jnp.float32),
            pltpu.VMEM_SHARED((1000, COLS), jnp.int32),
            pltpu.SemaphoreType.DMA((2,)),
            pltpu.SemaphoreType.DMA((2,)),
            pltpu.SemaphoreType.DMA((2,)),
            pltpu.SemaphoreType.DMA,
        ],
        compiler_params=pltpu.CompilerParams(use_tc_tiling_on_sc=False,
                                             needs_layout_passes=False),
    )
    return kfn(edge_index, typ, ent_p, rel_p)


def kernel(edge_index, edge_type, entity_embedding, relation_embedding):
    return _dist_mult_sc(edge_index, edge_type, entity_embedding,
                         relation_embedding)

# --- scband reference (transcript-rebuilt; emitter-appended) ---
"""Pipeline reference for scband-dist-mult-37580963840088 (READ-ONLY COPY).

The authoritative reference and input builder live on the scoring server;
editing this copy changes nothing except your own understanding.
"""

import jax, jax.numpy as jnp
import numpy as np

NUM_NODES = 100000
NUM_RELATIONS = 1000
EMBED_DIM = 256
E = 300000

def _xavier_uniform(key, shape):
    fan_in, fan_out = shape[0], shape[1]
    limit = float(np.sqrt(6.0 / (fan_in + fan_out)))
    return jax.random.uniform(key, shape, dtype=jnp.float32, minval=-limit, maxval=limit)

def setup_inputs(seed: int = 0) -> dict:
    key = jax.random.key(seed)
    k1, k2, k3, k4 = jax.random.split(key, 4)
    edge_index = jax.random.randint(k1, (2, E), 0, NUM_NODES, dtype=jnp.int64 if jax.config.jax_enable_x64 else jnp.int32).astype(jnp.int32)
    edge_type = jax.random.randint(k2, (E,), 0, NUM_RELATIONS).astype(jnp.int32)
    entity_embedding = _xavier_uniform(k3, (NUM_NODES, EMBED_DIM))
    relation_embedding = _xavier_uniform(k4, (NUM_RELATIONS, EMBED_DIM))
    return {
        "edge_index": edge_index,
        "edge_type": edge_type,
        "entity_embedding": entity_embedding,
        "relation_embedding": relation_embedding,
    }

def reference(edge_index, edge_type, entity_embedding, relation_embedding):
    src = edge_index[0]
    dst = edge_index[1]
    src_embeds = jnp.take(entity_embedding, src, axis=0)
    dst_embeds = jnp.take(entity_embedding, dst, axis=0)
    rel_embeds = jnp.take(relation_embedding, edge_type, axis=0)
    scores = jnp.sum(src_embeds * rel_embeds * dst_embeds, axis=1)
    return jax.nn.sigmoid(scores)

if __name__ == "__main__":
    import jax
    _d = setup_inputs()
    print(jax.jit(kernel)(*tuple(_d.values())))

</pallas_src>

<mosaic_0001>
#map = affine_map<(d0, d1) -> (0, 0)>
#map1 = affine_map<(d0, d1) -> (0)>
module attributes {stable_mosaic.version = 14 : i64} {
  func.func @_sc_body(%arg0: i32, %arg1: i32, %arg2: memref<2x300000xi32, #tpu.memory_space<hbm>>, %arg3: memref<300000xi32, #tpu.memory_space<hbm>>, %arg4: memref<100000x128xi32, #tpu.memory_space<hbm>>, %arg5: memref<1000x128xi32, #tpu.memory_space<hbm>>, %arg6: memref<300000xf32, #tpu.memory_space<hbm>>, %arg7: memref<9504xi32, #tpu.memory_space<vmem>>, %arg8: memref<9504xi32, #tpu.memory_space<vmem>>, %arg9: memref<9504xi32, #tpu.memory_space<vmem>>, %arg10: memref<2x96x128xi32, #tpu.memory_space<vmem>>, %arg11: memref<2x96x128xi32, #tpu.memory_space<vmem>>, %arg12: memref<2x96x128xi32, #tpu.memory_space<vmem>>, %arg13: memref<9504xf32, #tpu.memory_space<vmem>>, %arg14: memref<1000x128xi32, #tpu.memory_space<vmem_shared>>, %arg15: memref<2x!tpu.dma_semaphore, #tpu.memory_space<semaphore_mem>>, %arg16: memref<2x!tpu.dma_semaphore, #tpu.memory_space<semaphore_mem>>, %arg17: memref<2x!tpu.dma_semaphore, #tpu.memory_space<semaphore_mem>>, %arg18: memref<!tpu.dma_semaphore, #tpu.memory_space<semaphore_mem>>) attributes {dimension_semantics = [#tpu.dimension_semantics<core_parallel>, #tpu.dimension_semantics<subcore_parallel>], iteration_bounds = array<i64: 2, 16>, scalar_prefetch = 0 : i64, scratch_operands = 12 : i64, tpu.core_type = #tpu.core_type<sc_vector_subcore>, window_params = [{transform_indices = #map}, {transform_indices = #map1}, {transform_indices = #map}, {transform_indices = #map}, {transform_indices = #map1}]} {
    %mul3A = arith.constant 2 : i32
    %mul3A_0 = arith.muli %arg1, %mul3A : i32
    %add3A = arith.addi %mul3A_0, %arg0 : i32
    %eq3A = arith.constant 0 : i32
    %eq3A_1 = arith.cmpi eq, %arg1, %eq3A : i32
    %convert_element_type3A = arith.extui %eq3A_1 : i1 to i32
    %cond3A = arith.constant 0 : i32
    %cond3A_2 = arith.cmpi ne, %convert_element_type3A, %cond3A : i32
    scf.if %cond3A_2 {
      "tpu.region"() ({
        %run_scoped3A = tpu.sem_alloc : memref<!tpu.dma_semaphore, #tpu.memory_space<semaphore_mem>>
        tpu.enqueue_dma source(%arg5 : memref<1000x128xi32, #tpu.memory_space<hbm>>) target(%arg14 : memref<1000x128xi32, #tpu.memory_space<vmem_shared>>) target_semaphore(%run_scoped3A : memref<!tpu.dma_semaphore, #tpu.memory_space<semaphore_mem>>)
        tpu.wait_dma2 semaphore(%run_scoped3A : memref<!tpu.dma_semaphore, #tpu.memory_space<semaphore_mem>>) src(%arg5 : memref<1000x128xi32, #tpu.memory_space<hbm>>) dst(%arg14 : memref<1000x128xi32, #tpu.memory_space<vmem_shared>>)
        tpu.yield
      }) : () -> ()
    } else {
    }
    %barrier3A = arith.constant 0 : index
    tpu.barrier barrier_id(%barrier3A)
    %mul3A_3 = arith.constant 9504 : i32
    %mul3A_4 = arith.muli %add3A, %mul3A_3 : i32
    %eq3A_5 = arith.constant 31 : i32
    %eq3A_6 = arith.cmpi eq, %add3A, %eq3A_5 : i32
    %jit3A = arith.constant 56 : i32
    %jit3A_7 = arith.constant 99 : i32
    %select_n3A = arith.select %eq3A_6, %jit3A, %jit3A_7 : i32
    %iota3A = tpu.iota {dimensions = array<i32: 0>} : vector<16xi32>
    %not3A = arith.constant true
    %not3A_8 = arith.xori %eq3A_6, %not3A : i1
    %convert_element_type3A_9 = arith.extui %not3A_8 : i1 to i32
    %cond3A_10 = arith.constant 0 : i32
    %cond3A_11 = arith.cmpi ne, %convert_element_type3A_9, %cond3A_10 : i32
    scf.if %cond3A_11 {
      %dma_start3A_67 = arith.constant 0 : i32
      %dma_start3A_68 = arith.constant 0 : i32
      %dma_start3A_69 = tpu.memref_slice %arg7[%dma_start3A_68] : memref<9504xi32, #tpu.memory_space<vmem>> -> memref<9504xi32, #tpu.memory_space<vmem>>
      %dma_start3A_70 = tpu.memref_slice %arg2[%dma_start3A_67, %mul3A_4] : memref<2x300000xi32, #tpu.memory_space<hbm>> -> memref<1x9504xi32, #tpu.memory_space<hbm>>
      %dma_start3A_71 = tpu.memref_squeeze %dma_start3A_70 : memref<1x9504xi32, #tpu.memory_space<hbm>> -> memref<9504xi32, #tpu.memory_space<hbm>>
      %dma_start3A_72 = arith.constant 0 : i32
      %dma_start3A_73 = tpu.memref_slice %arg7[%dma_start3A_72] : memref<9504xi32, #tpu.memory_space<vmem>> -> memref<9504xi32, #tpu.memory_space<vmem>>
      %dma_start3A_74 = tpu.memref_slice %arg2[%dma_start3A_67, %mul3A_4] : memref<2x300000xi32, #tpu.memory_space<hbm>> -> memref<1x9504xi32, #tpu.memory_space<hbm>>
      %dma_start3A_75 = tpu.memref_squeeze %dma_start3A_74 : memref<1x9504xi32, #tpu.memory_space<hbm>> -> memref<9504xi32, #tpu.memory_space<hbm>>
      tpu.enqueue_dma source(%dma_start3A_75 : memref<9504xi32, #tpu.memory_space<hbm>>) target(%dma_start3A_73 : memref<9504xi32, #tpu.memory_space<vmem>>) target_semaphore(%arg18 : memref<!tpu.dma_semaphore, #tpu.memory_space<semaphore_mem>>)
      %dma_start3A_76 = arith.constant 1 : i32
      %dma_start3A_77 = arith.constant 0 : i32
      %dma_start3A_78 = tpu.memref_slice %arg8[%dma_start3A_77] : memref<9504xi32, #tpu.memory_space<vmem>> -> memref<9504xi32, #tpu.memory_space<vmem>>
      %dma_start3A_79 = tpu.memref_slice %arg2[%dma_start3A_76, %mul3A_4] : memref<2x300000xi32, #tpu.memory_space<hbm>> -> memref<1x9504xi32, #tpu.memory_space<hbm>>
      %dma_start3A_80 = tpu.memref_squeeze %dma_start3A_79 : memref<1x9504xi32, #tpu.memory_space<hbm>> -> memref<9504xi32, #tpu.memory_space<hbm>>
      %dma_start3A_81 = arith.constant 0 : i32
      %dma_start3A_82 = tpu.memref_slice %arg8[%dma_start3A_81] : memref<9504xi32, #tpu.memory_space<vmem>> -> memref<9504xi32, #tpu.memory_space<vmem>>
      %dma_start3A_83 = tpu.memref_slice %arg2[%dma_start3A_76, %mul3A_4] : memref<2x300000xi32, #tpu.memory_space<hbm>> -> memref<1x9504xi32, #tpu.memory_space<hbm>>
      %dma_start3A_84 = tpu.memref_squeeze %dma_start3A_83 : memref<1x9504xi32, #tpu.memory_space<hbm>> -> memref<9504xi32, #tpu.memory_space<hbm>>
      tpu.enqueue_dma source(%dma_start3A_84 : memref<9504xi32, #tpu.memory_space<hbm>>) target(%dma_start3A_82 : memref<9504xi32, #tpu.memory_space<vmem>>) target_semaphore(%arg18 : memref<!tpu.dma_semaphore, #tpu.memory_space<semaphore_mem>>)
      %dma_start3A_85 = arith.constant 0 : i32
      %dma_start3A_86 = tpu.memref_slice %arg9[%dma_start3A_85] : memref<9504xi32, #tpu.memory_space<vmem>> -> memref<9504xi32, #tpu.memory_space<vmem>>
      %dma_start3A_87 = tpu.memref_slice %arg3[%mul3A_4] : memref<300000xi32, #tpu.memory_space<hbm>> -> memref<9504xi32, #tpu.memory_space<hbm>>
      %dma_start3A_88 = arith.constant 0 : i32
      %dma_start3A_89 = tpu.memref_slice %arg9[%dma_start3A_88] : memref<9504xi32, #tpu.memory_space<vmem>> -> memref<9504xi32, #tpu.memory_space<vmem>>
      %dma_start3A_90 = tpu.memref_slice %arg3[%mul3A_4] : memref<300000xi32, #tpu.memory_space<hbm>> -> memref<9504xi32, #tpu.memory_space<hbm>>
      tpu.enqueue_dma source(%dma_start3A_90 : memref<9504xi32, #tpu.memory_space<hbm>>) target(%dma_start3A_89 : memref<9504xi32, #tpu.memory_space<vmem>>) target_semaphore(%arg18 : memref<!tpu.dma_semaphore, #tpu.memory_space<semaphore_mem>>)
      %dma_wait3A = arith.constant 0 : i32
      %dma_wait3A_91 = arith.constant 0 : i32
      %dma_wait3A_92 = tpu.memref_slice %arg7[%dma_wait3A_91] : memref<9504xi32, #tpu.memory_space<vmem>> -> memref<9504xi32, #tpu.memory_space<vmem>>
      %dma_wait3A_93 = tpu.memref_slice %arg2[%dma_wait3A, %mul3A_4] : memref<2x300000xi32, #tpu.memory_space<hbm>> -> memref<1x9504xi32, #tpu.memory_space<hbm>>
      %dma_wait3A_94 = tpu.memref_squeeze %dma_wait3A_93 : memref<1x9504xi32, #tpu.memory_space<hbm>> -> memref<9504xi32, #tpu.memory_space<hbm>>
      %dma_wait3A_95 = arith.constant 0 : i32
      %dma_wait3A_96 = tpu.memref_slice %arg7[%dma_wait3A_95] : memref<9504xi32, #tpu.memory_space<vmem>> -> memref<9504xi32, #tpu.memory_space<vmem>>
      %dma_wait3A_97 = tpu.memref_slice %arg2[%dma_wait3A, %mul3A_4] : memref<2x300000xi32, #tpu.memory_space<hbm>> -> memref<1x9504xi32, #tpu.memory_space<hbm>>
      %dma_wait3A_98 = tpu.memref_squeeze %dma_wait3A_97 : memref<1x9504xi32, #tpu.memory_space<hbm>> -> memref<9504xi32, #tpu.memory_space<hbm>>
      tpu.wait_dma2 semaphore(%arg18 : memref<!tpu.dma_semaphore, #tpu.memory_space<semaphore_mem>>) src(%dma_wait3A_98 : memref<9504xi32, #tpu.memory_space<hbm>>) dst(%dma_wait3A_96 : memref<9504xi32, #tpu.memory_space<vmem>>)
      %dma_wait3A_99 = arith.constant 1 : i32
      %dma_wait3A_100 = arith.constant 0 : i32
      %dma_wait3A_101 = tpu.memref_slice %arg8[%dma_wait3A_100] : memref<9504xi32, #tpu.memory_space<vmem>> -> memref<9504xi32, #tpu.memory_space<vmem>>
      %dma_wait3A_102 = tpu.memref_slice %arg2[%dma_wait3A_99, %mul3A_4] : memref<2x300000xi32, #tpu.memory_space<hbm>> -> memref<1x9504xi32, #tpu.memory_space<hbm>>
      %dma_wait3A_103 = tpu.memref_squeeze %dma_wait3A_102 : memref<1x9504xi32, #tpu.memory_space<hbm>> -> memref<9504xi32, #tpu.memory_space<hbm>>
      %dma_wait3A_104 = arith.constant 0 : i32
      %dma_wait3A_105 = tpu.memref_slice %arg8[%dma_wait3A_104] : memref<9504xi32, #tpu.memory_space<vmem>> -> memref<9504xi32, #tpu.memory_space<vmem>>
      %dma_wait3A_106 = tpu.memref_slice %arg2[%dma_wait3A_99, %mul3A_4] : memref<2x300000xi32, #tpu.memory_space<hbm>> -> memref<1x9504xi32, #tpu.memory_space<hbm>>
      %dma_wait3A_107 = tpu.memref_squeeze %dma_wait3A_106 : memref<1x9504xi32, #tpu.memory_space<hbm>> -> memref<9504xi32, #tpu.memory_space<hbm>>
      tpu.wait_dma2 semaphore(%arg18 : memref<!tpu.dma_semaphore, #tpu.memory_space<semaphore_mem>>) src(%dma_wait3A_107 : memref<9504xi32, #tpu.memory_space<hbm>>) dst(%dma_wait3A_105 : memref<9504xi32, #tpu.memory_space<vmem>>)
      %dma_wait3A_108 = arith.constant 0 : i32
      %dma_wait3A_109 = tpu.memref_slice %arg9[%dma_wait3A_108] : memref<9504xi32, #tpu.memory_space<vmem>> -> memref<9504xi32, #tpu.memory_space<vmem>>
      %dma_wait3A_110 = tpu.memref_slice %arg3[%mul3A_4] : memref<300000xi32, #tpu.memory_space<hbm>> -> memref<9504xi32, #tpu.memory_space<hbm>>
      %dma_wait3A_111 = arith.constant 0 : i32
      %dma_wait3A_112 = tpu.memref_slice %arg9[%dma_wait3A_111] : memref<9504xi32, #tpu.memory_space<vmem>> -> memref<9504xi32, #tpu.memory_space<vmem>>
      %dma_wait3A_113 = tpu.memref_slice %arg3[%mul3A_4] : memref<300000xi32, #tpu.memory_space<hbm>> -> memref<9504xi32, #tpu.memory_space<hbm>>
      tpu.wait_dma2 semaphore(%arg18 : memref<!tpu.dma_semaphore, #tpu.memory_space<semaphore_mem>>) src(%dma_wait3A_113 : memref<9504xi32, #tpu.memory_space<hbm>>) dst(%dma_wait3A_112 : memref<9504xi32, #tpu.memory_space<vmem>>)
    } else {
    }
    %convert_element_type3A_12 = arith.extui %eq3A_6 : i1 to i32
    %cond3A_13 = arith.constant 0 : i32
    %cond3A_14 = arith.cmpi ne, %convert_element_type3A_12, %cond3A_13 : i32
    scf.if %cond3A_14 {
      %dma_start3A_67 = arith.constant 0 : i32
      %dma_start3A_68 = arith.constant 0 : i32
      %dma_start3A_69 = tpu.memref_slice %arg7[%dma_start3A_68] : memref<9504xi32, #tpu.memory_space<vmem>> -> memref<5376xi32, #tpu.memory_space<vmem>>
      %dma_start3A_70 = tpu.memref_slice %arg2[%dma_start3A_67, %mul3A_4] : memref<2x300000xi32, #tpu.memory_space<hbm>> -> memref<1x5376xi32, #tpu.memory_space<hbm>>
      %dma_start3A_71 = tpu.memref_squeeze %dma_start3A_70 : memref<1x5376xi32, #tpu.memory_space<hbm>> -> memref<5376xi32, #tpu.memory_space<hbm>>
      %dma_start3A_72 = arith.constant 0 : i32
      %dma_start3A_73 = tpu.memref_slice %arg7[%dma_start3A_72] : memref<9504xi32, #tpu.memory_space<vmem>> -> memref<5376xi32, #tpu.memory_space<vmem>>
      %dma_start3A_74 = tpu.memref_slice %arg2[%dma_start3A_67, %mul3A_4] : memref<2x300000xi32, #tpu.memory_space<hbm>> -> memref<1x5376xi32, #tpu.memory_space<hbm>>
      %dma_start3A_75 = tpu.memref_squeeze %dma_start3A_74 : memref<1x5376xi32, #tpu.memory_space<hbm>> -> memref<5376xi32, #tpu.memory_space<hbm>>
      tpu.enqueue_dma source(%dma_start3A_75 : memref<5376xi32, #tpu.memory_space<hbm>>) target(%dma_start3A_73 : memref<5376xi32, #tpu.memory_space<vmem>>) target_semaphore(%arg18 : memref<!tpu.dma_semaphore, #tpu.memory_space<semaphore_mem>>)
      %dma_start3A_76 = arith.constant 1 : i32
      %dma_start3A_77 = arith.constant 0 : i32
      %dma_start3A_78 = tpu.memref_slice %arg8[%dma_start3A_77] : memref<9504xi32, #tpu.memory_space<vmem>> -> memref<5376xi32, #tpu.memory_space<vmem>>
      %dma_start3A_79 = tpu.memref_slice %arg2[%dma_start3A_76, %mul3A_4] : memref<2x300000xi32, #tpu.memory_space<hbm>> -> memref<1x5376xi32, #tpu.memory_space<hbm>>
      %dma_start3A_80 = tpu.memref_squeeze %dma_start3A_79 : memref<1x5376xi32, #tpu.memory_space<hbm>> -> memref<5376xi32, #tpu.memory_space<hbm>>
      %dma_start3A_81 = arith.constant 0 : i32
      %dma_start3A_82 = tpu.memref_slice %arg8[%dma_start3A_81] : memref<9504xi32, #tpu.memory_space<vmem>> -> memref<5376xi32, #tpu.memory_space<vmem>>
      %dma_start3A_83 = tpu.memref_slice %arg2[%dma_start3A_76, %mul3A_4] : memref<2x300000xi32, #tpu.memory_space<hbm>> -> memref<1x5376xi32, #tpu.memory_space<hbm>>
      %dma_start3A_84 = tpu.memref_squeeze %dma_start3A_83 : memref<1x5376xi32, #tpu.memory_space<hbm>> -> memref<5376xi32, #tpu.memory_space<hbm>>
      tpu.enqueue_dma source(%dma_start3A_84 : memref<5376xi32, #tpu.memory_space<hbm>>) target(%dma_start3A_82 : memref<5376xi32, #tpu.memory_space<vmem>>) target_semaphore(%arg18 : memref<!tpu.dma_semaphore, #tpu.memory_space<semaphore_mem>>)
      %dma_start3A_85 = arith.constant 0 : i32
      %dma_start3A_86 = tpu.memref_slice %arg9[%dma_start3A_85] : memref<9504xi32, #tpu.memory_space<vmem>> -> memref<5376xi32, #tpu.memory_space<vmem>>
      %dma_start3A_87 = tpu.memref_slice %arg3[%mul3A_4] : memref<300000xi32, #tpu.memory_space<hbm>> -> memref<5376xi32, #tpu.memory_space<hbm>>
      %dma_start3A_88 = arith.constant 0 : i32
      %dma_start3A_89 = tpu.memref_slice %arg9[%dma_start3A_88] : memref<9504xi32, #tpu.memory_space<vmem>> -> memref<5376xi32, #tpu.memory_space<vmem>>
      %dma_start3A_90 = tpu.memref_slice %arg3[%mul3A_4] : memref<300000xi32, #tpu.memory_space<hbm>> -> memref<5376xi32, #tpu.memory_space<hbm>>
      tpu.enqueue_dma source(%dma_start3A_90 : memref<5376xi32, #tpu.memory_space<hbm>>) target(%dma_start3A_89 : memref<5376xi32, #tpu.memory_space<vmem>>) target_semaphore(%arg18 : memref<!tpu.dma_semaphore, #tpu.memory_space<semaphore_mem>>)
      %dma_wait3A = arith.constant 0 : i32
      %dma_wait3A_91 = arith.constant 0 : i32
      %dma_wait3A_92 = tpu.memref_slice %arg7[%dma_wait3A_91] : memref<9504xi32, #tpu.memory_space<vmem>> -> memref<5376xi32, #tpu.memory_space<vmem>>
      %dma_wait3A_93 = tpu.memref_slice %arg2[%dma_wait3A, %mul3A_4] : memref<2x300000xi32, #tpu.memory_space<hbm>> -> memref<1x5376xi32, #tpu.memory_space<hbm>>
      %dma_wait3A_94 = tpu.memref_squeeze %dma_wait3A_93 : memref<1x5376xi32, #tpu.memory_space<hbm>> -> memref<5376xi32, #tpu.memory_space<hbm>>
      %dma_wait3A_95 = arith.constant 0 : i32
      %dma_wait3A_96 = tpu.memref_slice %arg7[%dma_wait3A_95] : memref<9504xi32, #tpu.memory_space<vmem>> -> memref<5376xi32, #tpu.memory_space<vmem>>
      %dma_wait3A_97 = tpu.memref_slice %arg2[%dma_wait3A, %mul3A_4] : memref<2x300000xi32, #tpu.memory_space<hbm>> -> memref<1x5376xi32, #tpu.memory_space<hbm>>
      %dma_wait3A_98 = tpu.memref_squeeze %dma_wait3A_97 : memref<1x5376xi32, #tpu.memory_space<hbm>> -> memref<5376xi32, #tpu.memory_space<hbm>>
      tpu.wait_dma2 semaphore(%arg18 : memref<!tpu.dma_semaphore, #tpu.memory_space<semaphore_mem>>) src(%dma_wait3A_98 : memref<5376xi32, #tpu.memory_space<hbm>>) dst(%dma_wait3A_96 : memref<5376xi32, #tpu.memory_space<vmem>>)
      %dma_wait3A_99 = arith.constant 1 : i32
      %dma_wait3A_100 = arith.constant 0 : i32
      %dma_wait3A_101 = tpu.memref_slice %arg8[%dma_wait3A_100] : memref<9504xi32, #tpu.memory_space<vmem>> -> memref<5376xi32, #tpu.memory_space<vmem>>
      %dma_wait3A_102 = tpu.memref_slice %arg2[%dma_wait3A_99, %mul3A_4] : memref<2x300000xi32, #tpu.memory_space<hbm>> -> memref<1x5376xi32, #tpu.memory_space<hbm>>
      %dma_wait3A_103 = tpu.memref_squeeze %dma_wait3A_102 : memref<1x5376xi32, #tpu.memory_space<hbm>> -> memref<5376xi32, #tpu.memory_space<hbm>>
      %dma_wait3A_104 = arith.constant 0 : i32
      %dma_wait3A_105 = tpu.memref_slice %arg8[%dma_wait3A_104] : memref<9504xi32, #tpu.memory_space<vmem>> -> memref<5376xi32, #tpu.memory_space<vmem>>
      %dma_wait3A_106 = tpu.memref_slice %arg2[%dma_wait3A_99, %mul3A_4] : memref<2x300000xi32, #tpu.memory_space<hbm>> -> memref<1x5376xi32, #tpu.memory_space<hbm>>
      %dma_wait3A_107 = tpu.memref_squeeze %dma_wait3A_106 : memref<1x5376xi32, #tpu.memory_space<hbm>> -> memref<5376xi32, #tpu.memory_space<hbm>>
      tpu.wait_dma2 semaphore(%arg18 : memref<!tpu.dma_semaphore, #tpu.memory_space<semaphore_mem>>) src(%dma_wait3A_107 : memref<5376xi32, #tpu.memory_space<hbm>>) dst(%dma_wait3A_105 : memref<5376xi32, #tpu.memory_space<vmem>>)
      %dma_wait3A_108 = arith.constant 0 : i32
      %dma_wait3A_109 = tpu.memref_slice %arg9[%dma_wait3A_108] : memref<9504xi32, #tpu.memory_space<vmem>> -> memref<5376xi32, #tpu.memory_space<vmem>>
      %dma_wait3A_110 = tpu.memref_slice %arg3[%mul3A_4] : memref<300000xi32, #tpu.memory_space<hbm>> -> memref<5376xi32, #tpu.memory_space<hbm>>
      %dma_wait3A_111 = arith.constant 0 : i32
      %dma_wait3A_112 = tpu.memref_slice %arg9[%dma_wait3A_111] : memref<9504xi32, #tpu.memory_space<vmem>> -> memref<5376xi32, #tpu.memory_space<vmem>>
      %dma_wait3A_113 = tpu.memref_slice %arg3[%mul3A_4] : memref<300000xi32, #tpu.memory_space<hbm>> -> memref<5376xi32, #tpu.memory_space<hbm>>
      tpu.wait_dma2 semaphore(%arg18 : memref<!tpu.dma_semaphore, #tpu.memory_space<semaphore_mem>>) src(%dma_wait3A_113 : memref<5376xi32, #tpu.memory_space<hbm>>) dst(%dma_wait3A_112 : memref<5376xi32, #tpu.memory_space<vmem>>)
    } else {
    }
    %dma_start3A = arith.constant 0 : i32
    %dma_start3A_15 = arith.constant 0 : i32
    %dma_start3A_16 = arith.constant 0 : i32
    %dma_start3A_17 = arith.constant 0 : i32
    %dma_start3A_18 = tpu.memref_slice %arg10[%dma_start3A, %dma_start3A_16, %dma_start3A_17] : memref<2x96x128xi32, #tpu.memory_space<vmem>> -> memref<1x96x128xi32, #tpu.memory_space<vmem>>
    %dma_start3A_19 = tpu.memref_squeeze %dma_start3A_18 : memref<1x96x128xi32, #tpu.memory_space<vmem>> -> memref<96x128xi32, #tpu.memory_space<vmem>>
    %dma_start3A_20 = arith.constant 0 : i32
    %dma_start3A_21 = tpu.memref_slice %arg7[%dma_start3A_20] : memref<9504xi32, #tpu.memory_space<vmem>> -> memref<96xi32, #tpu.memory_space<vmem>>
    %dma_start3A_22 = arith.constant 0 : i32
    %dma_start3A_23 = arith.constant 0 : i32
    %dma_start3A_24 = tpu.memref_slice %arg4[%dma_start3A_22, %dma_start3A_23] : memref<100000x128xi32, #tpu.memory_space<hbm>> -> memref<100000x128xi32, #tpu.memory_space<hbm>>
    %dma_start3A_25 = tpu.memref_slice %arg15[%dma_start3A_15] : memref<2x!tpu.dma_semaphore, #tpu.memory_space<semaphore_mem>> -> memref<1x!tpu.dma_semaphore, #tpu.memory_space<semaphore_mem>>
    %dma_start3A_26 = tpu.memref_squeeze %dma_start3A_25 : memref<1x!tpu.dma_semaphore, #tpu.memory_space<semaphore_mem>> -> memref<!tpu.dma_semaphore, #tpu.memory_space<semaphore_mem>>
    tpu.enqueue_indirect_dma source(%dma_start3A_24 : memref<100000x128xi32, #tpu.memory_space<hbm>>) target(%dma_start3A_19 : memref<96x128xi32, #tpu.memory_space<vmem>>) offsets(%dma_start3A_21 : memref<96xi32, #tpu.memory_space<vmem>>) semaphore(%dma_start3A_26 : memref<!tpu.dma_semaphore, #tpu.memory_space<semaphore_mem>>)
    %dma_start3A_27 = arith.constant 0 : i32
    %dma_start3A_28 = arith.constant 0 : i32
    %dma_start3A_29 = arith.constant 0 : i32
    %dma_start3A_30 = arith.constant 0 : i32
    %dma_start3A_31 = tpu.memref_slice %arg11[%dma_start3A_27, %dma_start3A_29, %dma_start3A_30] : memref<2x96x128xi32, #tpu.memory_space<vmem>> -> memref<1x96x128xi32, #tpu.memory_space<vmem>>
    %dma_start3A_32 = tpu.memref_squeeze %dma_start3A_31 : memref<1x96x128xi32, #tpu.memory_space<vmem>> -> memref<96x128xi32, #tpu.memory_space<vmem>>
    %dma_start3A_33 = arith.constant 0 : i32
    %dma_start3A_34 = tpu.memref_slice %arg8[%dma_start3A_33] : memref<9504xi32, #tpu.memory_space<vmem>> -> memref<96xi32, #tpu.memory_space<vmem>>
    %dma_start3A_35 = arith.constant 0 : i32
    %dma_start3A_36 = arith.constant 0 : i32
    %dma_start3A_37 = tpu.memref_slice %arg4[%dma_start3A_35, %dma_start3A_36] : memref<100000x128xi32, #tpu.memory_space<hbm>> -> memref<100000x128xi32, #tpu.memory_space<hbm>>
    %dma_start3A_38 = tpu.memref_slice %arg16[%dma_start3A_28] : memref<2x!tpu.dma_semaphore, #tpu.memory_space<semaphore_mem>> -> memref<1x!tpu.dma_semaphore, #tpu.memory_space<semaphore_mem>>
    %dma_start3A_39 = tpu.memref_squeeze %dma_start3A_38 : memref<1x!tpu.dma_semaphore, #tpu.memory_space<semaphore_mem>> -> memref<!tpu.dma_semaphore, #tpu.memory_space<semaphore_mem>>
    tpu.enqueue_indirect_dma source(%dma_start3A_37 : memref<100000x128xi32, #tpu.memory_space<hbm>>) target(%dma_start3A_32 : memref<96x128xi32, #tpu.memory_space<vmem>>) offsets(%dma_start3A_34 : memref<96xi32, #tpu.memory_space<vmem>>) semaphore(%dma_start3A_39 : memref<!tpu.dma_semaphore, #tpu.memory_space<semaphore_mem>>)
    %dma_start3A_40 = arith.constant 0 : i32
    %dma_start3A_41 = arith.constant 0 : i32
    %dma_start3A_42 = arith.constant 0 : i32
    %dma_start3A_43 = arith.constant 0 : i32
    %dma_start3A_44 = tpu.memref_slice %arg12[%dma_start3A_40, %dma_start3A_42, %dma_start3A_43] : memref<2x96x128xi32, #tpu.memory_space<vmem>> -> memref<1x96x128xi32, #tpu.memory_space<vmem>>
    %dma_start3A_45 = tpu.memref_squeeze %dma_start3A_44 : memref<1x96x128xi32, #tpu.memory_space<vmem>> -> memref<96x128xi32, #tpu.memory_space<vmem>>
    %dma_start3A_46 = arith.constant 0 : i32
    %dma_start3A_47 = tpu.memref_slice %arg9[%dma_start3A_46] : memref<9504xi32, #tpu.memory_space<vmem>> -> memref<96xi32, #tpu.memory_space<vmem>>
    %dma_start3A_48 = arith.constant 0 : i32
    %dma_start3A_49 = arith.constant 0 : i32
    %dma_start3A_50 = tpu.memref_slice %arg14[%dma_start3A_48, %dma_start3A_49] : memref<1000x128xi32, #tpu.memory_space<vmem_shared>> -> memref<1000x128xi32, #tpu.memory_space<vmem_shared>>
    %dma_start3A_51 = tpu.memref_slice %arg17[%dma_start3A_41] : memref<2x!tpu.dma_semaphore, #tpu.memory_space<semaphore_mem>> -> memref<1x!tpu.dma_semaphore, #tpu.memory_space<semaphore_mem>>
    %dma_start3A_52 = tpu.memref_squeeze %dma_start3A_51 : memref<1x!tpu.dma_semaphore, #tpu.memory_space<semaphore_mem>> -> memref<!tpu.dma_semaphore, #tpu.memory_space<semaphore_mem>>
    tpu.enqueue_indirect_dma source(%dma_start3A_50 : memref<1000x128xi32, #tpu.memory_space<vmem_shared>>) target(%dma_start3A_45 : memref<96x128xi32, #tpu.memory_space<vmem>>) offsets(%dma_start3A_47 : memref<96xi32, #tpu.memory_space<vmem>>) semaphore(%dma_start3A_52 : memref<!tpu.dma_semaphore, #tpu.memory_space<semaphore_mem>>)
    %broadcast_in_dim3A = arith.constant -65536 : i32
    %broadcast_in_dim3A_53 = vector.broadcast %broadcast_in_dim3A : i32 to vector<16xi32>
    %scan3A = arith.constant 0 : i32
    %scan3A_54 = arith.constant 0 : i32
    %scan3A_55 = arith.constant 50 : i32
    %scan3A_56 = arith.addi %scan3A_54, %scan3A_55 : i32
    %scan3A_57 = arith.constant 1 : i32
    scf.for %scan3A_67 = %scan3A_54 to %scan3A_56 step %scan3A_57  : i32 {
      %mul3A_68 = arith.constant 2 : i32
      %mul3A_69 = arith.muli %scan3A_67, %mul3A_68 : i32
      %add3A_70 = arith.constant 0 : i32
      %add3A_71 = arith.addi %mul3A_69, %add3A_70 : i32
      %lt3A = arith.cmpi slt, %add3A_71, %select_n3A : i32
      %convert_element_type3A_72 = arith.extui %lt3A : i1 to i32
      %cond3A_73 = arith.constant 0 : i32
      %cond3A_74 = arith.cmpi ne, %convert_element_type3A_72, %cond3A_73 : i32
      scf.if %cond3A_74 {
        %dma_wait3A = arith.constant 0 : i32
        %dma_wait3A_83 = arith.constant 0 : i32
        %dma_wait3A_84 = arith.constant 0 : i32
        %dma_wait3A_85 = arith.constant 0 : i32
        %dma_wait3A_86 = tpu.memref_slice %arg10[%dma_wait3A, %dma_wait3A_84, %dma_wait3A_85] : memref<2x96x128xi32, #tpu.memory_space<vmem>> -> memref<1x96x128xi32, #tpu.memory_space<vmem>>
        %dma_wait3A_87 = tpu.memref_squeeze %dma_wait3A_86 : memref<1x96x128xi32, #tpu.memory_space<vmem>> -> memref<96x128xi32, #tpu.memory_space<vmem>>
        %dma_wait3A_88 = arith.constant 0 : i32
        %dma_wait3A_89 = tpu.memref_slice %arg7[%dma_wait3A_88] : memref<9504xi32, #tpu.memory_space<vmem>> -> memref<96xi32, #tpu.memory_space<vmem>>
        %dma_wait3A_90 = arith.constant 0 : i32
        %dma_wait3A_91 = arith.constant 0 : i32
        %dma_wait3A_92 = tpu.memref_slice %arg4[%dma_wait3A_90, %dma_wait3A_91] : memref<100000x128xi32, #tpu.memory_space<hbm>> -> memref<100000x128xi32, #tpu.memory_space<hbm>>
        %dma_wait3A_93 = tpu.memref_slice %arg15[%dma_wait3A_83] : memref<2x!tpu.dma_semaphore, #tpu.memory_space<semaphore_mem>> -> memref<1x!tpu.dma_semaphore, #tpu.memory_space<semaphore_mem>>
        %dma_wait3A_94 = tpu.memref_squeeze %dma_wait3A_93 : memref<1x!tpu.dma_semaphore, #tpu.memory_space<semaphore_mem>> -> memref<!tpu.dma_semaphore, #tpu.memory_space<semaphore_mem>>
        tpu.wait_indirect_dma semaphore(%dma_wait3A_94 : memref<!tpu.dma_semaphore, #tpu.memory_space<semaphore_mem>>) src(%dma_wait3A_92 : memref<100000x128xi32, #tpu.memory_space<hbm>>) dst(%dma_wait3A_87 : memref<96x128xi32, #tpu.memory_space<vmem>>)
        %dma_wait3A_95 = arith.constant 0 : i32
        %dma_wait3A_96 = arith.constant 0 : i32
        %dma_wait3A_97 = arith.constant 0 : i32
        %dma_wait3A_98 = arith.constant 0 : i32
        %dma_wait3A_99 = tpu.memref_slice %arg11[%dma_wait3A_95, %dma_wait3A_97, %dma_wait3A_98] : memref<2x96x128xi32, #tpu.memory_space<vmem>> -> memref<1x96x128xi32, #tpu.memory_space<vmem>>
        %dma_wait3A_100 = tpu.memref_squeeze %dma_wait3A_99 : memref<1x96x128xi32, #tpu.memory_space<vmem>> -> memref<96x128xi32, #tpu.memory_space<vmem>>
        %dma_wait3A_101 = arith.constant 0 : i32
        %dma_wait3A_102 = tpu.memref_slice %arg8[%dma_wait3A_101] : memref<9504xi32, #tpu.memory_space<vmem>> -> memref<96xi32, #tpu.memory_space<vmem>>
        %dma_wait3A_103 = arith.constant 0 : i32
        %dma_wait3A_104 = arith.constant 0 : i32
        %dma_wait3A_105 = tpu.memref_slice %arg4[%dma_wait3A_103, %dma_wait3A_104] : memref<100000x128xi32, #tpu.memory_space<hbm>> -> memref<100000x128xi32, #tpu.memory_space<hbm>>
        %dma_wait3A_106 = tpu.memref_slice %arg16[%dma_wait3A_96] : memref<2x!tpu.dma_semaphore, #tpu.memory_space<semaphore_mem>> -> memref<1x!tpu.dma_semaphore, #tpu.memory_space<semaphore_mem>>
        %dma_wait3A_107 = tpu.memref_squeeze %dma_wait3A_106 : memref<1x!tpu.dma_semaphore, #tpu.memory_space<semaphore_mem>> -> memref<!tpu.dma_semaphore, #tpu.memory_space<semaphore_mem>>
        tpu.wait_indirect_dma semaphore(%dma_wait3A_107 : memref<!tpu.dma_semaphore, #tpu.memory_space<semaphore_mem>>) src(%dma_wait3A_105 : memref<100000x128xi32, #tpu.memory_space<hbm>>) dst(%dma_wait3A_100 : memref<96x128xi32, #tpu.memory_space<vmem>>)
        %dma_wait3A_108 = arith.constant 0 : i32
        %dma_wait3A_109 = arith.constant 0 : i32
        %dma_wait3A_110 = arith.constant 0 : i32
        %dma_wait3A_111 = arith.constant 0 : i32
        %dma_wait3A_112 = tpu.memref_slice %arg12[%dma_wait3A_108, %dma_wait3A_110, %dma_wait3A_111] : memref<2x96x128xi32, #tpu.memory_space<vmem>> -> memref<1x96x128xi32, #tpu.memory_space<vmem>>
        %dma_wait3A_113 = tpu.memref_squeeze %dma_wait3A_112 : memref<1x96x128xi32, #tpu.memory_space<vmem>> -> memref<96x128xi32, #tpu.memory_space<vmem>>
        %dma_wait3A_114 = arith.constant 0 : i32
        %dma_wait3A_115 = tpu.memref_slice %arg9[%dma_wait3A_114] : memref<9504xi32, #tpu.memory_space<vmem>> -> memref<96xi32, #tpu.memory_space<vmem>>
        %dma_wait3A_116 = arith.constant 0 : i32
        %dma_wait3A_117 = arith.constant 0 : i32
        %dma_wait3A_118 = tpu.memref_slice %arg5[%dma_wait3A_116, %dma_wait3A_117] : memref<1000x128xi32, #tpu.memory_space<hbm>> -> memref<1000x128xi32, #tpu.memory_space<hbm>>
        %dma_wait3A_119 = tpu.memref_slice %arg17[%dma_wait3A_109] : memref<2x!tpu.dma_semaphore, #tpu.memory_space<semaphore_mem>> -> memref<1x!tpu.dma_semaphore, #tpu.memory_space<semaphore_mem>>
        %dma_wait3A_120 = tpu.memref_squeeze %dma_wait3A_119 : memref<1x!tpu.dma_semaphore, #tpu.memory_space<semaphore_mem>> -> memref<!tpu.dma_semaphore, #tpu.memory_space<semaphore_mem>>
        tpu.wait_indirect_dma semaphore(%dma_wait3A_120 : memref<!tpu.dma_semaphore, #tpu.memory_space<semaphore_mem>>) src(%dma_wait3A_118 : memref<1000x128xi32, #tpu.memory_space<hbm>>) dst(%dma_wait3A_113 : memref<96x128xi32, #tpu.memory_space<vmem>>)
        %add3A_121 = arith.constant 1 : i32
        %add3A_122 = arith.addi %add3A_71, %add3A_121 : i32
        %lt3A_123 = arith.cmpi slt, %add3A_122, %select_n3A : i32
        %convert_element_type3A_124 = arith.extui %lt3A_123 : i1 to i32
        %cond3A_125 = arith.constant 0 : i32
        %cond3A_126 = arith.cmpi ne, %convert_element_type3A_124, %cond3A_125 : i32
        scf.if %cond3A_126 {
          %add3A_348 = arith.constant 1 : i32
          %add3A_349 = arith.addi %add3A_71, %add3A_348 : i32
          %mul3A_350 = arith.constant 96 : i32
          %mul3A_351 = arith.muli %add3A_349, %mul3A_350 : i32
          %dma_start3A_352 = arith.constant 1 : i32
          %dma_start3A_353 = arith.constant 1 : i32
          %dma_start3A_354 = arith.constant 0 : i32
          %dma_start3A_355 = arith.constant 0 : i32
          %dma_start3A_356 = tpu.memref_slice %arg10[%dma_start3A_352, %dma_start3A_354, %dma_start3A_355] : memref<2x96x128xi32, #tpu.memory_space<vmem>> -> memref<1x96x128xi32, #tpu.memory_space<vmem>>
          %dma_start3A_357 = tpu.memref_squeeze %dma_start3A_356 : memref<1x96x128xi32, #tpu.memory_space<vmem>> -> memref<96x128xi32, #tpu.memory_space<vmem>>
          %dma_start3A_358 = tpu.memref_slice %arg7[%mul3A_351] : memref<9504xi32, #tpu.memory_space<vmem>> -> memref<96xi32, #tpu.memory_space<vmem>>
          %dma_start3A_359 = arith.constant 0 : i32
          %dma_start3A_360 = arith.constant 0 : i32
          %dma_start3A_361 = tpu.memref_slice %arg4[%dma_start3A_359, %dma_start3A_360] : memref<100000x128xi32, #tpu.memory_space<hbm>> -> memref<100000x128xi32, #tpu.memory_space<hbm>>
          %dma_start3A_362 = tpu.memref_slice %arg15[%dma_start3A_353] : memref<2x!tpu.dma_semaphore, #tpu.memory_space<semaphore_mem>> -> memref<1x!tpu.dma_semaphore, #tpu.memory_space<semaphore_mem>>
          %dma_start3A_363 = tpu.memref_squeeze %dma_start3A_362 : memref<1x!tpu.dma_semaphore, #tpu.memory_space<semaphore_mem>> -> memref<!tpu.dma_semaphore, #tpu.memory_space<semaphore_mem>>
          tpu.enqueue_indirect_dma source(%dma_start3A_361 : memref<100000x128xi32, #tpu.memory_space<hbm>>) target(%dma_start3A_357 : memref<96x128xi32, #tpu.memory_space<vmem>>) offsets(%dma_start3A_358 : memref<96xi32, #tpu.memory_space<vmem>>) semaphore(%dma_start3A_363 : memref<!tpu.dma_semaphore, #tpu.memory_space<semaphore_mem>>)
          %dma_start3A_364 = arith.constant 1 : i32
          %dma_start3A_365 = arith.constant 1 : i32
          %dma_start3A_366 = arith.constant 0 : i32
          %dma_start3A_367 = arith.constant 0 : i32
          %dma_start3A_368 = tpu.memref_slice %arg11[%dma_start3A_364, %dma_start3A_366, %dma_start3A_367] : memref<2x96x128xi32, #tpu.memory_space<vmem>> -> memref<1x96x128xi32, #tpu.memory_space<vmem>>
          %dma_start3A_369 = tpu.memref_squeeze %dma_start3A_368 : memref<1x96x128xi32, #tpu.memory_space<vmem>> -> memref<96x128xi32, #tpu.memory_space<vmem>>
          %dma_start3A_370 = tpu.memref_slice %arg8[%mul3A_351] : memref<9504xi32, #tpu.memory_space<vmem>> -> memref<96xi32, #tpu.memory_space<vmem>>
          %dma_start3A_371 = arith.constant 0 : i32
          %dma_start3A_372 = arith.constant 0 : i32
          %dma_start3A_373 = tpu.memref_slice %arg4[%dma_start3A_371, %dma_start3A_372] : memref<100000x128xi32, #tpu.memory_space<hbm>> -> memref<100000x128xi32, #tpu.memory_space<hbm>>
          %dma_start3A_374 = tpu.memref_slice %arg16[%dma_start3A_365] : memref<2x!tpu.dma_semaphore, #tpu.memory_space<semaphore_mem>> -> memref<1x!tpu.dma_semaphore, #tpu.memory_space<semaphore_mem>>
          %dma_start3A_375 = tpu.memref_squeeze %dma_start3A_374 : memref<1x!tpu.dma_semaphore, #tpu.memory_space<semaphore_mem>> -> memref<!tpu.dma_semaphore, #tpu.memory_space<semaphore_mem>>
          tpu.enqueue_indirect_dma source(%dma_start3A_373 : memref<100000x128xi32, #tpu.memory_space<hbm>>) target(%dma_start3A_369 : memref<96x128xi32, #tpu.memory_space<vmem>>) offsets(%dma_start3A_370 : memref<96xi32, #tpu.memory_space<vmem>>) semaphore(%dma_start3A_375 : memref<!tpu.dma_semaphore, #tpu.memory_space<semaphore_mem>>)
          %dma_start3A_376 = arith.constant 1 : i32
          %dma_start3A_377 = arith.constant 1 : i32
          %dma_start3A_378 = arith.constant 0 : i32
          %dma_start3A_379 = arith.constant 0 : i32
          %dma_start3A_380 = tpu.memref_slice %arg12[%dma_start3A_376, %dma_start3A_378, %dma_start3A_379] : memref<2x96x128xi32, #tpu.memory_space<vmem>> -> memref<1x96x128xi32, #tpu.memory_space<vmem>>
          %dma_start3A_381 = tpu.memref_squeeze %dma_start3A_380 : memref<1x96x128xi32, #tpu.memory_space<vmem>> -> memref<96x128xi32, #tpu.memory_space<vmem>>
          %dma_start3A_382 = tpu.memref_slice %arg9[%mul3A_351] : memref<9504xi32, #tpu.memory_space<vmem>> -> memref<96xi32, #tpu.memory_space<vmem>>
          %dma_start3A_383 = arith.constant 0 : i32
          %dma_start3A_384 = arith.constant 0 : i32
          %dma_start3A_385 = tpu.memref_slice %arg14[%dma_start3A_383, %dma_start3A_384] : memref<1000x128xi32, #tpu.memory_space<vmem_shared>> -> memref<1000x128xi32, #tpu.memory_space<vmem_shared>>
          %dma_start3A_386 = tpu.memref_slice %arg17[%dma_start3A_377] : memref<2x!tpu.dma_semaphore, #tpu.memory_space<semaphore_mem>> -> memref<1x!tpu.dma_semaphore, #tpu.memory_space<semaphore_mem>>
          %dma_start3A_387 = tpu.memref_squeeze %dma_start3A_386 : memref<1x!tpu.dma_semaphore, #tpu.memory_space<semaphore_mem>> -> memref<!tpu.dma_semaphore, #tpu.memory_space<semaphore_mem>>
          tpu.enqueue_indirect_dma source(%dma_start3A_385 : memref<1000x128xi32, #tpu.memory_space<vmem_shared>>) target(%dma_start3A_381 : memref<96x128xi32, #tpu.memory_space<vmem>>) offsets(%dma_start3A_382 : memref<96xi32, #tpu.memory_space<vmem>>) semaphore(%dma_start3A_387 : memref<!tpu.dma_semaphore, #tpu.memory_space<semaphore_mem>>)
        } else {
        }
        %add3A_127 = arith.constant 0 : i32
        %add3A_128 = vector.broadcast %add3A_127 : i32 to vector<16xi32>
        %add3A_129 = arith.addi %iota3A, %add3A_128 : vector<16xi32>
        %broadcast_in_dim3A_130 = arith.constant 0.000000e+00 : bf16
        %broadcast_in_dim3A_131 = vector.broadcast %broadcast_in_dim3A_130 : bf16 to vector<32xbf16>
        %scan3A_132 = arith.constant 0 : i32
        %scan3A_133 = arith.constant 0 : i32
        %scan3A_134 = arith.constant 0 : i32
        %scan3A_135 = arith.constant 0 : i32
        %scan3A_136 = arith.constant 16 : i32
        %scan3A_137 = arith.addi %scan3A_135, %scan3A_136 : i32
        %scan3A_138 = arith.constant 1 : i32
        %scan3A_139 = scf.for %scan3A_348 = %scan3A_135 to %scan3A_137 step %scan3A_138 iter_args(%scan3A_349 = %broadcast_in_dim3A_131) -> (vector<32xbf16>)  : i32 {
          %mul3A_350 = arith.constant 8 : i32
          %mul3A_351 = arith.muli %scan3A_348, %mul3A_350 : i32
          %add3A_352 = arith.constant 0 : i32
          %add3A_353 = arith.addi %mul3A_351, %add3A_352 : i32
          %add3A_354 = vector.broadcast %add3A_353 : i32 to vector<16xi32>
          %add3A_355 = arith.addi %iota3A, %add3A_354 : vector<16xi32>
          %and3A_356 = arith.constant 127 : i32
          %and3A_357 = vector.broadcast %and3A_356 : i32 to vector<16xi32>
          %and3A_358 = arith.andi %add3A_355, %and3A_357 : vector<16xi32>
          %gather3A = arith.constant 0 : i32
          %gather3A_359 = arith.constant 0 : i32
          %gather3A_360 = tpu.memref_slice %arg10[%scan3A_132, %gather3A, %gather3A_359] : memref<2x96x128xi32, #tpu.memory_space<vmem>> -> memref<1x96x128xi32, #tpu.memory_space<vmem>>
          %gather3A_361 = tpu.memref_squeeze %gather3A_360 : memref<1x96x128xi32, #tpu.memory_space<vmem>> -> memref<96x128xi32, #tpu.memory_space<vmem>>
          %gather3A_362 = tpu.vector_load_idx %gather3A_361[%add3A_129, %and3A_358] : memref<96x128xi32, #tpu.memory_space<vmem>>[vector<16xi32>, vector<16xi32>], vector<16xi32>,
          %gather3A_363 = arith.constant 0 : i32
          %gather3A_364 = arith.constant 0 : i32
          %gather3A_365 = tpu.memref_slice %arg11[%scan3A_133, %gather3A_363, %gather3A_364] : memref<2x96x128xi32, #tpu.memory_space<vmem>> -> memref<1x96x128xi32, #tpu.memory_space<vmem>>
          %gather3A_366 = tpu.memref_squeeze %gather3A_365 : memref<1x96x128xi32, #tpu.memory_space<vmem>> -> memref<96x128xi32, #tpu.memory_space<vmem>>
          %gather3A_367 = tpu.vector_load_idx %gather3A_366[%add3A_129, %and3A_358] : memref<96x128xi32, #tpu.memory_space<vmem>>[vector<16xi32>, vector<16xi32>], vector<16xi32>,
          %gather3A_368 = arith.constant 0 : i32
          %gather3A_369 = arith.constant 0 : i32
          %gather3A_370 = tpu.memref_slice %arg12[%scan3A_134, %gather3A_368, %gather3A_369] : memref<2x96x128xi32, #tpu.memory_space<vmem>> -> memref<1x96x128xi32, #tpu.memory_space<vmem>>
          %gather3A_371 = tpu.memref_squeeze %gather3A_370 : memref<1x96x128xi32, #tpu.memory_space<vmem>> -> memref<96x128xi32, #tpu.memory_space<vmem>>
          %gather3A_372 = tpu.vector_load_idx %gather3A_371[%add3A_129, %and3A_358] : memref<96x128xi32, #tpu.memory_space<vmem>>[vector<16xi32>, vector<16xi32>], vector<16xi32>,
          %bitcast3A_373 = vector.bitcast %gather3A_362 : vector<16xi32> to vector<32xbf16>
          %bitcast3A_374 = vector.bitcast %gather3A_367 : vector<16xi32> to vector<32xbf16>
          %bitcast3A_375 = vector.bitcast %gather3A_372 : vector<16xi32> to vector<32xbf16>
          %mul3A_376 = arith.mulf %bitcast3A_373, %bitcast3A_375 : vector<32xbf16>
          %mul3A_377 = arith.mulf %mul3A_376, %bitcast3A_374 : vector<32xbf16>
          %add3A_378 = arith.addf %scan3A_349, %mul3A_377 : vector<32xbf16>
          %mul3A_379 = arith.constant 8 : i32
          %mul3A_380 = arith.muli %scan3A_348, %mul3A_379 : i32
          %add3A_381 = arith.constant 1 : i32
          %add3A_382 = arith.addi %mul3A_380, %add3A_381 : i32
          %add3A_383 = vector.broadcast %add3A_382 : i32 to vector<16xi32>
          %add3A_384 = arith.addi %iota3A, %add3A_383 : vector<16xi32>
          %and3A_385 = arith.constant 127 : i32
          %and3A_386 = vector.broadcast %and3A_385 : i32 to vector<16xi32>
          %and3A_387 = arith.andi %add3A_384, %and3A_386 : vector<16xi32>
          %gather3A_388 = arith.constant 0 : i32
          %gather3A_389 = arith.constant 0 : i32
          %gather3A_390 = tpu.memref_slice %arg10[%scan3A_132, %gather3A_388, %gather3A_389] : memref<2x96x128xi32, #tpu.memory_space<vmem>> -> memref<1x96x128xi32, #tpu.memory_space<vmem>>
          %gather3A_391 = tpu.memref_squeeze %gather3A_390 : memref<1x96x128xi32, #tpu.memory_space<vmem>> -> memref<96x128xi32, #tpu.memory_space<vmem>>
          %gather3A_392 = tpu.vector_load_idx %gather3A_391[%add3A_129, %and3A_387] : memref<96x128xi32, #tpu.memory_space<vmem>>[vector<16xi32>, vector<16xi32>], vector<16xi32>,
          %gather3A_393 = arith.constant 0 : i32
          %gather3A_394 = arith.constant 0 : i32
          %gather3A_395 = tpu.memref_slice %arg11[%scan3A_133, %gather3A_393, %gather3A_394] : memref<2x96x128xi32, #tpu.memory_space<vmem>> -> memref<1x96x128xi32, #tpu.memory_space<vmem>>
          %gather3A_396 = tpu.memref_squeeze %gather3A_395 : memref<1x96x128xi32, #tpu.memory_space<vmem>> -> memref<96x128xi32, #tpu.memory_space<vmem>>
          %gather3A_397 = tpu.vector_load_idx %gather3A_396[%add3A_129, %and3A_387] : memref<96x128xi32, #tpu.memory_space<vmem>>[vector<16xi32>, vector<16xi32>], vector<16xi32>,
          %gather3A_398 = arith.constant 0 : i32
          %gather3A_399 = arith.constant 0 : i32
          %gather3A_400 = tpu.memref_slice %arg12[%scan3A_134, %gather3A_398, %gather3A_399] : memref<2x96x128xi32, #tpu.memory_space<vmem>> -> memref<1x96x128xi32, #tpu.memory_space<vmem>>
          %gather3A_401 = tpu.memref_squeeze %gather3A_400 : memref<1x96x128xi32, #tpu.memory_space<vmem>> -> memref<96x128xi32, #tpu.memory_space<vmem>>
          %gather3A_402 = tpu.vector_load_idx %gather3A_401[%add3A_129, %and3A_387] : memref<96x128xi32, #tpu.memory_space<vmem>>[vector<16xi32>, vector<16xi32>], vector<16xi32>,
          %bitcast3A_403 = vector.bitcast %gather3A_392 : vector<16xi32> to vector<32xbf16>
          %bitcast3A_404 = vector.bitcast %gather3A_397 : vector<16xi32> to vector<32xbf16>
          %bitcast3A_405 = vector.bitcast %gather3A_402 : vector<16xi32> to vector<32xbf16>
          %mul3A_406 = arith.mulf %bitcast3A_403, %bitcast3A_405 : vector<32xbf16>
          %mul3A_407 = arith.mulf %mul3A_406, %bitcast3A_404 : vector<32xbf16>
          %add3A_408 = arith.addf %add3A_378, %mul3A_407 : vector<32xbf16>
          %mul3A_409 = arith.constant 8 : i32
          %mul3A_410 = arith.muli %scan3A_348, %mul3A_409 : i32
          %add3A_411 = arith.constant 2 : i32
          %add3A_412 = arith.addi %mul3A_410, %add3A_411 : i32
          %add3A_413 = vector.broadcast %add3A_412 : i32 to vector<16xi32>
          %add3A_414 = arith.addi %iota3A, %add3A_413 : vector<16xi32>
          %and3A_415 = arith.constant 127 : i32
          %and3A_416 = vector.broadcast %and3A_415 : i32 to vector<16xi32>
          %and3A_417 = arith.andi %add3A_414, %and3A_416 : vector<16xi32>
          %gather3A_418 = arith.constant 0 : i32
          %gather3A_419 = arith.constant 0 : i32
          %gather3A_420 = tpu.memref_slice %arg10[%scan3A_132, %gather3A_418, %gather3A_419] : memref<2x96x128xi32, #tpu.memory_space<vmem>> -> memref<1x96x128xi32, #tpu.memory_space<vmem>>
          %gather3A_421 = tpu.memref_squeeze %gather3A_420 : memref<1x96x128xi32, #tpu.memory_space<vmem>> -> memref<96x128xi32, #tpu.memory_space<vmem>>
          %gather3A_422 = tpu.vector_load_idx %gather3A_421[%add3A_129, %and3A_417] : memref<96x128xi32, #tpu.memory_space<vmem>>[vector<16xi32>, vector<16xi32>], vector<16xi32>,
          %gather3A_423 = arith.constant 0 : i32
          %gather3A_424 = arith.constant 0 : i32
          %gather3A_425 = tpu.memref_slice %arg11[%scan3A_133, %gather3A_423, %gather3A_424] : memref<2x96x128xi32, #tpu.memory_space<vmem>> -> memref<1x96x128xi32, #tpu.memory_space<vmem>>
          %gather3A_426 = tpu.memref_squeeze %gather3A_425 : memref<1x96x128xi32, #tpu.memory_space<vmem>> -> memref<96x128xi32, #tpu.memory_space<vmem>>
          %gather3A_427 = tpu.vector_load_idx %gather3A_426[%add3A_129, %and3A_417] : memref<96x128xi32, #tpu.memory_space<vmem>>[vector<16xi32>, vector<16xi32>], vector<16xi32>,
          %gather3A_428 = arith.constant 0 : i32
          %gather3A_429 = arith.constant 0 : i32
          %gather3A_430 = tpu.memref_slice %arg12[%scan3A_134, %gather3A_428, %gather3A_429] : memref<2x96x128xi32, #tpu.memory_space<vmem>> -> memref<1x96x128xi32, #tpu.memory_space<vmem>>
          %gather3A_431 = tpu.memref_squeeze %gather3A_430 : memref<1x96x128xi32, #tpu.memory_space<vmem>> -> memref<96x128xi32, #tpu.memory_space<vmem>>
          %gather3A_432 = tpu.vector_load_idx %gather3A_431[%add3A_129, %and3A_417] : memref<96x128xi32, #tpu.memory_space<vmem>>[vector<16xi32>, vector<16xi32>], vector<16xi32>,
          %bitcast3A_433 = vector.bitcast %gather3A_422 : vector<16xi32> to vector<32xbf16>
          %bitcast3A_434 = vector.bitcast %gather3A_427 : vector<16xi32> to vector<32xbf16>
          %bitcast3A_435 = vector.bitcast %gather3A_432 : vector<16xi32> to vector<32xbf16>
          %mul3A_436 = arith.mulf %bitcast3A_433, %bitcast3A_435 : vector<32xbf16>
          %mul3A_437 = arith.mulf %mul3A_436, %bitcast3A_434 : vector<32xbf16>
          %add3A_438 = arith.addf %add3A_408, %mul3A_437 : vector<32xbf16>
          %mul3A_439 = arith.constant 8 : i32
          %mul3A_440 = arith.muli %scan3A_348, %mul3A_439 : i32
          %add3A_441 = arith.constant 3 : i32
          %add3A_442 = arith.addi %mul3A_440, %add3A_441 : i32
          %add3A_443 = vector.broadcast %add3A_442 : i32 to vector<16xi32>
          %add3A_444 = arith.addi %iota3A, %add3A_443 : vector<16xi32>
          %and3A_445 = arith.constant 127 : i32
          %and3A_446 = vector.broadcast %and3A_445 : i32 to vector<16xi32>
          %and3A_447 = arith.andi %add3A_444, %and3A_446 : vector<16xi32>
          %gather3A_448 = arith.constant 0 : i32
          %gather3A_449 = arith.constant 0 : i32
          %gather3A_450 = tpu.memref_slice %arg10[%scan3A_132, %gather3A_448, %gather3A_449] : memref<2x96x128xi32, #tpu.memory_space<vmem>> -> memref<1x96x128xi32, #tpu.memory_space<vmem>>
          %gather3A_451 = tpu.memref_squeeze %gather3A_450 : memref<1x96x128xi32, #tpu.memory_space<vmem>> -> memref<96x128xi32, #tpu.memory_space<vmem>>
          %gather3A_452 = tpu.vector_load_idx %gather3A_451[%add3A_129, %and3A_447] : memref<96x128xi32, #tpu.memory_space<vmem>>[vector<16xi32>, vector<16xi32>], vector<16xi32>,
          %gather3A_453 = arith.constant 0 : i32
          %gather3A_454 = arith.constant 0 : i32
          %gather3A_455 = tpu.memref_slice %arg11[%scan3A_133, %gather3A_453, %gather3A_454] : memref<2x96x128xi32, #tpu.memory_space<vmem>> -> memref<1x96x128xi32, #tpu.memory_space<vmem>>
          %gather3A_456 = tpu.memref_squeeze %gather3A_455 : memref<1x96x128xi32, #tpu.memory_space<vmem>> -> memref<96x128xi32, #tpu.memory_space<vmem>>
          %gather3A_457 = tpu.vector_load_idx %gather3A_456[%add3A_129, %and3A_447] : memref<96x128xi32, #tpu.memory_space<vmem>>[vector<16xi32>, vector<16xi32>], vector<16xi32>,
          %gather3A_458 = arith.constant 0 : i32
          %gather3A_459 = arith.constant 0 : i32
          %gather3A_460 = tpu.memref_slice %arg12[%scan3A_134, %gather3A_458, %gather3A_459] : memref<2x96x128xi32, #tpu.memory_space<vmem>> -> memref<1x96x128xi32, #tpu.memory_space<vmem>>
          %gather3A_461 = tpu.memref_squeeze %gather3A_460 : memref<1x96x128xi32, #tpu.memory_space<vmem>> -> memref<96x128xi32, #tpu.memory_space<vmem>>
          %gather3A_462 = tpu.vector_load_idx %gather3A_461[%add3A_129, %and3A_447] : memref<96x128xi32, #tpu.memory_space<vmem>>[vector<16xi32>, vector<16xi32>], vector<16xi32>,
          %bitcast3A_463 = vector.bitcast %gather3A_452 : vector<16xi32> to vector<32xbf16>
          %bitcast3A_464 = vector.bitcast %gather3A_457 : vector<16xi32> to vector<32xbf16>
          %bitcast3A_465 = vector.bitcast %gather3A_462 : vector<16xi32> to vector<32xbf16>
          %mul3A_466 = arith.mulf %bitcast3A_463, %bitcast3A_465 : vector<32xbf16>
          %mul3A_467 = arith.mulf %mul3A_466, %bitcast3A_464 : vector<32xbf16>
          %add3A_468 = arith.addf %add3A_438, %mul3A_467 : vector<32xbf16>
          %mul3A_469 = arith.constant 8 : i32
          %mul3A_470 = arith.muli %scan3A_348, %mul3A_469 : i32
          %add3A_471 = arith.constant 4 : i32
          %add3A_472 = arith.addi %mul3A_470, %add3A_471 : i32
          %add3A_473 = vector.broadcast %add3A_472 : i32 to vector<16xi32>
          %add3A_474 = arith.addi %iota3A, %add3A_473 : vector<16xi32>
          %and3A_475 = arith.constant 127 : i32
          %and3A_476 = vector.broadcast %and3A_475 : i32 to vector<16xi32>
          %and3A_477 = arith.andi %add3A_474, %and3A_476 : vector<16xi32>
          %gather3A_478 = arith.constant 0 : i32
          %gather3A_479 = arith.constant 0 : i32
          %gather3A_480 = tpu.memref_slice %arg10[%scan3A_132, %gather3A_478, %gather3A_479] : memref<2x96x128xi32, #tpu.memory_space<vmem>> -> memref<1x96x128xi32, #tpu.memory_space<vmem>>
          %gather3A_481 = tpu.memref_squeeze %gather3A_480 : memref<1x96x128xi32, #tpu.memory_space<vmem>> -> memref<96x128xi32, #tpu.memory_space<vmem>>
          %gather3A_482 = tpu.vector_load_idx %gather3A_481[%add3A_129, %and3A_477] : memref<96x128xi32, #tpu.memory_space<vmem>>[vector<16xi32>, vector<16xi32>], vector<16xi32>,
          %gather3A_483 = arith.constant 0 : i32
          %gather3A_484 = arith.constant 0 : i32
          %gather3A_485 = tpu.memref_slice %arg11[%scan3A_133, %gather3A_483, %gather3A_484] : memref<2x96x128xi32, #tpu.memory_space<vmem>> -> memref<1x96x128xi32, #tpu.memory_space<vmem>>
          %gather3A_486 = tpu.memref_squeeze %gather3A_485 : memref<1x96x128xi32, #tpu.memory_space<vmem>> -> memref<96x128xi32, #tpu.memory_space<vmem>>
          %gather3A_487 = tpu.vector_load_idx %gather3A_486[%add3A_129, %and3A_477] : memref<96x128xi32, #tpu.memory_space<vmem>>[vector<16xi32>, vector<16xi32>], vector<16xi32>,
          %gather3A_488 = arith.constant 0 : i32
          %gather3A_489 = arith.constant 0 : i32
          %gather3A_490 = tpu.memref_slice %arg12[%scan3A_134, %gather3A_488, %gather3A_489] : memref<2x96x128xi32, #tpu.memory_space<vmem>> -> memref<1x96x128xi32, #tpu.memory_space<vmem>>
          %gather3A_491 = tpu.memref_squeeze %gather3A_490 : memref<1x96x128xi32, #tpu.memory_space<vmem>> -> memref<96x128xi32, #tpu.memory_space<vmem>>
          %gather3A_492 = tpu.vector_load_idx %gather3A_491[%add3A_129, %and3A_477] : memref<96x128xi32, #tpu.memory_space<vmem>>[vector<16xi32>, vector<16xi32>], vector<16xi32>,
          %bitcast3A_493 = vector.bitcast %gather3A_482 : vector<16xi32> to vector<32xbf16>
          %bitcast3A_494 = vector.bitcast %gather3A_487 : vector<16xi32> to vector<32xbf16>
          %bitcast3A_495 = vector.bitcast %gather3A_492 : vector<16xi32> to vector<32xbf16>
          %mul3A_496 = arith.mulf %bitcast3A_493, %bitcast3A_495 : vector<32xbf16>
          %mul3A_497 = arith.mulf %mul3A_496, %bitcast3A_494 : vector<32xbf16>
          %add3A_498 = arith.addf %add3A_468, %mul3A_497 : vector<32xbf16>
          %mul3A_499 = arith.constant 8 : i32
          %mul3A_500 = arith.muli %scan3A_348, %mul3A_499 : i32
          %add3A_501 = arith.constant 5 : i32
          %add3A_502 = arith.addi %mul3A_500, %add3A_501 : i32
          %add3A_503 = vector.broadcast %add3A_502 : i32 to vector<16xi32>
          %add3A_504 = arith.addi %iota3A, %add3A_503 : vector<16xi32>
          %and3A_505 = arith.constant 127 : i32
          %and3A_506 = vector.broadcast %and3A_505 : i32 to vector<16xi32>
          %and3A_507 = arith.andi %add3A_504, %and3A_506 : vector<16xi32>
          %gather3A_508 = arith.constant 0 : i32
          %gather3A_509 = arith.constant 0 : i32
          %gather3A_510 = tpu.memref_slice %arg10[%scan3A_132, %gather3A_508, %gather3A_509] : memref<2x96x128xi32, #tpu.memory_space<vmem>> -> memref<1x96x128xi32, #tpu.memory_space<vmem>>
          %gather3A_511 = tpu.memref_squeeze %gather3A_510 : memref<1x96x128xi32, #tpu.memory_space<vmem>> -> memref<96x128xi32, #tpu.memory_space<vmem>>
          %gather3A_512 = tpu.vector_load_idx %gather3A_511[%add3A_129, %and3A_507] : memref<96x128xi32, #tpu.memory_space<vmem>>[vector<16xi32>, vector<16xi32>], vector<16xi32>,
          %gather3A_513 = arith.constant 0 : i32
          %gather3A_514 = arith.constant 0 : i32
          %gather3A_515 = tpu.memref_slice %arg11[%scan3A_133, %gather3A_513, %gather3A_514] : memref<2x96x128xi32, #tpu.memory_space<vmem>> -> memref<1x96x128xi32, #tpu.memory_space<vmem>>
          %gather3A_516 = tpu.memref_squeeze %gather3A_515 : memref<1x96x128xi32, #tpu.memory_space<vmem>> -> memref<96x128xi32, #tpu.memory_space<vmem>>
          %gather3A_517 = tpu.vector_load_idx %gather3A_516[%add3A_129, %and3A_507] : memref<96x128xi32, #tpu.memory_space<vmem>>[vector<16xi32>, vector<16xi32>], vector<16xi32>,
          %gather3A_518 = arith.constant 0 : i32
          %gather3A_519 = arith.constant 0 : i32
          %gather3A_520 = tpu.memref_slice %arg12[%scan3A_134, %gather3A_518, %gather3A_519] : memref<2x96x128xi32, #tpu.memory_space<vmem>> -> memref<1x96x128xi32, #tpu.memory_space<vmem>>
          %gather3A_521 = tpu.memref_squeeze %gather3A_520 : memref<1x96x128xi32, #tpu.memory_space<vmem>> -> memref<96x128xi32, #tpu.memory_space<vmem>>
          %gather3A_522 = tpu.vector_load_idx %gather3A_521[%add3A_129, %and3A_507] : memref<96x128xi32, #tpu.memory_space<vmem>>[vector<16xi32>, vector<16xi32>], vector<16xi32>,
          %bitcast3A_523 = vector.bitcast %gather3A_512 : vector<16xi32> to vector<32xbf16>
          %bitcast3A_524 = vector.bitcast %gather3A_517 : vector<16xi32> to vector<32xbf16>
          %bitcast3A_525 = vector.bitcast %gather3A_522 : vector<16xi32> to vector<32xbf16>
          %mul3A_526 = arith.mulf %bitcast3A_523, %bitcast3A_525 : vector<32xbf16>
          %mul3A_527 = arith.mulf %mul3A_526, %bitcast3A_524 : vector<32xbf16>
          %add3A_528 = arith.addf %add3A_498, %mul3A_527 : vector<32xbf16>
          %mul3A_529 = arith.constant 8 : i32
          %mul3A_530 = arith.muli %scan3A_348, %mul3A_529 : i32
          %add3A_531 = arith.constant 6 : i32
          %add3A_532 = arith.addi %mul3A_530, %add3A_531 : i32
          %add3A_533 = vector.broadcast %add3A_532 : i32 to vector<16xi32>
          %add3A_534 = arith.addi %iota3A, %add3A_533 : vector<16xi32>
          %and3A_535 = arith.constant 127 : i32
          %and3A_536 = vector.broadcast %and3A_535 : i32 to vector<16xi32>
          %and3A_537 = arith.andi %add3A_534, %and3A_536 : vector<16xi32>
          %gather3A_538 = arith.constant 0 : i32
          %gather3A_539 = arith.constant 0 : i32
          %gather3A_540 = tpu.memref_slice %arg10[%scan3A_132, %gather3A_538, %gather3A_539] : memref<2x96x128xi32, #tpu.memory_space<vmem>> -> memref<1x96x128xi32, #tpu.memory_space<vmem>>
          %gather3A_541 = tpu.memref_squeeze %gather3A_540 : memref<1x96x128xi32, #tpu.memory_space<vmem>> -> memref<96x128xi32, #tpu.memory_space<vmem>>
          %gather3A_542 = tpu.vector_load_idx %gather3A_541[%add3A_129, %and3A_537] : memref<96x128xi32, #tpu.memory_space<vmem>>[vector<16xi32>, vector<16xi32>], vector<16xi32>,
          %gather3A_543 = arith.constant 0 : i32
          %gather3A_544 = arith.constant 0 : i32
          %gather3A_545 = tpu.memref_slice %arg11[%scan3A_133, %gather3A_543, %gather3A_544] : memref<2x96x128xi32, #tpu.memory_space<vmem>> -> memref<1x96x128xi32, #tpu.memory_space<vmem>>
          %gather3A_546 = tpu.memref_squeeze %gather3A_545 : memref<1x96x128xi32, #tpu.memory_space<vmem>> -> memref<96x128xi32, #tpu.memory_space<vmem>>
          %gather3A_547 = tpu.vector_load_idx %gather3A_546[%add3A_129, %and3A_537] : memref<96x128xi32, #tpu.memory_space<vmem>>[vector<16xi32>, vector<16xi32>], vector<16xi32>,
          %gather3A_548 = arith.constant 0 : i32
          %gather3A_549 = arith.constant 0 : i32
          %gather3A_550 = tpu.memref_slice %arg12[%scan3A_134, %gather3A_548, %gather3A_549] : memref<2x96x128xi32, #tpu.memory_space<vmem>> -> memref<1x96x128xi32, #tpu.memory_space<vmem>>
          %gather3A_551 = tpu.memref_squeeze %gather3A_550 : memref<1x96x128xi32, #tpu.memory_space<vmem>> -> memref<96x128xi32, #tpu.memory_space<vmem>>
          %gather3A_552 = tpu.vector_load_idx %gather3A_551[%add3A_129, %and3A_537] : memref<96x128xi32, #tpu.memory_space<vmem>>[vector<16xi32>, vector<16xi32>], vector<16xi32>,
          %bitcast3A_553 = vector.bitcast %gather3A_542 : vector<16xi32> to vector<32xbf16>
          %bitcast3A_554 = vector.bitcast %gather3A_547 : vector<16xi32> to vector<32xbf16>
          %bitcast3A_555 = vector.bitcast %gather3A_552 : vector<16xi32> to vector<32xbf16>
          %mul3A_556 = arith.mulf %bitcast3A_553, %bitcast3A_555 : vector<32xbf16>
          %mul3A_557 = arith.mulf %mul3A_556, %bitcast3A_554 : vector<32xbf16>
          %add3A_558 = arith.addf %add3A_528, %mul3A_557 : vector<32xbf16>
          %mul3A_559 = arith.constant 8 : i32
          %mul3A_560 = arith.muli %scan3A_348, %mul3A_559 : i32
          %add3A_561 = arith.constant 7 : i32
          %add3A_562 = arith.addi %mul3A_560, %add3A_561 : i32
          %add3A_563 = vector.broadcast %add3A_562 : i32 to vector<16xi32>
          %add3A_564 = arith.addi %iota3A, %add3A_563 : vector<16xi32>
          %and3A_565 = arith.constant 127 : i32
          %and3A_566 = vector.broadcast %and3A_565 : i32 to vector<16xi32>
          %and3A_567 = arith.andi %add3A_564, %and3A_566 : vector<16xi32>
          %gather3A_568 = arith.constant 0 : i32
          %gather3A_569 = arith.constant 0 : i32
          %gather3A_570 = tpu.memref_slice %arg10[%scan3A_132, %gather3A_568, %gather3A_569] : memref<2x96x128xi32, #tpu.memory_space<vmem>> -> memref<1x96x128xi32, #tpu.memory_space<vmem>>
          %gather3A_571 = tpu.memref_squeeze %gather3A_570 : memref<1x96x128xi32, #tpu.memory_space<vmem>> -> memref<96x128xi32, #tpu.memory_space<vmem>>
          %gather3A_572 = tpu.vector_load_idx %gather3A_571[%add3A_129, %and3A_567] : memref<96x128xi32, #tpu.memory_space<vmem>>[vector<16xi32>, vector<16xi32>], vector<16xi32>,
          %gather3A_573 = arith.constant 0 : i32
          %gather3A_574 = arith.constant 0 : i32
          %gather3A_575 = tpu.memref_slice %arg11[%scan3A_133, %gather3A_573, %gather3A_574] : memref<2x96x128xi32, #tpu.memory_space<vmem>> -> memref<1x96x128xi32, #tpu.memory_space<vmem>>
          %gather3A_576 = tpu.memref_squeeze %gather3A_575 : memref<1x96x128xi32, #tpu.memory_space<vmem>> -> memref<96x128xi32, #tpu.memory_space<vmem>>
          %gather3A_577 = tpu.vector_load_idx %gather3A_576[%add3A_129, %and3A_567] : memref<96x128xi32, #tpu.memory_space<vmem>>[vector<16xi32>, vector<16xi32>], vector<16xi32>,
          %gather3A_578 = arith.constant 0 : i32
          %gather3A_579 = arith.constant 0 : i32
          %gather3A_580 = tpu.memref_slice %arg12[%scan3A_134, %gather3A_578, %gather3A_579] : memref<2x96x128xi32, #tpu.memory_space<vmem>> -> memref<1x96x128xi32, #tpu.memory_space<vmem>>
          %gather3A_581 = tpu.memref_squeeze %gather3A_580 : memref<1x96x128xi32, #tpu.memory_space<vmem>> -> memref<96x128xi32, #tpu.memory_space<vmem>>
          %gather3A_582 = tpu.vector_load_idx %gather3A_581[%add3A_129, %and3A_567] : memref<96x128xi32, #tpu.memory_space<vmem>>[vector<16xi32>, vector<16xi32>], vector<16xi32>,
          %bitcast3A_583 = vector.bitcast %gather3A_572 : vector<16xi32> to vector<32xbf16>
          %bitcast3A_584 = vector.bitcast %gather3A_577 : vector<16xi32> to vector<32xbf16>
          %bitcast3A_585 = vector.bitcast %gather3A_582 : vector<16xi32> to vector<32xbf16>
          %mul3A_586 = arith.mulf %bitcast3A_583, %bitcast3A_585 : vector<32xbf16>
          %mul3A_587 = arith.mulf %mul3A_586, %bitcast3A_584 : vector<32xbf16>
          %add3A_588 = arith.addf %add3A_558, %mul3A_587 : vector<32xbf16>
          scf.yield %add3A_588 : vector<32xbf16>
        }
        %scan3A_140 = arith.constant 16 : i32
        %bitcast3A = vector.bitcast %scan3A_139 : vector<32xbf16> to vector<16xi32>
        %shift_left3A = arith.constant 16 : i32
        %shift_left3A_141 = vector.broadcast %shift_left3A : i32 to vector<16xi32>
        %shift_left3A_142 = arith.shli %bitcast3A, %shift_left3A_141 : vector<16xi32>
        %bitcast3A_143 = vector.bitcast %shift_left3A_142 : vector<16xi32> to vector<16xf32>
        %and3A = arith.andi %bitcast3A, %broadcast_in_dim3A_53 : vector<16xi32>
        %bitcast3A_144 = vector.bitcast %and3A : vector<16xi32> to vector<16xf32>
        %add3A_145 = arith.addf %bitcast3A_143, %bitcast3A_144 : vector<16xf32>
        %neg3A = arith.constant 0.000000e+00 : f32
        %neg3A_146 = vector.broadcast %neg3A : f32 to vector<16xf32>
        %neg3A_147 = arith.subf %neg3A_146, %add3A_145 : vector<16xf32>
        %exp3A = math.exp %neg3A_147 : vector<16xf32>
        %add3A_148 = arith.constant 1.000000e+00 : f32
        %add3A_149 = vector.broadcast %add3A_148 : f32 to vector<16xf32>
        %add3A_150 = arith.addf %add3A_149, %exp3A : vector<16xf32>
        %div3A = arith.constant 1.000000e+00 : f32
        %div3A_151 = vector.broadcast %div3A : f32 to vector<16xf32>
        %div3A_152 = arith.divf %div3A_151, %add3A_150 : vector<16xf32>
        %mul3A_153 = arith.constant 96 : i32
        %mul3A_154 = arith.muli %add3A_71, %mul3A_153 : i32
        %add3A_155 = arith.constant 0 : i32
        %add3A_156 = arith.addi %mul3A_154, %add3A_155 : i32
        %swap3A = arith.index_cast %add3A_156 : i32 to index
        %swap3A_157 = tpu.vector_load %arg13[%swap3A] {strides = array<i32>} : memref<9504xf32, #tpu.memory_space<vmem>>, vector<16xf32>,
        tpu.vector_store %arg13[%swap3A], %div3A_152 {strides = array<i32>} : memref<9504xf32, #tpu.memory_space<vmem>>, vector<16xf32>,
        %add3A_158 = arith.constant 16 : i32
        %add3A_159 = vector.broadcast %add3A_158 : i32 to vector<16xi32>
        %add3A_160 = arith.addi %iota3A, %add3A_159 : vector<16xi32>
        %broadcast_in_dim3A_161 = arith.constant 0.000000e+00 : bf16
        %broadcast_in_dim3A_162 = vector.broadcast %broadcast_in_dim3A_161 : bf16 to vector<32xbf16>
        %scan3A_163 = arith.constant 0 : i32
        %scan3A_164 = arith.constant 0 : i32
        %scan3A_165 = arith.constant 0 : i32
        %scan3A_166 = arith.constant 0 : i32
        %scan3A_167 = arith.constant 16 : i32
        %scan3A_168 = arith.addi %scan3A_166, %scan3A_167 : i32
        %scan3A_169 = arith.constant 1 : i32
        %scan3A_170 = scf.for %scan3A_348 = %scan3A_166 to %scan3A_168 step %scan3A_169 iter_args(%scan3A_349 = %broadcast_in_dim3A_162) -> (vector<32xbf16>)  : i32 {
          %mul3A_350 = arith.constant 8 : i32
          %mul3A_351 = arith.muli %scan3A_348, %mul3A_350 : i32
          %add3A_352 = arith.constant 0 : i32
          %add3A_353 = arith.addi %mul3A_351, %add3A_352 : i32
          %add3A_354 = vector.broadcast %add3A_353 : i32 to vector<16xi32>
          %add3A_355 = arith.addi %iota3A, %add3A_354 : vector<16xi32>
          %and3A_356 = arith.constant 127 : i32
          %and3A_357 = vector.broadcast %and3A_356 : i32 to vector<16xi32>
          %and3A_358 = arith.andi %add3A_355, %and3A_357 : vector<16xi32>
          %gather3A = arith.constant 0 : i32
          %gather3A_359 = arith.constant 0 : i32
          %gather3A_360 = tpu.memref_slice %arg10[%scan3A_163, %gather3A, %gather3A_359] : memref<2x96x128xi32, #tpu.memory_space<vmem>> -> memref<1x96x128xi32, #tpu.memory_space<vmem>>
          %gather3A_361 = tpu.memref_squeeze %gather3A_360 : memref<1x96x128xi32, #tpu.memory_space<vmem>> -> memref<96x128xi32, #tpu.memory_space<vmem>>
          %gather3A_362 = tpu.vector_load_idx %gather3A_361[%add3A_160, %and3A_358] : memref<96x128xi32, #tpu.memory_space<vmem>>[vector<16xi32>, vector<16xi32>], vector<16xi32>,
          %gather3A_363 = arith.constant 0 : i32
          %gather3A_364 = arith.constant 0 : i32
          %gather3A_365 = tpu.memref_slice %arg11[%scan3A_164, %gather3A_363, %gather3A_364] : memref<2x96x128xi32, #tpu.memory_space<vmem>> -> memref<1x96x128xi32, #tpu.memory_space<vmem>>
          %gather3A_366 = tpu.memref_squeeze %gather3A_365 : memref<1x96x128xi32, #tpu.memory_space<vmem>> -> memref<96x128xi32, #tpu.memory_space<vmem>>
          %gather3A_367 = tpu.vector_load_idx %gather3A_366[%add3A_160, %and3A_358] : memref<96x128xi32, #tpu.memory_space<vmem>>[vector<16xi32>, vector<16xi32>], vector<16xi32>,
          %gather3A_368 = arith.constant 0 : i32
          %gather3A_369 = arith.constant 0 : i32
          %gather3A_370 = tpu.memref_slice %arg12[%scan3A_165, %gather3A_368, %gather3A_369] : memref<2x96x128xi32, #tpu.memory_space<vmem>> -> memref<1x96x128xi32, #tpu.memory_space<vmem>>
          %gather3A_371 = tpu.memref_squeeze %gather3A_370 : memref<1x96x128xi32, #tpu.memory_space<vmem>> -> memref<96x128xi32, #tpu.memory_space<vmem>>
          %gather3A_372 = tpu.vector_load_idx %gather3A_371[%add3A_160, %and3A_358] : memref<96x128xi32, #tpu.memory_space<vmem>>[vector<16xi32>, vector<16xi32>], vector<16xi32>,
          %bitcast3A_373 = vector.bitcast %gather3A_362 : vector<16xi32> to vector<32xbf16>
          %bitcast3A_374 = vector.bitcast %gather3A_367 : vector<16xi32> to vector<32xbf16>
          %bitcast3A_375 = vector.bitcast %gather3A_372 : vector<16xi32> to vector<32xbf16>
          %mul3A_376 = arith.mulf %bitcast3A_373, %bitcast3A_375 : vector<32xbf16>
          %mul3A_377 = arith.mulf %mul3A_376, %bitcast3A_374 : vector<32xbf16>
          %add3A_378 = arith.addf %scan3A_349, %mul3A_377 : vector<32xbf16>
          %mul3A_379 = arith.constant 8 : i32
          %mul3A_380 = arith.muli %scan3A_348, %mul3A_379 : i32
          %add3A_381 = arith.constant 1 : i32
          %add3A_382 = arith.addi %mul3A_380, %add3A_381 : i32
          %add3A_383 = vector.broadcast %add3A_382 : i32 to vector<16xi32>
          %add3A_384 = arith.addi %iota3A, %add3A_383 : vector<16xi32>
          %and3A_385 = arith.constant 127 : i32
          %and3A_386 = vector.broadcast %and3A_385 : i32 to vector<16xi32>
          %and3A_387 = arith.andi %add3A_384, %and3A_386 : vector<16xi32>
          %gather3A_388 = arith.constant 0 : i32
          %gather3A_389 = arith.constant 0 : i32
          %gather3A_390 = tpu.memref_slice %arg10[%scan3A_163, %gather3A_388, %gather3A_389] : memref<2x96x128xi32, #tpu.memory_space<vmem>> -> memref<1x96x128xi32, #tpu.memory_space<vmem>>
          %gather3A_391 = tpu.memref_squeeze %gather3A_390 : memref<1x96x128xi32, #tpu.memory_space<vmem>> -> memref<96x128xi32, #tpu.memory_space<vmem>>
          %gather3A_392 = tpu.vector_load_idx %gather3A_391[%add3A_160, %and3A_387] : memref<96x128xi32, #tpu.memory_space<vmem>>[vector<16xi32>, vector<16xi32>], vector<16xi32>,
          %gather3A_393 = arith.constant 0 : i32
          %gather3A_394 = arith.constant 0 : i32
          %gather3A_395 = tpu.memref_slice %arg11[%scan3A_164, %gather3A_393, %gather3A_394] : memref<2x96x128xi32, #tpu.memory_space<vmem>> -> memref<1x96x128xi32, #tpu.memory_space<vmem>>
          %gather3A_396 = tpu.memref_squeeze %gather3A_395 : memref<1x96x128xi32, #tpu.memory_space<vmem>> -> memref<96x128xi32, #tpu.memory_space<vmem>>
          %gather3A_397 = tpu.vector_load_idx %gather3A_396[%add3A_160, %and3A_387] : memref<96x128xi32, #tpu.memory_space<vmem>>[vector<16xi32>, vector<16xi32>], vector<16xi32>,
          %gather3A_398 = arith.constant 0 : i32
          %gather3A_399 = arith.constant 0 : i32
          %gather3A_400 = tpu.memref_slice %arg12[%scan3A_165, %gather3A_398, %gather3A_399] : memref<2x96x128xi32, #tpu.memory_space<vmem>> -> memref<1x96x128xi32, #tpu.memory_space<vmem>>
          %gather3A_401 = tpu.memref_squeeze %gather3A_400 : memref<1x96x128xi32, #tpu.memory_space<vmem>> -> memref<96x128xi32, #tpu.memory_space<vmem>>
          %gather3A_402 = tpu.vector_load_idx %gather3A_401[%add3A_160, %and3A_387] : memref<96x128xi32, #tpu.memory_space<vmem>>[vector<16xi32>, vector<16xi32>], vector<16xi32>,
          %bitcast3A_403 = vector.bitcast %gather3A_392 : vector<16xi32> to vector<32xbf16>
          %bitcast3A_404 = vector.bitcast %gather3A_397 : vector<16xi32> to vector<32xbf16>
          %bitcast3A_405 = vector.bitcast %gather3A_402 : vector<16xi32> to vector<32xbf16>
          %mul3A_406 = arith.mulf %bitcast3A_403, %bitcast3A_405 : vector<32xbf16>
          %mul3A_407 = arith.mulf %mul3A_406, %bitcast3A_404 : vector<32xbf16>
          %add3A_408 = arith.addf %add3A_378, %mul3A_407 : vector<32xbf16>
          %mul3A_409 = arith.constant 8 : i32
          %mul3A_410 = arith.muli %scan3A_348, %mul3A_409 : i32
          %add3A_411 = arith.constant 2 : i32
          %add3A_412 = arith.addi %mul3A_410, %add3A_411 : i32
          %add3A_413 = vector.broadcast %add3A_412 : i32 to vector<16xi32>
          %add3A_414 = arith.addi %iota3A, %add3A_413 : vector<16xi32>
          %and3A_415 = arith.constant 127 : i32
          %and3A_416 = vector.broadcast %and3A_415 : i32 to vector<16xi32>
          %and3A_417 = arith.andi %add3A_414, %and3A_416 : vector<16xi32>
          %gather3A_418 = arith.constant 0 : i32
          %gather3A_419 = arith.constant 0 : i32
          %gather3A_420 = tpu.memref_slice %arg10[%scan3A_163, %gather3A_418, %gather3A_419] : memref<2x96x128xi32, #tpu.memory_space<vmem>> -> memref<1x96x128xi32, #tpu.memory_space<vmem>>
          %gather3A_421 = tpu.memref_squeeze %gather3A_420 : memref<1x96x128xi32, #tpu.memory_space<vmem>> -> memref<96x128xi32, #tpu.memory_space<vmem>>
          %gather3A_422 = tpu.vector_load_idx %gather3A_421[%add3A_160, %and3A_417] : memref<96x128xi32, #tpu.memory_space<vmem>>[vector<16xi32>, vector<16xi32>], vector<16xi32>,
          %gather3A_423 = arith.constant 0 : i32
          %gather3A_424 = arith.constant 0 : i32
          %gather3A_425 = tpu.memref_slice %arg11[%scan3A_164, %gather3A_423, %gather3A_424] : memref<2x96x128xi32, #tpu.memory_space<vmem>> -> memref<1x96x128xi32, #tpu.memory_space<vmem>>
          %gather3A_426 = tpu.memref_squeeze %gather3A_425 : memref<1x96x128xi32, #tpu.memory_space<vmem>> -> memref<96x128xi32, #tpu.memory_space<vmem>>
          %gather3A_427 = tpu.vector_load_idx %gather3A_426[%add3A_160, %and3A_417] : memref<96x128xi32, #tpu.memory_space<vmem>>[vector<16xi32>, vector<16xi32>], vector<16xi32>,
          %gather3A_428 = arith.constant 0 : i32
          %gather3A_429 = arith.constant 0 : i32
          %gather3A_430 = tpu.memref_slice %arg12[%scan3A_165, %gather3A_428, %gather3A_429] : memref<2x96x128xi32, #tpu.memory_space<vmem>> -> memref<1x96x128xi32, #tpu.memory_space<vmem>>
          %gather3A_431 = tpu.memref_squeeze %gather3A_430 : memref<1x96x128xi32, #tpu.memory_space<vmem>> -> memref<96x128xi32, #tpu.memory_space<vmem>>
          %gather3A_432 = tpu.vector_load_idx %gather3A_431[%add3A_160, %and3A_417] : memref<96x128xi32, #tpu.memory_space<vmem>>[vector<16xi32>, vector<16xi32>], vector<16xi32>,
          %bitcast3A_433 = vector.bitcast %gather3A_422 : vector<16xi32> to vector<32xbf16>
          %bitcast3A_434 = vector.bitcast %gather3A_427 : vector<16xi32> to vector<32xbf16>
          %bitcast3A_435 = vector.bitcast %gather3A_432 : vector<16xi32> to vector<32xbf16>
          %mul3A_436 = arith.mulf %bitcast3A_433, %bitcast3A_435 : vector<32xbf16>
          %mul3A_437 = arith.mulf %mul3A_436, %bitcast3A_434 : vector<32xbf16>
          %add3A_438 = arith.addf %add3A_408, %mul3A_437 : vector<32xbf16>
          %mul3A_439 = arith.constant 8 : i32
          %mul3A_440 = arith.muli %scan3A_348, %mul3A_439 : i32
          %add3A_441 = arith.constant 3 : i32
          %add3A_442 = arith.addi %mul3A_440, %add3A_441 : i32
          %add3A_443 = vector.broadcast %add3A_442 : i32 to vector<16xi32>
          %add3A_444 = arith.addi %iota3A, %add3A_443 : vector<16xi32>
          %and3A_445 = arith.constant 127 : i32
          %and3A_446 = vector.broadcast %and3A_445 : i32 to vector<16xi32>
          %and3A_447 = arith.andi %add3A_444, %and3A_446 : vector<16xi32>
          %gather3A_448 = arith.constant 0 : i32
          %gather3A_449 = arith.constant 0 : i32
          %gather3A_450 = tpu.memref_slice %arg10[%scan3A_163, %gather3A_448, %gather3A_449] : memref<2x96x128xi32, #tpu.memory_space<vmem>> -> memref<1x96x128xi32, #tpu.memory_space<vmem>>
          %gather3A_451 = tpu.memref_squeeze %gather3A_450 : memref<1x96x128xi32, #tpu.memory_space<vmem>> -> memref<96x128xi32, #tpu.memory_space<vmem>>
          %gather3A_452 = tpu.vector_load_idx %gather3A_451[%add3A_160, %and3A_447] : memref<96x128xi32, #tpu.memory_space<vmem>>[vector<16xi32>, vector<16xi32>], vector<16xi32>,
          %gather3A_453 = arith.constant 0 : i32
          %gather3A_454 = arith.constant 0 : i32
          %gather3A_455 = tpu.memref_slice %arg11[%scan3A_164, %gather3A_453, %gather3A_454] : memref<2x96x128xi32, #tpu.memory_space<vmem>> -> memref<1x96x128xi32, #tpu.memory_space<vmem>>
          %gather3A_456 = tpu.memref_squeeze %gather3A_455 : memref<1x96x128xi32, #tpu.memory_space<vmem>> -> memref<96x128xi32, #tpu.memory_space<vmem>>
          %gather3A_457 = tpu.vector_load_idx %gather3A_456[%add3A_160, %and3A_447] : memref<96x128xi32, #tpu.memory_space<vmem>>[vector<16xi32>, vector<16xi32>], vector<16xi32>,
          %gather3A_458 = arith.constant 0 : i32
          %gather3A_459 = arith.constant 0 : i32
          %gather3A_460 = tpu.memref_slice %arg12[%scan3A_165, %gather3A_458, %gather3A_459] : memref<2x96x128xi32, #tpu.memory_space<vmem>> -> memref<1x96x128xi32, #tpu.memory_space<vmem>>
          %gather3A_461 = tpu.memref_squeeze %gather3A_460 : memref<1x96x128xi32, #tpu.memory_space<vmem>> -> memref<96x128xi32, #tpu.memory_space<vmem>>
          %gather3A_462 = tpu.vector_load_idx %gather3A_461[%add3A_160, %and3A_447] : memref<96x128xi32, #tpu.memory_space<vmem>>[vector<16xi32>, vector<16xi32>], vector<16xi32>,
          %bitcast3A_463 = vector.bitcast %gather3A_452 : vector<16xi32> to vector<32xbf16>
          %bitcast3A_464 = vector.bitcast %gather3A_457 : vector<16xi32> to vector<32xbf16>
          %bitcast3A_465 = vector.bitcast %gather3A_462 : vector<16xi32> to vector<32xbf16>
          %mul3A_466 = arith.mulf %bitcast3A_463, %bitcast3A_465 : vector<32xbf16>
          %mul3A_467 = arith.mulf %mul3A_466, %bitcast3A_464 : vector<32xbf16>
          %add3A_468 = arith.addf %add3A_438, %mul3A_467 : vector<32xbf16>
          %mul3A_469 = arith.constant 8 : i32
          %mul3A_470 = arith.muli %scan3A_348, %mul3A_469 : i32
          %add3A_471 = arith.constant 4 : i32
          %add3A_472 = arith.addi %mul3A_470, %add3A_471 : i32
          %add3A_473 = vector.broadcast %add3A_472 : i32 to vector<16xi32>
          %add3A_474 = arith.addi %iota3A, %add3A_473 : vector<16xi32>
          %and3A_475 = arith.constant 127 : i32
          %and3A_476 = vector.broadcast %and3A_475 : i32 to vector<16xi32>
          %and3A_477 = arith.andi %add3A_474, %and3A_476 : vector<16xi32>
          %gather3A_478 = arith.constant 0 : i32
          %gather3A_479 = arith.constant 0 : i32
          %gather3A_480 = tpu.memref_slice %arg10[%scan3A_163, %gather3A_478, %gather3A_479] : memref<2x96x128xi32, #tpu.memory_space<vmem>> -> memref<1x96x128xi32, #tpu.memory_space<vmem>>
          %gather3A_481 = tpu.memref_squeeze %gather3A_480 : memref<1x96x128xi32, #tpu.memory_space<vmem>> -> memref<96x128xi32, #tpu.memory_space<vmem>>
          %gather3A_482 = tpu.vector_load_idx %gather3A_481[%add3A_160, %and3A_477] : memref<96x128xi32, #tpu.memory_space<vmem>>[vector<16xi32>, vector<16xi32>], vector<16xi32>,
          %gather3A_483 = arith.constant 0 : i32
          %gather3A_484 = arith.constant 0 : i32
          %gather3A_485 = tpu.memref_slice %arg11[%scan3A_164, %gather3A_483, %gather3A_484] : memref<2x96x128xi32, #tpu.memory_space<vmem>> -> memref<1x96x128xi32, #tpu.memory_space<vmem>>
          %gather3A_486 = tpu.memref_squeeze %gather3A_485 : memref<1x96x128xi32, #tpu.memory_space<vmem>> -> memref<96x128xi32, #tpu.memory_space<vmem>>
          %gather3A_487 = tpu.vector_load_idx %gather3A_486[%add3A_160, %and3A_477] : memref<96x128xi32, #tpu.memory_space<vmem>>[vector<16xi32>, vector<16xi32>], vector<16xi32>,
          %gather3A_488 = arith.constant 0 : i32
          %gather3A_489 = arith.constant 0 : i32
          %gather3A_490 = tpu.memref_slice %arg12[%scan3A_165, %gather3A_488, %gather3A_489] : memref<2x96x128xi32, #tpu.memory_space<vmem>> -> memref<1x96x128xi32, #tpu.memory_space<vmem>>
          %gather3A_491 = tpu.memref_squeeze %gather3A_490 : memref<1x96x128xi32, #tpu.memory_space<vmem>> -> memref<96x128xi32, #tpu.memory_space<vmem>>
          %gather3A_492 = tpu.vector_load_idx %gather3A_491[%add3A_160, %and3A_477] : memref<96x128xi32, #tpu.memory_space<vmem>>[vector<16xi32>, vector<16xi32>], vector<16xi32>,
          %bitcast3A_493 = vector.bitcast %gather3A_482 : vector<16xi32> to vector<32xbf16>
          %bitcast3A_494 = vector.bitcast %gather3A_487 : vector<16xi32> to vector<32xbf16>
          %bitcast3A_495 = vector.bitcast %gather3A_492 : vector<16xi32> to vector<32xbf16>
          %mul3A_496 = arith.mulf %bitcast3A_493, %bitcast3A_495 : vector<32xbf16>
          %mul3A_497 = arith.mulf %mul3A_496, %bitcast3A_494 : vector<32xbf16>
          %add3A_498 = arith.addf %add3A_468, %mul3A_497 : vector<32xbf16>
          %mul3A_499 = arith.constant 8 : i32
          %mul3A_500 = arith.muli %scan3A_348, %mul3A_499 : i32
          %add3A_501 = arith.constant 5 : i32
          %add3A_502 = arith.addi %mul3A_500, %add3A_501 : i32
          %add3A_503 = vector.broadcast %add3A_502 : i32 to vector<16xi32>
          %add3A_504 = arith.addi %iota3A, %add3A_503 : vector<16xi32>
          %and3A_505 = arith.constant 127 : i32
          %and3A_506 = vector.broadcast %and3A_505 : i32 to vector<16xi32>
          %and3A_507 = arith.andi %add3A_504, %and3A_506 : vector<16xi32>
          %gather3A_508 = arith.constant 0 : i32
          %gather3A_509 = arith.constant 0 : i32
          %gather3A_510 = tpu.memref_slice %arg10[%scan3A_163, %gather3A_508, %gather3A_509] : memref<2x96x128xi32, #tpu.memory_space<vmem>> -> memref<1x96x128xi32, #tpu.memory_space<vmem>>
          %gather3A_511 = tpu.memref_squeeze %gather3A_510 : memref<1x96x128xi32, #tpu.memory_space<vmem>> -> memref<96x128xi32, #tpu.memory_space<vmem>>
          %gather3A_512 = tpu.vector_load_idx %gather3A_511[%add3A_160, %and3A_507] : memref<96x128xi32, #tpu.memory_space<vmem>>[vector<16xi32>, vector<16xi32>], vector<16xi32>,
          %gather3A_513 = arith.constant 0 : i32
          %gather3A_514 = arith.constant 0 : i32
          %gather3A_515 = tpu.memref_slice %arg11[%scan3A_164, %gather3A_513, %gather3A_514] : memref<2x96x128xi32, #tpu.memory_space<vmem>> -> memref<1x96x128xi32, #tpu.memory_space<vmem>>
          %gather3A_516 = tpu.memref_squeeze %gather3A_515 : memref<1x96x128xi32, #tpu.memory_space<vmem>> -> memref<96x128xi32, #tpu.memory_space<vmem>>
          %gather3A_517 = tpu.vector_load_idx %gather3A_516[%add3A_160, %and3A_507] : memref<96x128xi32, #tpu.memory_space<vmem>>[vector<16xi32>, vector<16xi32>], vector<16xi32>,
          %gather3A_518 = arith.constant 0 : i32
          %gather3A_519 = arith.constant 0 : i32
          %gather3A_520 = tpu.memref_slice %arg12[%scan3A_165, %gather3A_518, %gather3A_519] : memref<2x96x128xi32, #tpu.memory_space<vmem>> -> memref<1x96x128xi32, #tpu.memory_space<vmem>>
          %gather3A_521 = tpu.memref_squeeze %gather3A_520 : memref<1x96x128xi32, #tpu.memory_space<vmem>> -> memref<96x128xi32, #tpu.memory_space<vmem>>
          %gather3A_522 = tpu.vector_load_idx %gather3A_521[%add3A_160, %and3A_507] : memref<96x128xi32, #tpu.memory_space<vmem>>[vector<16xi32>, vector<16xi32>], vector<16xi32>,
          %bitcast3A_523 = vector.bitcast %gather3A_512 : vector<16xi32> to vector<32xbf16>
          %bitcast3A_524 = vector.bitcast %gather3A_517 : vector<16xi32> to vector<32xbf16>
          %bitcast3A_525 = vector.bitcast %gather3A_522 : vector<16xi32> to vector<32xbf16>
          %mul3A_526 = arith.mulf %bitcast3A_523, %bitcast3A_525 : vector<32xbf16>
          %mul3A_527 = arith.mulf %mul3A_526, %bitcast3A_524 : vector<32xbf16>
          %add3A_528 = arith.addf %add3A_498, %mul3A_527 : vector<32xbf16>
          %mul3A_529 = arith.constant 8 : i32
          %mul3A_530 = arith.muli %scan3A_348, %mul3A_529 : i32
          %add3A_531 = arith.constant 6 : i32
          %add3A_532 = arith.addi %mul3A_530, %add3A_531 : i32
          %add3A_533 = vector.broadcast %add3A_532 : i32 to vector<16xi32>
          %add3A_534 = arith.addi %iota3A, %add3A_533 : vector<16xi32>
          %and3A_535 = arith.constant 127 : i32
          %and3A_536 = vector.broadcast %and3A_535 : i32 to vector<16xi32>
          %and3A_537 = arith.andi %add3A_534, %and3A_536 : vector<16xi32>
          %gather3A_538 = arith.constant 0 : i32
          %gather3A_539 = arith.constant 0 : i32
          %gather3A_540 = tpu.memref_slice %arg10[%scan3A_163, %gather3A_538, %gather3A_539] : memref<2x96x128xi32, #tpu.memory_space<vmem>> -> memref<1x96x128xi32, #tpu.memory_space<vmem>>
          %gather3A_541 = tpu.memref_squeeze %gather3A_540 : memref<1x96x128xi32, #tpu.memory_space<vmem>> -> memref<96x128xi32, #tpu.memory_space<vmem>>
          %gather3A_542 = tpu.vector_load_idx %gather3A_541[%add3A_160, %and3A_537] : memref<96x128xi32, #tpu.memory_space<vmem>>[vector<16xi32>, vector<16xi32>], vector<16xi32>,
          %gather3A_543 = arith.constant 0 : i32
          %gather3A_544 = arith.constant 0 : i32
          %gather3A_545 = tpu.memref_slice %arg11[%scan3A_164, %gather3A_543, %gather3A_544] : memref<2x96x128xi32, #tpu.memory_space<vmem>> -> memref<1x96x128xi32, #tpu.memory_space<vmem>>
          %gather3A_546 = tpu.memref_squeeze %gather3A_545 : memref<1x96x128xi32, #tpu.memory_space<vmem>> -> memref<96x128xi32, #tpu.memory_space<vmem>>
          %gather3A_547 = tpu.vector_load_idx %gather3A_546[%add3A_160, %and3A_537] : memref<96x128xi32, #tpu.memory_space<vmem>>[vector<16xi32>, vector<16xi32>], vector<16xi32>,
          %gather3A_548 = arith.constant 0 : i32
          %gather3A_549 = arith.constant 0 : i32
          %gather3A_550 = tpu.memref_slice %arg12[%scan3A_165, %gather3A_548, %gather3A_549] : memref<2x96x128xi32, #tpu.memory_space<vmem>> -> memref<1x96x128xi32, #tpu.memory_space<vmem>>
          %gather3A_551 = tpu.memref_squeeze %gather3A_550 : memref<1x96x128xi32, #tpu.memory_space<vmem>> -> memref<96x128xi32, #tpu.memory_space<vmem>>
          %gather3A_552 = tpu.vector_load_idx %gather3A_551[%add3A_160, %and3A_537] : memref<96x128xi32, #tpu.memory_space<vmem>>[vector<16xi32>, vector<16xi32>], vector<16xi32>,
          %bitcast3A_553 = vector.bitcast %gather3A_542 : vector<16xi32> to vector<32xbf16>
          %bitcast3A_554 = vector.bitcast %gather3A_547 : vector<16xi32> to vector<32xbf16>
          %bitcast3A_555 = vector.bitcast %gather3A_552 : vector<16xi32> to vector<32xbf16>
          %mul3A_556 = arith.mulf %bitcast3A_553, %bitcast3A_555 : vector<32xbf16>
          %mul3A_557 = arith.mulf %mul3A_556, %bitcast3A_554 : vector<32xbf16>
          %add3A_558 = arith.addf %add3A_528, %mul3A_557 : vector<32xbf16>
          %mul3A_559 = arith.constant 8 : i32
          %mul3A_560 = arith.muli %scan3A_348, %mul3A_559 : i32
          %add3A_561 = arith.constant 7 : i32
          %add3A_562 = arith.addi %mul3A_560, %add3A_561 : i32
          %add3A_563 = vector.broadcast %add3A_562 : i32 to vector<16xi32>
          %add3A_564 = arith.addi %iota3A, %add3A_563 : vector<16xi32>
          %and3A_565 = arith.constant 127 : i32
          %and3A_566 = vector.broadcast %and3A_565 : i32 to vector<16xi32>
          %and3A_567 = arith.andi %add3A_564, %and3A_566 : vector<16xi32>
          %gather3A_568 = arith.constant 0 : i32
          %gather3A_569 = arith.constant 0 : i32
          %gather3A_570 = tpu.memref_slice %arg10[%scan3A_163, %gather3A_568, %gather3A_569] : memref<2x96x128xi32, #tpu.memory_space<vmem>> -> memref<1x96x128xi32, #tpu.memory_space<vmem>>
          %gather3A_571 = tpu.memref_squeeze %gather3A_570 : memref<1x96x128xi32, #tpu.memory_space<vmem>> -> memref<96x128xi32, #tpu.memory_space<vmem>>
          %gather3A_572 = tpu.vector_load_idx %gather3A_571[%add3A_160, %and3A_567] : memref<96x128xi32, #tpu.memory_space<vmem>>[vector<16xi32>, vector<16xi32>], vector<16xi32>,
          %gather3A_573 = arith.constant 0 : i32
          %gather3A_574 = arith.constant 0 : i32
          %gather3A_575 = tpu.memref_slice %arg11[%scan3A_164, %gather3A_573, %gather3A_574] : memref<2x96x128xi32, #tpu.memory_space<vmem>> -> memref<1x96x128xi32, #tpu.memory_space<vmem>>
          %gather3A_576 = tpu.memref_squeeze %gather3A_575 : memref<1x96x128xi32, #tpu.memory_space<vmem>> -> memref<96x128xi32, #tpu.memory_space<vmem>>
          %gather3A_577 = tpu.vector_load_idx %gather3A_576[%add3A_160, %and3A_567] : memref<96x128xi32, #tpu.memory_space<vmem>>[vector<16xi32>, vector<16xi32>], vector<16xi32>,
          %gather3A_578 = arith.constant 0 : i32
          %gather3A_579 = arith.constant 0 : i32
          %gather3A_580 = tpu.memref_slice %arg12[%scan3A_165, %gather3A_578, %gather3A_579] : memref<2x96x128xi32, #tpu.memory_space<vmem>> -> memref<1x96x128xi32, #tpu.memory_space<vmem>>
          %gather3A_581 = tpu.memref_squeeze %gather3A_580 : memref<1x96x128xi32, #tpu.memory_space<vmem>> -> memref<96x128xi32, #tpu.memory_space<vmem>>
          %gather3A_582 = tpu.vector_load_idx %gather3A_581[%add3A_160, %and3A_567] : memref<96x128xi32, #tpu.memory_space<vmem>>[vector<16xi32>, vector<16xi32>], vector<16xi32>,
          %bitcast3A_583 = vector.bitcast %gather3A_572 : vector<16xi32> to vector<32xbf16>
          %bitcast3A_584 = vector.bitcast %gather3A_577 : vector<16xi32> to vector<32xbf16>
          %bitcast3A_585 = vector.bitcast %gather3A_582 : vector<16xi32> to vector<32xbf16>
          %mul3A_586 = arith.mulf %bitcast3A_583, %bitcast3A_585 : vector<32xbf16>
          %mul3A_587 = arith.mulf %mul3A_586, %bitcast3A_584 : vector<32xbf16>
          %add3A_588 = arith.addf %add3A_558, %mul3A_587 : vector<32xbf16>
          scf.yield %add3A_588 : vector<32xbf16>
        }
        %scan3A_171 = arith.constant 16 : i32
        %bitcast3A_172 = vector.bitcast %scan3A_170 : vector<32xbf16> to vector<16xi32>
        %shift_left3A_173 = arith.constant 16 : i32
        %shift_left3A_174 = vector.broadcast %shift_left3A_173 : i32 to vector<16xi32>
        %shift_left3A_175 = arith.shli %bitcast3A_172, %shift_left3A_174 : vector<16xi32>
        %bitcast3A_176 = vector.bitcast %shift_left3A_175 : vector<16xi32> to vector<16xf32>
        %and3A_177 = arith.andi %bitcast3A_172, %broadcast_in_dim3A_53 : vector<16xi32>
        %bitcast3A_178 = vector.bitcast %and3A_177 : vector<16xi32> to vector<16xf32>
        %add3A_179 = arith.addf %bitcast3A_176, %bitcast3A_178 : vector<16xf32>
        %neg3A_180 = arith.constant 0.000000e+00 : f32
        %neg3A_181 = vector.broadcast %neg3A_180 : f32 to vector<16xf32>
        %neg3A_182 = arith.subf %neg3A_181, %add3A_179 : vector<16xf32>
        %exp3A_183 = math.exp %neg3A_182 : vector<16xf32>
        %add3A_184 = arith.constant 1.000000e+00 : f32
        %add3A_185 = vector.broadcast %add3A_184 : f32 to vector<16xf32>
        %add3A_186 = arith.addf %add3A_185, %exp3A_183 : vector<16xf32>
        %div3A_187 = arith.constant 1.000000e+00 : f32
        %div3A_188 = vector.broadcast %div3A_187 : f32 to vector<16xf32>
        %div3A_189 = arith.divf %div3A_188, %add3A_186 : vector<16xf32>
        %mul3A_190 = arith.constant 96 : i32
        %mul3A_191 = arith.muli %add3A_71, %mul3A_190 : i32
        %add3A_192 = arith.constant 16 : i32
        %add3A_193 = arith.addi %mul3A_191, %add3A_192 : i32
        %swap3A_194 = arith.index_cast %add3A_193 : i32 to index
        %swap3A_195 = tpu.vector_load %arg13[%swap3A_194] {strides = array<i32>} : memref<9504xf32, #tpu.memory_space<vmem>>, vector<16xf32>,
        tpu.vector_store %arg13[%swap3A_194], %div3A_189 {strides = array<i32>} : memref<9504xf32, #tpu.memory_space<vmem>>, vector<16xf32>,
        %add3A_196 = arith.constant 32 : i32
        %add3A_197 = vector.broadcast %add3A_196 : i32 to vector<16xi32>
        %add3A_198 = arith.addi %iota3A, %add3A_197 : vector<16xi32>
        %broadcast_in_dim3A_199 = arith.constant 0.000000e+00 : bf16
        %broadcast_in_dim3A_200 = vector.broadcast %broadcast_in_dim3A_199 : bf16 to vector<32xbf16>
        %scan3A_201 = arith.constant 0 : i32
        %scan3A_202 = arith.constant 0 : i32
        %scan3A_203 = arith.constant 0 : i32
        %scan3A_204 = arith.constant 0 : i32
        %scan3A_205 = arith.constant 16 : i32
        %scan3A_206 = arith.addi %scan3A_204, %scan3A_205 : i32
        %scan3A_207 = arith.constant 1 : i32
        %scan3A_208 = scf.for %scan3A_348 = %scan3A_204 to %scan3A_206 step %scan3A_207 iter_args(%scan3A_349 = %broadcast_in_dim3A_200) -> (vector<32xbf16>)  : i32 {
          %mul3A_350 = arith.constant 8 : i32
          %mul3A_351 = arith.muli %scan3A_348, %mul3A_350 : i32
          %add3A_352 = arith.constant 0 : i32
          %add3A_353 = arith.addi %mul3A_351, %add3A_352 : i32
          %add3A_354 = vector.broadcast %add3A_353 : i32 to vector<16xi32>
          %add3A_355 = arith.addi %iota3A, %add3A_354 : vector<16xi32>
          %and3A_356 = arith.constant 127 : i32
          %and3A_357 = vector.broadcast %and3A_356 : i32 to vector<16xi32>
          %and3A_358 = arith.andi %add3A_355, %and3A_357 : vector<16xi32>
          %gather3A = arith.constant 0 : i32
          %gather3A_359 = arith.constant 0 : i32
          %gather3A_360 = tpu.memref_slice %arg10[%scan3A_201, %gather3A, %gather3A_359] : memref<2x96x128xi32, #tpu.memory_space<vmem>> -> memref<1x96x128xi32, #tpu.memory_space<vmem>>
          %gather3A_361 = tpu.memref_squeeze %gather3A_360 : memref<1x96x128xi32, #tpu.memory_space<vmem>> -> memref<96x128xi32, #tpu.memory_space<vmem>>
          %gather3A_362 = tpu.vector_load_idx %gather3A_361[%add3A_198, %and3A_358] : memref<96x128xi32, #tpu.memory_space<vmem>>[vector<16xi32>, vector<16xi32>], vector<16xi32>,
          %gather3A_363 = arith.constant 0 : i32
          %gather3A_364 = arith.constant 0 : i32
          %gather3A_365 = tpu.memref_slice %arg11[%scan3A_202, %gather3A_363, %gather3A_364] : memref<2x96x128xi32, #tpu.memory_space<vmem>> -> memref<1x96x128xi32, #tpu.memory_space<vmem>>
          %gather3A_366 = tpu.memref_squeeze %gather3A_365 : memref<1x96x128xi32, #tpu.memory_space<vmem>> -> memref<96x128xi32, #tpu.memory_space<vmem>>
          %gather3A_367 = tpu.vector_load_idx %gather3A_366[%add3A_198, %and3A_358] : memref<96x128xi32, #tpu.memory_space<vmem>>[vector<16xi32>, vector<16xi32>], vector<16xi32>,
          %gather3A_368 = arith.constant 0 : i32
          %gather3A_369 = arith.constant 0 : i32
          %gather3A_370 = tpu.memref_slice %arg12[%scan3A_203, %gather3A_368, %gather3A_369] : memref<2x96x128xi32, #tpu.memory_space<vmem>> -> memref<1x96x128xi32, #tpu.memory_space<vmem>>
          %gather3A_371 = tpu.memref_squeeze %gather3A_370 : memref<1x96x128xi32, #tpu.memory_space<vmem>> -> memref<96x128xi32, #tpu.memory_space<vmem>>
          %gather3A_372 = tpu.vector_load_idx %gather3A_371[%add3A_198, %and3A_358] : memref<96x128xi32, #tpu.memory_space<vmem>>[vector<16xi32>, vector<16xi32>], vector<16xi32>,
          %bitcast3A_373 = vector.bitcast %gather3A_362 : vector<16xi32> to vector<32xbf16>
          %bitcast3A_374 = vector.bitcast %gather3A_367 : vector<16xi32> to vector<32xbf16>
          %bitcast3A_375 = vector.bitcast %gather3A_372 : vector<16xi32> to vector<32xbf16>
          %mul3A_376 = arith.mulf %bitcast3A_373, %bitcast3A_375 : vector<32xbf16>
          %mul3A_377 = arith.mulf %mul3A_376, %bitcast3A_374 : vector<32xbf16>
          %add3A_378 = arith.addf %scan3A_349, %mul3A_377 : vector<32xbf16>
          %mul3A_379 = arith.constant 8 : i32
          %mul3A_380 = arith.muli %scan3A_348, %mul3A_379 : i32
          %add3A_381 = arith.constant 1 : i32
          %add3A_382 = arith.addi %mul3A_380, %add3A_381 : i32
          %add3A_383 = vector.broadcast %add3A_382 : i32 to vector<16xi32>
          %add3A_384 = arith.addi %iota3A, %add3A_383 : vector<16xi32>
          %and3A_385 = arith.constant 127 : i32
          %and3A_386 = vector.broadcast %and3A_385 : i32 to vector<16xi32>
          %and3A_387 = arith.andi %add3A_384, %and3A_386 : vector<16xi32>
          %gather3A_388 = arith.constant 0 : i32
          %gather3A_389 = arith.constant 0 : i32
          %gather3A_390 = tpu.memref_slice %arg10[%scan3A_201, %gather3A_388, %gather3A_389] : memref<2x96x128xi32, #tpu.memory_space<vmem>> -> memref<1x96x128xi32, #tpu.memory_space<vmem>>
          %gather3A_391 = tpu.memref_squeeze %gather3A_390 : memref<1x96x128xi32, #tpu.memory_space<vmem>> -> memref<96x128xi32, #tpu.memory_space<vmem>>
          %gather3A_392 = tpu.vector_load_idx %gather3A_391[%add3A_198, %and3A_387] : memref<96x128xi32, #tpu.memory_space<vmem>>[vector<16xi32>, vector<16xi32>], vector<16xi32>,
          %gather3A_393 = arith.constant 0 : i32
          %gather3A_394 = arith.constant 0 : i32
          %gather3A_395 = tpu.memref_slice %arg11[%scan3A_202, %gather3A_393, %gather3A_394] : memref<2x96x128xi32, #tpu.memory_space<vmem>> -> memref<1x96x128xi32, #tpu.memory_space<vmem>>
          %gather3A_396 = tpu.memref_squeeze %gather3A_395 : memref<1x96x128xi32, #tpu.memory_space<vmem>> -> memref<96x128xi32, #tpu.memory_space<vmem>>
          %gather3A_397 = tpu.vector_load_idx %gather3A_396[%add3A_198, %and3A_387] : memref<96x128xi32, #tpu.memory_space<vmem>>[vector<16xi32>, vector<16xi32>], vector<16xi32>,
          %gather3A_398 = arith.constant 0 : i32
          %gather3A_399 = arith.constant 0 : i32
          %gather3A_400 = tpu.memref_slice %arg12[%scan3A_203, %gather3A_398, %gather3A_399] : memref<2x96x128xi32, #tpu.memory_space<vmem>> -> memref<1x96x128xi32, #tpu.memory_space<vmem>>
          %gather3A_401 = tpu.memref_squeeze %gather3A_400 : memref<1x96x128xi32, #tpu.memory_space<vmem>> -> memref<96x128xi32, #tpu.memory_space<vmem>>
          %gather3A_402 = tpu.vector_load_idx %gather3A_401[%add3A_198, %and3A_387] : memref<96x128xi32, #tpu.memory_space<vmem>>[vector<16xi32>, vector<16xi32>], vector<16xi32>,
          %bitcast3A_403 = vector.bitcast %gather3A_392 : vector<16xi32> to vector<32xbf16>
          %bitcast3A_404 = vector.bitcast %gather3A_397 : vector<16xi32> to vector<32xbf16>
          %bitcast3A_405 = vector.bitcast %gather3A_402 : vector<16xi32> to vector<32xbf16>
          %mul3A_406 = arith.mulf %bitcast3A_403, %bitcast3A_405 : vector<32xbf16>
          %mul3A_407 = arith.mulf %mul3A_406, %bitcast3A_404 : vector<32xbf16>
          %add3A_408 = arith.addf %add3A_378, %mul3A_407 : vector<32xbf16>
          %mul3A_409 = arith.constant 8 : i32
          %mul3A_410 = arith.muli %scan3A_348, %mul3A_409 : i32
          %add3A_411 = arith.constant 2 : i32
          %add3A_412 = arith.addi %mul3A_410, %add3A_411 : i32
          %add3A_413 = vector.broadcast %add3A_412 : i32 to vector<16xi32>
          %add3A_414 = arith.addi %iota3A, %add3A_413 : vector<16xi32>
          %and3A_415 = arith.constant 127 : i32
          %and3A_416 = vector.broadcast %and3A_415 : i32 to vector<16xi32>
          %and3A_417 = arith.andi %add3A_414, %and3A_416 : vector<16xi32>
          %gather3A_418 = arith.constant 0 : i32
          %gather3A_419 = arith.constant 0 : i32
          %gather3A_420 = tpu.memref_slice %arg10[%scan3A_201, %gather3A_418, %gather3A_419] : memref<2x96x128xi32, #tpu.memory_space<vmem>> -> memref<1x96x128xi32, #tpu.memory_space<vmem>>
          %gather3A_421 = tpu.memref_squeeze %gather3A_420 : memref<1x96x128xi32, #tpu.memory_space<vmem>> -> memref<96x128xi32, #tpu.memory_space<vmem>>
          %gather3A_422 = tpu.vector_load_idx %gather3A_421[%add3A_198, %and3A_417] : memref<96x128xi32, #tpu.memory_space<vmem>>[vector<16xi32>, vector<16xi32>], vector<16xi32>,
          %gather3A_423 = arith.constant 0 : i32
          %gather3A_424 = arith.constant 0 : i32
          %gather3A_425 = tpu.memref_slice %arg11[%scan3A_202, %gather3A_423, %gather3A_424] : memref<2x96x128xi32, #tpu.memory_space<vmem>> -> memref<1x96x128xi32, #tpu.memory_space<vmem>>
          %gather3A_426 = tpu.memref_squeeze %gather3A_425 : memref<1x96x128xi32, #tpu.memory_space<vmem>> -> memref<96x128xi32, #tpu.memory_space<vmem>>
          %gather3A_427 = tpu.vector_load_idx %gather3A_426[%add3A_198, %and3A_417] : memref<96x128xi32, #tpu.memory_space<vmem>>[vector<16xi32>, vector<16xi32>], vector<16xi32>,
          %gather3A_428 = arith.constant 0 : i32
          %gather3A_429 = arith.constant 0 : i32
          %gather3A_430 = tpu.memref_slice %arg12[%scan3A_203, %gather3A_428, %gather3A_429] : memref<2x96x128xi32, #tpu.memory_space<vmem>> -> memref<1x96x128xi32, #tpu.memory_space<vmem>>
          %gather3A_431 = tpu.memref_squeeze %gather3A_430 : memref<1x96x128xi32, #tpu.memory_space<vmem>> -> memref<96x128xi32, #tpu.memory_space<vmem>>
          %gather3A_432 = tpu.vector_load_idx %gather3A_431[%add3A_198, %and3A_417] : memref<96x128xi32, #tpu.memory_space<vmem>>[vector<16xi32>, vector<16xi32>], vector<16xi32>,
          %bitcast3A_433 = vector.bitcast %gather3A_422 : vector<16xi32> to vector<32xbf16>
          %bitcast3A_434 = vector.bitcast %gather3A_427 : vector<16xi32> to vector<32xbf16>
          %bitcast3A_435 = vector.bitcast %gather3A_432 : vector<16xi32> to vector<32xbf16>
          %mul3A_436 = arith.mulf %bitcast3A_433, %bitcast3A_435 : vector<32xbf16>
          %mul3A_437 = arith.mulf %mul3A_436, %bitcast3A_434 : vector<32xbf16>
          %add3A_438 = arith.addf %add3A_408, %mul3A_437 : vector<32xbf16>
          %mul3A_439 = arith.constant 8 : i32
          %mul3A_440 = arith.muli %scan3A_348, %mul3A_439 : i32
          %add3A_441 = arith.constant 3 : i32
          %add3A_442 = arith.addi %mul3A_440, %add3A_441 : i32
          %add3A_443 = vector.broadcast %add3A_442 : i32 to vector<16xi32>
          %add3A_444 = arith.addi %iota3A, %add3A_443 : vector<16xi32>
          %and3A_445 = arith.constant 127 : i32
          %and3A_446 = vector.broadcast %and3A_445 : i32 to vector<16xi32>
          %and3A_447 = arith.andi %add3A_444, %and3A_446 : vector<16xi32>
          %gather3A_448 = arith.constant 0 : i32
          %gather3A_449 = arith.constant 0 : i32
          %gather3A_450 = tpu.memref_slice %arg10[%scan3A_201, %gather3A_448, %gather3A_449] : memref<2x96x128xi32, #tpu.memory_space<vmem>> -> memref<1x96x128xi32, #tpu.memory_space<vmem>>
          %gather3A_451 = tpu.memref_squeeze %gather3A_450 : memref<1x96x128xi32, #tpu.memory_space<vmem>> -> memref<96x128xi32, #tpu.memory_space<vmem>>
          %gather3A_452 = tpu.vector_load_idx %gather3A_451[%add3A_198, %and3A_447] : memref<96x128xi32, #tpu.memory_space<vmem>>[vector<16xi32>, vector<16xi32>], vector<16xi32>,
          %gather3A_453 = arith.constant 0 : i32
          %gather3A_454 = arith.constant 0 : i32
          %gather3A_455 = tpu.memref_slice %arg11[%scan3A_202, %gather3A_453, %gather3A_454] : memref<2x96x128xi32, #tpu.memory_space<vmem>> -> memref<1x96x128xi32, #tpu.memory_space<vmem>>
          %gather3A_456 = tpu.memref_squeeze %gather3A_455 : memref<1x96x128xi32, #tpu.memory_space<vmem>> -> memref<96x128xi32, #tpu.memory_space<vmem>>
          %gather3A_457 = tpu.vector_load_idx %gather3A_456[%add3A_198, %and3A_447] : memref<96x128xi32, #tpu.memory_space<vmem>>[vector<16xi32>, vector<16xi32>], vector<16xi32>,
          %gather3A_458 = arith.constant 0 : i32
          %gather3A_459 = arith.constant 0 : i32
          %gather3A_460 = tpu.memref_slice %arg12[%scan3A_203, %gather3A_458, %gather3A_459] : memref<2x96x128xi32, #tpu.memory_space<vmem>> -> memref<1x96x128xi32, #tpu.memory_space<vmem>>
          %gather3A_461 = tpu.memref_squeeze %gather3A_460 : memref<1x96x128xi32, #tpu.memory_space<vmem>> -> memref<96x128xi32, #tpu.memory_space<vmem>>
          %gather3A_462 = tpu.vector_load_idx %gather3A_461[%add3A_198, %and3A_447] : memref<96x128xi32, #tpu.memory_space<vmem>>[vector<16xi32>, vector<16xi32>], vector<16xi32>,
          %bitcast3A_463 = vector.bitcast %gather3A_452 : vector<16xi32> to vector<32xbf16>
          %bitcast3A_464 = vector.bitcast %gather3A_457 : vector<16xi32> to vector<32xbf16>
          %bitcast3A_465 = vector.bitcast %gather3A_462 : vector<16xi32> to vector<32xbf16>
          %mul3A_466 = arith.mulf %bitcast3A_463, %bitcast3A_465 : vector<32xbf16>
          %mul3A_467 = arith.mulf %mul3A_466, %bitcast3A_464 : vector<32xbf16>
          %add3A_468 = arith.addf %add3A_438, %mul3A_467 : vector<32xbf16>
          %mul3A_469 = arith.constant 8 : i32
          %mul3A_470 = arith.muli %scan3A_348, %mul3A_469 : i32
          %add3A_471 = arith.constant 4 : i32
          %add3A_472 = arith.addi %mul3A_470, %add3A_471 : i32
          %add3A_473 = vector.broadcast %add3A_472 : i32 to vector<16xi32>
          %add3A_474 = arith.addi %iota3A, %add3A_473 : vector<16xi32>
          %and3A_475 = arith.constant 127 : i32
          %and3A_476 = vector.broadcast %and3A_475 : i32 to vector<16xi32>
          %and3A_477 = arith.andi %add3A_474, %and3A_476 : vector<16xi32>
          %gather3A_478 = arith.constant 0 : i32
          %gather3A_479 = arith.constant 0 : i32
          %gather3A_480 = tpu.memref_slice %arg10[%scan3A_201, %gather3A_478, %gather3A_479] : memref<2x96x128xi32, #tpu.memory_space<vmem>> -> memref<1x96x128xi32, #tpu.memory_space<vmem>>
          %gather3A_481 = tpu.memref_squeeze %gather3A_480 : memref<1x96x128xi32, #tpu.memory_space<vmem>> -> memref<96x128xi32, #tpu.memory_space<vmem>>
          %gather3A_482 = tpu.vector_load_idx %gather3A_481[%add3A_198, %and3A_477] : memref<96x128xi32, #tpu.memory_space<vmem>>[vector<16xi32>, vector<16xi32>], vector<16xi32>,
          %gather3A_483 = arith.constant 0 : i32
          %gather3A_484 = arith.constant 0 : i32
          %gather3A_485 = tpu.memref_slice %arg11[%scan3A_202, %gather3A_483, %gather3A_484] : memref<2x96x128xi32, #tpu.memory_space<vmem>> -> memref<1x96x128xi32, #tpu.memory_space<vmem>>
          %gather3A_486 = tpu.memref_squeeze %gather3A_485 : memref<1x96x128xi32, #tpu.memory_space<vmem>> -> memref<96x128xi32, #tpu.memory_space<vmem>>
          %gather3A_487 = tpu.vector_load_idx %gather3A_486[%add3A_198, %and3A_477] : memref<96x128xi32, #tpu.memory_space<vmem>>[vector<16xi32>, vector<16xi32>], vector<16xi32>,
          %gather3A_488 = arith.constant 0 : i32
          %gather3A_489 = arith.constant 0 : i32
          %gather3A_490 = tpu.memref_slice %arg12[%scan3A_203, %gather3A_488, %gather3A_489] : memref<2x96x128xi32, #tpu.memory_space<vmem>> -> memref<1x96x128xi32, #tpu.memory_space<vmem>>
          %gather3A_491 = tpu.memref_squeeze %gather3A_490 : memref<1x96x128xi32, #tpu.memory_space<vmem>> -> memref<96x128xi32, #tpu.memory_space<vmem>>
          %gather3A_492 = tpu.vector_load_idx %gather3A_491[%add3A_198, %and3A_477] : memref<96x128xi32, #tpu.memory_space<vmem>>[vector<16xi32>, vector<16xi32>], vector<16xi32>,
          %bitcast3A_493 = vector.bitcast %gather3A_482 : vector<16xi32> to vector<32xbf16>
          %bitcast3A_494 = vector.bitcast %gather3A_487 : vector<16xi32> to vector<32xbf16>
          %bitcast3A_495 = vector.bitcast %gather3A_492 : vector<16xi32> to vector<32xbf16>
          %mul3A_496 = arith.mulf %bitcast3A_493, %bitcast3A_495 : vector<32xbf16>
          %mul3A_497 = arith.mulf %mul3A_496, %bitcast3A_494 : vector<32xbf16>
          %add3A_498 = arith.addf %add3A_468, %mul3A_497 : vector<32xbf16>
          %mul3A_499 = arith.constant 8 : i32
          %mul3A_500 = arith.muli %scan3A_348, %mul3A_499 : i32
          %add3A_501 = arith.constant 5 : i32
          %add3A_502 = arith.addi %mul3A_500, %add3A_501 : i32
          %add3A_503 = vector.broadcast %add3A_502 : i32 to vector<16xi32>
          %add3A_504 = arith.addi %iota3A, %add3A_503 : vector<16xi32>
          %and3A_505 = arith.constant 127 : i32
          %and3A_506 = vector.broadcast %and3A_505 : i32 to vector<16xi32>
          %and3A_507 = arith.andi %add3A_504, %and3A_506 : vector<16xi32>
          %gather3A_508 = arith.constant 0 : i32
          %gather3A_509 = arith.constant 0 : i32
          %gather3A_510 = tpu.memref_slice %arg10[%scan3A_201, %gather3A_508, %gather3A_509] : memref<2x96x128xi32, #tpu.memory_space<vmem>> -> memref<1x96x128xi32, #tpu.memory_space<vmem>>
          %gather3A_511 = tpu.memref_squeeze %gather3A_510 : memref<1x96x128xi32, #tpu.memory_space<vmem>> -> memref<96x128xi32, #tpu.memory_space<vmem>>
          %gather3A_512 = tpu.vector_load_idx %gather3A_511[%add3A_198, %and3A_507] : memref<96x128xi32, #tpu.memory_space<vmem>>[vector<16xi32>, vector<16xi32>], vector<16xi32>,
          %gather3A_513 = arith.constant 0 : i32
          %gather3A_514 = arith.constant 0 : i32
          %gather3A_515 = tpu.memref_slice %arg11[%scan3A_202, %gather3A_513, %gather3A_514] : memref<2x96x128xi32, #tpu.memory_space<vmem>> -> memref<1x96x128xi32, #tpu.memory_space<vmem>>
          %gather3A_516 = tpu.memref_squeeze %gather3A_515 : memref<1x96x128xi32, #tpu.memory_space<vmem>> -> memref<96x128xi32, #tpu.memory_space<vmem>>
          %gather3A_517 = tpu.vector_load_idx %gather3A_516[%add3A_198, %and3A_507] : memref<96x128xi32, #tpu.memory_space<vmem>>[vector<16xi32>, vector<16xi32>], vector<16xi32>,
          %gather3A_518 = arith.constant 0 : i32
          %gather3A_519 = arith.constant 0 : i32
          %gather3A_520 = tpu.memref_slice %arg12[%scan3A_203, %gather3A_518, %gather3A_519] : memref<2x96x128xi32, #tpu.memory_space<vmem>> -> memref<1x96x128xi32, #tpu.memory_space<vmem>>
          %gather3A_521 = tpu.memref_squeeze %gather3A_520 : memref<1x96x128xi32, #tpu.memory_space<vmem>> -> memref<96x128xi32, #tpu.memory_space<vmem>>
          %gather3A_522 = tpu.vector_load_idx %gather3A_521[%add3A_198, %and3A_507] : memref<96x128xi32, #tpu.memory_space<vmem>>[vector<16xi32>, vector<16xi32>], vector<16xi32>,
          %bitcast3A_523 = vector.bitcast %gather3A_512 : vector<16xi32> to vector<32xbf16>
          %bitcast3A_524 = vector.bitcast %gather3A_517 : vector<16xi32> to vector<32xbf16>
          %bitcast3A_525 = vector.bitcast %gather3A_522 : vector<16xi32> to vector<32xbf16>
          %mul3A_526 = arith.mulf %bitcast3A_523, %bitcast3A_525 : vector<32xbf16>
          %mul3A_527 = arith.mulf %mul3A_526, %bitcast3A_524 : vector<32xbf16>
          %add3A_528 = arith.addf %add3A_498, %mul3A_527 : vector<32xbf16>
          %mul3A_529 = arith.constant 8 : i32
          %mul3A_530 = arith.muli %scan3A_348, %mul3A_529 : i32
          %add3A_531 = arith.constant 6 : i32
          %add3A_532 = arith.addi %mul3A_530, %add3A_531 : i32
          %add3A_533 = vector.broadcast %add3A_532 : i32 to vector<16xi32>
          %add3A_534 = arith.addi %iota3A, %add3A_533 : vector<16xi32>
          %and3A_535 = arith.constant 127 : i32
          %and3A_536 = vector.broadcast %and3A_535 : i32 to vector<16xi32>
          %and3A_537 = arith.andi %add3A_534, %and3A_536 : vector<16xi32>
          %gather3A_538 = arith.constant 0 : i32
          %gather3A_539 = arith.constant 0 : i32
          %gather3A_540 = tpu.memref_slice %arg10[%scan3A_201, %gather3A_538, %gather3A_539] : memref<2x96x128xi32, #tpu.memory_space<vmem>> -> memref<1x96x128xi32, #tpu.memory_space<vmem>>
          %gather3A_541 = tpu.memref_squeeze %gather3A_540 : memref<1x96x128xi32, #tpu.memory_space<vmem>> -> memref<96x128xi32, #tpu.memory_space<vmem>>
          %gather3A_542 = tpu.vector_load_idx %gather3A_541[%add3A_198, %and3A_537] : memref<96x128xi32, #tpu.memory_space<vmem>>[vector<16xi32>, vector<16xi32>], vector<16xi32>,
          %gather3A_543 = arith.constant 0 : i32
          %gather3A_544 = arith.constant 0 : i32
          %gather3A_545 = tpu.memref_slice %arg11[%scan3A_202, %gather3A_543, %gather3A_544] : memref<2x96x128xi32, #tpu.memory_space<vmem>> -> memref<1x96x128xi32, #tpu.memory_space<vmem>>
          %gather3A_546 = tpu.memref_squeeze %gather3A_545 : memref<1x96x128xi32, #tpu.memory_space<vmem>> -> memref<96x128xi32, #tpu.memory_space<vmem>>
          %gather3A_547 = tpu.vector_load_idx %gather3A_546[%add3A_198, %and3A_537] : memref<96x128xi32, #tpu.memory_space<vmem>>[vector<16xi32>, vector<16xi32>], vector<16xi32>,
          %gather3A_548 = arith.constant 0 : i32
          %gather3A_549 = arith.constant 0 : i32
          %gather3A_550 = tpu.memref_slice %arg12[%scan3A_203, %gather3A_548, %gather3A_549] : memref<2x96x128xi32, #tpu.memory_space<vmem>> -> memref<1x96x128xi32, #tpu.memory_space<vmem>>
          %gather3A_551 = tpu.memref_squeeze %gather3A_550 : memref<1x96x128xi32, #tpu.memory_space<vmem>> -> memref<96x128xi32, #tpu.memory_space<vmem>>
          %gather3A_552 = tpu.vector_load_idx %gather3A_551[%add3A_198, %and3A_537] : memref<96x128xi32, #tpu.memory_space<vmem>>[vector<16xi32>, vector<16xi32>], vector<16xi32>,
          %bitcast3A_553 = vector.bitcast %gather3A_542 : vector<16xi32> to vector<32xbf16>
          %bitcast3A_554 = vector.bitcast %gather3A_547 : vector<16xi32> to vector<32xbf16>
          %bitcast3A_555 = vector.bitcast %gather3A_552 : vector<16xi32> to vector<32xbf16>
          %mul3A_556 = arith.mulf %bitcast3A_553, %bitcast3A_555 : vector<32xbf16>
          %mul3A_557 = arith.mulf %mul3A_556, %bitcast3A_554 : vector<32xbf16>
          %add3A_558 = arith.addf %add3A_528, %mul3A_557 : vector<32xbf16>
          %mul3A_559 = arith.constant 8 : i32
          %mul3A_560 = arith.muli %scan3A_348, %mul3A_559 : i32
          %add3A_561 = arith.constant 7 : i32
          %add3A_562 = arith.addi %mul3A_560, %add3A_561 : i32
          %add3A_563 = vector.broadcast %add3A_562 : i32 to vector<16xi32>
          %add3A_564 = arith.addi %iota3A, %add3A_563 : vector<16xi32>
          %and3A_565 = arith.constant 127 : i32
          %and3A_566 = vector.broadcast %and3A_565 : i32 to vector<16xi32>
          %and3A_567 = arith.andi %add3A_564, %and3A_566 : vector<16xi32>
          %gather3A_568 = arith.constant 0 : i32
          %gather3A_569 = arith.constant 0 : i32
          %gather3A_570 = tpu.memref_slice %arg10[%scan3A_201, %gather3A_568, %gather3A_569] : memref<2x96x128xi32, #tpu.memory_space<vmem>> -> memref<1x96x128xi32, #tpu.memory_space<vmem>>
          %gather3A_571 = tpu.memref_squeeze %gather3A_570 : memref<1x96x128xi32, #tpu.memory_space<vmem>> -> memref<96x128xi32, #tpu.memory_space<vmem>>
          %gather3A_572 = tpu.vector_load_idx %gather3A_571[%add3A_198, %and3A_567] : memref<96x128xi32, #tpu.memory_space<vmem>>[vector<16xi32>, vector<16xi32>], vector<16xi32>,
          %gather3A_573 = arith.constant 0 : i32
          %gather3A_574 = arith.constant 0 : i32
          %gather3A_575 = tpu.memref_slice %arg11[%scan3A_202, %gather3A_573, %gather3A_574] : memref<2x96x128xi32, #tpu.memory_space<vmem>> -> memref<1x96x128xi32, #tpu.memory_space<vmem>>
          %gather3A_576 = tpu.memref_squeeze %gather3A_575 : memref<1x96x128xi32, #tpu.memory_space<vmem>> -> memref<96x128xi32, #tpu.memory_space<vmem>>
          %gather3A_577 = tpu.vector_load_idx %gather3A_576[%add3A_198, %and3A_567] : memref<96x128xi32, #tpu.memory_space<vmem>>[vector<16xi32>, vector<16xi32>], vector<16xi32>,
          %gather3A_578 = arith.constant 0 : i32
          %gather3A_579 = arith.constant 0 : i32
          %gather3A_580 = tpu.memref_slice %arg12[%scan3A_203, %gather3A_578, %gather3A_579] : memref<2x96x128xi32, #tpu.memory_space<vmem>> -> memref<1x96x128xi32, #tpu.memory_space<vmem>>
          %gather3A_581 = tpu.memref_squeeze %gather3A_580 : memref<1x96x128xi32, #tpu.memory_space<vmem>> -> memref<96x128xi32, #tpu.memory_space<vmem>>
          %gather3A_582 = tpu.vector_load_idx %gather3A_581[%add3A_198, %and3A_567] : memref<96x128xi32, #tpu.memory_space<vmem>>[vector<16xi32>, vector<16xi32>], vector<16xi32>,
          %bitcast3A_583 = vector.bitcast %gather3A_572 : vector<16xi32> to vector<32xbf16>
          %bitcast3A_584 = vector.bitcast %gather3A_577 : vector<16xi32> to vector<32xbf16>
          %bitcast3A_585 = vector.bitcast %gather3A_582 : vector<16xi32> to vector<32xbf16>
          %mul3A_586 = arith.mulf %bitcast3A_583, %bitcast3A_585 : vector<32xbf16>
          %mul3A_587 = arith.mulf %mul3A_586, %bitcast3A_584 : vector<32xbf16>
          %add3A_588 = arith.addf %add3A_558, %mul3A_587 : vector<32xbf16>
          scf.yield %add3A_588 : vector<32xbf16>
        }
        %scan3A_209 = arith.constant 16 : i32
        %bitcast3A_210 = vector.bitcast %scan3A_208 : vector<32xbf16> to vector<16xi32>
        %shift_left3A_211 = arith.constant 16 : i32
        %shift_left3A_212 = vector.broadcast %shift_left3A_211 : i32 to vector<16xi32>
        %shift_left3A_213 = arith.shli %bitcast3A_210, %shift_left3A_212 : vector<16xi32>
        %bitcast3A_214 = vector.bitcast %shift_left3A_213 : vector<16xi32> to vector<16xf32>
        %and3A_215 = arith.andi %bitcast3A_210, %broadcast_in_dim3A_53 : vector<16xi32>
        %bitcast3A_216 = vector.bitcast %and3A_215 : vector<16xi32> to vector<16xf32>
        %add3A_217 = arith.addf %bitcast3A_214, %bitcast3A_216 : vector<16xf32>
        %neg3A_218 = arith.constant 0.000000e+00 : f32
        %neg3A_219 = vector.broadcast %neg3A_218 : f32 to vector<16xf32>
        %neg3A_220 = arith.subf %neg3A_219, %add3A_217 : vector<16xf32>
        %exp3A_221 = math.exp %neg3A_220 : vector<16xf32>
        %add3A_222 = arith.constant 1.000000e+00 : f32
        %add3A_223 = vector.broadcast %add3A_222 : f32 to vector<16xf32>
        %add3A_224 = arith.addf %add3A_223, %exp3A_221 : vector<16xf32>
        %div3A_225 = arith.constant 1.000000e+00 : f32
        %div3A_226 = vector.broadcast %div3A_225 : f32 to vector<16xf32>
        %div3A_227 = arith.divf %div3A_226, %add3A_224 : vector<16xf32>
        %mul3A_228 = arith.constant 96 : i32
        %mul3A_229 = arith.muli %add3A_71, %mul3A_228 : i32
        %add3A_230 = arith.constant 32 : i32
        %add3A_231 = arith.addi %mul3A_229, %add3A_230 : i32
        %swap3A_232 = arith.index_cast %add3A_231 : i32 to index
        %swap3A_233 = tpu.vector_load %arg13[%swap3A_232] {strides = array<i32>} : memref<9504xf32, #tpu.memory_space<vmem>>, vector<16xf32>,
        tpu.vector_store %arg13[%swap3A_232], %div3A_227 {strides = array<i32>} : memref<9504xf32, #tpu.memory_space<vmem>>, vector<16xf32>,
        %add3A_234 = arith.constant 48 : i32
        %add3A_235 = vector.broadcast %add3A_234 : i32 to vector<16xi32>
        %add3A_236 = arith.addi %iota3A, %add3A_235 : vector<16xi32>
        %broadcast_in_dim3A_237 = arith.constant 0.000000e+00 : bf16
        %broadcast_in_dim3A_238 = vector.broadcast %broadcast_in_dim3A_237 : bf16 to vector<32xbf16>
        %scan3A_239 = arith.constant 0 : i32
        %scan3A_240 = arith.constant 0 : i32
        %scan3A_241 = arith.constant 0 : i32
        %scan3A_242 = arith.constant 0 : i32
        %scan3A_243 = arith.constant 16 : i32
        %scan3A_244 = arith.addi %scan3A_242, %scan3A_243 : i32
        %scan3A_245 = arith.constant 1 : i32
        %scan3A_246 = scf.for %scan3A_348 = %scan3A_242 to %scan3A_244 step %scan3A_245 iter_args(%scan3A_349 = %broadcast_in_dim3A_238) -> (vector<32xbf16>)  : i32 {
          %mul3A_350 = arith.constant 8 : i32
          %mul3A_351 = arith.muli %scan3A_348, %mul3A_350 : i32
          %add3A_352 = arith.constant 0 : i32
          %add3A_353 = arith.addi %mul3A_351, %add3A_352 : i32
          %add3A_354 = vector.broadcast %add3A_353 : i32 to vector<16xi32>
          %add3A_355 = arith.addi %iota3A, %add3A_354 : vector<16xi32>
          %and3A_356 = arith.constant 127 : i32
          %and3A_357 = vector.broadcast %and3A_356 : i32 to vector<16xi32>
          %and3A_358 = arith.andi %add3A_355, %and3A_357 : vector<16xi32>
          %gather3A = arith.constant 0 : i32
          %gather3A_359 = arith.constant 0 : i32
          %gather3A_360 = tpu.memref_slice %arg10[%scan3A_239, %gather3A, %gather3A_359] : memref<2x96x128xi32, #tpu.memory_space<vmem>> -> memref<1x96x128xi32, #tpu.memory_space<vmem>>
          %gather3A_361 = tpu.memref_squeeze %gather3A_360 : memref<1x96x128xi32, #tpu.memory_space<vmem>> -> memref<96x128xi32, #tpu.memory_space<vmem>>
          %gather3A_362 = tpu.vector_load_idx %gather3A_361[%add3A_236, %and3A_358] : memref<96x128xi32, #tpu.memory_space<vmem>>[vector<16xi32>, vector<16xi32>], vector<16xi32>,
          %gather3A_363 = arith.constant 0 : i32
          %gather3A_364 = arith.constant 0 : i32
          %gather3A_365 = tpu.memref_slice %arg11[%scan3A_240, %gather3A_363, %gather3A_364] : memref<2x96x128xi32, #tpu.memory_space<vmem>> -> memref<1x96x128xi32, #tpu.memory_space<vmem>>
          %gather3A_366 = tpu.memref_squeeze %gather3A_365 : memref<1x96x128xi32, #tpu.memory_space<vmem>> -> memref<96x128xi32, #tpu.memory_space<vmem>>
          %gather3A_367 = tpu.vector_load_idx %gather3A_366[%add3A_236, %and3A_358] : memref<96x128xi32, #tpu.memory_space<vmem>>[vector<16xi32>, vector<16xi32>], vector<16xi32>,
          %gather3A_368 = arith.constant 0 : i32
          %gather3A_369 = arith.constant 0 : i32
          %gather3A_370 = tpu.memref_slice %arg12[%scan3A_241, %gather3A_368, %gather3A_369] : memref<2x96x128xi32, #tpu.memory_space<vmem>> -> memref<1x96x128xi32, #tpu.memory_space<vmem>>
          %gather3A_371 = tpu.memref_squeeze %gather3A_370 : memref<1x96x128xi32, #tpu.memory_space<vmem>> -> memref<96x128xi32, #tpu.memory_space<vmem>>
          %gather3A_372 = tpu.vector_load_idx %gather3A_371[%add3A_236, %and3A_358] : memref<96x128xi32, #tpu.memory_space<vmem>>[vector<16xi32>, vector<16xi32>], vector<16xi32>,
          %bitcast3A_373 = vector.bitcast %gather3A_362 : vector<16xi32> to vector<32xbf16>
          %bitcast3A_374 = vector.bitcast %gather3A_367 : vector<16xi32> to vector<32xbf16>
          %bitcast3A_375 = vector.bitcast %gather3A_372 : vector<16xi32> to vector<32xbf16>
          %mul3A_376 = arith.mulf %bitcast3A_373, %bitcast3A_375 : vector<32xbf16>
          %mul3A_377 = arith.mulf %mul3A_376, %bitcast3A_374 : vector<32xbf16>
          %add3A_378 = arith.addf %scan3A_349, %mul3A_377 : vector<32xbf16>
          %mul3A_379 = arith.constant 8 : i32
          %mul3A_380 = arith.muli %scan3A_348, %mul3A_379 : i32
          %add3A_381 = arith.constant 1 : i32
          %add3A_382 = arith.addi %mul3A_380, %add3A_381 : i32
          %add3A_383 = vector.broadcast %add3A_382 : i32 to vector<16xi32>
          %add3A_384 = arith.addi %iota3A, %add3A_383 : vector<16xi32>
          %and3A_385 = arith.constant 127 : i32
          %and3A_386 = vector.broadcast %and3A_385 : i32 to vector<16xi32>
          %and3A_387 = arith.andi %add3A_384, %and3A_386 : vector<16xi32>
          %gather3A_388 = arith.constant 0 : i32
          %gather3A_389 = arith.constant 0 : i32
          %gather3A_390 = tpu.memref_slice %arg10[%scan3A_239, %gather3A_388, %gather3A_389] : memref<2x96x128xi32, #tpu.memory_space<vmem>> -> memref<1x96x128xi32, #tpu.memory_space<vmem>>
          %gather3A_391 = tpu.memref_squeeze %gather3A_390 : memref<1x96x128xi32, #tpu.memory_space<vmem>> -> memref<96x128xi32, #tpu.memory_space<vmem>>
          %gather3A_392 = tpu.vector_load_idx %gather3A_391[%add3A_236, %and3A_387] : memref<96x128xi32, #tpu.memory_space<vmem>>[vector<16xi32>, vector<16xi32>], vector<16xi32>,
          %gather3A_393 = arith.constant 0 : i32
          %gather3A_394 = arith.constant 0 : i32
          %gather3A_395 = tpu.memref_slice %arg11[%scan3A_240, %gather3A_393, %gather3A_394] : memref<2x96x128xi32, #tpu.memory_space<vmem>> -> memref<1x96x128xi32, #tpu.memory_space<vmem>>
          %gather3A_396 = tpu.memref_squeeze %gather3A_395 : memref<1x96x128xi32, #tpu.memory_space<vmem>> -> memref<96x128xi32, #tpu.memory_space<vmem>>
          %gather3A_397 = tpu.vector_load_idx %gather3A_396[%add3A_236, %and3A_387] : memref<96x128xi32, #tpu.memory_space<vmem>>[vector<16xi32>, vector<16xi32>], vector<16xi32>,
          %gather3A_398 = arith.constant 0 : i32
          %gather3A_399 = arith.constant 0 : i32
          %gather3A_400 = tpu.memref_slice %arg12[%scan3A_241, %gather3A_398, %gather3A_399] : memref<2x96x128xi32, #tpu.memory_space<vmem>> -> memref<1x96x128xi32, #tpu.memory_space<vmem>>
          %gather3A_401 = tpu.memref_squeeze %gather3A_400 : memref<1x96x128xi32, #tpu.memory_space<vmem>> -> memref<96x128xi32, #tpu.memory_space<vmem>>
          %gather3A_402 = tpu.vector_load_idx %gather3A_401[%add3A_236, %and3A_387] : memref<96x128xi32, #tpu.memory_space<vmem>>[vector<16xi32>, vector<16xi32>], vector<16xi32>,
          %bitcast3A_403 = vector.bitcast %gather3A_392 : vector<16xi32> to vector<32xbf16>
          %bitcast3A_404 = vector.bitcast %gather3A_397 : vector<16xi32> to vector<32xbf16>
          %bitcast3A_405 = vector.bitcast %gather3A_402 : vector<16xi32> to vector<32xbf16>
          %mul3A_406 = arith.mulf %bitcast3A_403, %bitcast3A_405 : vector<32xbf16>
          %mul3A_407 = arith.mulf %mul3A_406, %bitcast3A_404 : vector<32xbf16>
          %add3A_408 = arith.addf %add3A_378, %mul3A_407 : vector<32xbf16>
          %mul3A_409 = arith.constant 8 : i32
          %mul3A_410 = arith.muli %scan3A_348, %mul3A_409 : i32
          %add3A_411 = arith.constant 2 : i32
          %add3A_412 = arith.addi %mul3A_410, %add3A_411 : i32
          %add3A_413 = vector.broadcast %add3A_412 : i32 to vector<16xi32>
          %add3A_414 = arith.addi %iota3A, %add3A_413 : vector<16xi32>
          %and3A_415 = arith.constant 127 : i32
          %and3A_416 = vector.broadcast %and3A_415 : i32 to vector<16xi32>
          %and3A_417 = arith.andi %add3A_414, %and3A_416 : vector<16xi32>
          %gather3A_418 = arith.constant 0 : i32
          %gather3A_419 = arith.constant 0 : i32
          %gather3A_420 = tpu.memref_slice %arg10[%scan3A_239, %gather3A_418, %gather3A_419] : memref<2x96x128xi32, #tpu.memory_space<vmem>> -> memref<1x96x128xi32, #tpu.memory_space<vmem>>
          %gather3A_421 = tpu.memref_squeeze %gather3A_420 : memref<1x96x128xi32, #tpu.memory_space<vmem>> -> memref<96x128xi32, #tpu.memory_space<vmem>>
          %gather3A_422 = tpu.vector_load_idx %gather3A_421[%add3A_236, %and3A_417] : memref<96x128xi32, #tpu.memory_space<vmem>>[vector<16xi32>, vector<16xi32>], vector<16xi32>,
          %gather3A_423 = arith.constant 0 : i32
          %gather3A_424 = arith.constant 0 : i32
          %gather3A_425 = tpu.memref_slice %arg11[%scan3A_240, %gather3A_423, %gather3A_424] : memref<2x96x128xi32, #tpu.memory_space<vmem>> -> memref<1x96x128xi32, #tpu.memory_space<vmem>>
          %gather3A_426 = tpu.memref_squeeze %gather3A_425 : memref<1x96x128xi32, #tpu.memory_space<vmem>> -> memref<96x128xi32, #tpu.memory_space<vmem>>
          %gather3A_427 = tpu.vector_load_idx %gather3A_426[%add3A_236, %and3A_417] : memref<96x128xi32, #tpu.memory_space<vmem>>[vector<16xi32>, vector<16xi32>], vector<16xi32>,
          %gather3A_428 = arith.constant 0 : i32
          %gather3A_429 = arith.constant 0 : i32
          %gather3A_430 = tpu.memref_slice %arg12[%scan3A_241, %gather3A_428, %gather3A_429] : memref<2x96x128xi32, #tpu.memory_space<vmem>> -> memref<1x96x128xi32, #tpu.memory_space<vmem>>
          %gather3A_431 = tpu.memref_squeeze %gather3A_430 : memref<1x96x128xi32, #tpu.memory_space<vmem>> -> memref<96x128xi32, #tpu.memory_space<vmem>>
          %gather3A_432 = tpu.vector_load_idx %gather3A_431[%add3A_236, %and3A_417] : memref<96x128xi32, #tpu.memory_space<vmem>>[vector<16xi32>, vector<16xi32>], vector<16xi32>,
          %bitcast3A_433 = vector.bitcast %gather3A_422 : vector<16xi32> to vector<32xbf16>
          %bitcast3A_434 = vector.bitcast %gather3A_427 : vector<16xi32> to vector<32xbf16>
          %bitcast3A_435 = vector.bitcast %gather3A_432 : vector<16xi32> to vector<32xbf16>
          %mul3A_436 = arith.mulf %bitcast3A_433, %bitcast3A_435 : vector<32xbf16>
          %mul3A_437 = arith.mulf %mul3A_436, %bitcast3A_434 : vector<32xbf16>
          %add3A_438 = arith.addf %add3A_408, %mul3A_437 : vector<32xbf16>
          %mul3A_439 = arith.constant 8 : i32
          %mul3A_440 = arith.muli %scan3A_348, %mul3A_439 : i32
          %add3A_441 = arith.constant 3 : i32
          %add3A_442 = arith.addi %mul3A_440, %add3A_441 : i32
          %add3A_443 = vector.broadcast %add3A_442 : i32 to vector<16xi32>
          %add3A_444 = arith.addi %iota3A, %add3A_443 : vector<16xi32>
          %and3A_445 = arith.constant 127 : i32
          %and3A_446 = vector.broadcast %and3A_445 : i32 to vector<16xi32>
          %and3A_447 = arith.andi %add3A_444, %and3A_446 : vector<16xi32>
          %gather3A_448 = arith.constant 0 : i32
          %gather3A_449 = arith.constant 0 : i32
          %gather3A_450 = tpu.memref_slice %arg10[%scan3A_239, %gather3A_448, %gather3A_449] : memref<2x96x128xi32, #tpu.memory_space<vmem>> -> memref<1x96x128xi32, #tpu.memory_space<vmem>>
          %gather3A_451 = tpu.memref_squeeze %gather3A_450 : memref<1x96x128xi32, #tpu.memory_space<vmem>> -> memref<96x128xi32, #tpu.memory_space<vmem>>
          %gather3A_452 = tpu.vector_load_idx %gather3A_451[%add3A_236, %and3A_447] : memref<96x128xi32, #tpu.memory_space<vmem>>[vector<16xi32>, vector<16xi32>], vector<16xi32>,
          %gather3A_453 = arith.constant 0 : i32
          %gather3A_454 = arith.constant 0 : i32
          %gather3A_455 = tpu.memref_slice %arg11[%scan3A_240, %gather3A_453, %gather3A_454] : memref<2x96x128xi32, #tpu.memory_space<vmem>> -> memref<1x96x128xi32, #tpu.memory_space<vmem>>
          %gather3A_456 = tpu.memref_squeeze %gather3A_455 : memref<1x96x128xi32, #tpu.memory_space<vmem>> -> memref<96x128xi32, #tpu.memory_space<vmem>>
          %gather3A_457 = tpu.vector_load_idx %gather3A_456[%add3A_236, %and3A_447] : memref<96x128xi32, #tpu.memory_space<vmem>>[vector<16xi32>, vector<16xi32>], vector<16xi32>,
          %gather3A_458 = arith.constant 0 : i32
          %gather3A_459 = arith.constant 0 : i32
          %gather3A_460 = tpu.memref_slice %arg12[%scan3A_241, %gather3A_458, %gather3A_459] : memref<2x96x128xi32, #tpu.memory_space<vmem>> -> memref<1x96x128xi32, #tpu.memory_space<vmem>>
          %gather3A_461 = tpu.memref_squeeze %gather3A_460 : memref<1x96x128xi32, #tpu.memory_space<vmem>> -> memref<96x128xi32, #tpu.memory_space<vmem>>
          %gather3A_462 = tpu.vector_load_idx %gather3A_461[%add3A_236, %and3A_447] : memref<96x128xi32, #tpu.memory_space<vmem>>[vector<16xi32>, vector<16xi32>], vector<16xi32>,
          %bitcast3A_463 = vector.bitcast %gather3A_452 : vector<16xi32> to vector<32xbf16>
          %bitcast3A_464 = vector.bitcast %gather3A_457 : vector<16xi32> to vector<32xbf16>
          %bitcast3A_465 = vector.bitcast %gather3A_462 : vector<16xi32> to vector<32xbf16>
          %mul3A_466 = arith.mulf %bitcast3A_463, %bitcast3A_465 : vector<32xbf16>
          %mul3A_467 = arith.mulf %mul3A_466, %bitcast3A_464 : vector<32xbf16>
          %add3A_468 = arith.addf %add3A_438, %mul3A_467 : vector<32xbf16>
          %mul3A_469 = arith.constant 8 : i32
          %mul3A_470 = arith.muli %scan3A_348, %mul3A_469 : i32
          %add3A_471 = arith.constant 4 : i32
          %add3A_472 = arith.addi %mul3A_470, %add3A_471 : i32
          %add3A_473 = vector.broadcast %add3A_472 : i32 to vector<16xi32>
          %add3A_474 = arith.addi %iota3A, %add3A_473 : vector<16xi32>
          %and3A_475 = arith.constant 127 : i32
          %and3A_476 = vector.broadcast %and3A_475 : i32 to vector<16xi32>
          %and3A_477 = arith.andi %add3A_474, %and3A_476 : vector<16xi32>
          %gather3A_478 = arith.constant 0 : i32
          %gather3A_479 = arith.constant 0 : i32
          %gather3A_480 = tpu.memref_slice %arg10[%scan3A_239, %gather3A_478, %gather3A_479] : memref<2x96x128xi32, #tpu.memory_space<vmem>> -> memref<1x96x128xi32, #tpu.memory_space<vmem>>
          %gather3A_481 = tpu.memref_squeeze %gather3A_480 : memref<1x96x128xi32, #tpu.memory_space<vmem>> -> memref<96x128xi32, #tpu.memory_space<vmem>>
          %gather3A_482 = tpu.vector_load_idx %gather3A_481[%add3A_236, %and3A_477] : memref<96x128xi32, #tpu.memory_space<vmem>>[vector<16xi32>, vector<16xi32>], vector<16xi32>,
          %gather3A_483 = arith.constant 0 : i32
          %gather3A_484 = arith.constant 0 : i32
          %gather3A_485 = tpu.memref_slice %arg11[%scan3A_240, %gather3A_483, %gather3A_484] : memref<2x96x128xi32, #tpu.memory_space<vmem>> -> memref<1x96x128xi32, #tpu.memory_space<vmem>>
          %gather3A_486 = tpu.memref_squeeze %gather3A_485 : memref<1x96x128xi32, #tpu.memory_space<vmem>> -> memref<96x128xi32, #tpu.memory_space<vmem>>
          %gather3A_487 = tpu.vector_load_idx %gather3A_486[%add3A_236, %and3A_477] : memref<96x128xi32, #tpu.memory_space<vmem>>[vector<16xi32>, vector<16xi32>], vector<16xi32>,
          %gather3A_488 = arith.constant 0 : i32
          %gather3A_489 = arith.constant 0 : i32
          %gather3A_490 = tpu.memref_slice %arg12[%scan3A_241, %gather3A_488, %gather3A_489] : memref<2x96x128xi32, #tpu.memory_space<vmem>> -> memref<1x96x128xi32, #tpu.memory_space<vmem>>
          %gather3A_491 = tpu.memref_squeeze %gather3A_490 : memref<1x96x128xi32, #tpu.memory_space<vmem>> -> memref<96x128xi32, #tpu.memory_space<vmem>>
          %gather3A_492 = tpu.vector_load_idx %gather3A_491[%add3A_236, %and3A_477] : memref<96x128xi32, #tpu.memory_space<vmem>>[vector<16xi32>, vector<16xi32>], vector<16xi32>,
          %bitcast3A_493 = vector.bitcast %gather3A_482 : vector<16xi32> to vector<32xbf16>
          %bitcast3A_494 = vector.bitcast %gather3A_487 : vector<16xi32> to vector<32xbf16>
          %bitcast3A_495 = vector.bitcast %gather3A_492 : vector<16xi32> to vector<32xbf16>
          %mul3A_496 = arith.mulf %bitcast3A_493, %bitcast3A_495 : vector<32xbf16>
          %mul3A_497 = arith.mulf %mul3A_496, %bitcast3A_494 : vector<32xbf16>
          %add3A_498 = arith.addf %add3A_468, %mul3A_497 : vector<32xbf16>
          %mul3A_499 = arith.constant 8 : i32
          %mul3A_500 = arith.muli %scan3A_348, %mul3A_499 : i32
          %add3A_501 = arith.constant 5 : i32
          %add3A_502 = arith.addi %mul3A_500, %add3A_501 : i32
          %add3A_503 = vector.broadcast %add3A_502 : i32 to vector<16xi32>
          %add3A_504 = arith.addi %iota3A, %add3A_503 : vector<16xi32>
          %and3A_505 = arith.constant 127 : i32
          %and3A_506 = vector.broadcast %and3A_505 : i32 to vector<16xi32>
          %and3A_507 = arith.andi %add3A_504, %and3A_506 : vector<16xi32>
          %gather3A_508 = arith.constant 0 : i32
          %gather3A_509 = arith.constant 0 : i32
          %gather3A_510 = tpu.memref_slice %arg10[%scan3A_239, %gather3A_508, %gather3A_509] : memref<2x96x128xi32, #tpu.memory_space<vmem>> -> memref<1x96x128xi32, #tpu.memory_space<vmem>>
          %gather3A_511 = tpu.memref_squeeze %gather3A_510 : memref<1x96x128xi32, #tpu.memory_space<vmem>> -> memref<96x128xi32, #tpu.memory_space<vmem>>
          %gather3A_512 = tpu.vector_load_idx %gather3A_511[%add3A_236, %and3A_507] : memref<96x128xi32, #tpu.memory_space<vmem>>[vector<16xi32>, vector<16xi32>], vector<16xi32>,
          %gather3A_513 = arith.constant 0 : i32
          %gather3A_514 = arith.constant 0 : i32
          %gather3A_515 = tpu.memref_slice %arg11[%scan3A_240, %gather3A_513, %gather3A_514] : memref<2x96x128xi32, #tpu.memory_space<vmem>> -> memref<1x96x128xi32, #tpu.memory_space<vmem>>
          %gather3A_516 = tpu.memref_squeeze %gather3A_515 : memref<1x96x128xi32, #tpu.memory_space<vmem>> -> memref<96x128xi32, #tpu.memory_space<vmem>>
          %gather3A_517 = tpu.vector_load_idx %gather3A_516[%add3A_236, %and3A_507] : memref<96x128xi32, #tpu.memory_space<vmem>>[vector<16xi32>, vector<16xi32>], vector<16xi32>,
          %gather3A_518 = arith.constant 0 : i32
          %gather3A_519 = arith.constant 0 : i32
          %gather3A_520 = tpu.memref_slice %arg12[%scan3A_241, %gather3A_518, %gather3A_519] : memref<2x96x128xi32, #tpu.memory_space<vmem>> -> memref<1x96x128xi32, #tpu.memory_space<vmem>>
          %gather3A_521 = tpu.memref_squeeze %gather3A_520 : memref<1x96x128xi32, #tpu.memory_space<vmem>> -> memref<96x128xi32, #tpu.memory_space<vmem>>
          %gather3A_522 = tpu.vector_load_idx %gather3A_521[%add3A_236, %and3A_507] : memref<96x128xi32, #tpu.memory_space<vmem>>[vector<16xi32>, vector<16xi32>], vector<16xi32>,
          %bitcast3A_523 = vector.bitcast %gather3A_512 : vector<16xi32> to vector<32xbf16>
          %bitcast3A_524 = vector.bitcast %gather3A_517 : vector<16xi32> to vector<32xbf16>
          %bitcast3A_525 = vector.bitcast %gather3A_522 : vector<16xi32> to vector<32xbf16>
          %mul3A_526 = arith.mulf %bitcast3A_523, %bitcast3A_525 : vector<32xbf16>
          %mul3A_527 = arith.mulf %mul3A_526, %bitcast3A_524 : vector<32xbf16>
          %add3A_528 = arith.addf %add3A_498, %mul3A_527 : vector<32xbf16>
          %mul3A_529 = arith.constant 8 : i32
          %mul3A_530 = arith.muli %scan3A_348, %mul3A_529 : i32
          %add3A_531 = arith.constant 6 : i32
          %add3A_532 = arith.addi %mul3A_530, %add3A_531 : i32
          %add3A_533 = vector.broadcast %add3A_532 : i32 to vector<16xi32>
          %add3A_534 = arith.addi %iota3A, %add3A_533 : vector<16xi32>
          %and3A_535 = arith.constant 127 : i32
          %and3A_536 = vector.broadcast %and3A_535 : i32 to vector<16xi32>
          %and3A_537 = arith.andi %add3A_534, %and3A_536 : vector<16xi32>
          %gather3A_538 = arith.constant 0 : i32
          %gather3A_539 = arith.constant 0 : i32
          %gather3A_540 = tpu.memref_slice %arg10[%scan3A_239, %gather3A_538, %gather3A_539] : memref<2x96x128xi32, #tpu.memory_space<vmem>> -> memref<1x96x128xi32, #tpu.memory_space<vmem>>
          %gather3A_541 = tpu.memref_squeeze %gather3A_540 : memref<1x96x128xi32, #tpu.memory_space<vmem>> -> memref<96x128xi32, #tpu.memory_space<vmem>>
          %gather3A_542 = tpu.vector_load_idx %gather3A_541[%add3A_236, %and3A_537] : memref<96x128xi32, #tpu.memory_space<vmem>>[vector<16xi32>, vector<16xi32>], vector<16xi32>,
          %gather3A_543 = arith.constant 0 : i32
          %gather3A_544 = arith.constant 0 : i32
          %gather3A_545 = tpu.memref_slice %arg11[%scan3A_240, %gather3A_543, %gather3A_544] : memref<2x96x128xi32, #tpu.memory_space<vmem>> -> memref<1x96x128xi32, #tpu.memory_space<vmem>>
          %gather3A_546 = tpu.memref_squeeze %gather3A_545 : memref<1x96x128xi32, #tpu.memory_space<vmem>> -> memref<96x128xi32, #tpu.memory_space<vmem>>
          %gather3A_547 = tpu.vector_load_idx %gather3A_546[%add3A_236, %and3A_537] : memref<96x128xi32, #tpu.memory_space<vmem>>[vector<16xi32>, vector<16xi32>], vector<16xi32>,
          %gather3A_548 = arith.constant 0 : i32
          %gather3A_549 = arith.constant 0 : i32
          %gather3A_550 = tpu.memref_slice %arg12[%scan3A_241, %gather3A_548, %gather3A_549] : memref<2x96x128xi32, #tpu.memory_space<vmem>> -> memref<1x96x128xi32, #tpu.memory_space<vmem>>
          %gather3A_551 = tpu.memref_squeeze %gather3A_550 : memref<1x96x128xi32, #tpu.memory_space<vmem>> -> memref<96x128xi32, #tpu.memory_space<vmem>>
          %gather3A_552 = tpu.vector_load_idx %gather3A_551[%add3A_236, %and3A_537] : memref<96x128xi32, #tpu.memory_space<vmem>>[vector<16xi32>, vector<16xi32>], vector<16xi32>,
          %bitcast3A_553 = vector.bitcast %gather3A_542 : vector<16xi32> to vector<32xbf16>
          %bitcast3A_554 = vector.bitcast %gather3A_547 : vector<16xi32> to vector<32xbf16>
          %bitcast3A_555 = vector.bitcast %gather3A_552 : vector<16xi32> to vector<32xbf16>
          %mul3A_556 = arith.mulf %bitcast3A_553, %bitcast3A_555 : vector<32xbf16>
          %mul3A_557 = arith.mulf %mul3A_556, %bitcast3A_554 : vector<32xbf16>
          %add3A_558 = arith.addf %add3A_528, %mul3A_557 : vector<32xbf16>
          %mul3A_559 = arith.constant 8 : i32
          %mul3A_560 = arith.muli %scan3A_348, %mul3A_559 : i32
          %add3A_561 = arith.constant 7 : i32
          %add3A_562 = arith.addi %mul3A_560, %add3A_561 : i32
          %add3A_563 = vector.broadcast %add3A_562 : i32 to vector<16xi32>
          %add3A_564 = arith.addi %iota3A, %add3A_563 : vector<16xi32>
          %and3A_565 = arith.constant 127 : i32
          %and3A_566 = vector.broadcast %and3A_565 : i32 to vector<16xi32>
          %and3A_567 = arith.andi %add3A_564, %and3A_566 : vector<16xi32>
          %gather3A_568 = arith.constant 0 : i32
          %gather3A_569 = arith.constant 0 : i32
          %gather3A_570 = tpu.memref_slice %arg10[%scan3A_239, %gather3A_568, %gather3A_569] : memref<2x96x128xi32, #tpu.memory_space<vmem>> -> memref<1x96x128xi32, #tpu.memory_space<vmem>>
          %gather3A_571 = tpu.memref_squeeze %gather3A_570 : memref<1x96x128xi32, #tpu.memory_space<vmem>> -> memref<96x128xi32, #tpu.memory_space<vmem>>
          %gather3A_572 = tpu.vector_load_idx %gather3A_571[%add3A_236, %and3A_567] : memref<96x128xi32, #tpu.memory_space<vmem>>[vector<16xi32>, vector<16xi32>], vector<16xi32>,
          %gather3A_573 = arith.constant 0 : i32
          %gather3A_574 = arith.constant 0 : i32
          %gather3A_575 = tpu.memref_slice %arg11[%scan3A_240, %gather3A_573, %gather3A_574] : memref<2x96x128xi32, #tpu.memory_space<vmem>> -> memref<1x96x128xi32, #tpu.memory_space<vmem>>
          %gather3A_576 = tpu.memref_squeeze %gather3A_575 : memref<1x96x128xi32, #tpu.memory_space<vmem>> -> memref<96x128xi32, #tpu.memory_space<vmem>>
          %gather3A_577 = tpu.vector_load_idx %gather3A_576[%add3A_236, %and3A_567] : memref<96x128xi32, #tpu.memory_space<vmem>>[vector<16xi32>, vector<16xi32>], vector<16xi32>,
          %gather3A_578 = arith.constant 0 : i32
          %gather3A_579 = arith.constant 0 : i32
          %gather3A_580 = tpu.memref_slice %arg12[%scan3A_241, %gather3A_578, %gather3A_579] : memref<2x96x128xi32, #tpu.memory_space<vmem>> -> memref<1x96x128xi32, #tpu.memory_space<vmem>>
          %gather3A_581 = tpu.memref_squeeze %gather3A_580 : memref<1x96x128xi32, #tpu.memory_space<vmem>> -> memref<96x128xi32, #tpu.memory_space<vmem>>
          %gather3A_582 = tpu.vector_load_idx %gather3A_581[%add3A_236, %and3A_567] : memref<96x128xi32, #tpu.memory_space<vmem>>[vector<16xi32>, vector<16xi32>], vector<16xi32>,
          %bitcast3A_583 = vector.bitcast %gather3A_572 : vector<16xi32> to vector<32xbf16>
          %bitcast3A_584 = vector.bitcast %gather3A_577 : vector<16xi32> to vector<32xbf16>
          %bitcast3A_585 = vector.bitcast %gather3A_582 : vector<16xi32> to vector<32xbf16>
          %mul3A_586 = arith.mulf %bitcast3A_583, %bitcast3A_585 : vector<32xbf16>
          %mul3A_587 = arith.mulf %mul3A_586, %bitcast3A_584 : vector<32xbf16>
          %add3A_588 = arith.addf %add3A_558, %mul3A_587 : vector<32xbf16>
          scf.yield %add3A_588 : vector<32xbf16>
        }
        %scan3A_247 = arith.constant 16 : i32
        %bitcast3A_248 = vector.bitcast %scan3A_246 : vector<32xbf16> to vector<16xi32>
        %shift_left3A_249 = arith.constant 16 : i32
        %shift_left3A_250 = vector.broadcast %shift_left3A_249 : i32 to vector<16xi32>
        %shift_left3A_251 = arith.shli %bitcast3A_248, %shift_left3A_250 : vector<16xi32>
        %bitcast3A_252 = vector.bitcast %shift_left3A_251 : vector<16xi32> to vector<16xf32>
        %and3A_253 = arith.andi %bitcast3A_248, %broadcast_in_dim3A_53 : vector<16xi32>
        %bitcast3A_254 = vector.bitcast %and3A_253 : vector<16xi32> to vector<16xf32>
        %add3A_255 = arith.addf %bitcast3A_252, %bitcast3A_254 : vector<16xf32>
        %neg3A_256 = arith.constant 0.000000e+00 : f32
        %neg3A_257 = vector.broadcast %neg3A_256 : f32 to vector<16xf32>
        %neg3A_258 = arith.subf %neg3A_257, %add3A_255 : vector<16xf32>
        %exp3A_259 = math.exp %neg3A_258 : vector<16xf32>
        %add3A_260 = arith.constant 1.000000e+00 : f32
        %add3A_261 = vector.broadcast %add3A_260 : f32 to vector<16xf32>
        %add3A_262 = arith.addf %add3A_261, %exp3A_259 : vector<16xf32>
        %div3A_263 = arith.constant 1.000000e+00 : f32
        %div3A_264 = vector.broadcast %div3A_263 : f32 to vector<16xf32>
        %div3A_265 = arith.divf %div3A_264, %add3A_262 : vector<16xf32>
        %mul3A_266 = arith.constant 96 : i32
        %mul3A_267 = arith.muli %add3A_71, %mul3A_266 : i32
        %add3A_268 = arith.constant 48 : i32
        %add3A_269 = arith.addi %mul3A_267, %add3A_268 : i32
        %swap3A_270 = arith.index_cast %add3A_269 : i32 to index
        %swap3A_271 = tpu.vector_load %arg13[%swap3A_270] {strides = array<i32>} : memref<9504xf32, #tpu.memory_space<vmem>>, vector<16xf32>,
        tpu.vector_store %arg13[%swap3A_270], %div3A_265 {strides = array<i32>} : memref<9504xf32, #tpu.memory_space<vmem>>, vector<16xf32>,
        %add3A_272 = arith.constant 64 : i32
        %add3A_273 = vector.broadcast %add3A_272 : i32 to vector<16xi32>
        %add3A_274 = arith.addi %iota3A, %add3A_273 : vector<16xi32>
        %broadcast_in_dim3A_275 = arith.constant 0.000000e+00 : bf16
        %broadcast_in_dim3A_276 = vector.broadcast %broadcast_in_dim3A_275 : bf16 to vector<32xbf16>
        %scan3A_277 = arith.constant 0 : i32
        %scan3A_278 = arith.constant 0 : i32
        %scan3A_279 = arith.constant 0 : i32
        %scan3A_280 = arith.constant 0 : i32
        %scan3A_281 = arith.constant 16 : i32
        %scan3A_282 = arith.addi %scan3A_280, %scan3A_281 : i32
        %scan3A_283 = arith.constant 1 : i32
        %scan3A_284 = scf.for %scan3A_348 = %scan3A_280 to %scan3A_282 step %scan3A_283 iter_args(%scan3A_349 = %broadcast_in_dim3A_276) -> (vector<32xbf16>)  : i32 {
          %mul3A_350 = arith.constant 8 : i32
          %mul3A_351 = arith.muli %scan3A_348, %mul3A_350 : i32
          %add3A_352 = arith.constant 0 : i32
          %add3A_353 = arith.addi %mul3A_351, %add3A_352 : i32
          %add3A_354 = vector.broadcast %add3A_353 : i32 to vector<16xi32>
          %add3A_355 = arith.addi %iota3A, %add3A_354 : vector<16xi32>
          %and3A_356 = arith.constant 127 : i32
          %and3A_357 = vector.broadcast %and3A_356 : i32 to vector<16xi32>
          %and3A_358 = arith.andi %add3A_355, %and3A_357 : vector<16xi32>
          %gather3A = arith.constant 0 : i32
          %gather3A_359 = arith.constant 0 : i32
          %gather3A_360 = tpu.memref_slice %arg10[%scan3A_277, %gather3A, %gather3A_359] : memref<2x96x128xi32, #tpu.memory_space<vmem>> -> memref<1x96x128xi32, #tpu.memory_space<vmem>>
          %gather3A_361 = tpu.memref_squeeze %gather3A_360 : memref<1x96x128xi32, #tpu.memory_space<vmem>> -> memref<96x128xi32, #tpu.memory_space<vmem>>
          %gather3A_362 = tpu.vector_load_idx %gather3A_361[%add3A_274, %and3A_358] : memref<96x128xi32, #tpu.memory_space<vmem>>[vector<16xi32>, vector<16xi32>], vector<16xi32>,
          %gather3A_363 = arith.constant 0 : i32
          %gather3A_364 = arith.constant 0 : i32
          %gather3A_365 = tpu.memref_slice %arg11[%scan3A_278, %gather3A_363, %gather3A_364] : memref<2x96x128xi32, #tpu.memory_space<vmem>> -> memref<1x96x128xi32, #tpu.memory_space<vmem>>
          %gather3A_366 = tpu.memref_squeeze %gather3A_365 : memref<1x96x128xi32, #tpu.memory_space<vmem>> -> memref<96x128xi32, #tpu.memory_space<vmem>>
          %gather3A_367 = tpu.vector_load_idx %gather3A_366[%add3A_274, %and3A_358] : memref<96x128xi32, #tpu.memory_space<vmem>>[vector<16xi32>, vector<16xi32>], vector<16xi32>,
          %gather3A_368 = arith.constant 0 : i32
          %gather3A_369 = arith.constant 0 : i32
          %gather3A_370 = tpu.memref_slice %arg12[%scan3A_279, %gather3A_368, %gather3A_369] : memref<2x96x128xi32, #tpu.memory_space<vmem>> -> memref<1x96x128xi32, #tpu.memory_space<vmem>>
          %gather3A_371 = tpu.memref_squeeze %gather3A_370 : memref<1x96x128xi32, #tpu.memory_space<vmem>> -> memref<96x128xi32, #tpu.memory_space<vmem>>
          %gather3A_372 = tpu.vector_load_idx %gather3A_371[%add3A_274, %and3A_358] : memref<96x128xi32, #tpu.memory_space<vmem>>[vector<16xi32>, vector<16xi32>], vector<16xi32>,
          %bitcast3A_373 = vector.bitcast %gather3A_362 : vector<16xi32> to vector<32xbf16>
          %bitcast3A_374 = vector.bitcast %gather3A_367 : vector<16xi32> to vector<32xbf16>
          %bitcast3A_375 = vector.bitcast %gather3A_372 : vector<16xi32> to vector<32xbf16>
          %mul3A_376 = arith.mulf %bitcast3A_373, %bitcast3A_375 : vector<32xbf16>
          %mul3A_377 = arith.mulf %mul3A_376, %bitcast3A_374 : vector<32xbf16>
          %add3A_378 = arith.addf %scan3A_349, %mul3A_377 : vector<32xbf16>
          %mul3A_379 = arith.constant 8 : i32
          %mul3A_380 = arith.muli %scan3A_348, %mul3A_379 : i32
          %add3A_381 = arith.constant 1 : i32
          %add3A_382 = arith.addi %mul3A_380, %add3A_381 : i32
          %add3A_383 = vector.broadcast %add3A_382 : i32 to vector<16xi32>
          %add3A_384 = arith.addi %iota3A, %add3A_383 : vector<16xi32>
          %and3A_385 = arith.constant 127 : i32
          %and3A_386 = vector.broadcast %and3A_385 : i32 to vector<16xi32>
          %and3A_387 = arith.andi %add3A_384, %and3A_386 : vector<16xi32>
          %gather3A_388 = arith.constant 0 : i32
          %gather3A_389 = arith.constant 0 : i32
          %gather3A_390 = tpu.memref_slice %arg10[%scan3A_277, %gather3A_388, %gather3A_389] : memref<2x96x128xi32, #tpu.memory_space<vmem>> -> memref<1x96x128xi32, #tpu.memory_space<vmem>>
          %gather3A_391 = tpu.memref_squeeze %gather3A_390 : memref<1x96x128xi32, #tpu.memory_space<vmem>> -> memref<96x128xi32, #tpu.memory_space<vmem>>
          %gather3A_392 = tpu.vector_load_idx %gather3A_391[%add3A_274, %and3A_387] : memref<96x128xi32, #tpu.memory_space<vmem>>[vector<16xi32>, vector<16xi32>], vector<16xi32>,
          %gather3A_393 = arith.constant 0 : i32
          %gather3A_394 = arith.constant 0 : i32
          %gather3A_395 = tpu.memref_slice %arg11[%scan3A_278, %gather3A_393, %gather3A_394] : memref<2x96x128xi32, #tpu.memory_space<vmem>> -> memref<1x96x128xi32, #tpu.memory_space<vmem>>
          %gather3A_396 = tpu.memref_squeeze %gather3A_395 : memref<1x96x128xi32, #tpu.memory_space<vmem>> -> memref<96x128xi32, #tpu.memory_space<vmem>>
          %gather3A_397 = tpu.vector_load_idx %gather3A_396[%add3A_274, %and3A_387] : memref<96x128xi32, #tpu.memory_space<vmem>>[vector<16xi32>, vector<16xi32>], vector<16xi32>,
          %gather3A_398 = arith.constant 0 : i32
          %gather3A_399 = arith.constant 0 : i32
          %gather3A_400 = tpu.memref_slice %arg12[%scan3A_279, %gather3A_398, %gather3A_399] : memref<2x96x128xi32, #tpu.memory_space<vmem>> -> memref<1x96x128xi32, #tpu.memory_space<vmem>>
          %gather3A_401 = tpu.memref_squeeze %gather3A_400 : memref<1x96x128xi32, #tpu.memory_space<vmem>> -> memref<96x128xi32, #tpu.memory_space<vmem>>
          %gather3A_402 = tpu.vector_load_idx %gather3A_401[%add3A_274, %and3A_387] : memref<96x128xi32, #tpu.memory_space<vmem>>[vector<16xi32>, vector<16xi32>], vector<16xi32>,
          %bitcast3A_403 = vector.bitcast %gather3A_392 : vector<16xi32> to vector<32xbf16>
          %bitcast3A_404 = vector.bitcast %gather3A_397 : vector<16xi32> to vector<32xbf16>
          %bitcast3A_405 = vector.bitcast %gather3A_402 : vector<16xi32> to vector<32xbf16>
          %mul3A_406 = arith.mulf %bitcast3A_403, %bitcast3A_405 : vector<32xbf16>
          %mul3A_407 = arith.mulf %mul3A_406, %bitcast3A_404 : vector<32xbf16>
          %add3A_408 = arith.addf %add3A_378, %mul3A_407 : vector<32xbf16>
          %mul3A_409 = arith.constant 8 : i32
          %mul3A_410 = arith.muli %scan3A_348, %mul3A_409 : i32
          %add3A_411 = arith.constant 2 : i32
          %add3A_412 = arith.addi %mul3A_410, %add3A_411 : i32
          %add3A_413 = vector.broadcast %add3A_412 : i32 to vector<16xi32>
          %add3A_414 = arith.addi %iota3A, %add3A_413 : vector<16xi32>
          %and3A_415 = arith.constant 127 : i32
          %and3A_416 = vector.broadcast %and3A_415 : i32 to vector<16xi32>
          %and3A_417 = arith.andi %add3A_414, %and3A_416 : vector<16xi32>
          %gather3A_418 = arith.constant 0 : i32
          %gather3A_419 = arith.constant 0 : i32
          %gather3A_420 = tpu.memref_slice %arg10[%scan3A_277, %gather3A_418, %gather3A_419] : memref<2x96x128xi32, #tpu.memory_space<vmem>> -> memref<1x96x128xi32, #tpu.memory_space<vmem>>
          %gather3A_421 = tpu.memref_squeeze %gather3A_420 : memref<1x96x128xi32, #tpu.memory_space<vmem>> -> memref<96x128xi32, #tpu.memory_space<vmem>>
          %gather3A_422 = tpu.vector_load_idx %gather3A_421[%add3A_274, %and3A_417] : memref<96x128xi32, #tpu.memory_space<vmem>>[vector<16xi32>, vector<16xi32>], vector<16xi32>,
          %gather3A_423 = arith.constant 0 : i32
          %gather3A_424 = arith.constant 0 : i32
          %gather3A_425 = tpu.memref_slice %arg11[%scan3A_278, %gather3A_423, %gather3A_424] : memref<2x96x128xi32, #tpu.memory_space<vmem>> -> memref<1x96x128xi32, #tpu.memory_space<vmem>>
          %gather3A_426 = tpu.memref_squeeze %gather3A_425 : memref<1x96x128xi32, #tpu.memory_space<vmem>> -> memref<96x128xi32, #tpu.memory_space<vmem>>
          %gather3A_427 = tpu.vector_load_idx %gather3A_426[%add3A_274, %and3A_417] : memref<96x128xi32, #tpu.memory_space<vmem>>[vector<16xi32>, vector<16xi32>], vector<16xi32>,
          %gather3A_428 = arith.constant 0 : i32
          %gather3A_429 = arith.constant 0 : i32
          %gather3A_430 = tpu.memref_slice %arg12[%scan3A_279, %gather3A_428, %gather3A_429] : memref<2x96x128xi32, #tpu.memory_space<vmem>> -> memref<1x96x128xi32, #tpu.memory_space<vmem>>
          %gather3A_431 = tpu.memref_squeeze %gather3A_430 : memref<1x96x128xi32, #tpu.memory_space<vmem>> -> memref<96x128xi32, #tpu.memory_space<vmem>>
          %gather3A_432 = tpu.vector_load_idx %gather3A_431[%add3A_274, %and3A_417] : memref<96x128xi32, #tpu.memory_space<vmem>>[vector<16xi32>, vector<16xi32>], vector<16xi32>,
          %bitcast3A_433 = vector.bitcast %gather3A_422 : vector<16xi32> to vector<32xbf16>
          %bitcast3A_434 = vector.bitcast %gather3A_427 : vector<16xi32> to vector<32xbf16>
          %bitcast3A_435 = vector.bitcast %gather3A_432 : vector<16xi32> to vector<32xbf16>
          %mul3A_436 = arith.mulf %bitcast3A_433, %bitcast3A_435 : vector<32xbf16>
          %mul3A_437 = arith.mulf %mul3A_436, %bitcast3A_434 : vector<32xbf16>
          %add3A_438 = arith.addf %add3A_408, %mul3A_437 : vector<32xbf16>
          %mul3A_439 = arith.constant 8 : i32
          %mul3A_440 = arith.muli %scan3A_348, %mul3A_439 : i32
          %add3A_441 = arith.constant 3 : i32
          %add3A_442 = arith.addi %mul3A_440, %add3A_441 : i32
          %add3A_443 = vector.broadcast %add3A_442 : i32 to vector<16xi32>
          %add3A_444 = arith.addi %iota3A, %add3A_443 : vector<16xi32>
          %and3A_445 = arith.constant 127 : i32
          %and3A_446 = vector.broadcast %and3A_445 : i32 to vector<16xi32>
          %and3A_447 = arith.andi %add3A_444, %and3A_446 : vector<16xi32>
          %gather3A_448 = arith.constant 0 : i32
          %gather3A_449 = arith.constant 0 : i32
          %gather3A_450 = tpu.memref_slice %arg10[%scan3A_277, %gather3A_448, %gather3A_449] : memref<2x96x128xi32, #tpu.memory_space<vmem>> -> memref<1x96x128xi32, #tpu.memory_space<vmem>>
          %gather3A_451 = tpu.memref_squeeze %gather3A_450 : memref<1x96x128xi32, #tpu.memory_space<vmem>> -> memref<96x128xi32, #tpu.memory_space<vmem>>
          %gather3A_452 = tpu.vector_load_idx %gather3A_451[%add3A_274, %and3A_447] : memref<96x128xi32, #tpu.memory_space<vmem>>[vector<16xi32>, vector<16xi32>], vector<16xi32>,
          %gather3A_453 = arith.constant 0 : i32
          %gather3A_454 = arith.constant 0 : i32
          %gather3A_455 = tpu.memref_slice %arg11[%scan3A_278, %gather3A_453, %gather3A_454] : memref<2x96x128xi32, #tpu.memory_space<vmem>> -> memref<1x96x128xi32, #tpu.memory_space<vmem>>
          %gather3A_456 = tpu.memref_squeeze %gather3A_455 : memref<1x96x128xi32, #tpu.memory_space<vmem>> -> memref<96x128xi32, #tpu.memory_space<vmem>>
          %gather3A_457 = tpu.vector_load_idx %gather3A_456[%add3A_274, %and3A_447] : memref<96x128xi32, #tpu.memory_space<vmem>>[vector<16xi32>, vector<16xi32>], vector<16xi32>,
          %gather3A_458 = arith.constant 0 : i32
          %gather3A_459 = arith.constant 0 : i32
          %gather3A_460 = tpu.memref_slice %arg12[%scan3A_279, %gather3A_458, %gather3A_459] : memref<2x96x128xi32, #tpu.memory_space<vmem>> -> memref<1x96x128xi32, #tpu.memory_space<vmem>>
          %gather3A_461 = tpu.memref_squeeze %gather3A_460 : memref<1x96x128xi32, #tpu.memory_space<vmem>> -> memref<96x128xi32, #tpu.memory_space<vmem>>
          %gather3A_462 = tpu.vector_load_idx %gather3A_461[%add3A_274, %and3A_447] : memref<96x128xi32, #tpu.memory_space<vmem>>[vector<16xi32>, vector<16xi32>], vector<16xi32>,
          %bitcast3A_463 = vector.bitcast %gather3A_452 : vector<16xi32> to vector<32xbf16>
          %bitcast3A_464 = vector.bitcast %gather3A_457 : vector<16xi32> to vector<32xbf16>
          %bitcast3A_465 = vector.bitcast %gather3A_462 : vector<16xi32> to vector<32xbf16>
          %mul3A_466 = arith.mulf %bitcast3A_463, %bitcast3A_465 : vector<32xbf16>
          %mul3A_467 = arith.mulf %mul3A_466, %bitcast3A_464 : vector<32xbf16>
          %add3A_468 = arith.addf %add3A_438, %mul3A_467 : vector<32xbf16>
          %mul3A_469 = arith.constant 8 : i32
          %mul3A_470 = arith.muli %scan3A_348, %mul3A_469 : i32
          %add3A_471 = arith.constant 4 : i32
          %add3A_472 = arith.addi %mul3A_470, %add3A_471 : i32
          %add3A_473 = vector.broadcast %add3A_472 : i32 to vector<16xi32>
          %add3A_474 = arith.addi %iota3A, %add3A_473 : vector<16xi32>
          %and3A_475 = arith.constant 127 : i32
          %and3A_476 = vector.broadcast %and3A_475 : i32 to vector<16xi32>
          %and3A_477 = arith.andi %add3A_474, %and3A_476 : vector<16xi32>
          %gather3A_478 = arith.constant 0 : i32
          %gather3A_479 = arith.constant 0 : i32
          %gather3A_480 = tpu.memref_slice %arg10[%scan3A_277, %gather3A_478, %gather3A_479] : memref<2x96x128xi32, #tpu.memory_space<vmem>> -> memref<1x96x128xi32, #tpu.memory_space<vmem>>
          %gather3A_481 = tpu.memref_squeeze %gather3A_480 : memref<1x96x128xi32, #tpu.memory_space<vmem>> -> memref<96x128xi32, #tpu.memory_space<vmem>>
          %gather3A_482 = tpu.vector_load_idx %gather3A_481[%add3A_274, %and3A_477] : memref<96x128xi32, #tpu.memory_space<vmem>>[vector<16xi32>, vector<16xi32>], vector<16xi32>,
          %gather3A_483 = arith.constant 0 : i32
          %gather3A_484 = arith.constant 0 : i32
          %gather3A_485 = tpu.memref_slice %arg11[%scan3A_278, %gather3A_483, %gather3A_484] : memref<2x96x128xi32, #tpu.memory_space<vmem>> -> memref<1x96x128xi32, #tpu.memory_space<vmem>>
          %gather3A_486 = tpu.memref_squeeze %gather3A_485 : memref<1x96x128xi32, #tpu.memory_space<vmem>> -> memref<96x128xi32, #tpu.memory_space<vmem>>
          %gather3A_487 = tpu.vector_load_idx %gather3A_486[%add3A_274, %and3A_477] : memref<96x128xi32, #tpu.memory_space<vmem>>[vector<16xi32>, vector<16xi32>], vector<16xi32>,
          %gather3A_488 = arith.constant 0 : i32
          %gather3A_489 = arith.constant 0 : i32
          %gather3A_490 = tpu.memref_slice %arg12[%scan3A_279, %gather3A_488, %gather3A_489] : memref<2x96x128xi32, #tpu.memory_space<vmem>> -> memref<1x96x128xi32, #tpu.memory_space<vmem>>
          %gather3A_491 = tpu.memref_squeeze %gather3A_490 : memref<1x96x128xi32, #tpu.memory_space<vmem>> -> memref<96x128xi32, #tpu.memory_space<vmem>>
          %gather3A_492 = tpu.vector_load_idx %gather3A_491[%add3A_274, %and3A_477] : memref<96x128xi32, #tpu.memory_space<vmem>>[vector<16xi32>, vector<16xi32>], vector<16xi32>,
          %bitcast3A_493 = vector.bitcast %gather3A_482 : vector<16xi32> to vector<32xbf16>
          %bitcast3A_494 = vector.bitcast %gather3A_487 : vector<16xi32> to vector<32xbf16>
          %bitcast3A_495 = vector.bitcast %gather3A_492 : vector<16xi32> to vector<32xbf16>
          %mul3A_496 = arith.mulf %bitcast3A_493, %bitcast3A_495 : vector<32xbf16>
          %mul3A_497 = arith.mulf %mul3A_496, %bitcast3A_494 : vector<32xbf16>
          %add3A_498 = arith.addf %add3A_468, %mul3A_497 : vector<32xbf16>
          %mul3A_499 = arith.constant 8 : i32
          %mul3A_500 = arith.muli %scan3A_348, %mul3A_499 : i32
          %add3A_501 = arith.constant 5 : i32
          %add3A_502 = arith.addi %mul3A_500, %add3A_501 : i32
          %add3A_503 = vector.broadcast %add3A_502 : i32 to vector<16xi32>
          %add3A_504 = arith.addi %iota3A, %add3A_503 : vector<16xi32>
          %and3A_505 = arith.constant 127 : i32
          %and3A_506 = vector.broadcast %and3A_505 : i32 to vector<16xi32>
          %and3A_507 = arith.andi %add3A_504, %and3A_506 : vector<16xi32>
          %gather3A_508 = arith.constant 0 : i32
          %gather3A_509 = arith.constant 0 : i32
          %gather3A_510 = tpu.memref_slice %arg10[%scan3A_277, %gather3A_508, %gather3A_509] : memref<2x96x128xi32, #tpu.memory_space<vmem>> -> memref<1x96x128xi32, #tpu.memory_space<vmem>>
          %gather3A_511 = tpu.memref_squeeze %gather3A_510 : memref<1x96x128xi32, #tpu.memory_space<vmem>> -> memref<96x128xi32, #tpu.memory_space<vmem>>
          %gather3A_512 = tpu.vector_load_idx %gather3A_511[%add3A_274, %and3A_507] : memref<96x128xi32, #tpu.memory_space<vmem>>[vector<16xi32>, vector<16xi32>], vector<16xi32>,
          %gather3A_513 = arith.constant 0 : i32
          %gather3A_514 = arith.constant 0 : i32
          %gather3A_515 = tpu.memref_slice %arg11[%scan3A_278, %gather3A_513, %gather3A_514] : memref<2x96x128xi32, #tpu.memory_space<vmem>> -> memref<1x96x128xi32, #tpu.memory_space<vmem>>
          %gather3A_516 = tpu.memref_squeeze %gather3A_515 : memref<1x96x128xi32, #tpu.memory_space<vmem>> -> memref<96x128xi32, #tpu.memory_space<vmem>>
          %gather3A_517 = tpu.vector_load_idx %gather3A_516[%add3A_274, %and3A_507] : memref<96x128xi32, #tpu.memory_space<vmem>>[vector<16xi32>, vector<16xi32>], vector<16xi32>,
          %gather3A_518 = arith.constant 0 : i32
          %gather3A_519 = arith.constant 0 : i32
          %gather3A_520 = tpu.memref_slice %arg12[%scan3A_279, %gather3A_518, %gather3A_519] : memref<2x96x128xi32, #tpu.memory_space<vmem>> -> memref<1x96x128xi32, #tpu.memory_space<vmem>>
          %gather3A_521 = tpu.memref_squeeze %gather3A_520 : memref<1x96x128xi32, #tpu.memory_space<vmem>> -> memref<96x128xi32, #tpu.memory_space<vmem>>
          %gather3A_522 = tpu.vector_load_idx %gather3A_521[%add3A_274, %and3A_507] : memref<96x128xi32, #tpu.memory_space<vmem>>[vector<16xi32>, vector<16xi32>], vector<16xi32>,
          %bitcast3A_523 = vector.bitcast %gather3A_512 : vector<16xi32> to vector<32xbf16>
          %bitcast3A_524 = vector.bitcast %gather3A_517 : vector<16xi32> to vector<32xbf16>
          %bitcast3A_525 = vector.bitcast %gather3A_522 : vector<16xi32> to vector<32xbf16>
          %mul3A_526 = arith.mulf %bitcast3A_523, %bitcast3A_525 : vector<32xbf16>
          %mul3A_527 = arith.mulf %mul3A_526, %bitcast3A_524 : vector<32xbf16>
          %add3A_528 = arith.addf %add3A_498, %mul3A_527 : vector<32xbf16>
          %mul3A_529 = arith.constant 8 : i32
          %mul3A_530 = arith.muli %scan3A_348, %mul3A_529 : i32
          %add3A_531 = arith.constant 6 : i32
          %add3A_532 = arith.addi %mul3A_530, %add3A_531 : i32
          %add3A_533 = vector.broadcast %add3A_532 : i32 to vector<16xi32>
          %add3A_534 = arith.addi %iota3A, %add3A_533 : vector<16xi32>
          %and3A_535 = arith.constant 127 : i32
          %and3A_536 = vector.broadcast %and3A_535 : i32 to vector<16xi32>
          %and3A_537 = arith.andi %add3A_534, %and3A_536 : vector<16xi32>
          %gather3A_538 = arith.constant 0 : i32
          %gather3A_539 = arith.constant 0 : i32
          %gather3A_540 = tpu.memref_slice %arg10[%scan3A_277, %gather3A_538, %gather3A_539] : memref<2x96x128xi32, #tpu.memory_space<vmem>> -> memref<1x96x128xi32, #tpu.memory_space<vmem>>
          %gather3A_541 = tpu.memref_squeeze %gather3A_540 : memref<1x96x128xi32, #tpu.memory_space<vmem>> -> memref<96x128xi32, #tpu.memory_space<vmem>>
          %gather3A_542 = tpu.vector_load_idx %gather3A_541[%add3A_274, %and3A_537] : memref<96x128xi32, #tpu.memory_space<vmem>>[vector<16xi32>, vector<16xi32>], vector<16xi32>,
          %gather3A_543 = arith.constant 0 : i32
          %gather3A_544 = arith.constant 0 : i32
          %gather3A_545 = tpu.memref_slice %arg11[%scan3A_278, %gather3A_543, %gather3A_544] : memref<2x96x128xi32, #tpu.memory_space<vmem>> -> memref<1x96x128xi32, #tpu.memory_space<vmem>>
          %gather3A_546 = tpu.memref_squeeze %gather3A_545 : memref<1x96x128xi32, #tpu.memory_space<vmem>> -> memref<96x128xi32, #tpu.memory_space<vmem>>
          %gather3A_547 = tpu.vector_load_idx %gather3A_546[%add3A_274, %and3A_537] : memref<96x128xi32, #tpu.memory_space<vmem>>[vector<16xi32>, vector<16xi32>], vector<16xi32>,
          %gather3A_548 = arith.constant 0 : i32
          %gather3A_549 = arith.constant 0 : i32
          %gather3A_550 = tpu.memref_slice %arg12[%scan3A_279, %gather3A_548, %gather3A_549] : memref<2x96x128xi32, #tpu.memory_space<vmem>> -> memref<1x96x128xi32, #tpu.memory_space<vmem>>
          %gather3A_551 = tpu.memref_squeeze %gather3A_550 : memref<1x96x128xi32, #tpu.memory_space<vmem>> -> memref<96x128xi32, #tpu.memory_space<vmem>>
          %gather3A_552 = tpu.vector_load_idx %gather3A_551[%add3A_274, %and3A_537] : memref<96x128xi32, #tpu.memory_space<vmem>>[vector<16xi32>, vector<16xi32>], vector<16xi32>,
          %bitcast3A_553 = vector.bitcast %gather3A_542 : vector<16xi32> to vector<32xbf16>
          %bitcast3A_554 = vector.bitcast %gather3A_547 : vector<16xi32> to vector<32xbf16>
          %bitcast3A_555 = vector.bitcast %gather3A_552 : vector<16xi32> to vector<32xbf16>
          %mul3A_556 = arith.mulf %bitcast3A_553, %bitcast3A_555 : vector<32xbf16>
          %mul3A_557 = arith.mulf %mul3A_556, %bitcast3A_554 : vector<32xbf16>
          %add3A_558 = arith.addf %add3A_528, %mul3A_557 : vector<32xbf16>
          %mul3A_559 = arith.constant 8 : i32
          %mul3A_560 = arith.muli %scan3A_348, %mul3A_559 : i32
          %add3A_561 = arith.constant 7 : i32
          %add3A_562 = arith.addi %mul3A_560, %add3A_561 : i32
          %add3A_563 = vector.broadcast %add3A_562 : i32 to vector<16xi32>
          %add3A_564 = arith.addi %iota3A, %add3A_563 : vector<16xi32>
          %and3A_565 = arith.constant 127 : i32
          %and3A_566 = vector.broadcast %and3A_565 : i32 to vector<16xi32>
          %and3A_567 = arith.andi %add3A_564, %and3A_566 : vector<16xi32>
          %gather3A_568 = arith.constant 0 : i32
          %gather3A_569 = arith.constant 0 : i32
          %gather3A_570 = tpu.memref_slice %arg10[%scan3A_277, %gather3A_568, %gather3A_569] : memref<2x96x128xi32, #tpu.memory_space<vmem>> -> memref<1x96x128xi32, #tpu.memory_space<vmem>>
          %gather3A_571 = tpu.memref_squeeze %gather3A_570 : memref<1x96x128xi32, #tpu.memory_space<vmem>> -> memref<96x128xi32, #tpu.memory_space<vmem>>
          %gather3A_572 = tpu.vector_load_idx %gather3A_571[%add3A_274, %and3A_567] : memref<96x128xi32, #tpu.memory_space<vmem>>[vector<16xi32>, vector<16xi32>], vector<16xi32>,
          %gather3A_573 = arith.constant 0 : i32
          %gather3A_574 = arith.constant 0 : i32
          %gather3A_575 = tpu.memref_slice %arg11[%scan3A_278, %gather3A_573, %gather3A_574] : memref<2x96x128xi32, #tpu.memory_space<vmem>> -> memref<1x96x128xi32, #tpu.memory_space<vmem>>
          %gather3A_576 = tpu.memref_squeeze %gather3A_575 : memref<1x96x128xi32, #tpu.memory_space<vmem>> -> memref<96x128xi32, #tpu.memory_space<vmem>>
          %gather3A_577 = tpu.vector_load_idx %gather3A_576[%add3A_274, %and3A_567] : memref<96x128xi32, #tpu.memory_space<vmem>>[vector<16xi32>, vector<16xi32>], vector<16xi32>,
          %gather3A_578 = arith.constant 0 : i32
          %gather3A_579 = arith.constant 0 : i32
          %gather3A_580 = tpu.memref_slice %arg12[%scan3A_279, %gather3A_578, %gather3A_579] : memref<2x96x128xi32, #tpu.memory_space<vmem>> -> memref<1x96x128xi32, #tpu.memory_space<vmem>>
          %gather3A_581 = tpu.memref_squeeze %gather3A_580 : memref<1x96x128xi32, #tpu.memory_space<vmem>> -> memref<96x128xi32, #tpu.memory_space<vmem>>
          %gather3A_582 = tpu.vector_load_idx %gather3A_581[%add3A_274, %and3A_567] : memref<96x128xi32, #tpu.memory_space<vmem>>[vector<16xi32>, vector<16xi32>], vector<16xi32>,
          %bitcast3A_583 = vector.bitcast %gather3A_572 : vector<16xi32> to vector<32xbf16>
          %bitcast3A_584 = vector.bitcast %gather3A_577 : vector<16xi32> to vector<32xbf16>
          %bitcast3A_585 = vector.bitcast %gather3A_582 : vector<16xi32> to vector<32xbf16>
          %mul3A_586 = arith.mulf %bitcast3A_583, %bitcast3A_585 : vector<32xbf16>
          %mul3A_587 = arith.mulf %mul3A_586, %bitcast3A_584 : vector<32xbf16>
          %add3A_588 = arith.addf %add3A_558, %mul3A_587 : vector<32xbf16>
          scf.yield %add3A_588 : vector<32xbf16>
        }
        %scan3A_285 = arith.constant 16 : i32
        %bitcast3A_286 = vector.bitcast %scan3A_284 : vector<32xbf16> to vector<16xi32>
        %shift_left3A_287 = arith.constant 16 : i32
        %shift_left3A_288 = vector.broadcast %shift_left3A_287 : i32 to vector<16xi32>
        %shift_left3A_289 = arith.shli %bitcast3A_286, %shift_left3A_288 : vector<16xi32>
        %bitcast3A_290 = vector.bitcast %shift_left3A_289 : vector<16xi32> to vector<16xf32>
        %and3A_291 = arith.andi %bitcast3A_286, %broadcast_in_dim3A_53 : vector<16xi32>
        %bitcast3A_292 = vector.bitcast %and3A_291 : vector<16xi32> to vector<16xf32>
        %add3A_293 = arith.addf %bitcast3A_290, %bitcast3A_292 : vector<16xf32>
        %neg3A_294 = arith.constant 0.000000e+00 : f32
        %neg3A_295 = vector.broadcast %neg3A_294 : f32 to vector<16xf32>
        %neg3A_296 = arith.subf %neg3A_295, %add3A_293 : vector<16xf32>
        %exp3A_297 = math.exp %neg3A_296 : vector<16xf32>
        %add3A_298 = arith.constant 1.000000e+00 : f32
        %add3A_299 = vector.broadcast %add3A_298 : f32 to vector<16xf32>
        %add3A_300 = arith.addf %add3A_299, %exp3A_297 : vector<16xf32>
        %div3A_301 = arith.constant 1.000000e+00 : f32
        %div3A_302 = vector.broadcast %div3A_301 : f32 to vector<16xf32>
        %div3A_303 = arith.divf %div3A_302, %add3A_300 : vector<16xf32>
        %mul3A_304 = arith.constant 96 : i32
        %mul3A_305 = arith.muli %add3A_71, %mul3A_304 : i32
        %add3A_306 = arith.constant 64 : i32
        %add3A_307 = arith.addi %mul3A_305, %add3A_306 : i32
        %swap3A_308 = arith.index_cast %add3A_307 : i32 to index
        %swap3A_309 = tpu.vector_load %arg13[%swap3A_308] {strides = array<i32>} : memref<9504xf32, #tpu.memory_space<vmem>>, vector<16xf32>,
        tpu.vector_store %arg13[%swap3A_308], %div3A_303 {strides = array<i32>} : memref<9504xf32, #tpu.memory_space<vmem>>, vector<16xf32>,
        %add3A_310 = arith.constant 80 : i32
        %add3A_311 = vector.broadcast %add3A_310 : i32 to vector<16xi32>
        %add3A_312 = arith.addi %iota3A, %add3A_311 : vector<16xi32>
        %broadcast_in_dim3A_313 = arith.constant 0.000000e+00 : bf16
        %broadcast_in_dim3A_314 = vector.broadcast %broadcast_in_dim3A_313 : bf16 to vector<32xbf16>
        %scan3A_315 = arith.constant 0 : i32
        %scan3A_316 = arith.constant 0 : i32
        %scan3A_317 = arith.constant 0 : i32
        %scan3A_318 = arith.constant 0 : i32
        %scan3A_319 = arith.constant 16 : i32
        %scan3A_320 = arith.addi %scan3A_318, %scan3A_319 : i32
        %scan3A_321 = arith.constant 1 : i32
        %scan3A_322 = scf.for %scan3A_348 = %scan3A_318 to %scan3A_320 step %scan3A_321 iter_args(%scan3A_349 = %broadcast_in_dim3A_314) -> (vector<32xbf16>)  : i32 {
          %mul3A_350 = arith.constant 8 : i32
          %mul3A_351 = arith.muli %scan3A_348, %mul3A_350 : i32
          %add3A_352 = arith.constant 0 : i32
          %add3A_353 = arith.addi %mul3A_351, %add3A_352 : i32
          %add3A_354 = vector.broadcast %add3A_353 : i32 to vector<16xi32>
          %add3A_355 = arith.addi %iota3A, %add3A_354 : vector<16xi32>
          %and3A_356 = arith.constant 127 : i32
          %and3A_357 = vector.broadcast %and3A_356 : i32 to vector<16xi32>
          %and3A_358 = arith.andi %add3A_355, %and3A_357 : vector<16xi32>
          %gather3A = arith.constant 0 : i32
          %gather3A_359 = arith.constant 0 : i32
          %gather3A_360 = tpu.memref_slice %arg10[%scan3A_315, %gather3A, %gather3A_359] : memref<2x96x128xi32, #tpu.memory_space<vmem>> -> memref<1x96x128xi32, #tpu.memory_space<vmem>>
          %gather3A_361 = tpu.memref_squeeze %gather3A_360 : memref<1x96x128xi32, #tpu.memory_space<vmem>> -> memref<96x128xi32, #tpu.memory_space<vmem>>
          %gather3A_362 = tpu.vector_load_idx %gather3A_361[%add3A_312, %and3A_358] : memref<96x128xi32, #tpu.memory_space<vmem>>[vector<16xi32>, vector<16xi32>], vector<16xi32>,
          %gather3A_363 = arith.constant 0 : i32
          %gather3A_364 = arith.constant 0 : i32
          %gather3A_365 = tpu.memref_slice %arg11[%scan3A_316, %gather3A_363, %gather3A_364] : memref<2x96x128xi32, #tpu.memory_space<vmem>> -> memref<1x96x128xi32, #tpu.memory_space<vmem>>
          %gather3A_366 = tpu.memref_squeeze %gather3A_365 : memref<1x96x128xi32, #tpu.memory_space<vmem>> -> memref<96x128xi32, #tpu.memory_space<vmem>>
          %gather3A_367 = tpu.vector_load_idx %gather3A_366[%add3A_312, %and3A_358] : memref<96x128xi32, #tpu.memory_space<vmem>>[vector<16xi32>, vector<16xi32>], vector<16xi32>,
          %gather3A_368 = arith.constant 0 : i32
          %gather3A_369 = arith.constant 0 : i32
          %gather3A_370 = tpu.memref_slice %arg12[%scan3A_317, %gather3A_368, %gather3A_369] : memref<2x96x128xi32, #tpu.memory_space<vmem>> -> memref<1x96x128xi32, #tpu.memory_space<vmem>>
          %gather3A_371 = tpu.memref_squeeze %gather3A_370 : memref<1x96x128xi32, #tpu.memory_space<vmem>> -> memref<96x128xi32, #tpu.memory_space<vmem>>
          %gather3A_372 = tpu.vector_load_idx %gather3A_371[%add3A_312, %and3A_358] : memref<96x128xi32, #tpu.memory_space<vmem>>[vector<16xi32>, vector<16xi32>], vector<16xi32>,
          %bitcast3A_373 = vector.bitcast %gather3A_362 : vector<16xi32> to vector<32xbf16>
          %bitcast3A_374 = vector.bitcast %gather3A_367 : vector<16xi32> to vector<32xbf16>
          %bitcast3A_375 = vector.bitcast %gather3A_372 : vector<16xi32> to vector<32xbf16>
          %mul3A_376 = arith.mulf %bitcast3A_373, %bitcast3A_375 : vector<32xbf16>
          %mul3A_377 = arith.mulf %mul3A_376, %bitcast3A_374 : vector<32xbf16>
          %add3A_378 = arith.addf %scan3A_349, %mul3A_377 : vector<32xbf16>
          %mul3A_379 = arith.constant 8 : i32
          %mul3A_380 = arith.muli %scan3A_348, %mul3A_379 : i32
          %add3A_381 = arith.constant 1 : i32
          %add3A_382 = arith.addi %mul3A_380, %add3A_381 : i32
          %add3A_383 = vector.broadcast %add3A_382 : i32 to vector<16xi32>
          %add3A_384 = arith.addi %iota3A, %add3A_383 : vector<16xi32>
          %and3A_385 = arith.constant 127 : i32
          %and3A_386 = vector.broadcast %and3A_385 : i32 to vector<16xi32>
          %and3A_387 = arith.andi %add3A_384, %and3A_386 : vector<16xi32>
          %gather3A_388 = arith.constant 0 : i32
          %gather3A_389 = arith.constant 0 : i32
          %gather3A_390 = tpu.memref_slice %arg10[%scan3A_315, %gather3A_388, %gather3A_389] : memref<2x96x128xi32, #tpu.memory_space<vmem>> -> memref<1x96x128xi32, #tpu.memory_space<vmem>>
          %gather3A_391 = tpu.memref_squeeze %gather3A_390 : memref<1x96x128xi32, #tpu.memory_space<vmem>> -> memref<96x128xi32, #tpu.memory_space<vmem>>
          %gather3A_392 = tpu.vector_load_idx %gather3A_391[%add3A_312, %and3A_387] : memref<96x128xi32, #tpu.memory_space<vmem>>[vector<16xi32>, vector<16xi32>], vector<16xi32>,
          %gather3A_393 = arith.constant 0 : i32
          %gather3A_394 = arith.constant 0 : i32
          %gather3A_395 = tpu.memref_slice %arg11[%scan3A_316, %gather3A_393, %gather3A_394] : memref<2x96x128xi32, #tpu.memory_space<vmem>> -> memref<1x96x128xi32, #tpu.memory_space<vmem>>
          %gather3A_396 = tpu.memref_squeeze %gather3A_395 : memref<1x96x128xi32, #tpu.memory_space<vmem>> -> memref<96x128xi32, #tpu.memory_space<vmem>>
          %gather3A_397 = tpu.vector_load_idx %gather3A_396[%add3A_312, %and3A_387] : memref<96x128xi32, #tpu.memory_space<vmem>>[vector<16xi32>, vector<16xi32>], vector<16xi32>,
          %gather3A_398 = arith.constant 0 : i32
          %gather3A_399 = arith.constant 0 : i32
          %gather3A_400 = tpu.memref_slice %arg12[%scan3A_317, %gather3A_398, %gather3A_399] : memref<2x96x128xi32, #tpu.memory_space<vmem>> -> memref<1x96x128xi32, #tpu.memory_space<vmem>>
          %gather3A_401 = tpu.memref_squeeze %gather3A_400 : memref<1x96x128xi32, #tpu.memory_space<vmem>> -> memref<96x128xi32, #tpu.memory_space<vmem>>
          %gather3A_402 = tpu.vector_load_idx %gather3A_401[%add3A_312, %and3A_387] : memref<96x128xi32, #tpu.memory_space<vmem>>[vector<16xi32>, vector<16xi32>], vector<16xi32>,
          %bitcast3A_403 = vector.bitcast %gather3A_392 : vector<16xi32> to vector<32xbf16>
          %bitcast3A_404 = vector.bitcast %gather3A_397 : vector<16xi32> to vector<32xbf16>
          %bitcast3A_405 = vector.bitcast %gather3A_402 : vector<16xi32> to vector<32xbf16>
          %mul3A_406 = arith.mulf %bitcast3A_403, %bitcast3A_405 : vector<32xbf16>
          %mul3A_407 = arith.mulf %mul3A_406, %bitcast3A_404 : vector<32xbf16>
          %add3A_408 = arith.addf %add3A_378, %mul3A_407 : vector<32xbf16>
          %mul3A_409 = arith.constant 8 : i32
          %mul3A_410 = arith.muli %scan3A_348, %mul3A_409 : i32
          %add3A_411 = arith.constant 2 : i32
          %add3A_412 = arith.addi %mul3A_410, %add3A_411 : i32
          %add3A_413 = vector.broadcast %add3A_412 : i32 to vector<16xi32>
          %add3A_414 = arith.addi %iota3A, %add3A_413 : vector<16xi32>
          %and3A_415 = arith.constant 127 : i32
          %and3A_416 = vector.broadcast %and3A_415 : i32 to vector<16xi32>
          %and3A_417 = arith.andi %add3A_414, %and3A_416 : vector<16xi32>
          %gather3A_418 = arith.constant 0 : i32
          %gather3A_419 = arith.constant 0 : i32
          %gather3A_420 = tpu.memref_slice %arg10[%scan3A_315, %gather3A_418, %gather3A_419] : memref<2x96x128xi32, #tpu.memory_space<vmem>> -> memref<1x96x128xi32, #tpu.memory_space<vmem>>
          %gather3A_421 = tpu.memref_squeeze %gather3A_420 : memref<1x96x128xi32, #tpu.memory_space<vmem>> -> memref<96x128xi32, #tpu.memory_space<vmem>>
          %gather3A_422 = tpu.vector_load_idx %gather3A_421[%add3A_312, %and3A_417] : memref<96x128xi32, #tpu.memory_space<vmem>>[vector<16xi32>, vector<16xi32>], vector<16xi32>,
          %gather3A_423 = arith.constant 0 : i32
          %gather3A_424 = arith.constant 0 : i32
          %gather3A_425 = tpu.memref_slice %arg11[%scan3A_316, %gather3A_423, %gather3A_424] : memref<2x96x128xi32, #tpu.memory_space<vmem>> -> memref<1x96x128xi32, #tpu.memory_space<vmem>>
          %gather3A_426 = tpu.memref_squeeze %gather3A_425 : memref<1x96x128xi32, #tpu.memory_space<vmem>> -> memref<96x128xi32, #tpu.memory_space<vmem>>
          %gather3A_427 = tpu.vector_load_idx %gather3A_426[%add3A_312, %and3A_417] : memref<96x128xi32, #tpu.memory_space<vmem>>[vector<16xi32>, vector<16xi32>], vector<16xi32>,
          %gather3A_428 = arith.constant 0 : i32
          %gather3A_429 = arith.constant 0 : i32
          %gather3A_430 = tpu.memref_slice %arg12[%scan3A_317, %gather3A_428, %gather3A_429] : memref<2x96x128xi32, #tpu.memory_space<vmem>> -> memref<1x96x128xi32, #tpu.memory_space<vmem>>
          %gather3A_431 = tpu.memref_squeeze %gather3A_430 : memref<1x96x128xi32, #tpu.memory_space<vmem>> -> memref<96x128xi32, #tpu.memory_space<vmem>>
          %gather3A_432 = tpu.vector_load_idx %gather3A_431[%add3A_312, %and3A_417] : memref<96x128xi32, #tpu.memory_space<vmem>>[vector<16xi32>, vector<16xi32>], vector<16xi32>,
          %bitcast3A_433 = vector.bitcast %gather3A_422 : vector<16xi32> to vector<32xbf16>
          %bitcast3A_434 = vector.bitcast %gather3A_427 : vector<16xi32> to vector<32xbf16>
          %bitcast3A_435 = vector.bitcast %gather3A_432 : vector<16xi32> to vector<32xbf16>
          %mul3A_436 = arith.mulf %bitcast3A_433, %bitcast3A_435 : vector<32xbf16>
          %mul3A_437 = arith.mulf %mul3A_436, %bitcast3A_434 : vector<32xbf16>
          %add3A_438 = arith.addf %add3A_408, %mul3A_437 : vector<32xbf16>
          %mul3A_439 = arith.constant 8 : i32
          %mul3A_440 = arith.muli %scan3A_348, %mul3A_439 : i32
          %add3A_441 = arith.constant 3 : i32
          %add3A_442 = arith.addi %mul3A_440, %add3A_441 : i32
          %add3A_443 = vector.broadcast %add3A_442 : i32 to vector<16xi32>
          %add3A_444 = arith.addi %iota3A, %add3A_443 : vector<16xi32>
          %and3A_445 = arith.constant 127 : i32
          %and3A_446 = vector.broadcast %and3A_445 : i32 to vector<16xi32>
          %and3A_447 = arith.andi %add3A_444, %and3A_446 : vector<16xi32>
          %gather3A_448 = arith.constant 0 : i32
          %gather3A_449 = arith.constant 0 : i32
          %gather3A_450 = tpu.memref_slice %arg10[%scan3A_315, %gather3A_448, %gather3A_449] : memref<2x96x128xi32, #tpu.memory_space<vmem>> -> memref<1x96x128xi32, #tpu.memory_space<vmem>>
          %gather3A_451 = tpu.memref_squeeze %gather3A_450 : memref<1x96x128xi32, #tpu.memory_space<vmem>> -> memref<96x128xi32, #tpu.memory_space<vmem>>
          %gather3A_452 = tpu.vector_load_idx %gather3A_451[%add3A_312, %and3A_447] : memref<96x128xi32, #tpu.memory_space<vmem>>[vector<16xi32>, vector<16xi32>], vector<16xi32>,
          %gather3A_453 = arith.constant 0 : i32
          %gather3A_454 = arith.constant 0 : i32
          %gather3A_455 = tpu.memref_slice %arg11[%scan3A_316, %gather3A_453, %gather3A_454] : memref<2x96x128xi32, #tpu.memory_space<vmem>> -> memref<1x96x128xi32, #tpu.memory_space<vmem>>
          %gather3A_456 = tpu.memref_squeeze %gather3A_455 : memref<1x96x128xi32, #tpu.memory_space<vmem>> -> memref<96x128xi32, #tpu.memory_space<vmem>>
          %gather3A_457 = tpu.vector_load_idx %gather3A_456[%add3A_312, %and3A_447] : memref<96x128xi32, #tpu.memory_space<vmem>>[vector<16xi32>, vector<16xi32>], vector<16xi32>,
          %gather3A_458 = arith.constant 0 : i32
          %gather3A_459 = arith.constant 0 : i32
          %gather3A_460 = tpu.memref_slice %arg12[%scan3A_317, %gather3A_458, %gather3A_459] : memref<2x96x128xi32, #tpu.memory_space<vmem>> -> memref<1x96x128xi32, #tpu.memory_space<vmem>>
          %gather3A_461 = tpu.memref_squeeze %gather3A_460 : memref<1x96x128xi32, #tpu.memory_space<vmem>> -> memref<96x128xi32, #tpu.memory_space<vmem>>
          %gather3A_462 = tpu.vector_load_idx %gather3A_461[%add3A_312, %and3A_447] : memref<96x128xi32, #tpu.memory_space<vmem>>[vector<16xi32>, vector<16xi32>], vector<16xi32>,
          %bitcast3A_463 = vector.bitcast %gather3A_452 : vector<16xi32> to vector<32xbf16>
          %bitcast3A_464 = vector.bitcast %gather3A_457 : vector<16xi32> to vector<32xbf16>
          %bitcast3A_465 = vector.bitcast %gather3A_462 : vector<16xi32> to vector<32xbf16>
          %mul3A_466 = arith.mulf %bitcast3A_463, %bitcast3A_465 : vector<32xbf16>
          %mul3A_467 = arith.mulf %mul3A_466, %bitcast3A_464 : vector<32xbf16>
          %add3A_468 = arith.addf %add3A_438, %mul3A_467 : vector<32xbf16>
          %mul3A_469 = arith.constant 8 : i32
          %mul3A_470 = arith.muli %scan3A_348, %mul3A_469 : i32
          %add3A_471 = arith.constant 4 : i32
          %add3A_472 = arith.addi %mul3A_470, %add3A_471 : i32
          %add3A_473 = vector.broadcast %add3A_472 : i32 to vector<16xi32>
          %add3A_474 = arith.addi %iota3A, %add3A_473 : vector<16xi32>
          %and3A_475 = arith.constant 127 : i32
          %and3A_476 = vector.broadcast %and3A_475 : i32 to vector<16xi32>
          %and3A_477 = arith.andi %add3A_474, %and3A_476 : vector<16xi32>
          %gather3A_478 = arith.constant 0 : i32
          %gather3A_479 = arith.constant 0 : i32
          %gather3A_480 = tpu.memref_slice %arg10[%scan3A_315, %gather3A_478, %gather3A_479] : memref<2x96x128xi32, #tpu.memory_space<vmem>> -> memref<1x96x128xi32, #tpu.memory_space<vmem>>
          %gather3A_481 = tpu.memref_squeeze %gather3A_480 : memref<1x96x128xi32, #tpu.memory_space<vmem>> -> memref<96x128xi32, #tpu.memory_space<vmem>>
          %gather3A_482 = tpu.vector_load_idx %gather3A_481[%add3A_312, %and3A_477] : memref<96x128xi32, #tpu.memory_space<vmem>>[vector<16xi32>, vector<16xi32>], vector<16xi32>,
          %gather3A_483 = arith.constant 0 : i32
          %gather3A_484 = arith.constant 0 : i32
          %gather3A_485 = tpu.memref_slice %arg11[%scan3A_316, %gather3A_483, %gather3A_484] : memref<2x96x128xi32, #tpu.memory_space<vmem>> -> memref<1x96x128xi32, #tpu.memory_space<vmem>>
          %gather3A_486 = tpu.memref_squeeze %gather3A_485 : memref<1x96x128xi32, #tpu.memory_space<vmem>> -> memref<96x128xi32, #tpu.memory_space<vmem>>
          %gather3A_487 = tpu.vector_load_idx %gather3A_486[%add3A_312, %and3A_477] : memref<96x128xi32, #tpu.memory_space<vmem>>[vector<16xi32>, vector<16xi32>], vector<16xi32>,
          %gather3A_488 = arith.constant 0 : i32
          %gather3A_489 = arith.constant 0 : i32
          %gather3A_490 = tpu.memref_slice %arg12[%scan3A_317, %gather3A_488, %gather3A_489] : memref<2x96x128xi32, #tpu.memory_space<vmem>> -> memref<1x96x128xi32, #tpu.memory_space<vmem>>
          %gather3A_491 = tpu.memref_squeeze %gather3A_490 : memref<1x96x128xi32, #tpu.memory_space<vmem>> -> memref<96x128xi32, #tpu.memory_space<vmem>>
          %gather3A_492 = tpu.vector_load_idx %gather3A_491[%add3A_312, %and3A_477] : memref<96x128xi32, #tpu.memory_space<vmem>>[vector<16xi32>, vector<16xi32>], vector<16xi32>,
          %bitcast3A_493 = vector.bitcast %gather3A_482 : vector<16xi32> to vector<32xbf16>
          %bitcast3A_494 = vector.bitcast %gather3A_487 : vector<16xi32> to vector<32xbf16>
          %bitcast3A_495 = vector.bitcast %gather3A_492 : vector<16xi32> to vector<32xbf16>
          %mul3A_496 = arith.mulf %bitcast3A_493, %bitcast3A_495 : vector<32xbf16>
          %mul3A_497 = arith.mulf %mul3A_496, %bitcast3A_494 : vector<32xbf16>
          %add3A_498 = arith.addf %add3A_468, %mul3A_497 : vector<32xbf16>
          %mul3A_499 = arith.constant 8 : i32
          %mul3A_500 = arith.muli %scan3A_348, %mul3A_499 : i32
          %add3A_501 = arith.constant 5 : i32
          %add3A_502 = arith.addi %mul3A_500, %add3A_501 : i32
          %add3A_503 = vector.broadcast %add3A_502 : i32 to vector<16xi32>
          %add3A_504 = arith.addi %iota3A, %add3A_503 : vector<16xi32>
          %and3A_505 = arith.constant 127 : i32
          %and3A_506 = vector.broadcast %and3A_505 : i32 to vector<16xi32>
          %and3A_507 = arith.andi %add3A_504, %and3A_506 : vector<16xi32>
          %gather3A_508 = arith.constant 0 : i32
          %gather3A_509 = arith.constant 0 : i32
          %gather3A_510 = tpu.memref_slice %arg10[%scan3A_315, %gather3A_508, %gather3A_509] : memref<2x96x128xi32, #tpu.memory_space<vmem>> -> memref<1x96x128xi32, #tpu.memory_space<vmem>>
          %gather3A_511 = tpu.memref_squeeze %gather3A_510 : memref<1x96x128xi32, #tpu.memory_space<vmem>> -> memref<96x128xi32, #tpu.memory_space<vmem>>
          %gather3A_512 = tpu.vector_load_idx %gather3A_511[%add3A_312, %and3A_507] : memref<96x128xi32, #tpu.memory_space<vmem>>[vector<16xi32>, vector<16xi32>], vector<16xi32>,
          %gather3A_513 = arith.constant 0 : i32
          %gather3A_514 = arith.constant 0 : i32
          %gather3A_515 = tpu.memref_slice %arg11[%scan3A_316, %gather3A_513, %gather3A_514] : memref<2x96x128xi32, #tpu.memory_space<vmem>> -> memref<1x96x128xi32, #tpu.memory_space<vmem>>
          %gather3A_516 = tpu.memref_squeeze %gather3A_515 : memref<1x96x128xi32, #tpu.memory_space<vmem>> -> memref<96x128xi32, #tpu.memory_space<vmem>>
          %gather3A_517 = tpu.vector_load_idx %gather3A_516[%add3A_312, %and3A_507] : memref<96x128xi32, #tpu.memory_space<vmem>>[vector<16xi32>, vector<16xi32>], vector<16xi32>,
          %gather3A_518 = arith.constant 0 : i32
          %gather3A_519 = arith.constant 0 : i32
          %gather3A_520 = tpu.memref_slice %arg12[%scan3A_317, %gather3A_518, %gather3A_519] : memref<2x96x128xi32, #tpu.memory_space<vmem>> -> memref<1x96x128xi32, #tpu.memory_space<vmem>>
          %gather3A_521 = tpu.memref_squeeze %gather3A_520 : memref<1x96x128xi32, #tpu.memory_space<vmem>> -> memref<96x128xi32, #tpu.memory_space<vmem>>
          %gather3A_522 = tpu.vector_load_idx %gather3A_521[%add3A_312, %and3A_507] : memref<96x128xi32, #tpu.memory_space<vmem>>[vector<16xi32>, vector<16xi32>], vector<16xi32>,
          %bitcast3A_523 = vector.bitcast %gather3A_512 : vector<16xi32> to vector<32xbf16>
          %bitcast3A_524 = vector.bitcast %gather3A_517 : vector<16xi32> to vector<32xbf16>
          %bitcast3A_525 = vector.bitcast %gather3A_522 : vector<16xi32> to vector<32xbf16>
          %mul3A_526 = arith.mulf %bitcast3A_523, %bitcast3A_525 : vector<32xbf16>
          %mul3A_527 = arith.mulf %mul3A_526, %bitcast3A_524 : vector<32xbf16>
          %add3A_528 = arith.addf %add3A_498, %mul3A_527 : vector<32xbf16>
          %mul3A_529 = arith.constant 8 : i32
          %mul3A_530 = arith.muli %scan3A_348, %mul3A_529 : i32
          %add3A_531 = arith.constant 6 : i32
          %add3A_532 = arith.addi %mul3A_530, %add3A_531 : i32
          %add3A_533 = vector.broadcast %add3A_532 : i32 to vector<16xi32>
          %add3A_534 = arith.addi %iota3A, %add3A_533 : vector<16xi32>
          %and3A_535 = arith.constant 127 : i32
          %and3A_536 = vector.broadcast %and3A_535 : i32 to vector<16xi32>
          %and3A_537 = arith.andi %add3A_534, %and3A_536 : vector<16xi32>
          %gather3A_538 = arith.constant 0 : i32
          %gather3A_539 = arith.constant 0 : i32
          %gather3A_540 = tpu.memref_slice %arg10[%scan3A_315, %gather3A_538, %gather3A_539] : memref<2x96x128xi32, #tpu.memory_space<vmem>> -> memref<1x96x128xi32, #tpu.memory_space<vmem>>
          %gather3A_541 = tpu.memref_squeeze %gather3A_540 : memref<1x96x128xi32, #tpu.memory_space<vmem>> -> memref<96x128xi32, #tpu.memory_space<vmem>>
          %gather3A_542 = tpu.vector_load_idx %gather3A_541[%add3A_312, %and3A_537] : memref<96x128xi32, #tpu.memory_space<vmem>>[vector<16xi32>, vector<16xi32>], vector<16xi32>,
          %gather3A_543 = arith.constant 0 : i32
          %gather3A_544 = arith.constant 0 : i32
          %gather3A_545 = tpu.memref_slice %arg11[%scan3A_316, %gather3A_543, %gather3A_544] : memref<2x96x128xi32, #tpu.memory_space<vmem>> -> memref<1x96x128xi32, #tpu.memory_space<vmem>>
          %gather3A_546 = tpu.memref_squeeze %gather3A_545 : memref<1x96x128xi32, #tpu.memory_space<vmem>> -> memref<96x128xi32, #tpu.memory_space<vmem>>
          %gather3A_547 = tpu.vector_load_idx %gather3A_546[%add3A_312, %and3A_537] : memref<96x128xi32, #tpu.memory_space<vmem>>[vector<16xi32>, vector<16xi32>], vector<16xi32>,
          %gather3A_548 = arith.constant 0 : i32
          %gather3A_549 = arith.constant 0 : i32
          %gather3A_550 = tpu.memref_slice %arg12[%scan3A_317, %gather3A_548, %gather3A_549] : memref<2x96x128xi32, #tpu.memory_space<vmem>> -> memref<1x96x128xi32, #tpu.memory_space<vmem>>
          %gather3A_551 = tpu.memref_squeeze %gather3A_550 : memref<1x96x128xi32, #tpu.memory_space<vmem>> -> memref<96x128xi32, #tpu.memory_space<vmem>>
          %gather3A_552 = tpu.vector_load_idx %gather3A_551[%add3A_312, %and3A_537] : memref<96x128xi32, #tpu.memory_space<vmem>>[vector<16xi32>, vector<16xi32>], vector<16xi32>,
          %bitcast3A_553 = vector.bitcast %gather3A_542 : vector<16xi32> to vector<32xbf16>
          %bitcast3A_554 = vector.bitcast %gather3A_547 : vector<16xi32> to vector<32xbf16>
          %bitcast3A_555 = vector.bitcast %gather3A_552 : vector<16xi32> to vector<32xbf16>
          %mul3A_556 = arith.mulf %bitcast3A_553, %bitcast3A_555 : vector<32xbf16>
          %mul3A_557 = arith.mulf %mul3A_556, %bitcast3A_554 : vector<32xbf16>
          %add3A_558 = arith.addf %add3A_528, %mul3A_557 : vector<32xbf16>
          %mul3A_559 = arith.constant 8 : i32
          %mul3A_560 = arith.muli %scan3A_348, %mul3A_559 : i32
          %add3A_561 = arith.constant 7 : i32
          %add3A_562 = arith.addi %mul3A_560, %add3A_561 : i32
          %add3A_563 = vector.broadcast %add3A_562 : i32 to vector<16xi32>
          %add3A_564 = arith.addi %iota3A, %add3A_563 : vector<16xi32>
          %and3A_565 = arith.constant 127 : i32
          %and3A_566 = vector.broadcast %and3A_565 : i32 to vector<16xi32>
          %and3A_567 = arith.andi %add3A_564, %and3A_566 : vector<16xi32>
          %gather3A_568 = arith.constant 0 : i32
          %gather3A_569 = arith.constant 0 : i32
          %gather3A_570 = tpu.memref_slice %arg10[%scan3A_315, %gather3A_568, %gather3A_569] : memref<2x96x128xi32, #tpu.memory_space<vmem>> -> memref<1x96x128xi32, #tpu.memory_space<vmem>>
          %gather3A_571 = tpu.memref_squeeze %gather3A_570 : memref<1x96x128xi32, #tpu.memory_space<vmem>> -> memref<96x128xi32, #tpu.memory_space<vmem>>
          %gather3A_572 = tpu.vector_load_idx %gather3A_571[%add3A_312, %and3A_567] : memref<96x128xi32, #tpu.memory_space<vmem>>[vector<16xi32>, vector<16xi32>], vector<16xi32>,
          %gather3A_573 = arith.constant 0 : i32
          %gather3A_574 = arith.constant 0 : i32
          %gather3A_575 = tpu.memref_slice %arg11[%scan3A_316, %gather3A_573, %gather3A_574] : memref<2x96x128xi32, #tpu.memory_space<vmem>> -> memref<1x96x128xi32, #tpu.memory_space<vmem>>
          %gather3A_576 = tpu.memref_squeeze %gather3A_575 : memref<1x96x128xi32, #tpu.memory_space<vmem>> -> memref<96x128xi32, #tpu.memory_space<vmem>>
          %gather3A_577 = tpu.vector_load_idx %gather3A_576[%add3A_312, %and3A_567] : memref<96x128xi32, #tpu.memory_space<vmem>>[vector<16xi32>, vector<16xi32>], vector<16xi32>,
          %gather3A_578 = arith.constant 0 : i32
          %gather3A_579 = arith.constant 0 : i32
          %gather3A_580 = tpu.memref_slice %arg12[%scan3A_317, %gather3A_578, %gather3A_579] : memref<2x96x128xi32, #tpu.memory_space<vmem>> -> memref<1x96x128xi32, #tpu.memory_space<vmem>>
          %gather3A_581 = tpu.memref_squeeze %gather3A_580 : memref<1x96x128xi32, #tpu.memory_space<vmem>> -> memref<96x128xi32, #tpu.memory_space<vmem>>
          %gather3A_582 = tpu.vector_load_idx %gather3A_581[%add3A_312, %and3A_567] : memref<96x128xi32, #tpu.memory_space<vmem>>[vector<16xi32>, vector<16xi32>], vector<16xi32>,
          %bitcast3A_583 = vector.bitcast %gather3A_572 : vector<16xi32> to vector<32xbf16>
          %bitcast3A_584 = vector.bitcast %gather3A_577 : vector<16xi32> to vector<32xbf16>
          %bitcast3A_585 = vector.bitcast %gather3A_582 : vector<16xi32> to vector<32xbf16>
          %mul3A_586 = arith.mulf %bitcast3A_583, %bitcast3A_585 : vector<32xbf16>
          %mul3A_587 = arith.mulf %mul3A_586, %bitcast3A_584 : vector<32xbf16>
          %add3A_588 = arith.addf %add3A_558, %mul3A_587 : vector<32xbf16>
          scf.yield %add3A_588 : vector<32xbf16>
        }
        %scan3A_323 = arith.constant 16 : i32
        %bitcast3A_324 = vector.bitcast %scan3A_322 : vector<32xbf16> to vector<16xi32>
        %shift_left3A_325 = arith.constant 16 : i32
        %shift_left3A_326 = vector.broadcast %shift_left3A_325 : i32 to vector<16xi32>
        %shift_left3A_327 = arith.shli %bitcast3A_324, %shift_left3A_326 : vector<16xi32>
        %bitcast3A_328 = vector.bitcast %shift_left3A_327 : vector<16xi32> to vector<16xf32>
        %and3A_329 = arith.andi %bitcast3A_324, %broadcast_in_dim3A_53 : vector<16xi32>
        %bitcast3A_330 = vector.bitcast %and3A_329 : vector<16xi32> to vector<16xf32>
        %add3A_331 = arith.addf %bitcast3A_328, %bitcast3A_330 : vector<16xf32>
        %neg3A_332 = arith.constant 0.000000e+00 : f32
        %neg3A_333 = vector.broadcast %neg3A_332 : f32 to vector<16xf32>
        %neg3A_334 = arith.subf %neg3A_333, %add3A_331 : vector<16xf32>
        %exp3A_335 = math.exp %neg3A_334 : vector<16xf32>
        %add3A_336 = arith.constant 1.000000e+00 : f32
        %add3A_337 = vector.broadcast %add3A_336 : f32 to vector<16xf32>
        %add3A_338 = arith.addf %add3A_337, %exp3A_335 : vector<16xf32>
        %div3A_339 = arith.constant 1.000000e+00 : f32
        %div3A_340 = vector.broadcast %div3A_339 : f32 to vector<16xf32>
        %div3A_341 = arith.divf %div3A_340, %add3A_338 : vector<16xf32>
        %mul3A_342 = arith.constant 96 : i32
        %mul3A_343 = arith.muli %add3A_71, %mul3A_342 : i32
        %add3A_344 = arith.constant 80 : i32
        %add3A_345 = arith.addi %mul3A_343, %add3A_344 : i32
        %swap3A_346 = arith.index_cast %add3A_345 : i32 to index
        %swap3A_347 = tpu.vector_load %arg13[%swap3A_346] {strides = array<i32>} : memref<9504xf32, #tpu.memory_space<vmem>>, vector<16xf32>,
        tpu.vector_store %arg13[%swap3A_346], %div3A_341 {strides = array<i32>} : memref<9504xf32, #tpu.memory_space<vmem>>, vector<16xf32>,
      } else {
      }
      %mul3A_75 = arith.constant 2 : i32
      %mul3A_76 = arith.muli %scan3A_67, %mul3A_75 : i32
      %add3A_77 = arith.constant 1 : i32
      %add3A_78 = arith.addi %mul3A_76, %add3A_77 : i32
      %lt3A_79 = arith.cmpi slt, %add3A_78, %select_n3A : i32
      %convert_element_type3A_80 = arith.extui %lt3A_79 : i1 to i32
      %cond3A_81 = arith.constant 0 : i32
      %cond3A_82 = arith.cmpi ne, %convert_element_type3A_80, %cond3A_81 : i32
      scf.if %cond3A_82 {
        %dma_wait3A = arith.constant 1 : i32
        %dma_wait3A_83 = arith.constant 1 : i32
        %dma_wait3A_84 = arith.constant 0 : i32
        %dma_wait3A_85 = arith.constant 0 : i32
        %dma_wait3A_86 = tpu.memref_slice %arg10[%dma_wait3A, %dma_wait3A_84, %dma_wait3A_85] : memref<2x96x128xi32, #tpu.memory_space<vmem>> -> memref<1x96x128xi32, #tpu.memory_space<vmem>>
        %dma_wait3A_87 = tpu.memref_squeeze %dma_wait3A_86 : memref<1x96x128xi32, #tpu.memory_space<vmem>> -> memref<96x128xi32, #tpu.memory_space<vmem>>
        %dma_wait3A_88 = arith.constant 0 : i32
        %dma_wait3A_89 = tpu.memref_slice %arg7[%dma_wait3A_88] : memref<9504xi32, #tpu.memory_space<vmem>> -> memref<96xi32, #tpu.memory_space<vmem>>
        %dma_wait3A_90 = arith.constant 0 : i32
        %dma_wait3A_91 = arith.constant 0 : i32
        %dma_wait3A_92 = tpu.memref_slice %arg4[%dma_wait3A_90, %dma_wait3A_91] : memref<100000x128xi32, #tpu.memory_space<hbm>> -> memref<100000x128xi32, #tpu.memory_space<hbm>>
        %dma_wait3A_93 = tpu.memref_slice %arg15[%dma_wait3A_83] : memref<2x!tpu.dma_semaphore, #tpu.memory_space<semaphore_mem>> -> memref<1x!tpu.dma_semaphore, #tpu.memory_space<semaphore_mem>>
        %dma_wait3A_94 = tpu.memref_squeeze %dma_wait3A_93 : memref<1x!tpu.dma_semaphore, #tpu.memory_space<semaphore_mem>> -> memref<!tpu.dma_semaphore, #tpu.memory_space<semaphore_mem>>
        tpu.wait_indirect_dma semaphore(%dma_wait3A_94 : memref<!tpu.dma_semaphore, #tpu.memory_space<semaphore_mem>>) src(%dma_wait3A_92 : memref<100000x128xi32, #tpu.memory_space<hbm>>) dst(%dma_wait3A_87 : memref<96x128xi32, #tpu.memory_space<vmem>>)
        %dma_wait3A_95 = arith.constant 1 : i32
        %dma_wait3A_96 = arith.constant 1 : i32
        %dma_wait3A_97 = arith.constant 0 : i32
        %dma_wait3A_98 = arith.constant 0 : i32
        %dma_wait3A_99 = tpu.memref_slice %arg11[%dma_wait3A_95, %dma_wait3A_97, %dma_wait3A_98] : memref<2x96x128xi32, #tpu.memory_space<vmem>> -> memref<1x96x128xi32, #tpu.memory_space<vmem>>
        %dma_wait3A_100 = tpu.memref_squeeze %dma_wait3A_99 : memref<1x96x128xi32, #tpu.memory_space<vmem>> -> memref<96x128xi32, #tpu.memory_space<vmem>>
        %dma_wait3A_101 = arith.constant 0 : i32
        %dma_wait3A_102 = tpu.memref_slice %arg8[%dma_wait3A_101] : memref<9504xi32, #tpu.memory_space<vmem>> -> memref<96xi32, #tpu.memory_space<vmem>>
        %dma_wait3A_103 = arith.constant 0 : i32
        %dma_wait3A_104 = arith.constant 0 : i32
        %dma_wait3A_105 = tpu.memref_slice %arg4[%dma_wait3A_103, %dma_wait3A_104] : memref<100000x128xi32, #tpu.memory_space<hbm>> -> memref<100000x128xi32, #tpu.memory_space<hbm>>
        %dma_wait3A_106 = tpu.memref_slice %arg16[%dma_wait3A_96] : memref<2x!tpu.dma_semaphore, #tpu.memory_space<semaphore_mem>> -> memref<1x!tpu.dma_semaphore, #tpu.memory_space<semaphore_mem>>
        %dma_wait3A_107 = tpu.memref_squeeze %dma_wait3A_106 : memref<1x!tpu.dma_semaphore, #tpu.memory_space<semaphore_mem>> -> memref<!tpu.dma_semaphore, #tpu.memory_space<semaphore_mem>>
        tpu.wait_indirect_dma semaphore(%dma_wait3A_107 : memref<!tpu.dma_semaphore, #tpu.memory_space<semaphore_mem>>) src(%dma_wait3A_105 : memref<100000x128xi32, #tpu.memory_space<hbm>>) dst(%dma_wait3A_100 : memref<96x128xi32, #tpu.memory_space<vmem>>)
        %dma_wait3A_108 = arith.constant 1 : i32
        %dma_wait3A_109 = arith.constant 1 : i32
        %dma_wait3A_110 = arith.constant 0 : i32
        %dma_wait3A_111 = arith.constant 0 : i32
        %dma_wait3A_112 = tpu.memref_slice %arg12[%dma_wait3A_108, %dma_wait3A_110, %dma_wait3A_111] : memref<2x96x128xi32, #tpu.memory_space<vmem>> -> memref<1x96x128xi32, #tpu.memory_space<vmem>>
        %dma_wait3A_113 = tpu.memref_squeeze %dma_wait3A_112 : memref<1x96x128xi32, #tpu.memory_space<vmem>> -> memref<96x128xi32, #tpu.memory_space<vmem>>
        %dma_wait3A_114 = arith.constant 0 : i32
        %dma_wait3A_115 = tpu.memref_slice %arg9[%dma_wait3A_114] : memref<9504xi32, #tpu.memory_space<vmem>> -> memref<96xi32, #tpu.memory_space<vmem>>
        %dma_wait3A_116 = arith.constant 0 : i32
        %dma_wait3A_117 = arith.constant 0 : i32
        %dma_wait3A_118 = tpu.memref_slice %arg5[%dma_wait3A_116, %dma_wait3A_117] : memref<1000x128xi32, #tpu.memory_space<hbm>> -> memref<1000x128xi32, #tpu.memory_space<hbm>>
        %dma_wait3A_119 = tpu.memref_slice %arg17[%dma_wait3A_109] : memref<2x!tpu.dma_semaphore, #tpu.memory_space<semaphore_mem>> -> memref<1x!tpu.dma_semaphore, #tpu.memory_space<semaphore_mem>>
        %dma_wait3A_120 = tpu.memref_squeeze %dma_wait3A_119 : memref<1x!tpu.dma_semaphore, #tpu.memory_space<semaphore_mem>> -> memref<!tpu.dma_semaphore, #tpu.memory_space<semaphore_mem>>
        tpu.wait_indirect_dma semaphore(%dma_wait3A_120 : memref<!tpu.dma_semaphore, #tpu.memory_space<semaphore_mem>>) src(%dma_wait3A_118 : memref<1000x128xi32, #tpu.memory_space<hbm>>) dst(%dma_wait3A_113 : memref<96x128xi32, #tpu.memory_space<vmem>>)
        %add3A_121 = arith.constant 1 : i32
        %add3A_122 = arith.addi %add3A_78, %add3A_121 : i32
        %lt3A_123 = arith.cmpi slt, %add3A_122, %select_n3A : i32
        %convert_element_type3A_124 = arith.extui %lt3A_123 : i1 to i32
        %cond3A_125 = arith.constant 0 : i32
        %cond3A_126 = arith.cmpi ne, %convert_element_type3A_124, %cond3A_125 : i32
        scf.if %cond3A_126 {
          %add3A_348 = arith.constant 1 : i32
          %add3A_349 = arith.addi %add3A_78, %add3A_348 : i32
          %mul3A_350 = arith.constant 96 : i32
          %mul3A_351 = arith.muli %add3A_349, %mul3A_350 : i32
          %dma_start3A_352 = arith.constant 0 : i32
          %dma_start3A_353 = arith.constant 0 : i32
          %dma_start3A_354 = arith.constant 0 : i32
          %dma_start3A_355 = arith.constant 0 : i32
          %dma_start3A_356 = tpu.memref_slice %arg10[%dma_start3A_352, %dma_start3A_354, %dma_start3A_355] : memref<2x96x128xi32, #tpu.memory_space<vmem>> -> memref<1x96x128xi32, #tpu.memory_space<vmem>>
          %dma_start3A_357 = tpu.memref_squeeze %dma_start3A_356 : memref<1x96x128xi32, #tpu.memory_space<vmem>> -> memref<96x128xi32, #tpu.memory_space<vmem>>
          %dma_start3A_358 = tpu.memref_slice %arg7[%mul3A_351] : memref<9504xi32, #tpu.memory_space<vmem>> -> memref<96xi32, #tpu.memory_space<vmem>>
          %dma_start3A_359 = arith.constant 0 : i32
          %dma_start3A_360 = arith.constant 0 : i32
          %dma_start3A_361 = tpu.memref_slice %arg4[%dma_start3A_359, %dma_start3A_360] : memref<100000x128xi32, #tpu.memory_space<hbm>> -> memref<100000x128xi32, #tpu.memory_space<hbm>>
          %dma_start3A_362 = tpu.memref_slice %arg15[%dma_start3A_353] : memref<2x!tpu.dma_semaphore, #tpu.memory_space<semaphore_mem>> -> memref<1x!tpu.dma_semaphore, #tpu.memory_space<semaphore_mem>>
          %dma_start3A_363 = tpu.memref_squeeze %dma_start3A_362 : memref<1x!tpu.dma_semaphore, #tpu.memory_space<semaphore_mem>> -> memref<!tpu.dma_semaphore, #tpu.memory_space<semaphore_mem>>
          tpu.enqueue_indirect_dma source(%dma_start3A_361 : memref<100000x128xi32, #tpu.memory_space<hbm>>) target(%dma_start3A_357 : memref<96x128xi32, #tpu.memory_space<vmem>>) offsets(%dma_start3A_358 : memref<96xi32, #tpu.memory_space<vmem>>) semaphore(%dma_start3A_363 : memref<!tpu.dma_semaphore, #tpu.memory_space<semaphore_mem>>)
          %dma_start3A_364 = arith.constant 0 : i32
          %dma_start3A_365 = arith.constant 0 : i32
          %dma_start3A_366 = arith.constant 0 : i32
          %dma_start3A_367 = arith.constant 0 : i32
          %dma_start3A_368 = tpu.memref_slice %arg11[%dma_start3A_364, %dma_start3A_366, %dma_start3A_367] : memref<2x96x128xi32, #tpu.memory_space<vmem>> -> memref<1x96x128xi32, #tpu.memory_space<vmem>>
          %dma_start3A_369 = tpu.memref_squeeze %dma_start3A_368 : memref<1x96x128xi32, #tpu.memory_space<vmem>> -> memref<96x128xi32, #tpu.memory_space<vmem>>
          %dma_start3A_370 = tpu.memref_slice %arg8[%mul3A_351] : memref<9504xi32, #tpu.memory_space<vmem>> -> memref<96xi32, #tpu.memory_space<vmem>>
          %dma_start3A_371 = arith.constant 0 : i32
          %dma_start3A_372 = arith.constant 0 : i32
          %dma_start3A_373 = tpu.memref_slice %arg4[%dma_start3A_371, %dma_start3A_372] : memref<100000x128xi32, #tpu.memory_space<hbm>> -> memref<100000x128xi32, #tpu.memory_space<hbm>>
          %dma_start3A_374 = tpu.memref_slice %arg16[%dma_start3A_365] : memref<2x!tpu.dma_semaphore, #tpu.memory_space<semaphore_mem>> -> memref<1x!tpu.dma_semaphore, #tpu.memory_space<semaphore_mem>>
          %dma_start3A_375 = tpu.memref_squeeze %dma_start3A_374 : memref<1x!tpu.dma_semaphore, #tpu.memory_space<semaphore_mem>> -> memref<!tpu.dma_semaphore, #tpu.memory_space<semaphore_mem>>
          tpu.enqueue_indirect_dma source(%dma_start3A_373 : memref<100000x128xi32, #tpu.memory_space<hbm>>) target(%dma_start3A_369 : memref<96x128xi32, #tpu.memory_space<vmem>>) offsets(%dma_start3A_370 : memref<96xi32, #tpu.memory_space<vmem>>) semaphore(%dma_start3A_375 : memref<!tpu.dma_semaphore, #tpu.memory_space<semaphore_mem>>)
          %dma_start3A_376 = arith.constant 0 : i32
          %dma_start3A_377 = arith.constant 0 : i32
          %dma_start3A_378 = arith.constant 0 : i32
          %dma_start3A_379 = arith.constant 0 : i32
          %dma_start3A_380 = tpu.memref_slice %arg12[%dma_start3A_376, %dma_start3A_378, %dma_start3A_379] : memref<2x96x128xi32, #tpu.memory_space<vmem>> -> memref<1x96x128xi32, #tpu.memory_space<vmem>>
          %dma_start3A_381 = tpu.memref_squeeze %dma_start3A_380 : memref<1x96x128xi32, #tpu.memory_space<vmem>> -> memref<96x128xi32, #tpu.memory_space<vmem>>
          %dma_start3A_382 = tpu.memref_slice %arg9[%mul3A_351] : memref<9504xi32, #tpu.memory_space<vmem>> -> memref<96xi32, #tpu.memory_space<vmem>>
          %dma_start3A_383 = arith.constant 0 : i32
          %dma_start3A_384 = arith.constant 0 : i32
          %dma_start3A_385 = tpu.memref_slice %arg14[%dma_start3A_383, %dma_start3A_384] : memref<1000x128xi32, #tpu.memory_space<vmem_shared>> -> memref<1000x128xi32, #tpu.memory_space<vmem_shared>>
          %dma_start3A_386 = tpu.memref_slice %arg17[%dma_start3A_377] : memref<2x!tpu.dma_semaphore, #tpu.memory_space<semaphore_mem>> -> memref<1x!tpu.dma_semaphore, #tpu.memory_space<semaphore_mem>>
          %dma_start3A_387 = tpu.memref_squeeze %dma_start3A_386 : memref<1x!tpu.dma_semaphore, #tpu.memory_space<semaphore_mem>> -> memref<!tpu.dma_semaphore, #tpu.memory_space<semaphore_mem>>
          tpu.enqueue_indirect_dma source(%dma_start3A_385 : memref<1000x128xi32, #tpu.memory_space<vmem_shared>>) target(%dma_start3A_381 : memref<96x128xi32, #tpu.memory_space<vmem>>) offsets(%dma_start3A_382 : memref<96xi32, #tpu.memory_space<vmem>>) semaphore(%dma_start3A_387 : memref<!tpu.dma_semaphore, #tpu.memory_space<semaphore_mem>>)
        } else {
        }
        %add3A_127 = arith.constant 0 : i32
        %add3A_128 = vector.broadcast %add3A_127 : i32 to vector<16xi32>
        %add3A_129 = arith.addi %iota3A, %add3A_128 : vector<16xi32>
        %broadcast_in_dim3A_130 = arith.constant 0.000000e+00 : bf16
        %broadcast_in_dim3A_131 = vector.broadcast %broadcast_in_dim3A_130 : bf16 to vector<32xbf16>
        %scan3A_132 = arith.constant 1 : i32
        %scan3A_133 = arith.constant 1 : i32
        %scan3A_134 = arith.constant 1 : i32
        %scan3A_135 = arith.constant 0 : i32
        %scan3A_136 = arith.constant 16 : i32
        %scan3A_137 = arith.addi %scan3A_135, %scan3A_136 : i32
        %scan3A_138 = arith.constant 1 : i32
        %scan3A_139 = scf.for %scan3A_348 = %scan3A_135 to %scan3A_137 step %scan3A_138 iter_args(%scan3A_349 = %broadcast_in_dim3A_131) -> (vector<32xbf16>)  : i32 {
          %mul3A_350 = arith.constant 8 : i32
          %mul3A_351 = arith.muli %scan3A_348, %mul3A_350 : i32
          %add3A_352 = arith.constant 0 : i32
          %add3A_353 = arith.addi %mul3A_351, %add3A_352 : i32
          %add3A_354 = vector.broadcast %add3A_353 : i32 to vector<16xi32>
          %add3A_355 = arith.addi %iota3A, %add3A_354 : vector<16xi32>
          %and3A_356 = arith.constant 127 : i32
          %and3A_357 = vector.broadcast %and3A_356 : i32 to vector<16xi32>
          %and3A_358 = arith.andi %add3A_355, %and3A_357 : vector<16xi32>
          %gather3A = arith.constant 0 : i32
          %gather3A_359 = arith.constant 0 : i32
          %gather3A_360 = tpu.memref_slice %arg10[%scan3A_132, %gather3A, %gather3A_359] : memref<2x96x128xi32, #tpu.memory_space<vmem>> -> memref<1x96x128xi32, #tpu.memory_space<vmem>>
          %gather3A_361 = tpu.memref_squeeze %gather3A_360 : memref<1x96x128xi32, #tpu.memory_space<vmem>> -> memref<96x128xi32, #tpu.memory_space<vmem>>
          %gather3A_362 = tpu.vector_load_idx %gather3A_361[%add3A_129, %and3A_358] : memref<96x128xi32, #tpu.memory_space<vmem>>[vector<16xi32>, vector<16xi32>], vector<16xi32>,
          %gather3A_363 = arith.constant 0 : i32
          %gather3A_364 = arith.constant 0 : i32
          %gather3A_365 = tpu.memref_slice %arg11[%scan3A_133, %gather3A_363, %gather3A_364] : memref<2x96x128xi32, #tpu.memory_space<vmem>> -> memref<1x96x128xi32, #tpu.memory_space<vmem>>
          %gather3A_366 = tpu.memref_squeeze %gather3A_365 : memref<1x96x128xi32, #tpu.memory_space<vmem>> -> memref<96x128xi32, #tpu.memory_space<vmem>>
          %gather3A_367 = tpu.vector_load_idx %gather3A_366[%add3A_129, %and3A_358] : memref<96x128xi32, #tpu.memory_space<vmem>>[vector<16xi32>, vector<16xi32>], vector<16xi32>,
          %gather3A_368 = arith.constant 0 : i32
          %gather3A_369 = arith.constant 0 : i32
          %gather3A_370 = tpu.memref_slice %arg12[%scan3A_134, %gather3A_368, %gather3A_369] : memref<2x96x128xi32, #tpu.memory_space<vmem>> -> memref<1x96x128xi32, #tpu.memory_space<vmem>>
          %gather3A_371 = tpu.memref_squeeze %gather3A_370 : memref<1x96x128xi32, #tpu.memory_space<vmem>> -> memref<96x128xi32, #tpu.memory_space<vmem>>
          %gather3A_372 = tpu.vector_load_idx %gather3A_371[%add3A_129, %and3A_358] : memref<96x128xi32, #tpu.memory_space<vmem>>[vector<16xi32>, vector<16xi32>], vector<16xi32>,
          %bitcast3A_373 = vector.bitcast %gather3A_362 : vector<16xi32> to vector<32xbf16>
          %bitcast3A_374 = vector.bitcast %gather3A_367 : vector<16xi32> to vector<32xbf16>
          %bitcast3A_375 = vector.bitcast %gather3A_372 : vector<16xi32> to vector<32xbf16>
          %mul3A_376 = arith.mulf %bitcast3A_373, %bitcast3A_375 : vector<32xbf16>
          %mul3A_377 = arith.mulf %mul3A_376, %bitcast3A_374 : vector<32xbf16>
          %add3A_378 = arith.addf %scan3A_349, %mul3A_377 : vector<32xbf16>
          %mul3A_379 = arith.constant 8 : i32
          %mul3A_380 = arith.muli %scan3A_348, %mul3A_379 : i32
          %add3A_381 = arith.constant 1 : i32
          %add3A_382 = arith.addi %mul3A_380, %add3A_381 : i32
          %add3A_383 = vector.broadcast %add3A_382 : i32 to vector<16xi32>
          %add3A_384 = arith.addi %iota3A, %add3A_383 : vector<16xi32>
          %and3A_385 = arith.constant 127 : i32
          %and3A_386 = vector.broadcast %and3A_385 : i32 to vector<16xi32>
          %and3A_387 = arith.andi %add3A_384, %and3A_386 : vector<16xi32>
          %gather3A_388 = arith.constant 0 : i32
          %gather3A_389 = arith.constant 0 : i32
          %gather3A_390 = tpu.memref_slice %arg10[%scan3A_132, %gather3A_388, %gather3A_389] : memref<2x96x128xi32, #tpu.memory_space<vmem>> -> memref<1x96x128xi32, #tpu.memory_space<vmem>>
          %gather3A_391 = tpu.memref_squeeze %gather3A_390 : memref<1x96x128xi32, #tpu.memory_space<vmem>> -> memref<96x128xi32, #tpu.memory_space<vmem>>
          %gather3A_392 = tpu.vector_load_idx %gather3A_391[%add3A_129, %and3A_387] : memref<96x128xi32, #tpu.memory_space<vmem>>[vector<16xi32>, vector<16xi32>], vector<16xi32>,
          %gather3A_393 = arith.constant 0 : i32
          %gather3A_394 = arith.constant 0 : i32
          %gather3A_395 = tpu.memref_slice %arg11[%scan3A_133, %gather3A_393, %gather3A_394] : memref<2x96x128xi32, #tpu.memory_space<vmem>> -> memref<1x96x128xi32, #tpu.memory_space<vmem>>
          %gather3A_396 = tpu.memref_squeeze %gather3A_395 : memref<1x96x128xi32, #tpu.memory_space<vmem>> -> memref<96x128xi32, #tpu.memory_space<vmem>>
          %gather3A_397 = tpu.vector_load_idx %gather3A_396[%add3A_129, %and3A_387] : memref<96x128xi32, #tpu.memory_space<vmem>>[vector<16xi32>, vector<16xi32>], vector<16xi32>,
          %gather3A_398 = arith.constant 0 : i32
          %gather3A_399 = arith.constant 0 : i32
          %gather3A_400 = tpu.memref_slice %arg12[%scan3A_134, %gather3A_398, %gather3A_399] : memref<2x96x128xi32, #tpu.memory_space<vmem>> -> memref<1x96x128xi32, #tpu.memory_space<vmem>>
          %gather3A_401 = tpu.memref_squeeze %gather3A_400 : memref<1x96x128xi32, #tpu.memory_space<vmem>> -> memref<96x128xi32, #tpu.memory_space<vmem>>
          %gather3A_402 = tpu.vector_load_idx %gather3A_401[%add3A_129, %and3A_387] : memref<96x128xi32, #tpu.memory_space<vmem>>[vector<16xi32>, vector<16xi32>], vector<16xi32>,
          %bitcast3A_403 = vector.bitcast %gather3A_392 : vector<16xi32> to vector<32xbf16>
          %bitcast3A_404 = vector.bitcast %gather3A_397 : vector<16xi32> to vector<32xbf16>
          %bitcast3A_405 = vector.bitcast %gather3A_402 : vector<16xi32> to vector<32xbf16>
          %mul3A_406 = arith.mulf %bitcast3A_403, %bitcast3A_405 : vector<32xbf16>
          %mul3A_407 = arith.mulf %mul3A_406, %bitcast3A_404 : vector<32xbf16>
          %add3A_408 = arith.addf %add3A_378, %mul3A_407 : vector<32xbf16>
          %mul3A_409 = arith.constant 8 : i32
          %mul3A_410 = arith.muli %scan3A_348, %mul3A_409 : i32
          %add3A_411 = arith.constant 2 : i32
          %add3A_412 = arith.addi %mul3A_410, %add3A_411 : i32
          %add3A_413 = vector.broadcast %add3A_412 : i32 to vector<16xi32>
          %add3A_414 = arith.addi %iota3A, %add3A_413 : vector<16xi32>
          %and3A_415 = arith.constant 127 : i32
          %and3A_416 = vector.broadcast %and3A_415 : i32 to vector<16xi32>
          %and3A_417 = arith.andi %add3A_414, %and3A_416 : vector<16xi32>
          %gather3A_418 = arith.constant 0 : i32
          %gather3A_419 = arith.constant 0 : i32
          %gather3A_420 = tpu.memref_slice %arg10[%scan3A_132, %gather3A_418, %gather3A_419] : memref<2x96x128xi32, #tpu.memory_space<vmem>> -> memref<1x96x128xi32, #tpu.memory_space<vmem>>
          %gather3A_421 = tpu.memref_squeeze %gather3A_420 : memref<1x96x128xi32, #tpu.memory_space<vmem>> -> memref<96x128xi32, #tpu.memory_space<vmem>>
          %gather3A_422 = tpu.vector_load_idx %gather3A_421[%add3A_129, %and3A_417] : memref<96x128xi32, #tpu.memory_space<vmem>>[vector<16xi32>, vector<16xi32>], vector<16xi32>,
          %gather3A_423 = arith.constant 0 : i32
          %gather3A_424 = arith.constant 0 : i32
          %gather3A_425 = tpu.memref_slice %arg11[%scan3A_133, %gather3A_423, %gather3A_424] : memref<2x96x128xi32, #tpu.memory_space<vmem>> -> memref<1x96x128xi32, #tpu.memory_space<vmem>>
          %gather3A_426 = tpu.memref_squeeze %gather3A_425 : memref<1x96x128xi32, #tpu.memory_space<vmem>> -> memref<96x128xi32, #tpu.memory_space<vmem>>
          %gather3A_427 = tpu.vector_load_idx %gather3A_426[%add3A_129, %and3A_417] : memref<96x128xi32, #tpu.memory_space<vmem>>[vector<16xi32>, vector<16xi32>], vector<16xi32>,
          %gather3A_428 = arith.constant 0 : i32
          %gather3A_429 = arith.constant 0 : i32
          %gather3A_430 = tpu.memref_slice %arg12[%scan3A_134, %gather3A_428, %gather3A_429] : memref<2x96x128xi32, #tpu.memory_space<vmem>> -> memref<1x96x128xi32, #tpu.memory_space<vmem>>
          %gather3A_431 = tpu.memref_squeeze %gather3A_430 : memref<1x96x128xi32, #tpu.memory_space<vmem>> -> memref<96x128xi32, #tpu.memory_space<vmem>>
          %gather3A_432 = tpu.vector_load_idx %gather3A_431[%add3A_129, %and3A_417] : memref<96x128xi32, #tpu.memory_space<vmem>>[vector<16xi32>, vector<16xi32>], vector<16xi32>,
          %bitcast3A_433 = vector.bitcast %gather3A_422 : vector<16xi32> to vector<32xbf16>
          %bitcast3A_434 = vector.bitcast %gather3A_427 : vector<16xi32> to vector<32xbf16>
          %bitcast3A_435 = vector.bitcast %gather3A_432 : vector<16xi32> to vector<32xbf16>
          %mul3A_436 = arith.mulf %bitcast3A_433, %bitcast3A_435 : vector<32xbf16>
          %mul3A_437 = arith.mulf %mul3A_436, %bitcast3A_434 : vector<32xbf16>
          %add3A_438 = arith.addf %add3A_408, %mul3A_437 : vector<32xbf16>
          %mul3A_439 = arith.constant 8 : i32
          %mul3A_440 = arith.muli %scan3A_348, %mul3A_439 : i32
          %add3A_441 = arith.constant 3 : i32
          %add3A_442 = arith.addi %mul3A_440, %add3A_441 : i32
          %add3A_443 = vector.broadcast %add3A_442 : i32 to vector<16xi32>
          %add3A_444 = arith.addi %iota3A, %add3A_443 : vector<16xi32>
          %and3A_445 = arith.constant 127 : i32
          %and3A_446 = vector.broadcast %and3A_445 : i32 to vector<16xi32>
          %and3A_447 = arith.andi %add3A_444, %and3A_446 : vector<16xi32>
          %gather3A_448 = arith.constant 0 : i32
          %gather3A_449 = arith.constant 0 : i32
          %gather3A_450 = tpu.memref_slice %arg10[%scan3A_132, %gather3A_448, %gather3A_449] : memref<2x96x128xi32, #tpu.memory_space<vmem>> -> memref<1x96x128xi32, #tpu.memory_space<vmem>>
          %gather3A_451 = tpu.memref_squeeze %gather3A_450 : memref<1x96x128xi32, #tpu.memory_space<vmem>> -> memref<96x128xi32, #tpu.memory_space<vmem>>
          %gather3A_452 = tpu.vector_load_idx %gather3A_451[%add3A_129, %and3A_447] : memref<96x128xi32, #tpu.memory_space<vmem>>[vector<16xi32>, vector<16xi32>], vector<16xi32>,
          %gather3A_453 = arith.constant 0 : i32
          %gather3A_454 = arith.constant 0 : i32
          %gather3A_455 = tpu.memref_slice %arg11[%scan3A_133, %gather3A_453, %gather3A_454] : memref<2x96x128xi32, #tpu.memory_space<vmem>> -> memref<1x96x128xi32, #tpu.memory_space<vmem>>
          %gather3A_456 = tpu.memref_squeeze %gather3A_455 : memref<1x96x128xi32, #tpu.memory_space<vmem>> -> memref<96x128xi32, #tpu.memory_space<vmem>>
          %gather3A_457 = tpu.vector_load_idx %gather3A_456[%add3A_129, %and3A_447] : memref<96x128xi32, #tpu.memory_space<vmem>>[vector<16xi32>, vector<16xi32>], vector<16xi32>,
          %gather3A_458 = arith.constant 0 : i32
          %gather3A_459 = arith.constant 0 : i32
          %gather3A_460 = tpu.memref_slice %arg12[%scan3A_134, %gather3A_458, %gather3A_459] : memref<2x96x128xi32, #tpu.memory_space<vmem>> -> memref<1x96x128xi32, #tpu.memory_space<vmem>>
          %gather3A_461 = tpu.memref_squeeze %gather3A_460 : memref<1x96x128xi32, #tpu.memory_space<vmem>> -> memref<96x128xi32, #tpu.memory_space<vmem>>
          %gather3A_462 = tpu.vector_load_idx %gather3A_461[%add3A_129, %and3A_447] : memref<96x128xi32, #tpu.memory_space<vmem>>[vector<16xi32>, vector<16xi32>], vector<16xi32>,
          %bitcast3A_463 = vector.bitcast %gather3A_452 : vector<16xi32> to vector<32xbf16>
          %bitcast3A_464 = vector.bitcast %gather3A_457 : vector<16xi32> to vector<32xbf16>
          %bitcast3A_465 = vector.bitcast %gather3A_462 : vector<16xi32> to vector<32xbf16>
          %mul3A_466 = arith.mulf %bitcast3A_463, %bitcast3A_465 : vector<32xbf16>
          %mul3A_467 = arith.mulf %mul3A_466, %bitcast3A_464 : vector<32xbf16>
          %add3A_468 = arith.addf %add3A_438, %mul3A_467 : vector<32xbf16>
          %mul3A_469 = arith.constant 8 : i32
          %mul3A_470 = arith.muli %scan3A_348, %mul3A_469 : i32
          %add3A_471 = arith.constant 4 : i32
          %add3A_472 = arith.addi %mul3A_470, %add3A_471 : i32
          %add3A_473 = vector.broadcast %add3A_472 : i32 to vector<16xi32>
          %add3A_474 = arith.addi %iota3A, %add3A_473 : vector<16xi32>
          %and3A_475 = arith.constant 127 : i32
          %and3A_476 = vector.broadcast %and3A_475 : i32 to vector<16xi32>
          %and3A_477 = arith.andi %add3A_474, %and3A_476 : vector<16xi32>
          %gather3A_478 = arith.constant 0 : i32
          %gather3A_479 = arith.constant 0 : i32
          %gather3A_480 = tpu.memref_slice %arg10[%scan3A_132, %gather3A_478, %gather3A_479] : memref<2x96x128xi32, #tpu.memory_space<vmem>> -> memref<1x96x128xi32, #tpu.memory_space<vmem>>
          %gather3A_481 = tpu.memref_squeeze %gather3A_480 : memref<1x96x128xi32, #tpu.memory_space<vmem>> -> memref<96x128xi32, #tpu.memory_space<vmem>>
          %gather3A_482 = tpu.vector_load_idx %gather3A_481[%add3A_129, %and3A_477] : memref<96x128xi32, #tpu.memory_space<vmem>>[vector<16xi32>, vector<16xi32>], vector<16xi32>,
          %gather3A_483 = arith.constant 0 : i32
          %gather3A_484 = arith.constant 0 : i32
          %gather3A_485 = tpu.memref_slice %arg11[%scan3A_133, %gather3A_483, %gather3A_484] : memref<2x96x128xi32, #tpu.memory_space<vmem>> -> memref<1x96x128xi32, #tpu.memory_space<vmem>>
          %gather3A_486 = tpu.memref_squeeze %gather3A_485 : memref<1x96x128xi32, #tpu.memory_space<vmem>> -> memref<96x128xi32, #tpu.memory_space<vmem>>
          %gather3A_487 = tpu.vector_load_idx %gather3A_486[%add3A_129, %and3A_477] : memref<96x128xi32, #tpu.memory_space<vmem>>[vector<16xi32>, vector<16xi32>], vector<16xi32>,
          %gather3A_488 = arith.constant 0 : i32
          %gather3A_489 = arith.constant 0 : i32
          %gather3A_490 = tpu.memref_slice %arg12[%scan3A_134, %gather3A_488, %gather3A_489] : memref<2x96x128xi32, #tpu.memory_space<vmem>> -> memref<1x96x128xi32, #tpu.memory_space<vmem>>
          %gather3A_491 = tpu.memref_squeeze %gather3A_490 : memref<1x96x128xi32, #tpu.memory_space<vmem>> -> memref<96x128xi32, #tpu.memory_space<vmem>>
          %gather3A_492 = tpu.vector_load_idx %gather3A_491[%add3A_129, %and3A_477] : memref<96x128xi32, #tpu.memory_space<vmem>>[vector<16xi32>, vector<16xi32>], vector<16xi32>,
          %bitcast3A_493 = vector.bitcast %gather3A_482 : vector<16xi32> to vector<32xbf16>
          %bitcast3A_494 = vector.bitcast %gather3A_487 : vector<16xi32> to vector<32xbf16>
          %bitcast3A_495 = vector.bitcast %gather3A_492 : vector<16xi32> to vector<32xbf16>
          %mul3A_496 = arith.mulf %bitcast3A_493, %bitcast3A_495 : vector<32xbf16>
          %mul3A_497 = arith.mulf %mul3A_496, %bitcast3A_494 : vector<32xbf16>
          %add3A_498 = arith.addf %add3A_468, %mul3A_497 : vector<32xbf16>
          %mul3A_499 = arith.constant 8 : i32
          %mul3A_500 = arith.muli %scan3A_348, %mul3A_499 : i32
          %add3A_501 = arith.constant 5 : i32
          %add3A_502 = arith.addi %mul3A_500, %add3A_501 : i32
          %add3A_503 = vector.broadcast %add3A_502 : i32 to vector<16xi32>
          %add3A_504 = arith.addi %iota3A, %add3A_503 : vector<16xi32>
          %and3A_505 = arith.constant 127 : i32
          %and3A_506 = vector.broadcast %and3A_505 : i32 to vector<16xi32>
          %and3A_507 = arith.andi %add3A_504, %and3A_506 : vector<16xi32>
          %gather3A_508 = arith.constant 0 : i32
          %gather3A_509 = arith.constant 0 : i32
          %gather3A_510 = tpu.memref_slice %arg10[%scan3A_132, %gather3A_508, %gather3A_509] : memref<2x96x128xi32, #tpu.memory_space<vmem>> -> memref<1x96x128xi32, #tpu.memory_space<vmem>>
          %gather3A_511 = tpu.memref_squeeze %gather3A_510 : memref<1x96x128xi32, #tpu.memory_space<vmem>> -> memref<96x128xi32, #tpu.memory_space<vmem>>
          %gather3A_512 = tpu.vector_load_idx %gather3A_511[%add3A_129, %and3A_507] : memref<96x128xi32, #tpu.memory_space<vmem>>[vector<16xi32>, vector<16xi32>], vector<16xi32>,
          %gather3A_513 = arith.constant 0 : i32
          %gather3A_514 = arith.constant 0 : i32
          %gather3A_515 = tpu.memref_slice %arg11[%scan3A_133, %gather3A_513, %gather3A_514] : memref<2x96x128xi32, #tpu.memory_space<vmem>> -> memref<1x96x128xi32, #tpu.memory_space<vmem>>
          %gather3A_516 = tpu.memref_squeeze %gather3A_515 : memref<1x96x128xi32, #tpu.memory_space<vmem>> -> memref<96x128xi32, #tpu.memory_space<vmem>>
          %gather3A_517 = tpu.vector_load_idx %gather3A_516[%add3A_129, %and3A_507] : memref<96x128xi32, #tpu.memory_space<vmem>>[vector<16xi32>, vector<16xi32>], vector<16xi32>,
          %gather3A_518 = arith.constant 0 : i32
          %gather3A_519 = arith.constant 0 : i32
          %gather3A_520 = tpu.memref_slice %arg12[%scan3A_134, %gather3A_518, %gather3A_519] : memref<2x96x128xi32, #tpu.memory_space<vmem>> -> memref<1x96x128xi32, #tpu.memory_space<vmem>>
          %gather3A_521 = tpu.memref_squeeze %gather3A_520 : memref<1x96x128xi32, #tpu.memory_space<vmem>> -> memref<96x128xi32, #tpu.memory_space<vmem>>
          %gather3A_522 = tpu.vector_load_idx %gather3A_521[%add3A_129, %and3A_507] : memref<96x128xi32, #tpu.memory_space<vmem>>[vector<16xi32>, vector<16xi32>], vector<16xi32>,
          %bitcast3A_523 = vector.bitcast %gather3A_512 : vector<16xi32> to vector<32xbf16>
          %bitcast3A_524 = vector.bitcast %gather3A_517 : vector<16xi32> to vector<32xbf16>
          %bitcast3A_525 = vector.bitcast %gather3A_522 : vector<16xi32> to vector<32xbf16>
          %mul3A_526 = arith.mulf %bitcast3A_523, %bitcast3A_525 : vector<32xbf16>
          %mul3A_527 = arith.mulf %mul3A_526, %bitcast3A_524 : vector<32xbf16>
          %add3A_528 = arith.addf %add3A_498, %mul3A_527 : vector<32xbf16>
          %mul3A_529 = arith.constant 8 : i32
          %mul3A_530 = arith.muli %scan3A_348, %mul3A_529 : i32
          %add3A_531 = arith.constant 6 : i32
          %add3A_532 = arith.addi %mul3A_530, %add3A_531 : i32
          %add3A_533 = vector.broadcast %add3A_532 : i32 to vector<16xi32>
          %add3A_534 = arith.addi %iota3A, %add3A_533 : vector<16xi32>
          %and3A_535 = arith.constant 127 : i32
          %and3A_536 = vector.broadcast %and3A_535 : i32 to vector<16xi32>
          %and3A_537 = arith.andi %add3A_534, %and3A_536 : vector<16xi32>
          %gather3A_538 = arith.constant 0 : i32
          %gather3A_539 = arith.constant 0 : i32
          %gather3A_540 = tpu.memref_slice %arg10[%scan3A_132, %gather3A_538, %gather3A_539] : memref<2x96x128xi32, #tpu.memory_space<vmem>> -> memref<1x96x128xi32, #tpu.memory_space<vmem>>
          %gather3A_541 = tpu.memref_squeeze %gather3A_540 : memref<1x96x128xi32, #tpu.memory_space<vmem>> -> memref<96x128xi32, #tpu.memory_space<vmem>>
          %gather3A_542 = tpu.vector_load_idx %gather3A_541[%add3A_129, %and3A_537] : memref<96x128xi32, #tpu.memory_space<vmem>>[vector<16xi32>, vector<16xi32>], vector<16xi32>,
          %gather3A_543 = arith.constant 0 : i32
          %gather3A_544 = arith.constant 0 : i32
          %gather3A_545 = tpu.memref_slice %arg11[%scan3A_133, %gather3A_543, %gather3A_544] : memref<2x96x128xi32, #tpu.memory_space<vmem>> -> memref<1x96x128xi32, #tpu.memory_space<vmem>>
          %gather3A_546 = tpu.memref_squeeze %gather3A_545 : memref<1x96x128xi32, #tpu.memory_space<vmem>> -> memref<96x128xi32, #tpu.memory_space<vmem>>
          %gather3A_547 = tpu.vector_load_idx %gather3A_546[%add3A_129, %and3A_537] : memref<96x128xi32, #tpu.memory_space<vmem>>[vector<16xi32>, vector<16xi32>], vector<16xi32>,
          %gather3A_548 = arith.constant 0 : i32
          %gather3A_549 = arith.constant 0 : i32
          %gather3A_550 = tpu.memref_slice %arg12[%scan3A_134, %gather3A_548, %gather3A_549] : memref<2x96x128xi32, #tpu.memory_space<vmem>> -> memref<1x96x128xi32, #tpu.memory_space<vmem>>
          %gather3A_551 = tpu.memref_squeeze %gather3A_550 : memref<1x96x128xi32, #tpu.memory_space<vmem>> -> memref<96x128xi32, #tpu.memory_space<vmem>>
          %gather3A_552 = tpu.vector_load_idx %gather3A_551[%add3A_129, %and3A_537] : memref<96x128xi32, #tpu.memory_space<vmem>>[vector<16xi32>, vector<16xi32>], vector<16xi32>,
          %bitcast3A_553 = vector.bitcast %gather3A_542 : vector<16xi32> to vector<32xbf16>
          %bitcast3A_554 = vector.bitcast %gather3A_547 : vector<16xi32> to vector<32xbf16>
          %bitcast3A_555 = vector.bitcast %gather3A_552 : vector<16xi32> to vector<32xbf16>
          %mul3A_556 = arith.mulf %bitcast3A_553, %bitcast3A_555 : vector<32xbf16>
          %mul3A_557 = arith.mulf %mul3A_556, %bitcast3A_554 : vector<32xbf16>
          %add3A_558 = arith.addf %add3A_528, %mul3A_557 : vector<32xbf16>
          %mul3A_559 = arith.constant 8 : i32
          %mul3A_560 = arith.muli %scan3A_348, %mul3A_559 : i32
          %add3A_561 = arith.constant 7 : i32
          %add3A_562 = arith.addi %mul3A_560, %add3A_561 : i32
          %add3A_563 = vector.broadcast %add3A_562 : i32 to vector<16xi32>
          %add3A_564 = arith.addi %iota3A, %add3A_563 : vector<16xi32>
          %and3A_565 = arith.constant 127 : i32
          %and3A_566 = vector.broadcast %and3A_565 : i32 to vector<16xi32>
          %and3A_567 = arith.andi %add3A_564, %and3A_566 : vector<16xi32>
          %gather3A_568 = arith.constant 0 : i32
          %gather3A_569 = arith.constant 0 : i32
          %gather3A_570 = tpu.memref_slice %arg10[%scan3A_132, %gather3A_568, %gather3A_569] : memref<2x96x128xi32, #tpu.memory_space<vmem>> -> memref<1x96x128xi32, #tpu.memory_space<vmem>>
          %gather3A_571 = tpu.memref_squeeze %gather3A_570 : memref<1x96x128xi32, #tpu.memory_space<vmem>> -> memref<96x128xi32, #tpu.memory_space<vmem>>
          %gather3A_572 = tpu.vector_load_idx %gather3A_571[%add3A_129, %and3A_567] : memref<96x128xi32, #tpu.memory_space<vmem>>[vector<16xi32>, vector<16xi32>], vector<16xi32>,
          %gather3A_573 = arith.constant 0 : i32
          %gather3A_574 = arith.constant 0 : i32
          %gather3A_575 = tpu.memref_slice %arg11[%scan3A_133, %gather3A_573, %gather3A_574] : memref<2x96x128xi32, #tpu.memory_space<vmem>> -> memref<1x96x128xi32, #tpu.memory_space<vmem>>
          %gather3A_576 = tpu.memref_squeeze %gather3A_575 : memref<1x96x128xi32, #tpu.memory_space<vmem>> -> memref<96x128xi32, #tpu.memory_space<vmem>>
          %gather3A_577 = tpu.vector_load_idx %gather3A_576[%add3A_129, %and3A_567] : memref<96x128xi32, #tpu.memory_space<vmem>>[vector<16xi32>, vector<16xi32>], vector<16xi32>,
          %gather3A_578 = arith.constant 0 : i32
          %gather3A_579 = arith.constant 0 : i32
          %gather3A_580 = tpu.memref_slice %arg12[%scan3A_134, %gather3A_578, %gather3A_579] : memref<2x96x128xi32, #tpu.memory_space<vmem>> -> memref<1x96x128xi32, #tpu.memory_space<vmem>>
          %gather3A_581 = tpu.memref_squeeze %gather3A_580 : memref<1x96x128xi32, #tpu.memory_space<vmem>> -> memref<96x128xi32, #tpu.memory_space<vmem>>
          %gather3A_582 = tpu.vector_load_idx %gather3A_581[%add3A_129, %and3A_567] : memref<96x128xi32, #tpu.memory_space<vmem>>[vector<16xi32>, vector<16xi32>], vector<16xi32>,
          %bitcast3A_583 = vector.bitcast %gather3A_572 : vector<16xi32> to vector<32xbf16>
          %bitcast3A_584 = vector.bitcast %gather3A_577 : vector<16xi32> to vector<32xbf16>
          %bitcast3A_585 = vector.bitcast %gather3A_582 : vector<16xi32> to vector<32xbf16>
          %mul3A_586 = arith.mulf %bitcast3A_583, %bitcast3A_585 : vector<32xbf16>
          %mul3A_587 = arith.mulf %mul3A_586, %bitcast3A_584 : vector<32xbf16>
          %add3A_588 = arith.addf %add3A_558, %mul3A_587 : vector<32xbf16>
          scf.yield %add3A_588 : vector<32xbf16>
        }
        %scan3A_140 = arith.constant 16 : i32
        %bitcast3A = vector.bitcast %scan3A_139 : vector<32xbf16> to vector<16xi32>
        %shift_left3A = arith.constant 16 : i32
        %shift_left3A_141 = vector.broadcast %shift_left3A : i32 to vector<16xi32>
        %shift_left3A_142 = arith.shli %bitcast3A, %shift_left3A_141 : vector<16xi32>
        %bitcast3A_143 = vector.bitcast %shift_left3A_142 : vector<16xi32> to vector<16xf32>
        %and3A = arith.andi %bitcast3A, %broadcast_in_dim3A_53 : vector<16xi32>
        %bitcast3A_144 = vector.bitcast %and3A : vector<16xi32> to vector<16xf32>
        %add3A_145 = arith.addf %bitcast3A_143, %bitcast3A_144 : vector<16xf32>
        %neg3A = arith.constant 0.000000e+00 : f32
        %neg3A_146 = vector.broadcast %neg3A : f32 to vector<16xf32>
        %neg3A_147 = arith.subf %neg3A_146, %add3A_145 : vector<16xf32>
        %exp3A = math.exp %neg3A_147 : vector<16xf32>
        %add3A_148 = arith.constant 1.000000e+00 : f32
        %add3A_149 = vector.broadcast %add3A_148 : f32 to vector<16xf32>
        %add3A_150 = arith.addf %add3A_149, %exp3A : vector<16xf32>
        %div3A = arith.constant 1.000000e+00 : f32
        %div3A_151 = vector.broadcast %div3A : f32 to vector<16xf32>
        %div3A_152 = arith.divf %div3A_151, %add3A_150 : vector<16xf32>
        %mul3A_153 = arith.constant 96 : i32
        %mul3A_154 = arith.muli %add3A_78, %mul3A_153 : i32
        %add3A_155 = arith.constant 0 : i32
        %add3A_156 = arith.addi %mul3A_154, %add3A_155 : i32
        %swap3A = arith.index_cast %add3A_156 : i32 to index
        %swap3A_157 = tpu.vector_load %arg13[%swap3A] {strides = array<i32>} : memref<9504xf32, #tpu.memory_space<vmem>>, vector<16xf32>,
        tpu.vector_store %arg13[%swap3A], %div3A_152 {strides = array<i32>} : memref<9504xf32, #tpu.memory_space<vmem>>, vector<16xf32>,
        %add3A_158 = arith.constant 16 : i32
        %add3A_159 = vector.broadcast %add3A_158 : i32 to vector<16xi32>
        %add3A_160 = arith.addi %iota3A, %add3A_159 : vector<16xi32>
        %broadcast_in_dim3A_161 = arith.constant 0.000000e+00 : bf16
        %broadcast_in_dim3A_162 = vector.broadcast %broadcast_in_dim3A_161 : bf16 to vector<32xbf16>
        %scan3A_163 = arith.constant 1 : i32
        %scan3A_164 = arith.constant 1 : i32
        %scan3A_165 = arith.constant 1 : i32
        %scan3A_166 = arith.constant 0 : i32
        %scan3A_167 = arith.constant 16 : i32
        %scan3A_168 = arith.addi %scan3A_166, %scan3A_167 : i32
        %scan3A_169 = arith.constant 1 : i32
        %scan3A_170 = scf.for %scan3A_348 = %scan3A_166 to %scan3A_168 step %scan3A_169 iter_args(%scan3A_349 = %broadcast_in_dim3A_162) -> (vector<32xbf16>)  : i32 {
          %mul3A_350 = arith.constant 8 : i32
          %mul3A_351 = arith.muli %scan3A_348, %mul3A_350 : i32
          %add3A_352 = arith.constant 0 : i32
          %add3A_353 = arith.addi %mul3A_351, %add3A_352 : i32
          %add3A_354 = vector.broadcast %add3A_353 : i32 to vector<16xi32>
          %add3A_355 = arith.addi %iota3A, %add3A_354 : vector<16xi32>
          %and3A_356 = arith.constant 127 : i32
          %and3A_357 = vector.broadcast %and3A_356 : i32 to vector<16xi32>
          %and3A_358 = arith.andi %add3A_355, %and3A_357 : vector<16xi32>
          %gather3A = arith.constant 0 : i32
          %gather3A_359 = arith.constant 0 : i32
          %gather3A_360 = tpu.memref_slice %arg10[%scan3A_163, %gather3A, %gather3A_359] : memref<2x96x128xi32, #tpu.memory_space<vmem>> -> memref<1x96x128xi32, #tpu.memory_space<vmem>>
          %gather3A_361 = tpu.memref_squeeze %gather3A_360 : memref<1x96x128xi32, #tpu.memory_space<vmem>> -> memref<96x128xi32, #tpu.memory_space<vmem>>
          %gather3A_362 = tpu.vector_load_idx %gather3A_361[%add3A_160, %and3A_358] : memref<96x128xi32, #tpu.memory_space<vmem>>[vector<16xi32>, vector<16xi32>], vector<16xi32>,
          %gather3A_363 = arith.constant 0 : i32
          %gather3A_364 = arith.constant 0 : i32
          %gather3A_365 = tpu.memref_slice %arg11[%scan3A_164, %gather3A_363, %gather3A_364] : memref<2x96x128xi32, #tpu.memory_space<vmem>> -> memref<1x96x128xi32, #tpu.memory_space<vmem>>
          %gather3A_366 = tpu.memref_squeeze %gather3A_365 : memref<1x96x128xi32, #tpu.memory_space<vmem>> -> memref<96x128xi32, #tpu.memory_space<vmem>>
          %gather3A_367 = tpu.vector_load_idx %gather3A_366[%add3A_160, %and3A_358] : memref<96x128xi32, #tpu.memory_space<vmem>>[vector<16xi32>, vector<16xi32>], vector<16xi32>,
          %gather3A_368 = arith.constant 0 : i32
          %gather3A_369 = arith.constant 0 : i32
          %gather3A_370 = tpu.memref_slice %arg12[%scan3A_165, %gather3A_368, %gather3A_369] : memref<2x96x128xi32, #tpu.memory_space<vmem>> -> memref<1x96x128xi32, #tpu.memory_space<vmem>>
          %gather3A_371 = tpu.memref_squeeze %gather3A_370 : memref<1x96x128xi32, #tpu.memory_space<vmem>> -> memref<96x128xi32, #tpu.memory_space<vmem>>
          %gather3A_372 = tpu.vector_load_idx %gather3A_371[%add3A_160, %and3A_358] : memref<96x128xi32, #tpu.memory_space<vmem>>[vector<16xi32>, vector<16xi32>], vector<16xi32>,
          %bitcast3A_373 = vector.bitcast %gather3A_362 : vector<16xi32> to vector<32xbf16>
          %bitcast3A_374 = vector.bitcast %gather3A_367 : vector<16xi32> to vector<32xbf16>
          %bitcast3A_375 = vector.bitcast %gather3A_372 : vector<16xi32> to vector<32xbf16>
          %mul3A_376 = arith.mulf %bitcast3A_373, %bitcast3A_375 : vector<32xbf16>
          %mul3A_377 = arith.mulf %mul3A_376, %bitcast3A_374 : vector<32xbf16>
          %add3A_378 = arith.addf %scan3A_349, %mul3A_377 : vector<32xbf16>
          %mul3A_379 = arith.constant 8 : i32
          %mul3A_380 = arith.muli %scan3A_348, %mul3A_379 : i32
          %add3A_381 = arith.constant 1 : i32
          %add3A_382 = arith.addi %mul3A_380, %add3A_381 : i32
          %add3A_383 = vector.broadcast %add3A_382 : i32 to vector<16xi32>
          %add3A_384 = arith.addi %iota3A, %add3A_383 : vector<16xi32>
          %and3A_385 = arith.constant 127 : i32
          %and3A_386 = vector.broadcast %and3A_385 : i32 to vector<16xi32>
          %and3A_387 = arith.andi %add3A_384, %and3A_386 : vector<16xi32>
          %gather3A_388 = arith.constant 0 : i32
          %gather3A_389 = arith.constant 0 : i32
          %gather3A_390 = tpu.memref_slice %arg10[%scan3A_163, %gather3A_388, %gather3A_389] : memref<2x96x128xi32, #tpu.memory_space<vmem>> -> memref<1x96x128xi32, #tpu.memory_space<vmem>>
          %gather3A_391 = tpu.memref_squeeze %gather3A_390 : memref<1x96x128xi32, #tpu.memory_space<vmem>> -> memref<96x128xi32, #tpu.memory_space<vmem>>
          %gather3A_392 = tpu.vector_load_idx %gather3A_391[%add3A_160, %and3A_387] : memref<96x128xi32, #tpu.memory_space<vmem>>[vector<16xi32>, vector<16xi32>], vector<16xi32>,
          %gather3A_393 = arith.constant 0 : i32
          %gather3A_394 = arith.constant 0 : i32
          %gather3A_395 = tpu.memref_slice %arg11[%scan3A_164, %gather3A_393, %gather3A_394] : memref<2x96x128xi32, #tpu.memory_space<vmem>> -> memref<1x96x128xi32, #tpu.memory_space<vmem>>
          %gather3A_396 = tpu.memref_squeeze %gather3A_395 : memref<1x96x128xi32, #tpu.memory_space<vmem>> -> memref<96x128xi32, #tpu.memory_space<vmem>>
          %gather3A_397 = tpu.vector_load_idx %gather3A_396[%add3A_160, %and3A_387] : memref<96x128xi32, #tpu.memory_space<vmem>>[vector<16xi32>, vector<16xi32>], vector<16xi32>,
          %gather3A_398 = arith.constant 0 : i32
          %gather3A_399 = arith.constant 0 : i32
          %gather3A_400 = tpu.memref_slice %arg12[%scan3A_165, %gather3A_398, %gather3A_399] : memref<2x96x128xi32, #tpu.memory_space<vmem>> -> memref<1x96x128xi32, #tpu.memory_space<vmem>>
          %gather3A_401 = tpu.memref_squeeze %gather3A_400 : memref<1x96x128xi32, #tpu.memory_space<vmem>> -> memref<96x128xi32, #tpu.memory_space<vmem>>
          %gather3A_402 = tpu.vector_load_idx %gather3A_401[%add3A_160, %and3A_387] : memref<96x128xi32, #tpu.memory_space<vmem>>[vector<16xi32>, vector<16xi32>], vector<16xi32>,
          %bitcast3A_403 = vector.bitcast %gather3A_392 : vector<16xi32> to vector<32xbf16>
          %bitcast3A_404 = vector.bitcast %gather3A_397 : vector<16xi32> to vector<32xbf16>
          %bitcast3A_405 = vector.bitcast %gather3A_402 : vector<16xi32> to vector<32xbf16>
          %mul3A_406 = arith.mulf %bitcast3A_403, %bitcast3A_405 : vector<32xbf16>
          %mul3A_407 = arith.mulf %mul3A_406, %bitcast3A_404 : vector<32xbf16>
          %add3A_408 = arith.addf %add3A_378, %mul3A_407 : vector<32xbf16>
          %mul3A_409 = arith.constant 8 : i32
          %mul3A_410 = arith.muli %scan3A_348, %mul3A_409 : i32
          %add3A_411 = arith.constant 2 : i32
          %add3A_412 = arith.addi %mul3A_410, %add3A_411 : i32
          %add3A_413 = vector.broadcast %add3A_412 : i32 to vector<16xi32>
          %add3A_414 = arith.addi %iota3A, %add3A_413 : vector<16xi32>
          %and3A_415 = arith.constant 127 : i32
          %and3A_416 = vector.broadcast %and3A_415 : i32 to vector<16xi32>
          %and3A_417 = arith.andi %add3A_414, %and3A_416 : vector<16xi32>
          %gather3A_418 = arith.constant 0 : i32
          %gather3A_419 = arith.constant 0 : i32
          %gather3A_420 = tpu.memref_slice %arg10[%scan3A_163, %gather3A_418, %gather3A_419] : memref<2x96x128xi32, #tpu.memory_space<vmem>> -> memref<1x96x128xi32, #tpu.memory_space<vmem>>
          %gather3A_421 = tpu.memref_squeeze %gather3A_420 : memref<1x96x128xi32, #tpu.memory_space<vmem>> -> memref<96x128xi32, #tpu.memory_space<vmem>>
          %gather3A_422 = tpu.vector_load_idx %gather3A_421[%add3A_160, %and3A_417] : memref<96x128xi32, #tpu.memory_space<vmem>>[vector<16xi32>, vector<16xi32>], vector<16xi32>,
          %gather3A_423 = arith.constant 0 : i32
          %gather3A_424 = arith.constant 0 : i32
          %gather3A_425 = tpu.memref_slice %arg11[%scan3A_164, %gather3A_423, %gather3A_424] : memref<2x96x128xi32, #tpu.memory_space<vmem>> -> memref<1x96x128xi32, #tpu.memory_space<vmem>>
          %gather3A_426 = tpu.memref_squeeze %gather3A_425 : memref<1x96x128xi32, #tpu.memory_space<vmem>> -> memref<96x128xi32, #tpu.memory_space<vmem>>
          %gather3A_427 = tpu.vector_load_idx %gather3A_426[%add3A_160, %and3A_417] : memref<96x128xi32, #tpu.memory_space<vmem>>[vector<16xi32>, vector<16xi32>], vector<16xi32>,
          %gather3A_428 = arith.constant 0 : i32
          %gather3A_429 = arith.constant 0 : i32
          %gather3A_430 = tpu.memref_slice %arg12[%scan3A_165, %gather3A_428, %gather3A_429] : memref<2x96x128xi32, #tpu.memory_space<vmem>> -> memref<1x96x128xi32, #tpu.memory_space<vmem>>
          %gather3A_431 = tpu.memref_squeeze %gather3A_430 : memref<1x96x128xi32, #tpu.memory_space<vmem>> -> memref<96x128xi32, #tpu.memory_space<vmem>>
          %gather3A_432 = tpu.vector_load_idx %gather3A_431[%add3A_160, %and3A_417] : memref<96x128xi32, #tpu.memory_space<vmem>>[vector<16xi32>, vector<16xi32>], vector<16xi32>,
          %bitcast3A_433 = vector.bitcast %gather3A_422 : vector<16xi32> to vector<32xbf16>
          %bitcast3A_434 = vector.bitcast %gather3A_427 : vector<16xi32> to vector<32xbf16>
          %bitcast3A_435 = vector.bitcast %gather3A_432 : vector<16xi32> to vector<32xbf16>
          %mul3A_436 = arith.mulf %bitcast3A_433, %bitcast3A_435 : vector<32xbf16>
          %mul3A_437 = arith.mulf %mul3A_436, %bitcast3A_434 : vector<32xbf16>
          %add3A_438 = arith.addf %add3A_408, %mul3A_437 : vector<32xbf16>
          %mul3A_439 = arith.constant 8 : i32
          %mul3A_440 = arith.muli %scan3A_348, %mul3A_439 : i32
          %add3A_441 = arith.constant 3 : i32
          %add3A_442 = arith.addi %mul3A_440, %add3A_441 : i32
          %add3A_443 = vector.broadcast %add3A_442 : i32 to vector<16xi32>
          %add3A_444 = arith.addi %iota3A, %add3A_443 : vector<16xi32>
          %and3A_445 = arith.constant 127 : i32
          %and3A_446 = vector.broadcast %and3A_445 : i32 to vector<16xi32>
          %and3A_447 = arith.andi %add3A_444, %and3A_446 : vector<16xi32>
          %gather3A_448 = arith.constant 0 : i32
          %gather3A_449 = arith.constant 0 : i32
          %gather3A_450 = tpu.memref_slice %arg10[%scan3A_163, %gather3A_448, %gather3A_449] : memref<2x96x128xi32, #tpu.memory_space<vmem>> -> memref<1x96x128xi32, #tpu.memory_space<vmem>>
          %gather3A_451 = tpu.memref_squeeze %gather3A_450 : memref<1x96x128xi32, #tpu.memory_space<vmem>> -> memref<96x128xi32, #tpu.memory_space<vmem>>
          %gather3A_452 = tpu.vector_load_idx %gather3A_451[%add3A_160, %and3A_447] : memref<96x128xi32, #tpu.memory_space<vmem>>[vector<16xi32>, vector<16xi32>], vector<16xi32>,
          %gather3A_453 = arith.constant 0 : i32
          %gather3A_454 = arith.constant 0 : i32
          %gather3A_455 = tpu.memref_slice %arg11[%scan3A_164, %gather3A_453, %gather3A_454] : memref<2x96x128xi32, #tpu.memory_space<vmem>> -> memref<1x96x128xi32, #tpu.memory_space<vmem>>
          %gather3A_456 = tpu.memref_squeeze %gather3A_455 : memref<1x96x128xi32, #tpu.memory_space<vmem>> -> memref<96x128xi32, #tpu.memory_space<vmem>>
          %gather3A_457 = tpu.vector_load_idx %gather3A_456[%add3A_160, %and3A_447] : memref<96x128xi32, #tpu.memory_space<vmem>>[vector<16xi32>, vector<16xi32>], vector<16xi32>,
          %gather3A_458 = arith.constant 0 : i32
          %gather3A_459 = arith.constant 0 : i32
          %gather3A_460 = tpu.memref_slice %arg12[%scan3A_165, %gather3A_458, %gather3A_459] : memref<2x96x128xi32, #tpu.memory_space<vmem>> -> memref<1x96x128xi32, #tpu.memory_space<vmem>>
          %gather3A_461 = tpu.memref_squeeze %gather3A_460 : memref<1x96x128xi32, #tpu.memory_space<vmem>> -> memref<96x128xi32, #tpu.memory_space<vmem>>
          %gather3A_462 = tpu.vector_load_idx %gather3A_461[%add3A_160, %and3A_447] : memref<96x128xi32, #tpu.memory_space<vmem>>[vector<16xi32>, vector<16xi32>], vector<16xi32>,
          %bitcast3A_463 = vector.bitcast %gather3A_452 : vector<16xi32> to vector<32xbf16>
          %bitcast3A_464 = vector.bitcast %gather3A_457 : vector<16xi32> to vector<32xbf16>
          %bitcast3A_465 = vector.bitcast %gather3A_462 : vector<16xi32> to vector<32xbf16>
          %mul3A_466 = arith.mulf %bitcast3A_463, %bitcast3A_465 : vector<32xbf16>
          %mul3A_467 = arith.mulf %mul3A_466, %bitcast3A_464 : vector<32xbf16>
          %add3A_468 = arith.addf %add3A_438, %mul3A_467 : vector<32xbf16>
          %mul3A_469 = arith.constant 8 : i32
          %mul3A_470 = arith.muli %scan3A_348, %mul3A_469 : i32
          %add3A_471 = arith.constant 4 : i32
          %add3A_472 = arith.addi %mul3A_470, %add3A_471 : i32
          %add3A_473 = vector.broadcast %add3A_472 : i32 to vector<16xi32>
          %add3A_474 = arith.addi %iota3A, %add3A_473 : vector<16xi32>
          %and3A_475 = arith.constant 127 : i32
          %and3A_476 = vector.broadcast %and3A_475 : i32 to vector<16xi32>
          %and3A_477 = arith.andi %add3A_474, %and3A_476 : vector<16xi32>
          %gather3A_478 = arith.constant 0 : i32
          %gather3A_479 = arith.constant 0 : i32
          %gather3A_480 = tpu.memref_slice %arg10[%scan3A_163, %gather3A_478, %gather3A_479] : memref<2x96x128xi32, #tpu.memory_space<vmem>> -> memref<1x96x128xi32, #tpu.memory_space<vmem>>
          %gather3A_481 = tpu.memref_squeeze %gather3A_480 : memref<1x96x128xi32, #tpu.memory_space<vmem>> -> memref<96x128xi32, #tpu.memory_space<vmem>>
          %gather3A_482 = tpu.vector_load_idx %gather3A_481[%add3A_160, %and3A_477] : memref<96x128xi32, #tpu.memory_space<vmem>>[vector<16xi32>, vector<16xi32>], vector<16xi32>,
          %gather3A_483 = arith.constant 0 : i32
          %gather3A_484 = arith.constant 0 : i32
          %gather3A_485 = tpu.memref_slice %arg11[%scan3A_164, %gather3A_483, %gather3A_484] : memref<2x96x128xi32, #tpu.memory_space<vmem>> -> memref<1x96x128xi32, #tpu.memory_space<vmem>>
          %gather3A_486 = tpu.memref_squeeze %gather3A_485 : memref<1x96x128xi32, #tpu.memory_space<vmem>> -> memref<96x128xi32, #tpu.memory_space<vmem>>
          %gather3A_487 = tpu.vector_load_idx %gather3A_486[%add3A_160, %and3A_477] : memref<96x128xi32, #tpu.memory_space<vmem>>[vector<16xi32>, vector<16xi32>], vector<16xi32>,
          %gather3A_488 = arith.constant 0 : i32
          %gather3A_489 = arith.constant 0 : i32
          %gather3A_490 = tpu.memref_slice %arg12[%scan3A_165, %gather3A_488, %gather3A_489] : memref<2x96x128xi32, #tpu.memory_space<vmem>> -> memref<1x96x128xi32, #tpu.memory_space<vmem>>
          %gather3A_491 = tpu.memref_squeeze %gather3A_490 : memref<1x96x128xi32, #tpu.memory_space<vmem>> -> memref<96x128xi32, #tpu.memory_space<vmem>>
          %gather3A_492 = tpu.vector_load_idx %gather3A_491[%add3A_160, %and3A_477] : memref<96x128xi32, #tpu.memory_space<vmem>>[vector<16xi32>, vector<16xi32>], vector<16xi32>,
          %bitcast3A_493 = vector.bitcast %gather3A_482 : vector<16xi32> to vector<32xbf16>
          %bitcast3A_494 = vector.bitcast %gather3A_487 : vector<16xi32> to vector<32xbf16>
          %bitcast3A_495 = vector.bitcast %gather3A_492 : vector<16xi32> to vector<32xbf16>
          %mul3A_496 = arith.mulf %bitcast3A_493, %bitcast3A_495 : vector<32xbf16>
          %mul3A_497 = arith.mulf %mul3A_496, %bitcast3A_494 : vector<32xbf16>
          %add3A_498 = arith.addf %add3A_468, %mul3A_497 : vector<32xbf16>
          %mul3A_499 = arith.constant 8 : i32
          %mul3A_500 = arith.muli %scan3A_348, %mul3A_499 : i32
          %add3A_501 = arith.constant 5 : i32
          %add3A_502 = arith.addi %mul3A_500, %add3A_501 : i32
          %add3A_503 = vector.broadcast %add3A_502 : i32 to vector<16xi32>
          %add3A_504 = arith.addi %iota3A, %add3A_503 : vector<16xi32>
          %and3A_505 = arith.constant 127 : i32
          %and3A_506 = vector.broadcast %and3A_505 : i32 to vector<16xi32>
          %and3A_507 = arith.andi %add3A_504, %and3A_506 : vector<16xi32>
          %gather3A_508 = arith.constant 0 : i32
          %gather3A_509 = arith.constant 0 : i32
          %gather3A_510 = tpu.memref_slice %arg10[%scan3A_163, %gather3A_508, %gather3A_509] : memref<2x96x128xi32, #tpu.memory_space<vmem>> -> memref<1x96x128xi32, #tpu.memory_space<vmem>>
          %gather3A_511 = tpu.memref_squeeze %gather3A_510 : memref<1x96x128xi32, #tpu.memory_space<vmem>> -> memref<96x128xi32, #tpu.memory_space<vmem>>
          %gather3A_512 = tpu.vector_load_idx %gather3A_511[%add3A_160, %and3A_507] : memref<96x128xi32, #tpu.memory_space<vmem>>[vector<16xi32>, vector<16xi32>], vector<16xi32>,
          %gather3A_513 = arith.constant 0 : i32
          %gather3A_514 = arith.constant 0 : i32
          %gather3A_515 = tpu.memref_slice %arg11[%scan3A_164, %gather3A_513, %gather3A_514] : memref<2x96x128xi32, #tpu.memory_space<vmem>> -> memref<1x96x128xi32, #tpu.memory_space<vmem>>
          %gather3A_516 = tpu.memref_squeeze %gather3A_515 : memref<1x96x128xi32, #tpu.memory_space<vmem>> -> memref<96x128xi32, #tpu.memory_space<vmem>>
          %gather3A_517 = tpu.vector_load_idx %gather3A_516[%add3A_160, %and3A_507] : memref<96x128xi32, #tpu.memory_space<vmem>>[vector<16xi32>, vector<16xi32>], vector<16xi32>,
          %gather3A_518 = arith.constant 0 : i32
          %gather3A_519 = arith.constant 0 : i32
          %gather3A_520 = tpu.memref_slice %arg12[%scan3A_165, %gather3A_518, %gather3A_519] : memref<2x96x128xi32, #tpu.memory_space<vmem>> -> memref<1x96x128xi32, #tpu.memory_space<vmem>>
          %gather3A_521 = tpu.memref_squeeze %gather3A_520 : memref<1x96x128xi32, #tpu.memory_space<vmem>> -> memref<96x128xi32, #tpu.memory_space<vmem>>
          %gather3A_522 = tpu.vector_load_idx %gather3A_521[%add3A_160, %and3A_507] : memref<96x128xi32, #tpu.memory_space<vmem>>[vector<16xi32>, vector<16xi32>], vector<16xi32>,
          %bitcast3A_523 = vector.bitcast %gather3A_512 : vector<16xi32> to vector<32xbf16>
          %bitcast3A_524 = vector.bitcast %gather3A_517 : vector<16xi32> to vector<32xbf16>
          %bitcast3A_525 = vector.bitcast %gather3A_522 : vector<16xi32> to vector<32xbf16>
          %mul3A_526 = arith.mulf %bitcast3A_523, %bitcast3A_525 : vector<32xbf16>
          %mul3A_527 = arith.mulf %mul3A_526, %bitcast3A_524 : vector<32xbf16>
          %add3A_528 = arith.addf %add3A_498, %mul3A_527 : vector<32xbf16>
          %mul3A_529 = arith.constant 8 : i32
          %mul3A_530 = arith.muli %scan3A_348, %mul3A_529 : i32
          %add3A_531 = arith.constant 6 : i32
          %add3A_532 = arith.addi %mul3A_530, %add3A_531 : i32
          %add3A_533 = vector.broadcast %add3A_532 : i32 to vector<16xi32>
          %add3A_534 = arith.addi %iota3A, %add3A_533 : vector<16xi32>
          %and3A_535 = arith.constant 127 : i32
          %and3A_536 = vector.broadcast %and3A_535 : i32 to vector<16xi32>
          %and3A_537 = arith.andi %add3A_534, %and3A_536 : vector<16xi32>
          %gather3A_538 = arith.constant 0 : i32
          %gather3A_539 = arith.constant 0 : i32
          %gather3A_540 = tpu.memref_slice %arg10[%scan3A_163, %gather3A_538, %gather3A_539] : memref<2x96x128xi32, #tpu.memory_space<vmem>> -> memref<1x96x128xi32, #tpu.memory_space<vmem>>
          %gather3A_541 = tpu.memref_squeeze %gather3A_540 : memref<1x96x128xi32, #tpu.memory_space<vmem>> -> memref<96x128xi32, #tpu.memory_space<vmem>>
          %gather3A_542 = tpu.vector_load_idx %gather3A_541[%add3A_160, %and3A_537] : memref<96x128xi32, #tpu.memory_space<vmem>>[vector<16xi32>, vector<16xi32>], vector<16xi32>,
          %gather3A_543 = arith.constant 0 : i32
          %gather3A_544 = arith.constant 0 : i32
          %gather3A_545 = tpu.memref_slice %arg11[%scan3A_164, %gather3A_543, %gather3A_544] : memref<2x96x128xi32, #tpu.memory_space<vmem>> -> memref<1x96x128xi32, #tpu.memory_space<vmem>>
          %gather3A_546 = tpu.memref_squeeze %gather3A_545 : memref<1x96x128xi32, #tpu.memory_space<vmem>> -> memref<96x128xi32, #tpu.memory_space<vmem>>
          %gather3A_547 = tpu.vector_load_idx %gather3A_546[%add3A_160, %and3A_537] : memref<96x128xi32, #tpu.memory_space<vmem>>[vector<16xi32>, vector<16xi32>], vector<16xi32>,
          %gather3A_548 = arith.constant 0 : i32
          %gather3A_549 = arith.constant 0 : i32
          %gather3A_550 = tpu.memref_slice %arg12[%scan3A_165, %gather3A_548, %gather3A_549] : memref<2x96x128xi32, #tpu.memory_space<vmem>> -> memref<1x96x128xi32, #tpu.memory_space<vmem>>
          %gather3A_551 = tpu.memref_squeeze %gather3A_550 : memref<1x96x128xi32, #tpu.memory_space<vmem>> -> memref<96x128xi32, #tpu.memory_space<vmem>>
          %gather3A_552 = tpu.vector_load_idx %gather3A_551[%add3A_160, %and3A_537] : memref<96x128xi32, #tpu.memory_space<vmem>>[vector<16xi32>, vector<16xi32>], vector<16xi32>,
          %bitcast3A_553 = vector.bitcast %gather3A_542 : vector<16xi32> to vector<32xbf16>
          %bitcast3A_554 = vector.bitcast %gather3A_547 : vector<16xi32> to vector<32xbf16>
          %bitcast3A_555 = vector.bitcast %gather3A_552 : vector<16xi32> to vector<32xbf16>
          %mul3A_556 = arith.mulf %bitcast3A_553, %bitcast3A_555 : vector<32xbf16>
          %mul3A_557 = arith.mulf %mul3A_556, %bitcast3A_554 : vector<32xbf16>
          %add3A_558 = arith.addf %add3A_528, %mul3A_557 : vector<32xbf16>
          %mul3A_559 = arith.constant 8 : i32
          %mul3A_560 = arith.muli %scan3A_348, %mul3A_559 : i32
          %add3A_561 = arith.constant 7 : i32
          %add3A_562 = arith.addi %mul3A_560, %add3A_561 : i32
          %add3A_563 = vector.broadcast %add3A_562 : i32 to vector<16xi32>
          %add3A_564 = arith.addi %iota3A, %add3A_563 : vector<16xi32>
          %and3A_565 = arith.constant 127 : i32
          %and3A_566 = vector.broadcast %and3A_565 : i32 to vector<16xi32>
          %and3A_567 = arith.andi %add3A_564, %and3A_566 : vector<16xi32>
          %gather3A_568 = arith.constant 0 : i32
          %gather3A_569 = arith.constant 0 : i32
          %gather3A_570 = tpu.memref_slice %arg10[%scan3A_163, %gather3A_568, %gather3A_569] : memref<2x96x128xi32, #tpu.memory_space<vmem>> -> memref<1x96x128xi32, #tpu.memory_space<vmem>>
          %gather3A_571 = tpu.memref_squeeze %gather3A_570 : memref<1x96x128xi32, #tpu.memory_space<vmem>> -> memref<96x128xi32, #tpu.memory_space<vmem>>
          %gather3A_572 = tpu.vector_load_idx %gather3A_571[%add3A_160, %and3A_567] : memref<96x128xi32, #tpu.memory_space<vmem>>[vector<16xi32>, vector<16xi32>], vector<16xi32>,
          %gather3A_573 = arith.constant 0 : i32
          %gather3A_574 = arith.constant 0 : i32
          %gather3A_575 = tpu.memref_slice %arg11[%scan3A_164, %gather3A_573, %gather3A_574] : memref<2x96x128xi32, #tpu.memory_space<vmem>> -> memref<1x96x128xi32, #tpu.memory_space<vmem>>
          %gather3A_576 = tpu.memref_squeeze %gather3A_575 : memref<1x96x128xi32, #tpu.memory_space<vmem>> -> memref<96x128xi32, #tpu.memory_space<vmem>>
          %gather3A_577 = tpu.vector_load_idx %gather3A_576[%add3A_160, %and3A_567] : memref<96x128xi32, #tpu.memory_space<vmem>>[vector<16xi32>, vector<16xi32>], vector<16xi32>,
          %gather3A_578 = arith.constant 0 : i32
          %gather3A_579 = arith.constant 0 : i32
          %gather3A_580 = tpu.memref_slice %arg12[%scan3A_165, %gather3A_578, %gather3A_579] : memref<2x96x128xi32, #tpu.memory_space<vmem>> -> memref<1x96x128xi32, #tpu.memory_space<vmem>>
          %gather3A_581 = tpu.memref_squeeze %gather3A_580 : memref<1x96x128xi32, #tpu.memory_space<vmem>> -> memref<96x128xi32, #tpu.memory_space<vmem>>
          %gather3A_582 = tpu.vector_load_idx %gather3A_581[%add3A_160, %and3A_567] : memref<96x128xi32, #tpu.memory_space<vmem>>[vector<16xi32>, vector<16xi32>], vector<16xi32>,
          %bitcast3A_583 = vector.bitcast %gather3A_572 : vector<16xi32> to vector<32xbf16>
          %bitcast3A_584 = vector.bitcast %gather3A_577 : vector<16xi32> to vector<32xbf16>
          %bitcast3A_585 = vector.bitcast %gather3A_582 : vector<16xi32> to vector<32xbf16>
          %mul3A_586 = arith.mulf %bitcast3A_583, %bitcast3A_585 : vector<32xbf16>
          %mul3A_587 = arith.mulf %mul3A_586, %bitcast3A_584 : vector<32xbf16>
          %add3A_588 = arith.addf %add3A_558, %mul3A_587 : vector<32xbf16>
          scf.yield %add3A_588 : vector<32xbf16>
        }
        %scan3A_171 = arith.constant 16 : i32
        %bitcast3A_172 = vector.bitcast %scan3A_170 : vector<32xbf16> to vector<16xi32>
        %shift_left3A_173 = arith.constant 16 : i32
        %shift_left3A_174 = vector.broadcast %shift_left3A_173 : i32 to vector<16xi32>
        %shift_left3A_175 = arith.shli %bitcast3A_172, %shift_left3A_174 : vector<16xi32>
        %bitcast3A_176 = vector.bitcast %shift_left3A_175 : vector<16xi32> to vector<16xf32>
        %and3A_177 = arith.andi %bitcast3A_172, %broadcast_in_dim3A_53 : vector<16xi32>
        %bitcast3A_178 = vector.bitcast %and3A_177 : vector<16xi32> to vector<16xf32>
        %add3A_179 = arith.addf %bitcast3A_176, %bitcast3A_178 : vector<16xf32>
        %neg3A_180 = arith.constant 0.000000e+00 : f32
        %neg3A_181 = vector.broadcast %neg3A_180 : f32 to vector<16xf32>
        %neg3A_182 = arith.subf %neg3A_181, %add3A_179 : vector<16xf32>
        %exp3A_183 = math.exp %neg3A_182 : vector<16xf32>
        %add3A_184 = arith.constant 1.000000e+00 : f32
        %add3A_185 = vector.broadcast %add3A_184 : f32 to vector<16xf32>
        %add3A_186 = arith.addf %add3A_185, %exp3A_183 : vector<16xf32>
        %div3A_187 = arith.constant 1.000000e+00 : f32
        %div3A_188 = vector.broadcast %div3A_187 : f32 to vector<16xf32>
        %div3A_189 = arith.divf %div3A_188, %add3A_186 : vector<16xf32>
        %mul3A_190 = arith.constant 96 : i32
        %mul3A_191 = arith.muli %add3A_78, %mul3A_190 : i32
        %add3A_192 = arith.constant 16 : i32
        %add3A_193 = arith.addi %mul3A_191, %add3A_192 : i32
        %swap3A_194 = arith.index_cast %add3A_193 : i32 to index
        %swap3A_195 = tpu.vector_load %arg13[%swap3A_194] {strides = array<i32>} : memref<9504xf32, #tpu.memory_space<vmem>>, vector<16xf32>,
        tpu.vector_store %arg13[%swap3A_194], %div3A_189 {strides = array<i32>} : memref<9504xf32, #tpu.memory_space<vmem>>, vector<16xf32>,
        %add3A_196 = arith.constant 32 : i32
        %add3A_197 = vector.broadcast %add3A_196 : i32 to vector<16xi32>
        %add3A_198 = arith.addi %iota3A, %add3A_197 : vector<16xi32>
        %broadcast_in_dim3A_199 = arith.constant 0.000000e+00 : bf16
        %broadcast_in_dim3A_200 = vector.broadcast %broadcast_in_dim3A_199 : bf16 to vector<32xbf16>
        %scan3A_201 = arith.constant 1 : i32
        %scan3A_202 = arith.constant 1 : i32
        %scan3A_203 = arith.constant 1 : i32
        %scan3A_204 = arith.constant 0 : i32
        %scan3A_205 = arith.constant 16 : i32
        %scan3A_206 = arith.addi %scan3A_204, %scan3A_205 : i32
        %scan3A_207 = arith.constant 1 : i32
        %scan3A_208 = scf.for %scan3A_348 = %scan3A_204 to %scan3A_206 step %scan3A_207 iter_args(%scan3A_349 = %broadcast_in_dim3A_200) -> (vector<32xbf16>)  : i32 {
          %mul3A_350 = arith.constant 8 : i32
          %mul3A_351 = arith.muli %scan3A_348, %mul3A_350 : i32
          %add3A_352 = arith.constant 0 : i32
          %add3A_353 = arith.addi %mul3A_351, %add3A_352 : i32
          %add3A_354 = vector.broadcast %add3A_353 : i32 to vector<16xi32>
          %add3A_355 = arith.addi %iota3A, %add3A_354 : vector<16xi32>
          %and3A_356 = arith.constant 127 : i32
          %and3A_357 = vector.broadcast %and3A_356 : i32 to vector<16xi32>
          %and3A_358 = arith.andi %add3A_355, %and3A_357 : vector<16xi32>
          %gather3A = arith.constant 0 : i32
          %gather3A_359 = arith.constant 0 : i32
          %gather3A_360 = tpu.memref_slice %arg10[%scan3A_201, %gather3A, %gather3A_359] : memref<2x96x128xi32, #tpu.memory_space<vmem>> -> memref<1x96x128xi32, #tpu.memory_space<vmem>>
          %gather3A_361 = tpu.memref_squeeze %gather3A_360 : memref<1x96x128xi32, #tpu.memory_space<vmem>> -> memref<96x128xi32, #tpu.memory_space<vmem>>
          %gather3A_362 = tpu.vector_load_idx %gather3A_361[%add3A_198, %and3A_358] : memref<96x128xi32, #tpu.memory_space<vmem>>[vector<16xi32>, vector<16xi32>], vector<16xi32>,
          %gather3A_363 = arith.constant 0 : i32
          %gather3A_364 = arith.constant 0 : i32
          %gather3A_365 = tpu.memref_slice %arg11[%scan3A_202, %gather3A_363, %gather3A_364] : memref<2x96x128xi32, #tpu.memory_space<vmem>> -> memref<1x96x128xi32, #tpu.memory_space<vmem>>
          %gather3A_366 = tpu.memref_squeeze %gather3A_365 : memref<1x96x128xi32, #tpu.memory_space<vmem>> -> memref<96x128xi32, #tpu.memory_space<vmem>>
          %gather3A_367 = tpu.vector_load_idx %gather3A_366[%add3A_198, %and3A_358] : memref<96x128xi32, #tpu.memory_space<vmem>>[vector<16xi32>, vector<16xi32>], vector<16xi32>,
          %gather3A_368 = arith.constant 0 : i32
          %gather3A_369 = arith.constant 0 : i32
          %gather3A_370 = tpu.memref_slice %arg12[%scan3A_203, %gather3A_368, %gather3A_369] : memref<2x96x128xi32, #tpu.memory_space<vmem>> -> memref<1x96x128xi32, #tpu.memory_space<vmem>>
          %gather3A_371 = tpu.memref_squeeze %gather3A_370 : memref<1x96x128xi32, #tpu.memory_space<vmem>> -> memref<96x128xi32, #tpu.memory_space<vmem>>
          %gather3A_372 = tpu.vector_load_idx %gather3A_371[%add3A_198, %and3A_358] : memref<96x128xi32, #tpu.memory_space<vmem>>[vector<16xi32>, vector<16xi32>], vector<16xi32>,
          %bitcast3A_373 = vector.bitcast %gather3A_362 : vector<16xi32> to vector<32xbf16>
          %bitcast3A_374 = vector.bitcast %gather3A_367 : vector<16xi32> to vector<32xbf16>
          %bitcast3A_375 = vector.bitcast %gather3A_372 : vector<16xi32> to vector<32xbf16>
          %mul3A_376 = arith.mulf %bitcast3A_373, %bitcast3A_375 : vector<32xbf16>
          %mul3A_377 = arith.mulf %mul3A_376, %bitcast3A_374 : vector<32xbf16>
          %add3A_378 = arith.addf %scan3A_349, %mul3A_377 : vector<32xbf16>
          %mul3A_379 = arith.constant 8 : i32
          %mul3A_380 = arith.muli %scan3A_348, %mul3A_379 : i32
          %add3A_381 = arith.constant 1 : i32
          %add3A_382 = arith.addi %mul3A_380, %add3A_381 : i32
          %add3A_383 = vector.broadcast %add3A_382 : i32 to vector<16xi32>
          %add3A_384 = arith.addi %iota3A, %add3A_383 : vector<16xi32>
          %and3A_385 = arith.constant 127 : i32
          %and3A_386 = vector.broadcast %and3A_385 : i32 to vector<16xi32>
          %and3A_387 = arith.andi %add3A_384, %and3A_386 : vector<16xi32>
          %gather3A_388 = arith.constant 0 : i32
          %gather3A_389 = arith.constant 0 : i32
          %gather3A_390 = tpu.memref_slice %arg10[%scan3A_201, %gather3A_388, %gather3A_389] : memref<2x96x128xi32, #tpu.memory_space<vmem>> -> memref<1x96x128xi32, #tpu.memory_space<vmem>>
          %gather3A_391 = tpu.memref_squeeze %gather3A_390 : memref<1x96x128xi32, #tpu.memory_space<vmem>> -> memref<96x128xi32, #tpu.memory_space<vmem>>
          %gather3A_392 = tpu.vector_load_idx %gather3A_391[%add3A_198, %and3A_387] : memref<96x128xi32, #tpu.memory_space<vmem>>[vector<16xi32>, vector<16xi32>], vector<16xi32>,
          %gather3A_393 = arith.constant 0 : i32
          %gather3A_394 = arith.constant 0 : i32
          %gather3A_395 = tpu.memref_slice %arg11[%scan3A_202, %gather3A_393, %gather3A_394] : memref<2x96x128xi32, #tpu.memory_space<vmem>> -> memref<1x96x128xi32, #tpu.memory_space<vmem>>
          %gather3A_396 = tpu.memref_squeeze %gather3A_395 : memref<1x96x128xi32, #tpu.memory_space<vmem>> -> memref<96x128xi32, #tpu.memory_space<vmem>>
          %gather3A_397 = tpu.vector_load_idx %gather3A_396[%add3A_198, %and3A_387] : memref<96x128xi32, #tpu.memory_space<vmem>>[vector<16xi32>, vector<16xi32>], vector<16xi32>,
          %gather3A_398 = arith.constant 0 : i32
          %gather3A_399 = arith.constant 0 : i32
          %gather3A_400 = tpu.memref_slice %arg12[%scan3A_203, %gather3A_398, %gather3A_399] : memref<2x96x128xi32, #tpu.memory_space<vmem>> -> memref<1x96x128xi32, #tpu.memory_space<vmem>>
          %gather3A_401 = tpu.memref_squeeze %gather3A_400 : memref<1x96x128xi32, #tpu.memory_space<vmem>> -> memref<96x128xi32, #tpu.memory_space<vmem>>
          %gather3A_402 = tpu.vector_load_idx %gather3A_401[%add3A_198, %and3A_387] : memref<96x128xi32, #tpu.memory_space<vmem>>[vector<16xi32>, vector<16xi32>], vector<16xi32>,
          %bitcast3A_403 = vector.bitcast %gather3A_392 : vector<16xi32> to vector<32xbf16>
          %bitcast3A_404 = vector.bitcast %gather3A_397 : vector<16xi32> to vector<32xbf16>
          %bitcast3A_405 = vector.bitcast %gather3A_402 : vector<16xi32> to vector<32xbf16>
          %mul3A_406 = arith.mulf %bitcast3A_403, %bitcast3A_405 : vector<32xbf16>
          %mul3A_407 = arith.mulf %mul3A_406, %bitcast3A_404 : vector<32xbf16>
          %add3A_408 = arith.addf %add3A_378, %mul3A_407 : vector<32xbf16>
          %mul3A_409 = arith.constant 8 : i32
          %mul3A_410 = arith.muli %scan3A_348, %mul3A_409 : i32
          %add3A_411 = arith.constant 2 : i32
          %add3A_412 = arith.addi %mul3A_410, %add3A_411 : i32
          %add3A_413 = vector.broadcast %add3A_412 : i32 to vector<16xi32>
          %add3A_414 = arith.addi %iota3A, %add3A_413 : vector<16xi32>
          %and3A_415 = arith.constant 127 : i32
          %and3A_416 = vector.broadcast %and3A_415 : i32 to vector<16xi32>
          %and3A_417 = arith.andi %add3A_414, %and3A_416 : vector<16xi32>
          %gather3A_418 = arith.constant 0 : i32
          %gather3A_419 = arith.constant 0 : i32
          %gather3A_420 = tpu.memref_slice %arg10[%scan3A_201, %gather3A_418, %gather3A_419] : memref<2x96x128xi32, #tpu.memory_space<vmem>> -> memref<1x96x128xi32, #tpu.memory_space<vmem>>
          %gather3A_421 = tpu.memref_squeeze %gather3A_420 : memref<1x96x128xi32, #tpu.memory_space<vmem>> -> memref<96x128xi32, #tpu.memory_space<vmem>>
          %gather3A_422 = tpu.vector_load_idx %gather3A_421[%add3A_198, %and3A_417] : memref<96x128xi32, #tpu.memory_space<vmem>>[vector<16xi32>, vector<16xi32>], vector<16xi32>,
          %gather3A_423 = arith.constant 0 : i32
          %gather3A_424 = arith.constant 0 : i32
          %gather3A_425 = tpu.memref_slice %arg11[%scan3A_202, %gather3A_423, %gather3A_424] : memref<2x96x128xi32, #tpu.memory_space<vmem>> -> memref<1x96x128xi32, #tpu.memory_space<vmem>>
          %gather3A_426 = tpu.memref_squeeze %gather3A_425 : memref<1x96x128xi32, #tpu.memory_space<vmem>> -> memref<96x128xi32, #tpu.memory_space<vmem>>
          %gather3A_427 = tpu.vector_load_idx %gather3A_426[%add3A_198, %and3A_417] : memref<96x128xi32, #tpu.memory_space<vmem>>[vector<16xi32>, vector<16xi32>], vector<16xi32>,
          %gather3A_428 = arith.constant 0 : i32
          %gather3A_429 = arith.constant 0 : i32
          %gather3A_430 = tpu.memref_slice %arg12[%scan3A_203, %gather3A_428, %gather3A_429] : memref<2x96x128xi32, #tpu.memory_space<vmem>> -> memref<1x96x128xi32, #tpu.memory_space<vmem>>
          %gather3A_431 = tpu.memref_squeeze %gather3A_430 : memref<1x96x128xi32, #tpu.memory_space<vmem>> -> memref<96x128xi32, #tpu.memory_space<vmem>>
          %gather3A_432 = tpu.vector_load_idx %gather3A_431[%add3A_198, %and3A_417] : memref<96x128xi32, #tpu.memory_space<vmem>>[vector<16xi32>, vector<16xi32>], vector<16xi32>,
          %bitcast3A_433 = vector.bitcast %gather3A_422 : vector<16xi32> to vector<32xbf16>
          %bitcast3A_434 = vector.bitcast %gather3A_427 : vector<16xi32> to vector<32xbf16>
          %bitcast3A_435 = vector.bitcast %gather3A_432 : vector<16xi32> to vector<32xbf16>
          %mul3A_436 = arith.mulf %bitcast3A_433, %bitcast3A_435 : vector<32xbf16>
          %mul3A_437 = arith.mulf %mul3A_436, %bitcast3A_434 : vector<32xbf16>
          %add3A_438 = arith.addf %add3A_408, %mul3A_437 : vector<32xbf16>
          %mul3A_439 = arith.constant 8 : i32
          %mul3A_440 = arith.muli %scan3A_348, %mul3A_439 : i32
          %add3A_441 = arith.constant 3 : i32
          %add3A_442 = arith.addi %mul3A_440, %add3A_441 : i32
          %add3A_443 = vector.broadcast %add3A_442 : i32 to vector<16xi32>
          %add3A_444 = arith.addi %iota3A, %add3A_443 : vector<16xi32>
          %and3A_445 = arith.constant 127 : i32
          %and3A_446 = vector.broadcast %and3A_445 : i32 to vector<16xi32>
          %and3A_447 = arith.andi %add3A_444, %and3A_446 : vector<16xi32>
          %gather3A_448 = arith.constant 0 : i32
          %gather3A_449 = arith.constant 0 : i32
          %gather3A_450 = tpu.memref_slice %arg10[%scan3A_201, %gather3A_448, %gather3A_449] : memref<2x96x128xi32, #tpu.memory_space<vmem>> -> memref<1x96x128xi32, #tpu.memory_space<vmem>>
          %gather3A_451 = tpu.memref_squeeze %gather3A_450 : memref<1x96x128xi32, #tpu.memory_space<vmem>> -> memref<96x128xi32, #tpu.memory_space<vmem>>
          %gather3A_452 = tpu.vector_load_idx %gather3A_451[%add3A_198, %and3A_447] : memref<96x128xi32, #tpu.memory_space<vmem>>[vector<16xi32>, vector<16xi32>], vector<16xi32>,
          %gather3A_453 = arith.constant 0 : i32
          %gather3A_454 = arith.constant 0 : i32
          %gather3A_455 = tpu.memref_slice %arg11[%scan3A_202, %gather3A_453, %gather3A_454] : memref<2x96x128xi32, #tpu.memory_space<vmem>> -> memref<1x96x128xi32, #tpu.memory_space<vmem>>
          %gather3A_456 = tpu.memref_squeeze %gather3A_455 : memref<1x96x128xi32, #tpu.memory_space<vmem>> -> memref<96x128xi32, #tpu.memory_space<vmem>>
          %gather3A_457 = tpu.vector_load_idx %gather3A_456[%add3A_198, %and3A_447] : memref<96x128xi32, #tpu.memory_space<vmem>>[vector<16xi32>, vector<16xi32>], vector<16xi32>,
          %gather3A_458 = arith.constant 0 : i32
          %gather3A_459 = arith.constant 0 : i32
          %gather3A_460 = tpu.memref_slice %arg12[%scan3A_203, %gather3A_458, %gather3A_459] : memref<2x96x128xi32, #tpu.memory_space<vmem>> -> memref<1x96x128xi32, #tpu.memory_space<vmem>>
          %gather3A_461 = tpu.memref_squeeze %gather3A_460 : memref<1x96x128xi32, #tpu.memory_space<vmem>> -> memref<96x128xi32, #tpu.memory_space<vmem>>
          %gather3A_462 = tpu.vector_load_idx %gather3A_461[%add3A_198, %and3A_447] : memref<96x128xi32, #tpu.memory_space<vmem>>[vector<16xi32>, vector<16xi32>], vector<16xi32>,
          %bitcast3A_463 = vector.bitcast %gather3A_452 : vector<16xi32> to vector<32xbf16>
          %bitcast3A_464 = vector.bitcast %gather3A_457 : vector<16xi32> to vector<32xbf16>
          %bitcast3A_465 = vector.bitcast %gather3A_462 : vector<16xi32> to vector<32xbf16>
          %mul3A_466 = arith.mulf %bitcast3A_463, %bitcast3A_465 : vector<32xbf16>
          %mul3A_467 = arith.mulf %mul3A_466, %bitcast3A_464 : vector<32xbf16>
          %add3A_468 = arith.addf %add3A_438, %mul3A_467 : vector<32xbf16>
          %mul3A_469 = arith.constant 8 : i32
          %mul3A_470 = arith.muli %scan3A_348, %mul3A_469 : i32
          %add3A_471 = arith.constant 4 : i32
          %add3A_472 = arith.addi %mul3A_470, %add3A_471 : i32
          %add3A_473 = vector.broadcast %add3A_472 : i32 to vector<16xi32>
          %add3A_474 = arith.addi %iota3A, %add3A_473 : vector<16xi32>
          %and3A_475 = arith.constant 127 : i32
          %and3A_476 = vector.broadcast %and3A_475 : i32 to vector<16xi32>
          %and3A_477 = arith.andi %add3A_474, %and3A_476 : vector<16xi32>
          %gather3A_478 = arith.constant 0 : i32
          %gather3A_479 = arith.constant 0 : i32
          %gather3A_480 = tpu.memref_slice %arg10[%scan3A_201, %gather3A_478, %gather3A_479] : memref<2x96x128xi32, #tpu.memory_space<vmem>> -> memref<1x96x128xi32, #tpu.memory_space<vmem>>
          %gather3A_481 = tpu.memref_squeeze %gather3A_480 : memref<1x96x128xi32, #tpu.memory_space<vmem>> -> memref<96x128xi32, #tpu.memory_space<vmem>>
          %gather3A_482 = tpu.vector_load_idx %gather3A_481[%add3A_198, %and3A_477] : memref<96x128xi32, #tpu.memory_space<vmem>>[vector<16xi32>, vector<16xi32>], vector<16xi32>,
          %gather3A_483 = arith.constant 0 : i32
          %gather3A_484 = arith.constant 0 : i32
          %gather3A_485 = tpu.memref_slice %arg11[%scan3A_202, %gather3A_483, %gather3A_484] : memref<2x96x128xi32, #tpu.memory_space<vmem>> -> memref<1x96x128xi32, #tpu.memory_space<vmem>>
          %gather3A_486 = tpu.memref_squeeze %gather3A_485 : memref<1x96x128xi32, #tpu.memory_space<vmem>> -> memref<96x128xi32, #tpu.memory_space<vmem>>
          %gather3A_487 = tpu.vector_load_idx %gather3A_486[%add3A_198, %and3A_477] : memref<96x128xi32, #tpu.memory_space<vmem>>[vector<16xi32>, vector<16xi32>], vector<16xi32>,
          %gather3A_488 = arith.constant 0 : i32
          %gather3A_489 = arith.constant 0 : i32
          %gather3A_490 = tpu.memref_slice %arg12[%scan3A_203, %gather3A_488, %gather3A_489] : memref<2x96x128xi32, #tpu.memory_space<vmem>> -> memref<1x96x128xi32, #tpu.memory_space<vmem>>
          %gather3A_491 = tpu.memref_squeeze %gather3A_490 : memref<1x96x128xi32, #tpu.memory_space<vmem>> -> memref<96x128xi32, #tpu.memory_space<vmem>>
          %gather3A_492 = tpu.vector_load_idx %gather3A_491[%add3A_198, %and3A_477] : memref<96x128xi32, #tpu.memory_space<vmem>>[vector<16xi32>, vector<16xi32>], vector<16xi32>,
          %bitcast3A_493 = vector.bitcast %gather3A_482 : vector<16xi32> to vector<32xbf16>
          %bitcast3A_494 = vector.bitcast %gather3A_487 : vector<16xi32> to vector<32xbf16>
          %bitcast3A_495 = vector.bitcast %gather3A_492 : vector<16xi32> to vector<32xbf16>
          %mul3A_496 = arith.mulf %bitcast3A_493, %bitcast3A_495 : vector<32xbf16>
          %mul3A_497 = arith.mulf %mul3A_496, %bitcast3A_494 : vector<32xbf16>
          %add3A_498 = arith.addf %add3A_468, %mul3A_497 : vector<32xbf16>
          %mul3A_499 = arith.constant 8 : i32
          %mul3A_500 = arith.muli %scan3A_348, %mul3A_499 : i32
          %add3A_501 = arith.constant 5 : i32
          %add3A_502 = arith.addi %mul3A_500, %add3A_501 : i32
          %add3A_503 = vector.broadcast %add3A_502 : i32 to vector<16xi32>
          %add3A_504 = arith.addi %iota3A, %add3A_503 : vector<16xi32>
          %and3A_505 = arith.constant 127 : i32
          %and3A_506 = vector.broadcast %and3A_505 : i32 to vector<16xi32>
          %and3A_507 = arith.andi %add3A_504, %and3A_506 : vector<16xi32>
          %gather3A_508 = arith.constant 0 : i32
          %gather3A_509 = arith.constant 0 : i32
          %gather3A_510 = tpu.memref_slice %arg10[%scan3A_201, %gather3A_508, %gather3A_509] : memref<2x96x128xi32, #tpu.memory_space<vmem>> -> memref<1x96x128xi32, #tpu.memory_space<vmem>>
          %gather3A_511 = tpu.memref_squeeze %gather3A_510 : memref<1x96x128xi32, #tpu.memory_space<vmem>> -> memref<96x128xi32, #tpu.memory_space<vmem>>
          %gather3A_512 = tpu.vector_load_idx %gather3A_511[%add3A_198, %and3A_507] : memref<96x128xi32, #tpu.memory_space<vmem>>[vector<16xi32>, vector<16xi32>], vector<16xi32>,
          %gather3A_513 = arith.constant 0 : i32
          %gather3A_514 = arith.constant 0 : i32
          %gather3A_515 = tpu.memref_slice %arg11[%scan3A_202, %gather3A_513, %gather3A_514] : memref<2x96x128xi32, #tpu.memory_space<vmem>> -> memref<1x96x128xi32, #tpu.memory_space<vmem>>
          %gather3A_516 = tpu.memref_squeeze %gather3A_515 : memref<1x96x128xi32, #tpu.memory_space<vmem>> -> memref<96x128xi32, #tpu.memory_space<vmem>>
          %gather3A_517 = tpu.vector_load_idx %gather3A_516[%add3A_198, %and3A_507] : memref<96x128xi32, #tpu.memory_space<vmem>>[vector<16xi32>, vector<16xi32>], vector<16xi32>,
          %gather3A_518 = arith.constant 0 : i32
          %gather3A_519 = arith.constant 0 : i32
          %gather3A_520 = tpu.memref_slice %arg12[%scan3A_203, %gather3A_518, %gather3A_519] : memref<2x96x128xi32, #tpu.memory_space<vmem>> -> memref<1x96x128xi32, #tpu.memory_space<vmem>>
          %gather3A_521 = tpu.memref_squeeze %gather3A_520 : memref<1x96x128xi32, #tpu.memory_space<vmem>> -> memref<96x128xi32, #tpu.memory_space<vmem>>
          %gather3A_522 = tpu.vector_load_idx %gather3A_521[%add3A_198, %and3A_507] : memref<96x128xi32, #tpu.memory_space<vmem>>[vector<16xi32>, vector<16xi32>], vector<16xi32>,
          %bitcast3A_523 = vector.bitcast %gather3A_512 : vector<16xi32> to vector<32xbf16>
          %bitcast3A_524 = vector.bitcast %gather3A_517 : vector<16xi32> to vector<32xbf16>
          %bitcast3A_525 = vector.bitcast %gather3A_522 : vector<16xi32> to vector<32xbf16>
          %mul3A_526 = arith.mulf %bitcast3A_523, %bitcast3A_525 : vector<32xbf16>
          %mul3A_527 = arith.mulf %mul3A_526, %bitcast3A_524 : vector<32xbf16>
          %add3A_528 = arith.addf %add3A_498, %mul3A_527 : vector<32xbf16>
          %mul3A_529 = arith.constant 8 : i32
          %mul3A_530 = arith.muli %scan3A_348, %mul3A_529 : i32
          %add3A_531 = arith.constant 6 : i32
          %add3A_532 = arith.addi %mul3A_530, %add3A_531 : i32
          %add3A_533 = vector.broadcast %add3A_532 : i32 to vector<16xi32>
          %add3A_534 = arith.addi %iota3A, %add3A_533 : vector<16xi32>
          %and3A_535 = arith.constant 127 : i32
          %and3A_536 = vector.broadcast %and3A_535 : i32 to vector<16xi32>
          %and3A_537 = arith.andi %add3A_534, %and3A_536 : vector<16xi32>
          %gather3A_538 = arith.constant 0 : i32
          %gather3A_539 = arith.constant 0 : i32
          %gather3A_540 = tpu.memref_slice %arg10[%scan3A_201, %gather3A_538, %gather3A_539] : memref<2x96x128xi32, #tpu.memory_space<vmem>> -> memref<1x96x128xi32, #tpu.memory_space<vmem>>
          %gather3A_541 = tpu.memref_squeeze %gather3A_540 : memref<1x96x128xi32, #tpu.memory_space<vmem>> -> memref<96x128xi32, #tpu.memory_space<vmem>>
          %gather3A_542 = tpu.vector_load_idx %gather3A_541[%add3A_198, %and3A_537] : memref<96x128xi32, #tpu.memory_space<vmem>>[vector<16xi32>, vector<16xi32>], vector<16xi32>,
          %gather3A_543 = arith.constant 0 : i32
          %gather3A_544 = arith.constant 0 : i32
          %gather3A_545 = tpu.memref_slice %arg11[%scan3A_202, %gather3A_543, %gather3A_544] : memref<2x96x128xi32, #tpu.memory_space<vmem>> -> memref<1x96x128xi32, #tpu.memory_space<vmem>>
          %gather3A_546 = tpu.memref_squeeze %gather3A_545 : memref<1x96x128xi32, #tpu.memory_space<vmem>> -> memref<96x128xi32, #tpu.memory_space<vmem>>
          %gather3A_547 = tpu.vector_load_idx %gather3A_546[%add3A_198, %and3A_537] : memref<96x128xi32, #tpu.memory_space<vmem>>[vector<16xi32>, vector<16xi32>], vector<16xi32>,
          %gather3A_548 = arith.constant 0 : i32
          %gather3A_549 = arith.constant 0 : i32
          %gather3A_550 = tpu.memref_slice %arg12[%scan3A_203, %gather3A_548, %gather3A_549] : memref<2x96x128xi32, #tpu.memory_space<vmem>> -> memref<1x96x128xi32, #tpu.memory_space<vmem>>
          %gather3A_551 = tpu.memref_squeeze %gather3A_550 : memref<1x96x128xi32, #tpu.memory_space<vmem>> -> memref<96x128xi32, #tpu.memory_space<vmem>>
          %gather3A_552 = tpu.vector_load_idx %gather3A_551[%add3A_198, %and3A_537] : memref<96x128xi32, #tpu.memory_space<vmem>>[vector<16xi32>, vector<16xi32>], vector<16xi32>,
          %bitcast3A_553 = vector.bitcast %gather3A_542 : vector<16xi32> to vector<32xbf16>
          %bitcast3A_554 = vector.bitcast %gather3A_547 : vector<16xi32> to vector<32xbf16>
          %bitcast3A_555 = vector.bitcast %gather3A_552 : vector<16xi32> to vector<32xbf16>
          %mul3A_556 = arith.mulf %bitcast3A_553, %bitcast3A_555 : vector<32xbf16>
          %mul3A_557 = arith.mulf %mul3A_556, %bitcast3A_554 : vector<32xbf16>
          %add3A_558 = arith.addf %add3A_528, %mul3A_557 : vector<32xbf16>
          %mul3A_559 = arith.constant 8 : i32
          %mul3A_560 = arith.muli %scan3A_348, %mul3A_559 : i32
          %add3A_561 = arith.constant 7 : i32
          %add3A_562 = arith.addi %mul3A_560, %add3A_561 : i32
          %add3A_563 = vector.broadcast %add3A_562 : i32 to vector<16xi32>
          %add3A_564 = arith.addi %iota3A, %add3A_563 : vector<16xi32>
          %and3A_565 = arith.constant 127 : i32
          %and3A_566 = vector.broadcast %and3A_565 : i32 to vector<16xi32>
          %and3A_567 = arith.andi %add3A_564, %and3A_566 : vector<16xi32>
          %gather3A_568 = arith.constant 0 : i32
          %gather3A_569 = arith.constant 0 : i32
          %gather3A_570 = tpu.memref_slice %arg10[%scan3A_201, %gather3A_568, %gather3A_569] : memref<2x96x128xi32, #tpu.memory_space<vmem>> -> memref<1x96x128xi32, #tpu.memory_space<vmem>>
          %gather3A_571 = tpu.memref_squeeze %gather3A_570 : memref<1x96x128xi32, #tpu.memory_space<vmem>> -> memref<96x128xi32, #tpu.memory_space<vmem>>
          %gather3A_572 = tpu.vector_load_idx %gather3A_571[%add3A_198, %and3A_567] : memref<96x128xi32, #tpu.memory_space<vmem>>[vector<16xi32>, vector<16xi32>], vector<16xi32>,
          %gather3A_573 = arith.constant 0 : i32
          %gather3A_574 = arith.constant 0 : i32
          %gather3A_575 = tpu.memref_slice %arg11[%scan3A_202, %gather3A_573, %gather3A_574] : memref<2x96x128xi32, #tpu.memory_space<vmem>> -> memref<1x96x128xi32, #tpu.memory_space<vmem>>
          %gather3A_576 = tpu.memref_squeeze %gather3A_575 : memref<1x96x128xi32, #tpu.memory_space<vmem>> -> memref<96x128xi32, #tpu.memory_space<vmem>>
          %gather3A_577 = tpu.vector_load_idx %gather3A_576[%add3A_198, %and3A_567] : memref<96x128xi32, #tpu.memory_space<vmem>>[vector<16xi32>, vector<16xi32>], vector<16xi32>,
          %gather3A_578 = arith.constant 0 : i32
          %gather3A_579 = arith.constant 0 : i32
          %gather3A_580 = tpu.memref_slice %arg12[%scan3A_203, %gather3A_578, %gather3A_579] : memref<2x96x128xi32, #tpu.memory_space<vmem>> -> memref<1x96x128xi32, #tpu.memory_space<vmem>>
          %gather3A_581 = tpu.memref_squeeze %gather3A_580 : memref<1x96x128xi32, #tpu.memory_space<vmem>> -> memref<96x128xi32, #tpu.memory_space<vmem>>
          %gather3A_582 = tpu.vector_load_idx %gather3A_581[%add3A_198, %and3A_567] : memref<96x128xi32, #tpu.memory_space<vmem>>[vector<16xi32>, vector<16xi32>], vector<16xi32>,
          %bitcast3A_583 = vector.bitcast %gather3A_572 : vector<16xi32> to vector<32xbf16>
          %bitcast3A_584 = vector.bitcast %gather3A_577 : vector<16xi32> to vector<32xbf16>
          %bitcast3A_585 = vector.bitcast %gather3A_582 : vector<16xi32> to vector<32xbf16>
          %mul3A_586 = arith.mulf %bitcast3A_583, %bitcast3A_585 : vector<32xbf16>
          %mul3A_587 = arith.mulf %mul3A_586, %bitcast3A_584 : vector<32xbf16>
          %add3A_588 = arith.addf %add3A_558, %mul3A_587 : vector<32xbf16>
          scf.yield %add3A_588 : vector<32xbf16>
        }
        %scan3A_209 = arith.constant 16 : i32
        %bitcast3A_210 = vector.bitcast %scan3A_208 : vector<32xbf16> to vector<16xi32>
        %shift_left3A_211 = arith.constant 16 : i32
        %shift_left3A_212 = vector.broadcast %shift_left3A_211 : i32 to vector<16xi32>
        %shift_left3A_213 = arith.shli %bitcast3A_210, %shift_left3A_212 : vector<16xi32>
        %bitcast3A_214 = vector.bitcast %shift_left3A_213 : vector<16xi32> to vector<16xf32>
        %and3A_215 = arith.andi %bitcast3A_210, %broadcast_in_dim3A_53 : vector<16xi32>
        %bitcast3A_216 = vector.bitcast %and3A_215 : vector<16xi32> to vector<16xf32>
        %add3A_217 = arith.addf %bitcast3A_214, %bitcast3A_216 : vector<16xf32>
        %neg3A_218 = arith.constant 0.000000e+00 : f32
        %neg3A_219 = vector.broadcast %neg3A_218 : f32 to vector<16xf32>
        %neg3A_220 = arith.subf %neg3A_219, %add3A_217 : vector<16xf32>
        %exp3A_221 = math.exp %neg3A_220 : vector<16xf32>
        %add3A_222 = arith.constant 1.000000e+00 : f32
        %add3A_223 = vector.broadcast %add3A_222 : f32 to vector<16xf32>
        %add3A_224 = arith.addf %add3A_223, %exp3A_221 : vector<16xf32>
        %div3A_225 = arith.constant 1.000000e+00 : f32
        %div3A_226 = vector.broadcast %div3A_225 : f32 to vector<16xf32>
        %div3A_227 = arith.divf %div3A_226, %add3A_224 : vector<16xf32>
        %mul3A_228 = arith.constant 96 : i32
        %mul3A_229 = arith.muli %add3A_78, %mul3A_228 : i32
        %add3A_230 = arith.constant 32 : i32
        %add3A_231 = arith.addi %mul3A_229, %add3A_230 : i32
        %swap3A_232 = arith.index_cast %add3A_231 : i32 to index
        %swap3A_233 = tpu.vector_load %arg13[%swap3A_232] {strides = array<i32>} : memref<9504xf32, #tpu.memory_space<vmem>>, vector<16xf32>,
        tpu.vector_store %arg13[%swap3A_232], %div3A_227 {strides = array<i32>} : memref<9504xf32, #tpu.memory_space<vmem>>, vector<16xf32>,
        %add3A_234 = arith.constant 48 : i32
        %add3A_235 = vector.broadcast %add3A_234 : i32 to vector<16xi32>
        %add3A_236 = arith.addi %iota3A, %add3A_235 : vector<16xi32>
        %broadcast_in_dim3A_237 = arith.constant 0.000000e+00 : bf16
        %broadcast_in_dim3A_238 = vector.broadcast %broadcast_in_dim3A_237 : bf16 to vector<32xbf16>
        %scan3A_239 = arith.constant 1 : i32
        %scan3A_240 = arith.constant 1 : i32
        %scan3A_241 = arith.constant 1 : i32
        %scan3A_242 = arith.constant 0 : i32
        %scan3A_243 = arith.constant 16 : i32
        %scan3A_244 = arith.addi %scan3A_242, %scan3A_243 : i32
        %scan3A_245 = arith.constant 1 : i32
        %scan3A_246 = scf.for %scan3A_348 = %scan3A_242 to %scan3A_244 step %scan3A_245 iter_args(%scan3A_349 = %broadcast_in_dim3A_238) -> (vector<32xbf16>)  : i32 {
          %mul3A_350 = arith.constant 8 : i32
          %mul3A_351 = arith.muli %scan3A_348, %mul3A_350 : i32
          %add3A_352 = arith.constant 0 : i32
          %add3A_353 = arith.addi %mul3A_351, %add3A_352 : i32
          %add3A_354 = vector.broadcast %add3A_353 : i32 to vector<16xi32>
          %add3A_355 = arith.addi %iota3A, %add3A_354 : vector<16xi32>
          %and3A_356 = arith.constant 127 : i32
          %and3A_357 = vector.broadcast %and3A_356 : i32 to vector<16xi32>
          %and3A_358 = arith.andi %add3A_355, %and3A_357 : vector<16xi32>
          %gather3A = arith.constant 0 : i32
          %gather3A_359 = arith.constant 0 : i32
          %gather3A_360 = tpu.memref_slice %arg10[%scan3A_239, %gather3A, %gather3A_359] : memref<2x96x128xi32, #tpu.memory_space<vmem>> -> memref<1x96x128xi32, #tpu.memory_space<vmem>>
          %gather3A_361 = tpu.memref_squeeze %gather3A_360 : memref<1x96x128xi32, #tpu.memory_space<vmem>> -> memref<96x128xi32, #tpu.memory_space<vmem>>
          %gather3A_362 = tpu.vector_load_idx %gather3A_361[%add3A_236, %and3A_358] : memref<96x128xi32, #tpu.memory_space<vmem>>[vector<16xi32>, vector<16xi32>], vector<16xi32>,
          %gather3A_363 = arith.constant 0 : i32
          %gather3A_364 = arith.constant 0 : i32
          %gather3A_365 = tpu.memref_slice %arg11[%scan3A_240, %gather3A_363, %gather3A_364] : memref<2x96x128xi32, #tpu.memory_space<vmem>> -> memref<1x96x128xi32, #tpu.memory_space<vmem>>
          %gather3A_366 = tpu.memref_squeeze %gather3A_365 : memref<1x96x128xi32, #tpu.memory_space<vmem>> -> memref<96x128xi32, #tpu.memory_space<vmem>>
          %gather3A_367 = tpu.vector_load_idx %gather3A_366[%add3A_236, %and3A_358] : memref<96x128xi32, #tpu.memory_space<vmem>>[vector<16xi32>, vector<16xi32>], vector<16xi32>,
          %gather3A_368 = arith.constant 0 : i32
          %gather3A_369 = arith.constant 0 : i32
          %gather3A_370 = tpu.memref_slice %arg12[%scan3A_241, %gather3A_368, %gather3A_369] : memref<2x96x128xi32, #tpu.memory_space<vmem>> -> memref<1x96x128xi32, #tpu.memory_space<vmem>>
          %gather3A_371 = tpu.memref_squeeze %gather3A_370 : memref<1x96x128xi32, #tpu.memory_space<vmem>> -> memref<96x128xi32, #tpu.memory_space<vmem>>
          %gather3A_372 = tpu.vector_load_idx %gather3A_371[%add3A_236, %and3A_358] : memref<96x128xi32, #tpu.memory_space<vmem>>[vector<16xi32>, vector<16xi32>], vector<16xi32>,
          %bitcast3A_373 = vector.bitcast %gather3A_362 : vector<16xi32> to vector<32xbf16>
          %bitcast3A_374 = vector.bitcast %gather3A_367 : vector<16xi32> to vector<32xbf16>
          %bitcast3A_375 = vector.bitcast %gather3A_372 : vector<16xi32> to vector<32xbf16>
          %mul3A_376 = arith.mulf %bitcast3A_373, %bitcast3A_375 : vector<32xbf16>
          %mul3A_377 = arith.mulf %mul3A_376, %bitcast3A_374 : vector<32xbf16>
          %add3A_378 = arith.addf %scan3A_349, %mul3A_377 : vector<32xbf16>
          %mul3A_379 = arith.constant 8 : i32
          %mul3A_380 = arith.muli %scan3A_348, %mul3A_379 : i32
          %add3A_381 = arith.constant 1 : i32
          %add3A_382 = arith.addi %mul3A_380, %add3A_381 : i32
          %add3A_383 = vector.broadcast %add3A_382 : i32 to vector<16xi32>
          %add3A_384 = arith.addi %iota3A, %add3A_383 : vector<16xi32>
          %and3A_385 = arith.constant 127 : i32
          %and3A_386 = vector.broadcast %and3A_385 : i32 to vector<16xi32>
          %and3A_387 = arith.andi %add3A_384, %and3A_386 : vector<16xi32>
          %gather3A_388 = arith.constant 0 : i32
          %gather3A_389 = arith.constant 0 : i32
          %gather3A_390 = tpu.memref_slice %arg10[%scan3A_239, %gather3A_388, %gather3A_389] : memref<2x96x128xi32, #tpu.memory_space<vmem>> -> memref<1x96x128xi32, #tpu.memory_space<vmem>>
          %gather3A_391 = tpu.memref_squeeze %gather3A_390 : memref<1x96x128xi32, #tpu.memory_space<vmem>> -> memref<96x128xi32, #tpu.memory_space<vmem>>
          %gather3A_392 = tpu.vector_load_idx %gather3A_391[%add3A_236, %and3A_387] : memref<96x128xi32, #tpu.memory_space<vmem>>[vector<16xi32>, vector<16xi32>], vector<16xi32>,
          %gather3A_393 = arith.constant 0 : i32
          %gather3A_394 = arith.constant 0 : i32
          %gather3A_395 = tpu.memref_slice %arg11[%scan3A_240, %gather3A_393, %gather3A_394] : memref<2x96x128xi32, #tpu.memory_space<vmem>> -> memref<1x96x128xi32, #tpu.memory_space<vmem>>
          %gather3A_396 = tpu.memref_squeeze %gather3A_395 : memref<1x96x128xi32, #tpu.memory_space<vmem>> -> memref<96x128xi32, #tpu.memory_space<vmem>>
          %gather3A_397 = tpu.vector_load_idx %gather3A_396[%add3A_236, %and3A_387] : memref<96x128xi32, #tpu.memory_space<vmem>>[vector<16xi32>, vector<16xi32>], vector<16xi32>,
          %gather3A_398 = arith.constant 0 : i32
          %gather3A_399 = arith.constant 0 : i32
          %gather3A_400 = tpu.memref_slice %arg12[%scan3A_241, %gather3A_398, %gather3A_399] : memref<2x96x128xi32, #tpu.memory_space<vmem>> -> memref<1x96x128xi32, #tpu.memory_space<vmem>>
          %gather3A_401 = tpu.memref_squeeze %gather3A_400 : memref<1x96x128xi32, #tpu.memory_space<vmem>> -> memref<96x128xi32, #tpu.memory_space<vmem>>
          %gather3A_402 = tpu.vector_load_idx %gather3A_401[%add3A_236, %and3A_387] : memref<96x128xi32, #tpu.memory_space<vmem>>[vector<16xi32>, vector<16xi32>], vector<16xi32>,
          %bitcast3A_403 = vector.bitcast %gather3A_392 : vector<16xi32> to vector<32xbf16>
          %bitcast3A_404 = vector.bitcast %gather3A_397 : vector<16xi32> to vector<32xbf16>
          %bitcast3A_405 = vector.bitcast %gather3A_402 : vector<16xi32> to vector<32xbf16>
          %mul3A_406 = arith.mulf %bitcast3A_403, %bitcast3A_405 : vector<32xbf16>
          %mul3A_407 = arith.mulf %mul3A_406, %bitcast3A_404 : vector<32xbf16>
          %add3A_408 = arith.addf %add3A_378, %mul3A_407 : vector<32xbf16>
          %mul3A_409 = arith.constant 8 : i32
          %mul3A_410 = arith.muli %scan3A_348, %mul3A_409 : i32
          %add3A_411 = arith.constant 2 : i32
          %add3A_412 = arith.addi %mul3A_410, %add3A_411 : i32
          %add3A_413 = vector.broadcast %add3A_412 : i32 to vector<16xi32>
          %add3A_414 = arith.addi %iota3A, %add3A_413 : vector<16xi32>
          %and3A_415 = arith.constant 127 : i32
          %and3A_416 = vector.broadcast %and3A_415 : i32 to vector<16xi32>
          %and3A_417 = arith.andi %add3A_414, %and3A_416 : vector<16xi32>
          %gather3A_418 = arith.constant 0 : i32
          %gather3A_419 = arith.constant 0 : i32
          %gather3A_420 = tpu.memref_slice %arg10[%scan3A_239, %gather3A_418, %gather3A_419] : memref<2x96x128xi32, #tpu.memory_space<vmem>> -> memref<1x96x128xi32, #tpu.memory_space<vmem>>
          %gather3A_421 = tpu.memref_squeeze %gather3A_420 : memref<1x96x128xi32, #tpu.memory_space<vmem>> -> memref<96x128xi32, #tpu.memory_space<vmem>>
          %gather3A_422 = tpu.vector_load_idx %gather3A_421[%add3A_236, %and3A_417] : memref<96x128xi32, #tpu.memory_space<vmem>>[vector<16xi32>, vector<16xi32>], vector<16xi32>,
          %gather3A_423 = arith.constant 0 : i32
          %gather3A_424 = arith.constant 0 : i32
          %gather3A_425 = tpu.memref_slice %arg11[%scan3A_240, %gather3A_423, %gather3A_424] : memref<2x96x128xi32, #tpu.memory_space<vmem>> -> memref<1x96x128xi32, #tpu.memory_space<vmem>>
          %gather3A_426 = tpu.memref_squeeze %gather3A_425 : memref<1x96x128xi32, #tpu.memory_space<vmem>> -> memref<96x128xi32, #tpu.memory_space<vmem>>
          %gather3A_427 = tpu.vector_load_idx %gather3A_426[%add3A_236, %and3A_417] : memref<96x128xi32, #tpu.memory_space<vmem>>[vector<16xi32>, vector<16xi32>], vector<16xi32>,
          %gather3A_428 = arith.constant 0 : i32
          %gather3A_429 = arith.constant 0 : i32
          %gather3A_430 = tpu.memref_slice %arg12[%scan3A_241, %gather3A_428, %gather3A_429] : memref<2x96x128xi32, #tpu.memory_space<vmem>> -> memref<1x96x128xi32, #tpu.memory_space<vmem>>
          %gather3A_431 = tpu.memref_squeeze %gather3A_430 : memref<1x96x128xi32, #tpu.memory_space<vmem>> -> memref<96x128xi32, #tpu.memory_space<vmem>>
          %gather3A_432 = tpu.vector_load_idx %gather3A_431[%add3A_236, %and3A_417] : memref<96x128xi32, #tpu.memory_space<vmem>>[vector<16xi32>, vector<16xi32>], vector<16xi32>,
          %bitcast3A_433 = vector.bitcast %gather3A_422 : vector<16xi32> to vector<32xbf16>
          %bitcast3A_434 = vector.bitcast %gather3A_427 : vector<16xi32> to vector<32xbf16>
          %bitcast3A_435 = vector.bitcast %gather3A_432 : vector<16xi32> to vector<32xbf16>
          %mul3A_436 = arith.mulf %bitcast3A_433, %bitcast3A_435 : vector<32xbf16>
          %mul3A_437 = arith.mulf %mul3A_436, %bitcast3A_434 : vector<32xbf16>
          %add3A_438 = arith.addf %add3A_408, %mul3A_437 : vector<32xbf16>
          %mul3A_439 = arith.constant 8 : i32
          %mul3A_440 = arith.muli %scan3A_348, %mul3A_439 : i32
          %add3A_441 = arith.constant 3 : i32
          %add3A_442 = arith.addi %mul3A_440, %add3A_441 : i32
          %add3A_443 = vector.broadcast %add3A_442 : i32 to vector<16xi32>
          %add3A_444 = arith.addi %iota3A, %add3A_443 : vector<16xi32>
          %and3A_445 = arith.constant 127 : i32
          %and3A_446 = vector.broadcast %and3A_445 : i32 to vector<16xi32>
          %and3A_447 = arith.andi %add3A_444, %and3A_446 : vector<16xi32>
          %gather3A_448 = arith.constant 0 : i32
          %gather3A_449 = arith.constant 0 : i32
          %gather3A_450 = tpu.memref_slice %arg10[%scan3A_239, %gather3A_448, %gather3A_449] : memref<2x96x128xi32, #tpu.memory_space<vmem>> -> memref<1x96x128xi32, #tpu.memory_space<vmem>>
          %gather3A_451 = tpu.memref_squeeze %gather3A_450 : memref<1x96x128xi32, #tpu.memory_space<vmem>> -> memref<96x128xi32, #tpu.memory_space<vmem>>
          %gather3A_452 = tpu.vector_load_idx %gather3A_451[%add3A_236, %and3A_447] : memref<96x128xi32, #tpu.memory_space<vmem>>[vector<16xi32>, vector<16xi32>], vector<16xi32>,
          %gather3A_453 = arith.constant 0 : i32
          %gather3A_454 = arith.constant 0 : i32
          %gather3A_455 = tpu.memref_slice %arg11[%scan3A_240, %gather3A_453, %gather3A_454] : memref<2x96x128xi32, #tpu.memory_space<vmem>> -> memref<1x96x128xi32, #tpu.memory_space<vmem>>
          %gather3A_456 = tpu.memref_squeeze %gather3A_455 : memref<1x96x128xi32, #tpu.memory_space<vmem>> -> memref<96x128xi32, #tpu.memory_space<vmem>>
          %gather3A_457 = tpu.vector_load_idx %gather3A_456[%add3A_236, %and3A_447] : memref<96x128xi32, #tpu.memory_space<vmem>>[vector<16xi32>, vector<16xi32>], vector<16xi32>,
          %gather3A_458 = arith.constant 0 : i32
          %gather3A_459 = arith.constant 0 : i32
          %gather3A_460 = tpu.memref_slice %arg12[%scan3A_241, %gather3A_458, %gather3A_459] : memref<2x96x128xi32, #tpu.memory_space<vmem>> -> memref<1x96x128xi32, #tpu.memory_space<vmem>>
          %gather3A_461 = tpu.memref_squeeze %gather3A_460 : memref<1x96x128xi32, #tpu.memory_space<vmem>> -> memref<96x128xi32, #tpu.memory_space<vmem>>
          %gather3A_462 = tpu.vector_load_idx %gather3A_461[%add3A_236, %and3A_447] : memref<96x128xi32, #tpu.memory_space<vmem>>[vector<16xi32>, vector<16xi32>], vector<16xi32>,
          %bitcast3A_463 = vector.bitcast %gather3A_452 : vector<16xi32> to vector<32xbf16>
          %bitcast3A_464 = vector.bitcast %gather3A_457 : vector<16xi32> to vector<32xbf16>
          %bitcast3A_465 = vector.bitcast %gather3A_462 : vector<16xi32> to vector<32xbf16>
          %mul3A_466 = arith.mulf %bitcast3A_463, %bitcast3A_465 : vector<32xbf16>
          %mul3A_467 = arith.mulf %mul3A_466, %bitcast3A_464 : vector<32xbf16>
          %add3A_468 = arith.addf %add3A_438, %mul3A_467 : vector<32xbf16>
          %mul3A_469 = arith.constant 8 : i32
          %mul3A_470 = arith.muli %scan3A_348, %mul3A_469 : i32
          %add3A_471 = arith.constant 4 : i32
          %add3A_472 = arith.addi %mul3A_470, %add3A_471 : i32
          %add3A_473 = vector.broadcast %add3A_472 : i32 to vector<16xi32>
          %add3A_474 = arith.addi %iota3A, %add3A_473 : vector<16xi32>
          %and3A_475 = arith.constant 127 : i32
          %and3A_476 = vector.broadcast %and3A_475 : i32 to vector<16xi32>
          %and3A_477 = arith.andi %add3A_474, %and3A_476 : vector<16xi32>
          %gather3A_478 = arith.constant 0 : i32
          %gather3A_479 = arith.constant 0 : i32
          %gather3A_480 = tpu.memref_slice %arg10[%scan3A_239, %gather3A_478, %gather3A_479] : memref<2x96x128xi32, #tpu.memory_space<vmem>> -> memref<1x96x128xi32, #tpu.memory_space<vmem>>
          %gather3A_481 = tpu.memref_squeeze %gather3A_480 : memref<1x96x128xi32, #tpu.memory_space<vmem>> -> memref<96x128xi32, #tpu.memory_space<vmem>>
          %gather3A_482 = tpu.vector_load_idx %gather3A_481[%add3A_236, %and3A_477] : memref<96x128xi32, #tpu.memory_space<vmem>>[vector<16xi32>, vector<16xi32>], vector<16xi32>,
          %gather3A_483 = arith.constant 0 : i32
          %gather3A_484 = arith.constant 0 : i32
          %gather3A_485 = tpu.memref_slice %arg11[%scan3A_240, %gather3A_483, %gather3A_484] : memref<2x96x128xi32, #tpu.memory_space<vmem>> -> memref<1x96x128xi32, #tpu.memory_space<vmem>>
          %gather3A_486 = tpu.memref_squeeze %gather3A_485 : memref<1x96x128xi32, #tpu.memory_space<vmem>> -> memref<96x128xi32, #tpu.memory_space<vmem>>
          %gather3A_487 = tpu.vector_load_idx %gather3A_486[%add3A_236, %and3A_477] : memref<96x128xi32, #tpu.memory_space<vmem>>[vector<16xi32>, vector<16xi32>], vector<16xi32>,
          %gather3A_488 = arith.constant 0 : i32
          %gather3A_489 = arith.constant 0 : i32
          %gather3A_490 = tpu.memref_slice %arg12[%scan3A_241, %gather3A_488, %gather3A_489] : memref<2x96x128xi32, #tpu.memory_space<vmem>> -> memref<1x96x128xi32, #tpu.memory_space<vmem>>
          %gather3A_491 = tpu.memref_squeeze %gather3A_490 : memref<1x96x128xi32, #tpu.memory_space<vmem>> -> memref<96x128xi32, #tpu.memory_space<vmem>>
          %gather3A_492 = tpu.vector_load_idx %gather3A_491[%add3A_236, %and3A_477] : memref<96x128xi32, #tpu.memory_space<vmem>>[vector<16xi32>, vector<16xi32>], vector<16xi32>,
          %bitcast3A_493 = vector.bitcast %gather3A_482 : vector<16xi32> to vector<32xbf16>
          %bitcast3A_494 = vector.bitcast %gather3A_487 : vector<16xi32> to vector<32xbf16>
          %bitcast3A_495 = vector.bitcast %gather3A_492 : vector<16xi32> to vector<32xbf16>
          %mul3A_496 = arith.mulf %bitcast3A_493, %bitcast3A_495 : vector<32xbf16>
          %mul3A_497 = arith.mulf %mul3A_496, %bitcast3A_494 : vector<32xbf16>
          %add3A_498 = arith.addf %add3A_468, %mul3A_497 : vector<32xbf16>
          %mul3A_499 = arith.constant 8 : i32
          %mul3A_500 = arith.muli %scan3A_348, %mul3A_499 : i32
          %add3A_501 = arith.constant 5 : i32
          %add3A_502 = arith.addi %mul3A_500, %add3A_501 : i32
          %add3A_503 = vector.broadcast %add3A_502 : i32 to vector<16xi32>
          %add3A_504 = arith.addi %iota3A, %add3A_503 : vector<16xi32>
          %and3A_505 = arith.constant 127 : i32
          %and3A_506 = vector.broadcast %and3A_505 : i32 to vector<16xi32>
          %and3A_507 = arith.andi %add3A_504, %and3A_506 : vector<16xi32>
          %gather3A_508 = arith.constant 0 : i32
          %gather3A_509 = arith.constant 0 : i32
          %gather3A_510 = tpu.memref_slice %arg10[%scan3A_239, %gather3A_508, %gather3A_509] : memref<2x96x128xi32, #tpu.memory_space<vmem>> -> memref<1x96x128xi32, #tpu.memory_space<vmem>>
          %gather3A_511 = tpu.memref_squeeze %gather3A_510 : memref<1x96x128xi32, #tpu.memory_space<vmem>> -> memref<96x128xi32, #tpu.memory_space<vmem>>
          %gather3A_512 = tpu.vector_load_idx %gather3A_511[%add3A_236, %and3A_507] : memref<96x128xi32, #tpu.memory_space<vmem>>[vector<16xi32>, vector<16xi32>], vector<16xi32>,
          %gather3A_513 = arith.constant 0 : i32
          %gather3A_514 = arith.constant 0 : i32
          %gather3A_515 = tpu.memref_slice %arg11[%scan3A_240, %gather3A_513, %gather3A_514] : memref<2x96x128xi32, #tpu.memory_space<vmem>> -> memref<1x96x128xi32, #tpu.memory_space<vmem>>
          %gather3A_516 = tpu.memref_squeeze %gather3A_515 : memref<1x96x128xi32, #tpu.memory_space<vmem>> -> memref<96x128xi32, #tpu.memory_space<vmem>>
          %gather3A_517 = tpu.vector_load_idx %gather3A_516[%add3A_236, %and3A_507] : memref<96x128xi32, #tpu.memory_space<vmem>>[vector<16xi32>, vector<16xi32>], vector<16xi32>,
          %gather3A_518 = arith.constant 0 : i32
          %gather3A_519 = arith.constant 0 : i32
          %gather3A_520 = tpu.memref_slice %arg12[%scan3A_241, %gather3A_518, %gather3A_519] : memref<2x96x128xi32, #tpu.memory_space<vmem>> -> memref<1x96x128xi32, #tpu.memory_space<vmem>>
          %gather3A_521 = tpu.memref_squeeze %gather3A_520 : memref<1x96x128xi32, #tpu.memory_space<vmem>> -> memref<96x128xi32, #tpu.memory_space<vmem>>
          %gather3A_522 = tpu.vector_load_idx %gather3A_521[%add3A_236, %and3A_507] : memref<96x128xi32, #tpu.memory_space<vmem>>[vector<16xi32>, vector<16xi32>], vector<16xi32>,
          %bitcast3A_523 = vector.bitcast %gather3A_512 : vector<16xi32> to vector<32xbf16>
          %bitcast3A_524 = vector.bitcast %gather3A_517 : vector<16xi32> to vector<32xbf16>
          %bitcast3A_525 = vector.bitcast %gather3A_522 : vector<16xi32> to vector<32xbf16>
          %mul3A_526 = arith.mulf %bitcast3A_523, %bitcast3A_525 : vector<32xbf16>
          %mul3A_527 = arith.mulf %mul3A_526, %bitcast3A_524 : vector<32xbf16>
          %add3A_528 = arith.addf %add3A_498, %mul3A_527 : vector<32xbf16>
          %mul3A_529 = arith.constant 8 : i32
          %mul3A_530 = arith.muli %scan3A_348, %mul3A_529 : i32
          %add3A_531 = arith.constant 6 : i32
          %add3A_532 = arith.addi %mul3A_530, %add3A_531 : i32
          %add3A_533 = vector.broadcast %add3A_532 : i32 to vector<16xi32>
          %add3A_534 = arith.addi %iota3A, %add3A_533 : vector<16xi32>
          %and3A_535 = arith.constant 127 : i32
          %and3A_536 = vector.broadcast %and3A_535 : i32 to vector<16xi32>
          %and3A_537 = arith.andi %add3A_534, %and3A_536 : vector<16xi32>
          %gather3A_538 = arith.constant 0 : i32
          %gather3A_539 = arith.constant 0 : i32
          %gather3A_540 = tpu.memref_slice %arg10[%scan3A_239, %gather3A_538, %gather3A_539] : memref<2x96x128xi32, #tpu.memory_space<vmem>> -> memref<1x96x128xi32, #tpu.memory_space<vmem>>
          %gather3A_541 = tpu.memref_squeeze %gather3A_540 : memref<1x96x128xi32, #tpu.memory_space<vmem>> -> memref<96x128xi32, #tpu.memory_space<vmem>>
          %gather3A_542 = tpu.vector_load_idx %gather3A_541[%add3A_236, %and3A_537] : memref<96x128xi32, #tpu.memory_space<vmem>>[vector<16xi32>, vector<16xi32>], vector<16xi32>,
          %gather3A_543 = arith.constant 0 : i32
          %gather3A_544 = arith.constant 0 : i32
          %gather3A_545 = tpu.memref_slice %arg11[%scan3A_240, %gather3A_543, %gather3A_544] : memref<2x96x128xi32, #tpu.memory_space<vmem>> -> memref<1x96x128xi32, #tpu.memory_space<vmem>>
          %gather3A_546 = tpu.memref_squeeze %gather3A_545 : memref<1x96x128xi32, #tpu.memory_space<vmem>> -> memref<96x128xi32, #tpu.memory_space<vmem>>
          %gather3A_547 = tpu.vector_load_idx %gather3A_546[%add3A_236, %and3A_537] : memref<96x128xi32, #tpu.memory_space<vmem>>[vector<16xi32>, vector<16xi32>], vector<16xi32>,
          %gather3A_548 = arith.constant 0 : i32
          %gather3A_549 = arith.constant 0 : i32
          %gather3A_550 = tpu.memref_slice %arg12[%scan3A_241, %gather3A_548, %gather3A_549] : memref<2x96x128xi32, #tpu.memory_space<vmem>> -> memref<1x96x128xi32, #tpu.memory_space<vmem>>
          %gather3A_551 = tpu.memref_squeeze %gather3A_550 : memref<1x96x128xi32, #tpu.memory_space<vmem>> -> memref<96x128xi32, #tpu.memory_space<vmem>>
          %gather3A_552 = tpu.vector_load_idx %gather3A_551[%add3A_236, %and3A_537] : memref<96x128xi32, #tpu.memory_space<vmem>>[vector<16xi32>, vector<16xi32>], vector<16xi32>,
          %bitcast3A_553 = vector.bitcast %gather3A_542 : vector<16xi32> to vector<32xbf16>
          %bitcast3A_554 = vector.bitcast %gather3A_547 : vector<16xi32> to vector<32xbf16>
          %bitcast3A_555 = vector.bitcast %gather3A_552 : vector<16xi32> to vector<32xbf16>
          %mul3A_556 = arith.mulf %bitcast3A_553, %bitcast3A_555 : vector<32xbf16>
          %mul3A_557 = arith.mulf %mul3A_556, %bitcast3A_554 : vector<32xbf16>
          %add3A_558 = arith.addf %add3A_528, %mul3A_557 : vector<32xbf16>
          %mul3A_559 = arith.constant 8 : i32
          %mul3A_560 = arith.muli %scan3A_348, %mul3A_559 : i32
          %add3A_561 = arith.constant 7 : i32
          %add3A_562 = arith.addi %mul3A_560, %add3A_561 : i32
          %add3A_563 = vector.broadcast %add3A_562 : i32 to vector<16xi32>
          %add3A_564 = arith.addi %iota3A, %add3A_563 : vector<16xi32>
          %and3A_565 = arith.constant 127 : i32
          %and3A_566 = vector.broadcast %and3A_565 : i32 to vector<16xi32>
          %and3A_567 = arith.andi %add3A_564, %and3A_566 : vector<16xi32>
          %gather3A_568 = arith.constant 0 : i32
          %gather3A_569 = arith.constant 0 : i32
          %gather3A_570 = tpu.memref_slice %arg10[%scan3A_239, %gather3A_568, %gather3A_569] : memref<2x96x128xi32, #tpu.memory_space<vmem>> -> memref<1x96x128xi32, #tpu.memory_space<vmem>>
          %gather3A_571 = tpu.memref_squeeze %gather3A_570 : memref<1x96x128xi32, #tpu.memory_space<vmem>> -> memref<96x128xi32, #tpu.memory_space<vmem>>
          %gather3A_572 = tpu.vector_load_idx %gather3A_571[%add3A_236, %and3A_567] : memref<96x128xi32, #tpu.memory_space<vmem>>[vector<16xi32>, vector<16xi32>], vector<16xi32>,
          %gather3A_573 = arith.constant 0 : i32
          %gather3A_574 = arith.constant 0 : i32
          %gather3A_575 = tpu.memref_slice %arg11[%scan3A_240, %gather3A_573, %gather3A_574] : memref<2x96x128xi32, #tpu.memory_space<vmem>> -> memref<1x96x128xi32, #tpu.memory_space<vmem>>
          %gather3A_576 = tpu.memref_squeeze %gather3A_575 : memref<1x96x128xi32, #tpu.memory_space<vmem>> -> memref<96x128xi32, #tpu.memory_space<vmem>>
          %gather3A_577 = tpu.vector_load_idx %gather3A_576[%add3A_236, %and3A_567] : memref<96x128xi32, #tpu.memory_space<vmem>>[vector<16xi32>, vector<16xi32>], vector<16xi32>,
          %gather3A_578 = arith.constant 0 : i32
          %gather3A_579 = arith.constant 0 : i32
          %gather3A_580 = tpu.memref_slice %arg12[%scan3A_241, %gather3A_578, %gather3A_579] : memref<2x96x128xi32, #tpu.memory_space<vmem>> -> memref<1x96x128xi32, #tpu.memory_space<vmem>>
          %gather3A_581 = tpu.memref_squeeze %gather3A_580 : memref<1x96x128xi32, #tpu.memory_space<vmem>> -> memref<96x128xi32, #tpu.memory_space<vmem>>
          %gather3A_582 = tpu.vector_load_idx %gather3A_581[%add3A_236, %and3A_567] : memref<96x128xi32, #tpu.memory_space<vmem>>[vector<16xi32>, vector<16xi32>], vector<16xi32>,
          %bitcast3A_583 = vector.bitcast %gather3A_572 : vector<16xi32> to vector<32xbf16>
          %bitcast3A_584 = vector.bitcast %gather3A_577 : vector<16xi32> to vector<32xbf16>
          %bitcast3A_585 = vector.bitcast %gather3A_582 : vector<16xi32> to vector<32xbf16>
          %mul3A_586 = arith.mulf %bitcast3A_583, %bitcast3A_585 : vector<32xbf16>
          %mul3A_587 = arith.mulf %mul3A_586, %bitcast3A_584 : vector<32xbf16>
          %add3A_588 = arith.addf %add3A_558, %mul3A_587 : vector<32xbf16>
          scf.yield %add3A_588 : vector<32xbf16>
        }
        %scan3A_247 = arith.constant 16 : i32
        %bitcast3A_248 = vector.bitcast %scan3A_246 : vector<32xbf16> to vector<16xi32>
        %shift_left3A_249 = arith.constant 16 : i32
        %shift_left3A_250 = vector.broadcast %shift_left3A_249 : i32 to vector<16xi32>
        %shift_left3A_251 = arith.shli %bitcast3A_248, %shift_left3A_250 : vector<16xi32>
        %bitcast3A_252 = vector.bitcast %shift_left3A_251 : vector<16xi32> to vector<16xf32>
        %and3A_253 = arith.andi %bitcast3A_248, %broadcast_in_dim3A_53 : vector<16xi32>
        %bitcast3A_254 = vector.bitcast %and3A_253 : vector<16xi32> to vector<16xf32>
        %add3A_255 = arith.addf %bitcast3A_252, %bitcast3A_254 : vector<16xf32>
        %neg3A_256 = arith.constant 0.000000e+00 : f32
        %neg3A_257 = vector.broadcast %neg3A_256 : f32 to vector<16xf32>
        %neg3A_258 = arith.subf %neg3A_257, %add3A_255 : vector<16xf32>
        %exp3A_259 = math.exp %neg3A_258 : vector<16xf32>
        %add3A_260 = arith.constant 1.000000e+00 : f32
        %add3A_261 = vector.broadcast %add3A_260 : f32 to vector<16xf32>
        %add3A_262 = arith.addf %add3A_261, %exp3A_259 : vector<16xf32>
        %div3A_263 = arith.constant 1.000000e+00 : f32
        %div3A_264 = vector.broadcast %div3A_263 : f32 to vector<16xf32>
        %div3A_265 = arith.divf %div3A_264, %add3A_262 : vector<16xf32>
        %mul3A_266 = arith.constant 96 : i32
        %mul3A_267 = arith.muli %add3A_78, %mul3A_266 : i32
        %add3A_268 = arith.constant 48 : i32
        %add3A_269 = arith.addi %mul3A_267, %add3A_268 : i32
        %swap3A_270 = arith.index_cast %add3A_269 : i32 to index
        %swap3A_271 = tpu.vector_load %arg13[%swap3A_270] {strides = array<i32>} : memref<9504xf32, #tpu.memory_space<vmem>>, vector<16xf32>,
        tpu.vector_store %arg13[%swap3A_270], %div3A_265 {strides = array<i32>} : memref<9504xf32, #tpu.memory_space<vmem>>, vector<16xf32>,
        %add3A_272 = arith.constant 64 : i32
        %add3A_273 = vector.broadcast %add3A_272 : i32 to vector<16xi32>
        %add3A_274 = arith.addi %iota3A, %add3A_273 : vector<16xi32>
        %broadcast_in_dim3A_275 = arith.constant 0.000000e+00 : bf16
        %broadcast_in_dim3A_276 = vector.broadcast %broadcast_in_dim3A_275 : bf16 to vector<32xbf16>
        %scan3A_277 = arith.constant 1 : i32
        %scan3A_278 = arith.constant 1 : i32
        %scan3A_279 = arith.constant 1 : i32
        %scan3A_280 = arith.constant 0 : i32
        %scan3A_281 = arith.constant 16 : i32
        %scan3A_282 = arith.addi %scan3A_280, %scan3A_281 : i32
        %scan3A_283 = arith.constant 1 : i32
        %scan3A_284 = scf.for %scan3A_348 = %scan3A_280 to %scan3A_282 step %scan3A_283 iter_args(%scan3A_349 = %broadcast_in_dim3A_276) -> (vector<32xbf16>)  : i32 {
          %mul3A_350 = arith.constant 8 : i32
          %mul3A_351 = arith.muli %scan3A_348, %mul3A_350 : i32
          %add3A_352 = arith.constant 0 : i32
          %add3A_353 = arith.addi %mul3A_351, %add3A_352 : i32
          %add3A_354 = vector.broadcast %add3A_353 : i32 to vector<16xi32>
          %add3A_355 = arith.addi %iota3A, %add3A_354 : vector<16xi32>
          %and3A_356 = arith.constant 127 : i32
          %and3A_357 = vector.broadcast %and3A_356 : i32 to vector<16xi32>
          %and3A_358 = arith.andi %add3A_355, %and3A_357 : vector<16xi32>
          %gather3A = arith.constant 0 : i32
          %gather3A_359 = arith.constant 0 : i32
          %gather3A_360 = tpu.memref_slice %arg10[%scan3A_277, %gather3A, %gather3A_359] : memref<2x96x128xi32, #tpu.memory_space<vmem>> -> memref<1x96x128xi32, #tpu.memory_space<vmem>>
          %gather3A_361 = tpu.memref_squeeze %gather3A_360 : memref<1x96x128xi32, #tpu.memory_space<vmem>> -> memref<96x128xi32, #tpu.memory_space<vmem>>
          %gather3A_362 = tpu.vector_load_idx %gather3A_361[%add3A_274, %and3A_358] : memref<96x128xi32, #tpu.memory_space<vmem>>[vector<16xi32>, vector<16xi32>], vector<16xi32>,
          %gather3A_363 = arith.constant 0 : i32
          %gather3A_364 = arith.constant 0 : i32
          %gather3A_365 = tpu.memref_slice %arg11[%scan3A_278, %gather3A_363, %gather3A_364] : memref<2x96x128xi32, #tpu.memory_space<vmem>> -> memref<1x96x128xi32, #tpu.memory_space<vmem>>
          %gather3A_366 = tpu.memref_squeeze %gather3A_365 : memref<1x96x128xi32, #tpu.memory_space<vmem>> -> memref<96x128xi32, #tpu.memory_space<vmem>>
          %gather3A_367 = tpu.vector_load_idx %gather3A_366[%add3A_274, %and3A_358] : memref<96x128xi32, #tpu.memory_space<vmem>>[vector<16xi32>, vector<16xi32>], vector<16xi32>,
          %gather3A_368 = arith.constant 0 : i32
          %gather3A_369 = arith.constant 0 : i32
          %gather3A_370 = tpu.memref_slice %arg12[%scan3A_279, %gather3A_368, %gather3A_369] : memref<2x96x128xi32, #tpu.memory_space<vmem>> -> memref<1x96x128xi32, #tpu.memory_space<vmem>>
          %gather3A_371 = tpu.memref_squeeze %gather3A_370 : memref<1x96x128xi32, #tpu.memory_space<vmem>> -> memref<96x128xi32, #tpu.memory_space<vmem>>
          %gather3A_372 = tpu.vector_load_idx %gather3A_371[%add3A_274, %and3A_358] : memref<96x128xi32, #tpu.memory_space<vmem>>[vector<16xi32>, vector<16xi32>], vector<16xi32>,
          %bitcast3A_373 = vector.bitcast %gather3A_362 : vector<16xi32> to vector<32xbf16>
          %bitcast3A_374 = vector.bitcast %gather3A_367 : vector<16xi32> to vector<32xbf16>
          %bitcast3A_375 = vector.bitcast %gather3A_372 : vector<16xi32> to vector<32xbf16>
          %mul3A_376 = arith.mulf %bitcast3A_373, %bitcast3A_375 : vector<32xbf16>
          %mul3A_377 = arith.mulf %mul3A_376, %bitcast3A_374 : vector<32xbf16>
          %add3A_378 = arith.addf %scan3A_349, %mul3A_377 : vector<32xbf16>
          %mul3A_379 = arith.constant 8 : i32
          %mul3A_380 = arith.muli %scan3A_348, %mul3A_379 : i32
          %add3A_381 = arith.constant 1 : i32
          %add3A_382 = arith.addi %mul3A_380, %add3A_381 : i32
          %add3A_383 = vector.broadcast %add3A_382 : i32 to vector<16xi32>
          %add3A_384 = arith.addi %iota3A, %add3A_383 : vector<16xi32>
          %and3A_385 = arith.constant 127 : i32
          %and3A_386 = vector.broadcast %and3A_385 : i32 to vector<16xi32>
          %and3A_387 = arith.andi %add3A_384, %and3A_386 : vector<16xi32>
          %gather3A_388 = arith.constant 0 : i32
          %gather3A_389 = arith.constant 0 : i32
          %gather3A_390 = tpu.memref_slice %arg10[%scan3A_277, %gather3A_388, %gather3A_389] : memref<2x96x128xi32, #tpu.memory_space<vmem>> -> memref<1x96x128xi32, #tpu.memory_space<vmem>>
          %gather3A_391 = tpu.memref_squeeze %gather3A_390 : memref<1x96x128xi32, #tpu.memory_space<vmem>> -> memref<96x128xi32, #tpu.memory_space<vmem>>
          %gather3A_392 = tpu.vector_load_idx %gather3A_391[%add3A_274, %and3A_387] : memref<96x128xi32, #tpu.memory_space<vmem>>[vector<16xi32>, vector<16xi32>], vector<16xi32>,
          %gather3A_393 = arith.constant 0 : i32
          %gather3A_394 = arith.constant 0 : i32
          %gather3A_395 = tpu.memref_slice %arg11[%scan3A_278, %gather3A_393, %gather3A_394] : memref<2x96x128xi32, #tpu.memory_space<vmem>> -> memref<1x96x128xi32, #tpu.memory_space<vmem>>
          %gather3A_396 = tpu.memref_squeeze %gather3A_395 : memref<1x96x128xi32, #tpu.memory_space<vmem>> -> memref<96x128xi32, #tpu.memory_space<vmem>>
          %gather3A_397 = tpu.vector_load_idx %gather3A_396[%add3A_274, %and3A_387] : memref<96x128xi32, #tpu.memory_space<vmem>>[vector<16xi32>, vector<16xi32>], vector<16xi32>,
          %gather3A_398 = arith.constant 0 : i32
          %gather3A_399 = arith.constant 0 : i32
          %gather3A_400 = tpu.memref_slice %arg12[%scan3A_279, %gather3A_398, %gather3A_399] : memref<2x96x128xi32, #tpu.memory_space<vmem>> -> memref<1x96x128xi32, #tpu.memory_space<vmem>>
          %gather3A_401 = tpu.memref_squeeze %gather3A_400 : memref<1x96x128xi32, #tpu.memory_space<vmem>> -> memref<96x128xi32, #tpu.memory_space<vmem>>
          %gather3A_402 = tpu.vector_load_idx %gather3A_401[%add3A_274, %and3A_387] : memref<96x128xi32, #tpu.memory_space<vmem>>[vector<16xi32>, vector<16xi32>], vector<16xi32>,
          %bitcast3A_403 = vector.bitcast %gather3A_392 : vector<16xi32> to vector<32xbf16>
          %bitcast3A_404 = vector.bitcast %gather3A_397 : vector<16xi32> to vector<32xbf16>
          %bitcast3A_405 = vector.bitcast %gather3A_402 : vector<16xi32> to vector<32xbf16>
          %mul3A_406 = arith.mulf %bitcast3A_403, %bitcast3A_405 : vector<32xbf16>
          %mul3A_407 = arith.mulf %mul3A_406, %bitcast3A_404 : vector<32xbf16>
          %add3A_408 = arith.addf %add3A_378, %mul3A_407 : vector<32xbf16>
          %mul3A_409 = arith.constant 8 : i32
          %mul3A_410 = arith.muli %scan3A_348, %mul3A_409 : i32
          %add3A_411 = arith.constant 2 : i32
          %add3A_412 = arith.addi %mul3A_410, %add3A_411 : i32
          %add3A_413 = vector.broadcast %add3A_412 : i32 to vector<16xi32>
          %add3A_414 = arith.addi %iota3A, %add3A_413 : vector<16xi32>
          %and3A_415 = arith.constant 127 : i32
          %and3A_416 = vector.broadcast %and3A_415 : i32 to vector<16xi32>
          %and3A_417 = arith.andi %add3A_414, %and3A_416 : vector<16xi32>
          %gather3A_418 = arith.constant 0 : i32
          %gather3A_419 = arith.constant 0 : i32
          %gather3A_420 = tpu.memref_slice %arg10[%scan3A_277, %gather3A_418, %gather3A_419] : memref<2x96x128xi32, #tpu.memory_space<vmem>> -> memref<1x96x128xi32, #tpu.memory_space<vmem>>
          %gather3A_421 = tpu.memref_squeeze %gather3A_420 : memref<1x96x128xi32, #tpu.memory_space<vmem>> -> memref<96x128xi32, #tpu.memory_space<vmem>>
          %gather3A_422 = tpu.vector_load_idx %gather3A_421[%add3A_274, %and3A_417] : memref<96x128xi32, #tpu.memory_space<vmem>>[vector<16xi32>, vector<16xi32>], vector<16xi32>,
          %gather3A_423 = arith.constant 0 : i32
          %gather3A_424 = arith.constant 0 : i32
          %gather3A_425 = tpu.memref_slice %arg11[%scan3A_278, %gather3A_423, %gather3A_424] : memref<2x96x128xi32, #tpu.memory_space<vmem>> -> memref<1x96x128xi32, #tpu.memory_space<vmem>>
          %gather3A_426 = tpu.memref_squeeze %gather3A_425 : memref<1x96x128xi32, #tpu.memory_space<vmem>> -> memref<96x128xi32, #tpu.memory_space<vmem>>
          %gather3A_427 = tpu.vector_load_idx %gather3A_426[%add3A_274, %and3A_417] : memref<96x128xi32, #tpu.memory_space<vmem>>[vector<16xi32>, vector<16xi32>], vector<16xi32>,
          %gather3A_428 = arith.constant 0 : i32
          %gather3A_429 = arith.constant 0 : i32
          %gather3A_430 = tpu.memref_slice %arg12[%scan3A_279, %gather3A_428, %gather3A_429] : memref<2x96x128xi32, #tpu.memory_space<vmem>> -> memref<1x96x128xi32, #tpu.memory_space<vmem>>
          %gather3A_431 = tpu.memref_squeeze %gather3A_430 : memref<1x96x128xi32, #tpu.memory_space<vmem>> -> memref<96x128xi32, #tpu.memory_space<vmem>>
          %gather3A_432 = tpu.vector_load_idx %gather3A_431[%add3A_274, %and3A_417] : memref<96x128xi32, #tpu.memory_space<vmem>>[vector<16xi32>, vector<16xi32>], vector<16xi32>,
          %bitcast3A_433 = vector.bitcast %gather3A_422 : vector<16xi32> to vector<32xbf16>
          %bitcast3A_434 = vector.bitcast %gather3A_427 : vector<16xi32> to vector<32xbf16>
          %bitcast3A_435 = vector.bitcast %gather3A_432 : vector<16xi32> to vector<32xbf16>
          %mul3A_436 = arith.mulf %bitcast3A_433, %bitcast3A_435 : vector<32xbf16>
          %mul3A_437 = arith.mulf %mul3A_436, %bitcast3A_434 : vector<32xbf16>
          %add3A_438 = arith.addf %add3A_408, %mul3A_437 : vector<32xbf16>
          %mul3A_439 = arith.constant 8 : i32
          %mul3A_440 = arith.muli %scan3A_348, %mul3A_439 : i32
          %add3A_441 = arith.constant 3 : i32
          %add3A_442 = arith.addi %mul3A_440, %add3A_441 : i32
          %add3A_443 = vector.broadcast %add3A_442 : i32 to vector<16xi32>
          %add3A_444 = arith.addi %iota3A, %add3A_443 : vector<16xi32>
          %and3A_445 = arith.constant 127 : i32
          %and3A_446 = vector.broadcast %and3A_445 : i32 to vector<16xi32>
          %and3A_447 = arith.andi %add3A_444, %and3A_446 : vector<16xi32>
          %gather3A_448 = arith.constant 0 : i32
          %gather3A_449 = arith.constant 0 : i32
          %gather3A_450 = tpu.memref_slice %arg10[%scan3A_277, %gather3A_448, %gather3A_449] : memref<2x96x128xi32, #tpu.memory_space<vmem>> -> memref<1x96x128xi32, #tpu.memory_space<vmem>>
          %gather3A_451 = tpu.memref_squeeze %gather3A_450 : memref<1x96x128xi32, #tpu.memory_space<vmem>> -> memref<96x128xi32, #tpu.memory_space<vmem>>
          %gather3A_452 = tpu.vector_load_idx %gather3A_451[%add3A_274, %and3A_447] : memref<96x128xi32, #tpu.memory_space<vmem>>[vector<16xi32>, vector<16xi32>], vector<16xi32>,
          %gather3A_453 = arith.constant 0 : i32
          %gather3A_454 = arith.constant 0 : i32
          %gather3A_455 = tpu.memref_slice %arg11[%scan3A_278, %gather3A_453, %gather3A_454] : memref<2x96x128xi32, #tpu.memory_space<vmem>> -> memref<1x96x128xi32, #tpu.memory_space<vmem>>
          %gather3A_456 = tpu.memref_squeeze %gather3A_455 : memref<1x96x128xi32, #tpu.memory_space<vmem>> -> memref<96x128xi32, #tpu.memory_space<vmem>>
          %gather3A_457 = tpu.vector_load_idx %gather3A_456[%add3A_274, %and3A_447] : memref<96x128xi32, #tpu.memory_space<vmem>>[vector<16xi32>, vector<16xi32>], vector<16xi32>,
          %gather3A_458 = arith.constant 0 : i32
          %gather3A_459 = arith.constant 0 : i32
          %gather3A_460 = tpu.memref_slice %arg12[%scan3A_279, %gather3A_458, %gather3A_459] : memref<2x96x128xi32, #tpu.memory_space<vmem>> -> memref<1x96x128xi32, #tpu.memory_space<vmem>>
          %gather3A_461 = tpu.memref_squeeze %gather3A_460 : memref<1x96x128xi32, #tpu.memory_space<vmem>> -> memref<96x128xi32, #tpu.memory_space<vmem>>
          %gather3A_462 = tpu.vector_load_idx %gather3A_461[%add3A_274, %and3A_447] : memref<96x128xi32, #tpu.memory_space<vmem>>[vector<16xi32>, vector<16xi32>], vector<16xi32>,
          %bitcast3A_463 = vector.bitcast %gather3A_452 : vector<16xi32> to vector<32xbf16>
          %bitcast3A_464 = vector.bitcast %gather3A_457 : vector<16xi32> to vector<32xbf16>
          %bitcast3A_465 = vector.bitcast %gather3A_462 : vector<16xi32> to vector<32xbf16>
          %mul3A_466 = arith.mulf %bitcast3A_463, %bitcast3A_465 : vector<32xbf16>
          %mul3A_467 = arith.mulf %mul3A_466, %bitcast3A_464 : vector<32xbf16>
          %add3A_468 = arith.addf %add3A_438, %mul3A_467 : vector<32xbf16>
          %mul3A_469 = arith.constant 8 : i32
          %mul3A_470 = arith.muli %scan3A_348, %mul3A_469 : i32
          %add3A_471 = arith.constant 4 : i32
          %add3A_472 = arith.addi %mul3A_470, %add3A_471 : i32
          %add3A_473 = vector.broadcast %add3A_472 : i32 to vector<16xi32>
          %add3A_474 = arith.addi %iota3A, %add3A_473 : vector<16xi32>
          %and3A_475 = arith.constant 127 : i32
          %and3A_476 = vector.broadcast %and3A_475 : i32 to vector<16xi32>
          %and3A_477 = arith.andi %add3A_474, %and3A_476 : vector<16xi32>
          %gather3A_478 = arith.constant 0 : i32
          %gather3A_479 = arith.constant 0 : i32
          %gather3A_480 = tpu.memref_slice %arg10[%scan3A_277, %gather3A_478, %gather3A_479] : memref<2x96x128xi32, #tpu.memory_space<vmem>> -> memref<1x96x128xi32, #tpu.memory_space<vmem>>
          %gather3A_481 = tpu.memref_squeeze %gather3A_480 : memref<1x96x128xi32, #tpu.memory_space<vmem>> -> memref<96x128xi32, #tpu.memory_space<vmem>>
          %gather3A_482 = tpu.vector_load_idx %gather3A_481[%add3A_274, %and3A_477] : memref<96x128xi32, #tpu.memory_space<vmem>>[vector<16xi32>, vector<16xi32>], vector<16xi32>,
          %gather3A_483 = arith.constant 0 : i32
          %gather3A_484 = arith.constant 0 : i32
          %gather3A_485 = tpu.memref_slice %arg11[%scan3A_278, %gather3A_483, %gather3A_484] : memref<2x96x128xi32, #tpu.memory_space<vmem>> -> memref<1x96x128xi32, #tpu.memory_space<vmem>>
          %gather3A_486 = tpu.memref_squeeze %gather3A_485 : memref<1x96x128xi32, #tpu.memory_space<vmem>> -> memref<96x128xi32, #tpu.memory_space<vmem>>
          %gather3A_487 = tpu.vector_load_idx %gather3A_486[%add3A_274, %and3A_477] : memref<96x128xi32, #tpu.memory_space<vmem>>[vector<16xi32>, vector<16xi32>], vector<16xi32>,
          %gather3A_488 = arith.constant 0 : i32
          %gather3A_489 = arith.constant 0 : i32
          %gather3A_490 = tpu.memref_slice %arg12[%scan3A_279, %gather3A_488, %gather3A_489] : memref<2x96x128xi32, #tpu.memory_space<vmem>> -> memref<1x96x128xi32, #tpu.memory_space<vmem>>
          %gather3A_491 = tpu.memref_squeeze %gather3A_490 : memref<1x96x128xi32, #tpu.memory_space<vmem>> -> memref<96x128xi32, #tpu.memory_space<vmem>>
          %gather3A_492 = tpu.vector_load_idx %gather3A_491[%add3A_274, %and3A_477] : memref<96x128xi32, #tpu.memory_space<vmem>>[vector<16xi32>, vector<16xi32>], vector<16xi32>,
          %bitcast3A_493 = vector.bitcast %gather3A_482 : vector<16xi32> to vector<32xbf16>
          %bitcast3A_494 = vector.bitcast %gather3A_487 : vector<16xi32> to vector<32xbf16>
          %bitcast3A_495 = vector.bitcast %gather3A_492 : vector<16xi32> to vector<32xbf16>
          %mul3A_496 = arith.mulf %bitcast3A_493, %bitcast3A_495 : vector<32xbf16>
          %mul3A_497 = arith.mulf %mul3A_496, %bitcast3A_494 : vector<32xbf16>
          %add3A_498 = arith.addf %add3A_468, %mul3A_497 : vector<32xbf16>
          %mul3A_499 = arith.constant 8 : i32
          %mul3A_500 = arith.muli %scan3A_348, %mul3A_499 : i32
          %add3A_501 = arith.constant 5 : i32
          %add3A_502 = arith.addi %mul3A_500, %add3A_501 : i32
          %add3A_503 = vector.broadcast %add3A_502 : i32 to vector<16xi32>
          %add3A_504 = arith.addi %iota3A, %add3A_503 : vector<16xi32>
          %and3A_505 = arith.constant 127 : i32
          %and3A_506 = vector.broadcast %and3A_505 : i32 to vector<16xi32>
          %and3A_507 = arith.andi %add3A_504, %and3A_506 : vector<16xi32>
          %gather3A_508 = arith.constant 0 : i32
          %gather3A_509 = arith.constant 0 : i32
          %gather3A_510 = tpu.memref_slice %arg10[%scan3A_277, %gather3A_508, %gather3A_509] : memref<2x96x128xi32, #tpu.memory_space<vmem>> -> memref<1x96x128xi32, #tpu.memory_space<vmem>>
          %gather3A_511 = tpu.memref_squeeze %gather3A_510 : memref<1x96x128xi32, #tpu.memory_space<vmem>> -> memref<96x128xi32, #tpu.memory_space<vmem>>
          %gather3A_512 = tpu.vector_load_idx %gather3A_511[%add3A_274, %and3A_507] : memref<96x128xi32, #tpu.memory_space<vmem>>[vector<16xi32>, vector<16xi32>], vector<16xi32>,
          %gather3A_513 = arith.constant 0 : i32
          %gather3A_514 = arith.constant 0 : i32
          %gather3A_515 = tpu.memref_slice %arg11[%scan3A_278, %gather3A_513, %gather3A_514] : memref<2x96x128xi32, #tpu.memory_space<vmem>> -> memref<1x96x128xi32, #tpu.memory_space<vmem>>
          %gather3A_516 = tpu.memref_squeeze %gather3A_515 : memref<1x96x128xi32, #tpu.memory_space<vmem>> -> memref<96x128xi32, #tpu.memory_space<vmem>>
          %gather3A_517 = tpu.vector_load_idx %gather3A_516[%add3A_274, %and3A_507] : memref<96x128xi32, #tpu.memory_space<vmem>>[vector<16xi32>, vector<16xi32>], vector<16xi32>,
          %gather3A_518 = arith.constant 0 : i32
          %gather3A_519 = arith.constant 0 : i32
          %gather3A_520 = tpu.memref_slice %arg12[%scan3A_279, %gather3A_518, %gather3A_519] : memref<2x96x128xi32, #tpu.memory_space<vmem>> -> memref<1x96x128xi32, #tpu.memory_space<vmem>>
          %gather3A_521 = tpu.memref_squeeze %gather3A_520 : memref<1x96x128xi32, #tpu.memory_space<vmem>> -> memref<96x128xi32, #tpu.memory_space<vmem>>
          %gather3A_522 = tpu.vector_load_idx %gather3A_521[%add3A_274, %and3A_507] : memref<96x128xi32, #tpu.memory_space<vmem>>[vector<16xi32>, vector<16xi32>], vector<16xi32>,
          %bitcast3A_523 = vector.bitcast %gather3A_512 : vector<16xi32> to vector<32xbf16>
          %bitcast3A_524 = vector.bitcast %gather3A_517 : vector<16xi32> to vector<32xbf16>
          %bitcast3A_525 = vector.bitcast %gather3A_522 : vector<16xi32> to vector<32xbf16>
          %mul3A_526 = arith.mulf %bitcast3A_523, %bitcast3A_525 : vector<32xbf16>
          %mul3A_527 = arith.mulf %mul3A_526, %bitcast3A_524 : vector<32xbf16>
          %add3A_528 = arith.addf %add3A_498, %mul3A_527 : vector<32xbf16>
          %mul3A_529 = arith.constant 8 : i32
          %mul3A_530 = arith.muli %scan3A_348, %mul3A_529 : i32
          %add3A_531 = arith.constant 6 : i32
          %add3A_532 = arith.addi %mul3A_530, %add3A_531 : i32
          %add3A_533 = vector.broadcast %add3A_532 : i32 to vector<16xi32>
          %add3A_534 = arith.addi %iota3A, %add3A_533 : vector<16xi32>
          %and3A_535 = arith.constant 127 : i32
          %and3A_536 = vector.broadcast %and3A_535 : i32 to vector<16xi32>
          %and3A_537 = arith.andi %add3A_534, %and3A_536 : vector<16xi32>
          %gather3A_538 = arith.constant 0 : i32
          %gather3A_539 = arith.constant 0 : i32
          %gather3A_540 = tpu.memref_slice %arg10[%scan3A_277, %gather3A_538, %gather3A_539] : memref<2x96x128xi32, #tpu.memory_space<vmem>> -> memref<1x96x128xi32, #tpu.memory_space<vmem>>
          %gather3A_541 = tpu.memref_squeeze %gather3A_540 : memref<1x96x128xi32, #tpu.memory_space<vmem>> -> memref<96x128xi32, #tpu.memory_space<vmem>>
          %gather3A_542 = tpu.vector_load_idx %gather3A_541[%add3A_274, %and3A_537] : memref<96x128xi32, #tpu.memory_space<vmem>>[vector<16xi32>, vector<16xi32>], vector<16xi32>,
          %gather3A_543 = arith.constant 0 : i32
          %gather3A_544 = arith.constant 0 : i32
          %gather3A_545 = tpu.memref_slice %arg11[%scan3A_278, %gather3A_543, %gather3A_544] : memref<2x96x128xi32, #tpu.memory_space<vmem>> -> memref<1x96x128xi32, #tpu.memory_space<vmem>>
          %gather3A_546 = tpu.memref_squeeze %gather3A_545 : memref<1x96x128xi32, #tpu.memory_space<vmem>> -> memref<96x128xi32, #tpu.memory_space<vmem>>
          %gather3A_547 = tpu.vector_load_idx %gather3A_546[%add3A_274, %and3A_537] : memref<96x128xi32, #tpu.memory_space<vmem>>[vector<16xi32>, vector<16xi32>], vector<16xi32>,
          %gather3A_548 = arith.constant 0 : i32
          %gather3A_549 = arith.constant 0 : i32
          %gather3A_550 = tpu.memref_slice %arg12[%scan3A_279, %gather3A_548, %gather3A_549] : memref<2x96x128xi32, #tpu.memory_space<vmem>> -> memref<1x96x128xi32, #tpu.memory_space<vmem>>
          %gather3A_551 = tpu.memref_squeeze %gather3A_550 : memref<1x96x128xi32, #tpu.memory_space<vmem>> -> memref<96x128xi32, #tpu.memory_space<vmem>>
          %gather3A_552 = tpu.vector_load_idx %gather3A_551[%add3A_274, %and3A_537] : memref<96x128xi32, #tpu.memory_space<vmem>>[vector<16xi32>, vector<16xi32>], vector<16xi32>,
          %bitcast3A_553 = vector.bitcast %gather3A_542 : vector<16xi32> to vector<32xbf16>
          %bitcast3A_554 = vector.bitcast %gather3A_547 : vector<16xi32> to vector<32xbf16>
          %bitcast3A_555 = vector.bitcast %gather3A_552 : vector<16xi32> to vector<32xbf16>
          %mul3A_556 = arith.mulf %bitcast3A_553, %bitcast3A_555 : vector<32xbf16>
          %mul3A_557 = arith.mulf %mul3A_556, %bitcast3A_554 : vector<32xbf16>
          %add3A_558 = arith.addf %add3A_528, %mul3A_557 : vector<32xbf16>
          %mul3A_559 = arith.constant 8 : i32
          %mul3A_560 = arith.muli %scan3A_348, %mul3A_559 : i32
          %add3A_561 = arith.constant 7 : i32
          %add3A_562 = arith.addi %mul3A_560, %add3A_561 : i32
          %add3A_563 = vector.broadcast %add3A_562 : i32 to vector<16xi32>
          %add3A_564 = arith.addi %iota3A, %add3A_563 : vector<16xi32>
          %and3A_565 = arith.constant 127 : i32
          %and3A_566 = vector.broadcast %and3A_565 : i32 to vector<16xi32>
          %and3A_567 = arith.andi %add3A_564, %and3A_566 : vector<16xi32>
          %gather3A_568 = arith.constant 0 : i32
          %gather3A_569 = arith.constant 0 : i32
          %gather3A_570 = tpu.memref_slice %arg10[%scan3A_277, %gather3A_568, %gather3A_569] : memref<2x96x128xi32, #tpu.memory_space<vmem>> -> memref<1x96x128xi32, #tpu.memory_space<vmem>>
          %gather3A_571 = tpu.memref_squeeze %gather3A_570 : memref<1x96x128xi32, #tpu.memory_space<vmem>> -> memref<96x128xi32, #tpu.memory_space<vmem>>
          %gather3A_572 = tpu.vector_load_idx %gather3A_571[%add3A_274, %and3A_567] : memref<96x128xi32, #tpu.memory_space<vmem>>[vector<16xi32>, vector<16xi32>], vector<16xi32>,
          %gather3A_573 = arith.constant 0 : i32
          %gather3A_574 = arith.constant 0 : i32
          %gather3A_575 = tpu.memref_slice %arg11[%scan3A_278, %gather3A_573, %gather3A_574] : memref<2x96x128xi32, #tpu.memory_space<vmem>> -> memref<1x96x128xi32, #tpu.memory_space<vmem>>
          %gather3A_576 = tpu.memref_squeeze %gather3A_575 : memref<1x96x128xi32, #tpu.memory_space<vmem>> -> memref<96x128xi32, #tpu.memory_space<vmem>>
          %gather3A_577 = tpu.vector_load_idx %gather3A_576[%add3A_274, %and3A_567] : memref<96x128xi32, #tpu.memory_space<vmem>>[vector<16xi32>, vector<16xi32>], vector<16xi32>,
          %gather3A_578 = arith.constant 0 : i32
          %gather3A_579 = arith.constant 0 : i32
          %gather3A_580 = tpu.memref_slice %arg12[%scan3A_279, %gather3A_578, %gather3A_579] : memref<2x96x128xi32, #tpu.memory_space<vmem>> -> memref<1x96x128xi32, #tpu.memory_space<vmem>>
          %gather3A_581 = tpu.memref_squeeze %gather3A_580 : memref<1x96x128xi32, #tpu.memory_space<vmem>> -> memref<96x128xi32, #tpu.memory_space<vmem>>
          %gather3A_582 = tpu.vector_load_idx %gather3A_581[%add3A_274, %and3A_567] : memref<96x128xi32, #tpu.memory_space<vmem>>[vector<16xi32>, vector<16xi32>], vector<16xi32>,
          %bitcast3A_583 = vector.bitcast %gather3A_572 : vector<16xi32> to vector<32xbf16>
          %bitcast3A_584 = vector.bitcast %gather3A_577 : vector<16xi32> to vector<32xbf16>
          %bitcast3A_585 = vector.bitcast %gather3A_582 : vector<16xi32> to vector<32xbf16>
          %mul3A_586 = arith.mulf %bitcast3A_583, %bitcast3A_585 : vector<32xbf16>
          %mul3A_587 = arith.mulf %mul3A_586, %bitcast3A_584 : vector<32xbf16>
          %add3A_588 = arith.addf %add3A_558, %mul3A_587 : vector<32xbf16>
          scf.yield %add3A_588 : vector<32xbf16>
        }
        %scan3A_285 = arith.constant 16 : i32
        %bitcast3A_286 = vector.bitcast %scan3A_284 : vector<32xbf16> to vector<16xi32>
        %shift_left3A_287 = arith.constant 16 : i32
        %shift_left3A_288 = vector.broadcast %shift_left3A_287 : i32 to vector<16xi32>
        %shift_left3A_289 = arith.shli %bitcast3A_286, %shift_left3A_288 : vector<16xi32>
        %bitcast3A_290 = vector.bitcast %shift_left3A_289 : vector<16xi32> to vector<16xf32>
        %and3A_291 = arith.andi %bitcast3A_286, %broadcast_in_dim3A_53 : vector<16xi32>
        %bitcast3A_292 = vector.bitcast %and3A_291 : vector<16xi32> to vector<16xf32>
        %add3A_293 = arith.addf %bitcast3A_290, %bitcast3A_292 : vector<16xf32>
        %neg3A_294 = arith.constant 0.000000e+00 : f32
        %neg3A_295 = vector.broadcast %neg3A_294 : f32 to vector<16xf32>
        %neg3A_296 = arith.subf %neg3A_295, %add3A_293 : vector<16xf32>
        %exp3A_297 = math.exp %neg3A_296 : vector<16xf32>
        %add3A_298 = arith.constant 1.000000e+00 : f32
        %add3A_299 = vector.broadcast %add3A_298 : f32 to vector<16xf32>
        %add3A_300 = arith.addf %add3A_299, %exp3A_297 : vector<16xf32>
        %div3A_301 = arith.constant 1.000000e+00 : f32
        %div3A_302 = vector.broadcast %div3A_301 : f32 to vector<16xf32>
        %div3A_303 = arith.divf %div3A_302, %add3A_300 : vector<16xf32>
        %mul3A_304 = arith.constant 96 : i32
        %mul3A_305 = arith.muli %add3A_78, %mul3A_304 : i32
        %add3A_306 = arith.constant 64 : i32
        %add3A_307 = arith.addi %mul3A_305, %add3A_306 : i32
        %swap3A_308 = arith.index_cast %add3A_307 : i32 to index
        %swap3A_309 = tpu.vector_load %arg13[%swap3A_308] {strides = array<i32>} : memref<9504xf32, #tpu.memory_space<vmem>>, vector<16xf32>,
        tpu.vector_store %arg13[%swap3A_308], %div3A_303 {strides = array<i32>} : memref<9504xf32, #tpu.memory_space<vmem>>, vector<16xf32>,
        %add3A_310 = arith.constant 80 : i32
        %add3A_311 = vector.broadcast %add3A_310 : i32 to vector<16xi32>
        %add3A_312 = arith.addi %iota3A, %add3A_311 : vector<16xi32>
        %broadcast_in_dim3A_313 = arith.constant 0.000000e+00 : bf16
        %broadcast_in_dim3A_314 = vector.broadcast %broadcast_in_dim3A_313 : bf16 to vector<32xbf16>
        %scan3A_315 = arith.constant 1 : i32
        %scan3A_316 = arith.constant 1 : i32
        %scan3A_317 = arith.constant 1 : i32
        %scan3A_318 = arith.constant 0 : i32
        %scan3A_319 = arith.constant 16 : i32
        %scan3A_320 = arith.addi %scan3A_318, %scan3A_319 : i32
        %scan3A_321 = arith.constant 1 : i32
        %scan3A_322 = scf.for %scan3A_348 = %scan3A_318 to %scan3A_320 step %scan3A_321 iter_args(%scan3A_349 = %broadcast_in_dim3A_314) -> (vector<32xbf16>)  : i32 {
          %mul3A_350 = arith.constant 8 : i32
          %mul3A_351 = arith.muli %scan3A_348, %mul3A_350 : i32
          %add3A_352 = arith.constant 0 : i32
          %add3A_353 = arith.addi %mul3A_351, %add3A_352 : i32
          %add3A_354 = vector.broadcast %add3A_353 : i32 to vector<16xi32>
          %add3A_355 = arith.addi %iota3A, %add3A_354 : vector<16xi32>
          %and3A_356 = arith.constant 127 : i32
          %and3A_357 = vector.broadcast %and3A_356 : i32 to vector<16xi32>
          %and3A_358 = arith.andi %add3A_355, %and3A_357 : vector<16xi32>
          %gather3A = arith.constant 0 : i32
          %gather3A_359 = arith.constant 0 : i32
          %gather3A_360 = tpu.memref_slice %arg10[%scan3A_315, %gather3A, %gather3A_359] : memref<2x96x128xi32, #tpu.memory_space<vmem>> -> memref<1x96x128xi32, #tpu.memory_space<vmem>>
          %gather3A_361 = tpu.memref_squeeze %gather3A_360 : memref<1x96x128xi32, #tpu.memory_space<vmem>> -> memref<96x128xi32, #tpu.memory_space<vmem>>
          %gather3A_362 = tpu.vector_load_idx %gather3A_361[%add3A_312, %and3A_358] : memref<96x128xi32, #tpu.memory_space<vmem>>[vector<16xi32>, vector<16xi32>], vector<16xi32>,
          %gather3A_363 = arith.constant 0 : i32
          %gather3A_364 = arith.constant 0 : i32
          %gather3A_365 = tpu.memref_slice %arg11[%scan3A_316, %gather3A_363, %gather3A_364] : memref<2x96x128xi32, #tpu.memory_space<vmem>> -> memref<1x96x128xi32, #tpu.memory_space<vmem>>
          %gather3A_366 = tpu.memref_squeeze %gather3A_365 : memref<1x96x128xi32, #tpu.memory_space<vmem>> -> memref<96x128xi32, #tpu.memory_space<vmem>>
          %gather3A_367 = tpu.vector_load_idx %gather3A_366[%add3A_312, %and3A_358] : memref<96x128xi32, #tpu.memory_space<vmem>>[vector<16xi32>, vector<16xi32>], vector<16xi32>,
          %gather3A_368 = arith.constant 0 : i32
          %gather3A_369 = arith.constant 0 : i32
          %gather3A_370 = tpu.memref_slice %arg12[%scan3A_317, %gather3A_368, %gather3A_369] : memref<2x96x128xi32, #tpu.memory_space<vmem>> -> memref<1x96x128xi32, #tpu.memory_space<vmem>>
          %gather3A_371 = tpu.memref_squeeze %gather3A_370 : memref<1x96x128xi32, #tpu.memory_space<vmem>> -> memref<96x128xi32, #tpu.memory_space<vmem>>
          %gather3A_372 = tpu.vector_load_idx %gather3A_371[%add3A_312, %and3A_358] : memref<96x128xi32, #tpu.memory_space<vmem>>[vector<16xi32>, vector<16xi32>], vector<16xi32>,
          %bitcast3A_373 = vector.bitcast %gather3A_362 : vector<16xi32> to vector<32xbf16>
          %bitcast3A_374 = vector.bitcast %gather3A_367 : vector<16xi32> to vector<32xbf16>
          %bitcast3A_375 = vector.bitcast %gather3A_372 : vector<16xi32> to vector<32xbf16>
          %mul3A_376 = arith.mulf %bitcast3A_373, %bitcast3A_375 : vector<32xbf16>
          %mul3A_377 = arith.mulf %mul3A_376, %bitcast3A_374 : vector<32xbf16>
          %add3A_378 = arith.addf %scan3A_349, %mul3A_377 : vector<32xbf16>
          %mul3A_379 = arith.constant 8 : i32
          %mul3A_380 = arith.muli %scan3A_348, %mul3A_379 : i32
          %add3A_381 = arith.constant 1 : i32
          %add3A_382 = arith.addi %mul3A_380, %add3A_381 : i32
          %add3A_383 = vector.broadcast %add3A_382 : i32 to vector<16xi32>
          %add3A_384 = arith.addi %iota3A, %add3A_383 : vector<16xi32>
          %and3A_385 = arith.constant 127 : i32
          %and3A_386 = vector.broadcast %and3A_385 : i32 to vector<16xi32>
          %and3A_387 = arith.andi %add3A_384, %and3A_386 : vector<16xi32>
          %gather3A_388 = arith.constant 0 : i32
          %gather3A_389 = arith.constant 0 : i32
          %gather3A_390 = tpu.memref_slice %arg10[%scan3A_315, %gather3A_388, %gather3A_389] : memref<2x96x128xi32, #tpu.memory_space<vmem>> -> memref<1x96x128xi32, #tpu.memory_space<vmem>>
          %gather3A_391 = tpu.memref_squeeze %gather3A_390 : memref<1x96x128xi32, #tpu.memory_space<vmem>> -> memref<96x128xi32, #tpu.memory_space<vmem>>
          %gather3A_392 = tpu.vector_load_idx %gather3A_391[%add3A_312, %and3A_387] : memref<96x128xi32, #tpu.memory_space<vmem>>[vector<16xi32>, vector<16xi32>], vector<16xi32>,
          %gather3A_393 = arith.constant 0 : i32
          %gather3A_394 = arith.constant 0 : i32
          %gather3A_395 = tpu.memref_slice %arg11[%scan3A_316, %gather3A_393, %gather3A_394] : memref<2x96x128xi32, #tpu.memory_space<vmem>> -> memref<1x96x128xi32, #tpu.memory_space<vmem>>
          %gather3A_396 = tpu.memref_squeeze %gather3A_395 : memref<1x96x128xi32, #tpu.memory_space<vmem>> -> memref<96x128xi32, #tpu.memory_space<vmem>>
          %gather3A_397 = tpu.vector_load_idx %gather3A_396[%add3A_312, %and3A_387] : memref<96x128xi32, #tpu.memory_space<vmem>>[vector<16xi32>, vector<16xi32>], vector<16xi32>,
          %gather3A_398 = arith.constant 0 : i32
          %gather3A_399 = arith.constant 0 : i32
          %gather3A_400 = tpu.memref_slice %arg12[%scan3A_317, %gather3A_398, %gather3A_399] : memref<2x96x128xi32, #tpu.memory_space<vmem>> -> memref<1x96x128xi32, #tpu.memory_space<vmem>>
          %gather3A_401 = tpu.memref_squeeze %gather3A_400 : memref<1x96x128xi32, #tpu.memory_space<vmem>> -> memref<96x128xi32, #tpu.memory_space<vmem>>
          %gather3A_402 = tpu.vector_load_idx %gather3A_401[%add3A_312, %and3A_387] : memref<96x128xi32, #tpu.memory_space<vmem>>[vector<16xi32>, vector<16xi32>], vector<16xi32>,
          %bitcast3A_403 = vector.bitcast %gather3A_392 : vector<16xi32> to vector<32xbf16>
          %bitcast3A_404 = vector.bitcast %gather3A_397 : vector<16xi32> to vector<32xbf16>
          %bitcast3A_405 = vector.bitcast %gather3A_402 : vector<16xi32> to vector<32xbf16>
          %mul3A_406 = arith.mulf %bitcast3A_403, %bitcast3A_405 : vector<32xbf16>
          %mul3A_407 = arith.mulf %mul3A_406, %bitcast3A_404 : vector<32xbf16>
          %add3A_408 = arith.addf %add3A_378, %mul3A_407 : vector<32xbf16>
          %mul3A_409 = arith.constant 8 : i32
          %mul3A_410 = arith.muli %scan3A_348, %mul3A_409 : i32
          %add3A_411 = arith.constant 2 : i32
          %add3A_412 = arith.addi %mul3A_410, %add3A_411 : i32
          %add3A_413 = vector.broadcast %add3A_412 : i32 to vector<16xi32>
          %add3A_414 = arith.addi %iota3A, %add3A_413 : vector<16xi32>
          %and3A_415 = arith.constant 127 : i32
          %and3A_416 = vector.broadcast %and3A_415 : i32 to vector<16xi32>
          %and3A_417 = arith.andi %add3A_414, %and3A_416 : vector<16xi32>
          %gather3A_418 = arith.constant 0 : i32
          %gather3A_419 = arith.constant 0 : i32
          %gather3A_420 = tpu.memref_slice %arg10[%scan3A_315, %gather3A_418, %gather3A_419] : memref<2x96x128xi32, #tpu.memory_space<vmem>> -> memref<1x96x128xi32, #tpu.memory_space<vmem>>
          %gather3A_421 = tpu.memref_squeeze %gather3A_420 : memref<1x96x128xi32, #tpu.memory_space<vmem>> -> memref<96x128xi32, #tpu.memory_space<vmem>>
          %gather3A_422 = tpu.vector_load_idx %gather3A_421[%add3A_312, %and3A_417] : memref<96x128xi32, #tpu.memory_space<vmem>>[vector<16xi32>, vector<16xi32>], vector<16xi32>,
          %gather3A_423 = arith.constant 0 : i32
          %gather3A_424 = arith.constant 0 : i32
          %gather3A_425 = tpu.memref_slice %arg11[%scan3A_316, %gather3A_423, %gather3A_424] : memref<2x96x128xi32, #tpu.memory_space<vmem>> -> memref<1x96x128xi32, #tpu.memory_space<vmem>>
          %gather3A_426 = tpu.memref_squeeze %gather3A_425 : memref<1x96x128xi32, #tpu.memory_space<vmem>> -> memref<96x128xi32, #tpu.memory_space<vmem>>
          %gather3A_427 = tpu.vector_load_idx %gather3A_426[%add3A_312, %and3A_417] : memref<96x128xi32, #tpu.memory_space<vmem>>[vector<16xi32>, vector<16xi32>], vector<16xi32>,
          %gather3A_428 = arith.constant 0 : i32
          %gather3A_429 = arith.constant 0 : i32
          %gather3A_430 = tpu.memref_slice %arg12[%scan3A_317, %gather3A_428, %gather3A_429] : memref<2x96x128xi32, #tpu.memory_space<vmem>> -> memref<1x96x128xi32, #tpu.memory_space<vmem>>
          %gather3A_431 = tpu.memref_squeeze %gather3A_430 : memref<1x96x128xi32, #tpu.memory_space<vmem>> -> memref<96x128xi32, #tpu.memory_space<vmem>>
          %gather3A_432 = tpu.vector_load_idx %gather3A_431[%add3A_312, %and3A_417] : memref<96x128xi32, #tpu.memory_space<vmem>>[vector<16xi32>, vector<16xi32>], vector<16xi32>,
          %bitcast3A_433 = vector.bitcast %gather3A_422 : vector<16xi32> to vector<32xbf16>
          %bitcast3A_434 = vector.bitcast %gather3A_427 : vector<16xi32> to vector<32xbf16>
          %bitcast3A_435 = vector.bitcast %gather3A_432 : vector<16xi32> to vector<32xbf16>
          %mul3A_436 = arith.mulf %bitcast3A_433, %bitcast3A_435 : vector<32xbf16>
          %mul3A_437 = arith.mulf %mul3A_436, %bitcast3A_434 : vector<32xbf16>
          %add3A_438 = arith.addf %add3A_408, %mul3A_437 : vector<32xbf16>
          %mul3A_439 = arith.constant 8 : i32
          %mul3A_440 = arith.muli %scan3A_348, %mul3A_439 : i32
          %add3A_441 = arith.constant 3 : i32
          %add3A_442 = arith.addi %mul3A_440, %add3A_441 : i32
          %add3A_443 = vector.broadcast %add3A_442 : i32 to vector<16xi32>
          %add3A_444 = arith.addi %iota3A, %add3A_443 : vector<16xi32>
          %and3A_445 = arith.constant 127 : i32
          %and3A_446 = vector.broadcast %and3A_445 : i32 to vector<16xi32>
          %and3A_447 = arith.andi %add3A_444, %and3A_446 : vector<16xi32>
          %gather3A_448 = arith.constant 0 : i32
          %gather3A_449 = arith.constant 0 : i32
          %gather3A_450 = tpu.memref_slice %arg10[%scan3A_315, %gather3A_448, %gather3A_449] : memref<2x96x128xi32, #tpu.memory_space<vmem>> -> memref<1x96x128xi32, #tpu.memory_space<vmem>>
          %gather3A_451 = tpu.memref_squeeze %gather3A_450 : memref<1x96x128xi32, #tpu.memory_space<vmem>> -> memref<96x128xi32, #tpu.memory_space<vmem>>
          %gather3A_452 = tpu.vector_load_idx %gather3A_451[%add3A_312, %and3A_447] : memref<96x128xi32, #tpu.memory_space<vmem>>[vector<16xi32>, vector<16xi32>], vector<16xi32>,
          %gather3A_453 = arith.constant 0 : i32
          %gather3A_454 = arith.constant 0 : i32
          %gather3A_455 = tpu.memref_slice %arg11[%scan3A_316, %gather3A_453, %gather3A_454] : memref<2x96x128xi32, #tpu.memory_space<vmem>> -> memref<1x96x128xi32, #tpu.memory_space<vmem>>
          %gather3A_456 = tpu.memref_squeeze %gather3A_455 : memref<1x96x128xi32, #tpu.memory_space<vmem>> -> memref<96x128xi32, #tpu.memory_space<vmem>>
          %gather3A_457 = tpu.vector_load_idx %gather3A_456[%add3A_312, %and3A_447] : memref<96x128xi32, #tpu.memory_space<vmem>>[vector<16xi32>, vector<16xi32>], vector<16xi32>,
          %gather3A_458 = arith.constant 0 : i32
          %gather3A_459 = arith.constant 0 : i32
          %gather3A_460 = tpu.memref_slice %arg12[%scan3A_317, %gather3A_458, %gather3A_459] : memref<2x96x128xi32, #tpu.memory_space<vmem>> -> memref<1x96x128xi32, #tpu.memory_space<vmem>>
          %gather3A_461 = tpu.memref_squeeze %gather3A_460 : memref<1x96x128xi32, #tpu.memory_space<vmem>> -> memref<96x128xi32, #tpu.memory_space<vmem>>
          %gather3A_462 = tpu.vector_load_idx %gather3A_461[%add3A_312, %and3A_447] : memref<96x128xi32, #tpu.memory_space<vmem>>[vector<16xi32>, vector<16xi32>], vector<16xi32>,
          %bitcast3A_463 = vector.bitcast %gather3A_452 : vector<16xi32> to vector<32xbf16>
          %bitcast3A_464 = vector.bitcast %gather3A_457 : vector<16xi32> to vector<32xbf16>
          %bitcast3A_465 = vector.bitcast %gather3A_462 : vector<16xi32> to vector<32xbf16>
          %mul3A_466 = arith.mulf %bitcast3A_463, %bitcast3A_465 : vector<32xbf16>
          %mul3A_467 = arith.mulf %mul3A_466, %bitcast3A_464 : vector<32xbf16>
          %add3A_468 = arith.addf %add3A_438, %mul3A_467 : vector<32xbf16>
          %mul3A_469 = arith.constant 8 : i32
          %mul3A_470 = arith.muli %scan3A_348, %mul3A_469 : i32
          %add3A_471 = arith.constant 4 : i32
          %add3A_472 = arith.addi %mul3A_470, %add3A_471 : i32
          %add3A_473 = vector.broadcast %add3A_472 : i32 to vector<16xi32>
          %add3A_474 = arith.addi %iota3A, %add3A_473 : vector<16xi32>
          %and3A_475 = arith.constant 127 : i32
          %and3A_476 = vector.broadcast %and3A_475 : i32 to vector<16xi32>
          %and3A_477 = arith.andi %add3A_474, %and3A_476 : vector<16xi32>
          %gather3A_478 = arith.constant 0 : i32
          %gather3A_479 = arith.constant 0 : i32
          %gather3A_480 = tpu.memref_slice %arg10[%scan3A_315, %gather3A_478, %gather3A_479] : memref<2x96x128xi32, #tpu.memory_space<vmem>> -> memref<1x96x128xi32, #tpu.memory_space<vmem>>
          %gather3A_481 = tpu.memref_squeeze %gather3A_480 : memref<1x96x128xi32, #tpu.memory_space<vmem>> -> memref<96x128xi32, #tpu.memory_space<vmem>>
          %gather3A_482 = tpu.vector_load_idx %gather3A_481[%add3A_312, %and3A_477] : memref<96x128xi32, #tpu.memory_space<vmem>>[vector<16xi32>, vector<16xi32>], vector<16xi32>,
          %gather3A_483 = arith.constant 0 : i32
          %gather3A_484 = arith.constant 0 : i32
          %gather3A_485 = tpu.memref_slice %arg11[%scan3A_316, %gather3A_483, %gather3A_484] : memref<2x96x128xi32, #tpu.memory_space<vmem>> -> memref<1x96x128xi32, #tpu.memory_space<vmem>>
          %gather3A_486 = tpu.memref_squeeze %gather3A_485 : memref<1x96x128xi32, #tpu.memory_space<vmem>> -> memref<96x128xi32, #tpu.memory_space<vmem>>
          %gather3A_487 = tpu.vector_load_idx %gather3A_486[%add3A_312, %and3A_477] : memref<96x128xi32, #tpu.memory_space<vmem>>[vector<16xi32>, vector<16xi32>], vector<16xi32>,
          %gather3A_488 = arith.constant 0 : i32
          %gather3A_489 = arith.constant 0 : i32
          %gather3A_490 = tpu.memref_slice %arg12[%scan3A_317, %gather3A_488, %gather3A_489] : memref<2x96x128xi32, #tpu.memory_space<vmem>> -> memref<1x96x128xi32, #tpu.memory_space<vmem>>
          %gather3A_491 = tpu.memref_squeeze %gather3A_490 : memref<1x96x128xi32, #tpu.memory_space<vmem>> -> memref<96x128xi32, #tpu.memory_space<vmem>>
          %gather3A_492 = tpu.vector_load_idx %gather3A_491[%add3A_312, %and3A_477] : memref<96x128xi32, #tpu.memory_space<vmem>>[vector<16xi32>, vector<16xi32>], vector<16xi32>,
          %bitcast3A_493 = vector.bitcast %gather3A_482 : vector<16xi32> to vector<32xbf16>
          %bitcast3A_494 = vector.bitcast %gather3A_487 : vector<16xi32> to vector<32xbf16>
          %bitcast3A_495 = vector.bitcast %gather3A_492 : vector<16xi32> to vector<32xbf16>
          %mul3A_496 = arith.mulf %bitcast3A_493, %bitcast3A_495 : vector<32xbf16>
          %mul3A_497 = arith.mulf %mul3A_496, %bitcast3A_494 : vector<32xbf16>
          %add3A_498 = arith.addf %add3A_468, %mul3A_497 : vector<32xbf16>
          %mul3A_499 = arith.constant 8 : i32
          %mul3A_500 = arith.muli %scan3A_348, %mul3A_499 : i32
          %add3A_501 = arith.constant 5 : i32
          %add3A_502 = arith.addi %mul3A_500, %add3A_501 : i32
          %add3A_503 = vector.broadcast %add3A_502 : i32 to vector<16xi32>
          %add3A_504 = arith.addi %iota3A, %add3A_503 : vector<16xi32>
          %and3A_505 = arith.constant 127 : i32
          %and3A_506 = vector.broadcast %and3A_505 : i32 to vector<16xi32>
          %and3A_507 = arith.andi %add3A_504, %and3A_506 : vector<16xi32>
          %gather3A_508 = arith.constant 0 : i32
          %gather3A_509 = arith.constant 0 : i32
          %gather3A_510 = tpu.memref_slice %arg10[%scan3A_315, %gather3A_508, %gather3A_509] : memref<2x96x128xi32, #tpu.memory_space<vmem>> -> memref<1x96x128xi32, #tpu.memory_space<vmem>>
          %gather3A_511 = tpu.memref_squeeze %gather3A_510 : memref<1x96x128xi32, #tpu.memory_space<vmem>> -> memref<96x128xi32, #tpu.memory_space<vmem>>
          %gather3A_512 = tpu.vector_load_idx %gather3A_511[%add3A_312, %and3A_507] : memref<96x128xi32, #tpu.memory_space<vmem>>[vector<16xi32>, vector<16xi32>], vector<16xi32>,
          %gather3A_513 = arith.constant 0 : i32
          %gather3A_514 = arith.constant 0 : i32
          %gather3A_515 = tpu.memref_slice %arg11[%scan3A_316, %gather3A_513, %gather3A_514] : memref<2x96x128xi32, #tpu.memory_space<vmem>> -> memref<1x96x128xi32, #tpu.memory_space<vmem>>
          %gather3A_516 = tpu.memref_squeeze %gather3A_515 : memref<1x96x128xi32, #tpu.memory_space<vmem>> -> memref<96x128xi32, #tpu.memory_space<vmem>>
          %gather3A_517 = tpu.vector_load_idx %gather3A_516[%add3A_312, %and3A_507] : memref<96x128xi32, #tpu.memory_space<vmem>>[vector<16xi32>, vector<16xi32>], vector<16xi32>,
          %gather3A_518 = arith.constant 0 : i32
          %gather3A_519 = arith.constant 0 : i32
          %gather3A_520 = tpu.memref_slice %arg12[%scan3A_317, %gather3A_518, %gather3A_519] : memref<2x96x128xi32, #tpu.memory_space<vmem>> -> memref<1x96x128xi32, #tpu.memory_space<vmem>>
          %gather3A_521 = tpu.memref_squeeze %gather3A_520 : memref<1x96x128xi32, #tpu.memory_space<vmem>> -> memref<96x128xi32, #tpu.memory_space<vmem>>
          %gather3A_522 = tpu.vector_load_idx %gather3A_521[%add3A_312, %and3A_507] : memref<96x128xi32, #tpu.memory_space<vmem>>[vector<16xi32>, vector<16xi32>], vector<16xi32>,
          %bitcast3A_523 = vector.bitcast %gather3A_512 : vector<16xi32> to vector<32xbf16>
          %bitcast3A_524 = vector.bitcast %gather3A_517 : vector<16xi32> to vector<32xbf16>
          %bitcast3A_525 = vector.bitcast %gather3A_522 : vector<16xi32> to vector<32xbf16>
          %mul3A_526 = arith.mulf %bitcast3A_523, %bitcast3A_525 : vector<32xbf16>
          %mul3A_527 = arith.mulf %mul3A_526, %bitcast3A_524 : vector<32xbf16>
          %add3A_528 = arith.addf %add3A_498, %mul3A_527 : vector<32xbf16>
          %mul3A_529 = arith.constant 8 : i32
          %mul3A_530 = arith.muli %scan3A_348, %mul3A_529 : i32
          %add3A_531 = arith.constant 6 : i32
          %add3A_532 = arith.addi %mul3A_530, %add3A_531 : i32
          %add3A_533 = vector.broadcast %add3A_532 : i32 to vector<16xi32>
          %add3A_534 = arith.addi %iota3A, %add3A_533 : vector<16xi32>
          %and3A_535 = arith.constant 127 : i32
          %and3A_536 = vector.broadcast %and3A_535 : i32 to vector<16xi32>
          %and3A_537 = arith.andi %add3A_534, %and3A_536 : vector<16xi32>
          %gather3A_538 = arith.constant 0 : i32
          %gather3A_539 = arith.constant 0 : i32
          %gather3A_540 = tpu.memref_slice %arg10[%scan3A_315, %gather3A_538, %gather3A_539] : memref<2x96x128xi32, #tpu.memory_space<vmem>> -> memref<1x96x128xi32, #tpu.memory_space<vmem>>
          %gather3A_541 = tpu.memref_squeeze %gather3A_540 : memref<1x96x128xi32, #tpu.memory_space<vmem>> -> memref<96x128xi32, #tpu.memory_space<vmem>>
          %gather3A_542 = tpu.vector_load_idx %gather3A_541[%add3A_312, %and3A_537] : memref<96x128xi32, #tpu.memory_space<vmem>>[vector<16xi32>, vector<16xi32>], vector<16xi32>,
          %gather3A_543 = arith.constant 0 : i32
          %gather3A_544 = arith.constant 0 : i32
          %gather3A_545 = tpu.memref_slice %arg11[%scan3A_316, %gather3A_543, %gather3A_544] : memref<2x96x128xi32, #tpu.memory_space<vmem>> -> memref<1x96x128xi32, #tpu.memory_space<vmem>>
          %gather3A_546 = tpu.memref_squeeze %gather3A_545 : memref<1x96x128xi32, #tpu.memory_space<vmem>> -> memref<96x128xi32, #tpu.memory_space<vmem>>
          %gather3A_547 = tpu.vector_load_idx %gather3A_546[%add3A_312, %and3A_537] : memref<96x128xi32, #tpu.memory_space<vmem>>[vector<16xi32>, vector<16xi32>], vector<16xi32>,
          %gather3A_548 = arith.constant 0 : i32
          %gather3A_549 = arith.constant 0 : i32
          %gather3A_550 = tpu.memref_slice %arg12[%scan3A_317, %gather3A_548, %gather3A_549] : memref<2x96x128xi32, #tpu.memory_space<vmem>> -> memref<1x96x128xi32, #tpu.memory_space<vmem>>
          %gather3A_551 = tpu.memref_squeeze %gather3A_550 : memref<1x96x128xi32, #tpu.memory_space<vmem>> -> memref<96x128xi32, #tpu.memory_space<vmem>>
          %gather3A_552 = tpu.vector_load_idx %gather3A_551[%add3A_312, %and3A_537] : memref<96x128xi32, #tpu.memory_space<vmem>>[vector<16xi32>, vector<16xi32>], vector<16xi32>,
          %bitcast3A_553 = vector.bitcast %gather3A_542 : vector<16xi32> to vector<32xbf16>
          %bitcast3A_554 = vector.bitcast %gather3A_547 : vector<16xi32> to vector<32xbf16>
          %bitcast3A_555 = vector.bitcast %gather3A_552 : vector<16xi32> to vector<32xbf16>
          %mul3A_556 = arith.mulf %bitcast3A_553, %bitcast3A_555 : vector<32xbf16>
          %mul3A_557 = arith.mulf %mul3A_556, %bitcast3A_554 : vector<32xbf16>
          %add3A_558 = arith.addf %add3A_528, %mul3A_557 : vector<32xbf16>
          %mul3A_559 = arith.constant 8 : i32
          %mul3A_560 = arith.muli %scan3A_348, %mul3A_559 : i32
          %add3A_561 = arith.constant 7 : i32
          %add3A_562 = arith.addi %mul3A_560, %add3A_561 : i32
          %add3A_563 = vector.broadcast %add3A_562 : i32 to vector<16xi32>
          %add3A_564 = arith.addi %iota3A, %add3A_563 : vector<16xi32>
          %and3A_565 = arith.constant 127 : i32
          %and3A_566 = vector.broadcast %and3A_565 : i32 to vector<16xi32>
          %and3A_567 = arith.andi %add3A_564, %and3A_566 : vector<16xi32>
          %gather3A_568 = arith.constant 0 : i32
          %gather3A_569 = arith.constant 0 : i32
          %gather3A_570 = tpu.memref_slice %arg10[%scan3A_315, %gather3A_568, %gather3A_569] : memref<2x96x128xi32, #tpu.memory_space<vmem>> -> memref<1x96x128xi32, #tpu.memory_space<vmem>>
          %gather3A_571 = tpu.memref_squeeze %gather3A_570 : memref<1x96x128xi32, #tpu.memory_space<vmem>> -> memref<96x128xi32, #tpu.memory_space<vmem>>
          %gather3A_572 = tpu.vector_load_idx %gather3A_571[%add3A_312, %and3A_567] : memref<96x128xi32, #tpu.memory_space<vmem>>[vector<16xi32>, vector<16xi32>], vector<16xi32>,
          %gather3A_573 = arith.constant 0 : i32
          %gather3A_574 = arith.constant 0 : i32
          %gather3A_575 = tpu.memref_slice %arg11[%scan3A_316, %gather3A_573, %gather3A_574] : memref<2x96x128xi32, #tpu.memory_space<vmem>> -> memref<1x96x128xi32, #tpu.memory_space<vmem>>
          %gather3A_576 = tpu.memref_squeeze %gather3A_575 : memref<1x96x128xi32, #tpu.memory_space<vmem>> -> memref<96x128xi32, #tpu.memory_space<vmem>>
          %gather3A_577 = tpu.vector_load_idx %gather3A_576[%add3A_312, %and3A_567] : memref<96x128xi32, #tpu.memory_space<vmem>>[vector<16xi32>, vector<16xi32>], vector<16xi32>,
          %gather3A_578 = arith.constant 0 : i32
          %gather3A_579 = arith.constant 0 : i32
          %gather3A_580 = tpu.memref_slice %arg12[%scan3A_317, %gather3A_578, %gather3A_579] : memref<2x96x128xi32, #tpu.memory_space<vmem>> -> memref<1x96x128xi32, #tpu.memory_space<vmem>>
          %gather3A_581 = tpu.memref_squeeze %gather3A_580 : memref<1x96x128xi32, #tpu.memory_space<vmem>> -> memref<96x128xi32, #tpu.memory_space<vmem>>
          %gather3A_582 = tpu.vector_load_idx %gather3A_581[%add3A_312, %and3A_567] : memref<96x128xi32, #tpu.memory_space<vmem>>[vector<16xi32>, vector<16xi32>], vector<16xi32>,
          %bitcast3A_583 = vector.bitcast %gather3A_572 : vector<16xi32> to vector<32xbf16>
          %bitcast3A_584 = vector.bitcast %gather3A_577 : vector<16xi32> to vector<32xbf16>
          %bitcast3A_585 = vector.bitcast %gather3A_582 : vector<16xi32> to vector<32xbf16>
          %mul3A_586 = arith.mulf %bitcast3A_583, %bitcast3A_585 : vector<32xbf16>
          %mul3A_587 = arith.mulf %mul3A_586, %bitcast3A_584 : vector<32xbf16>
          %add3A_588 = arith.addf %add3A_558, %mul3A_587 : vector<32xbf16>
          scf.yield %add3A_588 : vector<32xbf16>
        }
        %scan3A_323 = arith.constant 16 : i32
        %bitcast3A_324 = vector.bitcast %scan3A_322 : vector<32xbf16> to vector<16xi32>
        %shift_left3A_325 = arith.constant 16 : i32
        %shift_left3A_326 = vector.broadcast %shift_left3A_325 : i32 to vector<16xi32>
        %shift_left3A_327 = arith.shli %bitcast3A_324, %shift_left3A_326 : vector<16xi32>
        %bitcast3A_328 = vector.bitcast %shift_left3A_327 : vector<16xi32> to vector<16xf32>
        %and3A_329 = arith.andi %bitcast3A_324, %broadcast_in_dim3A_53 : vector<16xi32>
        %bitcast3A_330 = vector.bitcast %and3A_329 : vector<16xi32> to vector<16xf32>
        %add3A_331 = arith.addf %bitcast3A_328, %bitcast3A_330 : vector<16xf32>
        %neg3A_332 = arith.constant 0.000000e+00 : f32
        %neg3A_333 = vector.broadcast %neg3A_332 : f32 to vector<16xf32>
        %neg3A_334 = arith.subf %neg3A_333, %add3A_331 : vector<16xf32>
        %exp3A_335 = math.exp %neg3A_334 : vector<16xf32>
        %add3A_336 = arith.constant 1.000000e+00 : f32
        %add3A_337 = vector.broadcast %add3A_336 : f32 to vector<16xf32>
        %add3A_338 = arith.addf %add3A_337, %exp3A_335 : vector<16xf32>
        %div3A_339 = arith.constant 1.000000e+00 : f32
        %div3A_340 = vector.broadcast %div3A_339 : f32 to vector<16xf32>
        %div3A_341 = arith.divf %div3A_340, %add3A_338 : vector<16xf32>
        %mul3A_342 = arith.constant 96 : i32
        %mul3A_343 = arith.muli %add3A_78, %mul3A_342 : i32
        %add3A_344 = arith.constant 80 : i32
        %add3A_345 = arith.addi %mul3A_343, %add3A_344 : i32
        %swap3A_346 = arith.index_cast %add3A_345 : i32 to index
        %swap3A_347 = tpu.vector_load %arg13[%swap3A_346] {strides = array<i32>} : memref<9504xf32, #tpu.memory_space<vmem>>, vector<16xf32>,
        tpu.vector_store %arg13[%swap3A_346], %div3A_341 {strides = array<i32>} : memref<9504xf32, #tpu.memory_space<vmem>>, vector<16xf32>,
      } else {
      }
    }
    %scan3A_58 = arith.constant 50 : i32
    %not3A_59 = arith.constant true
    %not3A_60 = arith.xori %eq3A_6, %not3A_59 : i1
    %convert_element_type3A_61 = arith.extui %not3A_60 : i1 to i32
    %cond3A_62 = arith.constant 0 : i32
    %cond3A_63 = arith.cmpi ne, %convert_element_type3A_61, %cond3A_62 : i32
    scf.if %cond3A_63 {
      "tpu.region"() ({
        %run_scoped3A = tpu.sem_alloc : memref<!tpu.dma_semaphore, #tpu.memory_space<semaphore_mem>>
        %dma_start3A_67 = arith.constant 0 : i32
        %dma_start3A_68 = tpu.memref_slice %arg13[%dma_start3A_67] : memref<9504xf32, #tpu.memory_space<vmem>> -> memref<9504xf32, #tpu.memory_space<vmem>>
        %dma_start3A_69 = tpu.memref_slice %arg6[%mul3A_4] : memref<300000xf32, #tpu.memory_space<hbm>> -> memref<9504xf32, #tpu.memory_space<hbm>>
        %dma_start3A_70 = tpu.memref_slice %arg6[%mul3A_4] : memref<300000xf32, #tpu.memory_space<hbm>> -> memref<9504xf32, #tpu.memory_space<hbm>>
        %dma_start3A_71 = arith.constant 0 : i32
        %dma_start3A_72 = tpu.memref_slice %arg13[%dma_start3A_71] : memref<9504xf32, #tpu.memory_space<vmem>> -> memref<9504xf32, #tpu.memory_space<vmem>>
        tpu.enqueue_dma source(%dma_start3A_72 : memref<9504xf32, #tpu.memory_space<vmem>>) target(%dma_start3A_70 : memref<9504xf32, #tpu.memory_space<hbm>>) target_semaphore(%run_scoped3A : memref<!tpu.dma_semaphore, #tpu.memory_space<semaphore_mem>>)
        %dma_wait3A = arith.constant 0 : i32
        %dma_wait3A_73 = tpu.memref_slice %arg13[%dma_wait3A] : memref<9504xf32, #tpu.memory_space<vmem>> -> memref<9504xf32, #tpu.memory_space<vmem>>
        %dma_wait3A_74 = tpu.memref_slice %arg6[%mul3A_4] : memref<300000xf32, #tpu.memory_space<hbm>> -> memref<9504xf32, #tpu.memory_space<hbm>>
        %dma_wait3A_75 = tpu.memref_slice %arg6[%mul3A_4] : memref<300000xf32, #tpu.memory_space<hbm>> -> memref<9504xf32, #tpu.memory_space<hbm>>
        %dma_wait3A_76 = arith.constant 0 : i32
        %dma_wait3A_77 = tpu.memref_slice %arg13[%dma_wait3A_76] : memref<9504xf32, #tpu.memory_space<vmem>> -> memref<9504xf32, #tpu.memory_space<vmem>>
        tpu.wait_dma2 semaphore(%run_scoped3A : memref<!tpu.dma_semaphore, #tpu.memory_space<semaphore_mem>>) src(%dma_wait3A_77 : memref<9504xf32, #tpu.memory_space<vmem>>) dst(%dma_wait3A_75 : memref<9504xf32, #tpu.memory_space<hbm>>)
        tpu.yield
      }) : () -> ()
    } else {
    }
    %convert_element_type3A_64 = arith.extui %eq3A_6 : i1 to i32
    %cond3A_65 = arith.constant 0 : i32
    %cond3A_66 = arith.cmpi ne, %convert_element_type3A_64, %cond3A_65 : i32
    scf.if %cond3A_66 {
      "tpu.region"() ({
        %run_scoped3A = tpu.sem_alloc : memref<!tpu.dma_semaphore, #tpu.memory_space<semaphore_mem>>
        %dma_start3A_67 = arith.constant 0 : i32
        %dma_start3A_68 = tpu.memref_slice %arg13[%dma_start3A_67] : memref<9504xf32, #tpu.memory_space<vmem>> -> memref<5376xf32, #tpu.memory_space<vmem>>
        %dma_start3A_69 = tpu.memref_slice %arg6[%mul3A_4] : memref<300000xf32, #tpu.memory_space<hbm>> -> memref<5376xf32, #tpu.memory_space<hbm>>
        %dma_start3A_70 = tpu.memref_slice %arg6[%mul3A_4] : memref<300000xf32, #tpu.memory_space<hbm>> -> memref<5376xf32, #tpu.memory_space<hbm>>
        %dma_start3A_71 = arith.constant 0 : i32
        %dma_start3A_72 = tpu.memref_slice %arg13[%dma_start3A_71] : memref<9504xf32, #tpu.memory_space<vmem>> -> memref<5376xf32, #tpu.memory_space<vmem>>
        tpu.enqueue_dma source(%dma_start3A_72 : memref<5376xf32, #tpu.memory_space<vmem>>) target(%dma_start3A_70 : memref<5376xf32, #tpu.memory_space<hbm>>) target_semaphore(%run_scoped3A : memref<!tpu.dma_semaphore, #tpu.memory_space<semaphore_mem>>)
        %dma_wait3A = arith.constant 0 : i32
        %dma_wait3A_73 = tpu.memref_slice %arg13[%dma_wait3A] : memref<9504xf32, #tpu.memory_space<vmem>> -> memref<5376xf32, #tpu.memory_space<vmem>>
        %dma_wait3A_74 = tpu.memref_slice %arg6[%mul3A_4] : memref<300000xf32, #tpu.memory_space<hbm>> -> memref<5376xf32, #tpu.memory_space<hbm>>
        %dma_wait3A_75 = tpu.memref_slice %arg6[%mul3A_4] : memref<300000xf32, #tpu.memory_space<hbm>> -> memref<5376xf32, #tpu.memory_space<hbm>>
        %dma_wait3A_76 = arith.constant 0 : i32
        %dma_wait3A_77 = tpu.memref_slice %arg13[%dma_wait3A_76] : memref<9504xf32, #tpu.memory_space<vmem>> -> memref<5376xf32, #tpu.memory_space<vmem>>
        tpu.wait_dma2 semaphore(%run_scoped3A : memref<!tpu.dma_semaphore, #tpu.memory_space<semaphore_mem>>) src(%dma_wait3A_77 : memref<5376xf32, #tpu.memory_space<vmem>>) dst(%dma_wait3A_75 : memref<5376xf32, #tpu.memory_space<hbm>>)
        tpu.yield
      }) : () -> ()
    } else {
    }
    return
  }
}

module attributes {stable_mosaic.version = 14 : i64} {
  func.func @_pack_body(%arg0: i32, %arg1: memref<1000x256xf32, #tpu.memory_space<vmem>>, %arg2: memref<1000x128xi32, #tpu.memory_space<vmem>>) attributes {dimension_semantics = [#tpu.dimension_semantics<arbitrary>], iteration_bounds = array<i64: 1>, scalar_prefetch = 0 : i64, scratch_operands = 0 : i64, tpu.core_type = #tpu.core_type<tc>, window_params = [{transform_indices = @transform_0, window_bounds = array<i64: 1000, 256>}, {transform_indices = @transform_1, window_bounds = array<i64: 1000, 128>}]} {
    %get3A = arith.constant 0 : index
    %get3A_0 = arith.constant 0 : index
    %get3A_1 = vector.load %arg1[%get3A, %get3A_0] : memref<1000x256xf32, #tpu.memory_space<vmem>>, vector<1000x256xf32>
    %bitcast_convert_type3A = tpu.bitcast %get3A_1 : vector<1000x256xf32> -> vector<1000x256xi32>
    %add3A = arith.constant 32767 : i32
    %add3A_2 = vector.broadcast %add3A : i32 to vector<1000x256xi32>
    %add3A_3 = arith.addi %bitcast_convert_type3A, %add3A_2 : vector<1000x256xi32>
    %shift_right_logical3A = arith.constant 16 : i32
    %shift_right_logical3A_4 = vector.broadcast %shift_right_logical3A : i32 to vector<1000x256xi32>
    %shift_right_logical3A_5 = arith.shrui %bitcast_convert_type3A, %shift_right_logical3A_4 : vector<1000x256xi32>
    %and3A = arith.constant 1 : i32
    %and3A_6 = vector.broadcast %and3A : i32 to vector<1000x256xi32>
    %and3A_7 = arith.andi %shift_right_logical3A_5, %and3A_6 : vector<1000x256xi32>
    %add3A_8 = arith.addi %add3A_3, %and3A_7 : vector<1000x256xi32>
    %slice3A = vector.extract_strided_slice %add3A_8 {offsets = [0, 0], sizes = [1000, 128], strides = [1, 1]} : vector<1000x256xi32> to vector<1000x128xi32>
    %shift_right_logical3A_9 = arith.constant 16 : i32
    %shift_right_logical3A_10 = vector.broadcast %shift_right_logical3A_9 : i32 to vector<1000x128xi32>
    %shift_right_logical3A_11 = arith.shrui %slice3A, %shift_right_logical3A_10 : vector<1000x128xi32>
    %slice3A_12 = vector.extract_strided_slice %add3A_8 {offsets = [0, 128], sizes = [1000, 128], strides = [1, 1]} : vector<1000x256xi32> to vector<1000x128xi32>
    %and3A_13 = arith.constant -65536 : i32
    %and3A_14 = vector.broadcast %and3A_13 : i32 to vector<1000x128xi32>
    %and3A_15 = arith.andi %slice3A_12, %and3A_14 : vector<1000x128xi32>
    %or3A = arith.ori %shift_right_logical3A_11, %and3A_15 : vector<1000x128xi32>
    %bitcast_convert_type3A_16 = tpu.bitcast %or3A : vector<1000x128xi32> -> vector<1000x128xi32>
    %swap3A = arith.constant 0 : index
    %swap3A_17 = arith.constant 0 : index
    %swap3A_18 = vector.load %arg2[%swap3A, %swap3A_17] : memref<1000x128xi32, #tpu.memory_space<vmem>>, vector<1000x128xi32>
    tpu.vector_store %arg2[%swap3A, %swap3A_17], %bitcast_convert_type3A_16 {strides = array<i32>} : memref<1000x128xi32, #tpu.memory_space<vmem>>, vector<1000x128xi32>,
    return
  }
  func.func @transform_0(%arg0: i32) -> (i32, i32) {
    %c0_i32 = arith.constant 0 : i32
    %c0_i32_0 = arith.constant 0 : i32
    return %arg0, %c0_i32 : i32, i32
  }
  func.func @transform_1(%arg0: i32) -> (i32, i32) {
    %c0_i32 = arith.constant 0 : i32
    %c0_i32_0 = arith.constant 0 : i32
    return %arg0, %c0_i32 : i32, i32
  }
}

module attributes {stable_mosaic.version = 14 : i64} {
  func.func @_pack_body(%arg0: i32, %arg1: memref<2000x256xf32, #tpu.memory_space<vmem>>, %arg2: memref<2000x128xi32, #tpu.memory_space<vmem>>) attributes {dimension_semantics = [#tpu.dimension_semantics<arbitrary>], iteration_bounds = array<i64: 50>, scalar_prefetch = 0 : i64, scratch_operands = 0 : i64, tpu.core_type = #tpu.core_type<tc>, window_params = [{transform_indices = @transform_0, window_bounds = array<i64: 2000, 256>}, {transform_indices = @transform_1, window_bounds = array<i64: 2000, 128>}]} {
    %get3A = arith.constant 0 : index
    %get3A_0 = arith.constant 0 : index
    %get3A_1 = vector.load %arg1[%get3A, %get3A_0] : memref<2000x256xf32, #tpu.memory_space<vmem>>, vector<2000x256xf32>
    %bitcast_convert_type3A = tpu.bitcast %get3A_1 : vector<2000x256xf32> -> vector<2000x256xi32>
    %add3A = arith.constant 32767 : i32
    %add3A_2 = vector.broadcast %add3A : i32 to vector<2000x256xi32>
    %add3A_3 = arith.addi %bitcast_convert_type3A, %add3A_2 : vector<2000x256xi32>
    %shift_right_logical3A = arith.constant 16 : i32
    %shift_right_logical3A_4 = vector.broadcast %shift_right_logical3A : i32 to vector<2000x256xi32>
    %shift_right_logical3A_5 = arith.shrui %bitcast_convert_type3A, %shift_right_logical3A_4 : vector<2000x256xi32>
    %and3A = arith.constant 1 : i32
    %and3A_6 = vector.broadcast %and3A : i32 to vector<2000x256xi32>
    %and3A_7 = arith.andi %shift_right_logical3A_5, %and3A_6 : vector<2000x256xi32>
    %add3A_8 = arith.addi %add3A_3, %and3A_7 : vector<2000x256xi32>
    %slice3A = vector.extract_strided_slice %add3A_8 {offsets = [0, 0], sizes = [2000, 128], strides = [1, 1]} : vector<2000x256xi32> to vector<2000x128xi32>
    %shift_right_logical3A_9 = arith.constant 16 : i32
    %shift_right_logical3A_10 = vector.broadcast %shift_right_logical3A_9 : i32 to vector<2000x128xi32>
    %shift_right_logical3A_11 = arith.shrui %slice3A, %shift_right_logical3A_10 : vector<2000x128xi32>
    %slice3A_12 = vector.extract_strided_slice %add3A_8 {offsets = [0, 128], sizes = [2000, 128], strides = [1, 1]} : vector<2000x256xi32> to vector<2000x128xi32>
    %and3A_13 = arith.constant -65536 : i32
    %and3A_14 = vector.broadcast %and3A_13 : i32 to vector<2000x128xi32>
    %and3A_15 = arith.andi %slice3A_12, %and3A_14 : vector<2000x128xi32>
    %or3A = arith.ori %shift_right_logical3A_11, %and3A_15 : vector<2000x128xi32>
    %bitcast_convert_type3A_16 = tpu.bitcast %or3A : vector<2000x128xi32> -> vector<2000x128xi32>
    %swap3A = arith.constant 0 : index
    %swap3A_17 = arith.constant 0 : index
    %swap3A_18 = vector.load %arg2[%swap3A, %swap3A_17] : memref<2000x128xi32, #tpu.memory_space<vmem>>, vector<2000x128xi32>
    tpu.vector_store %arg2[%swap3A, %swap3A_17], %bitcast_convert_type3A_16 {strides = array<i32>} : memref<2000x128xi32, #tpu.memory_space<vmem>>, vector<2000x128xi32>,
    return
  }
  func.func @transform_0(%arg0: i32) -> (i32, i32) {
    %c0_i32 = arith.constant 0 : i32
    %c0_i32_0 = arith.constant 0 : i32
    return %arg0, %c0_i32 : i32, i32
  }
  func.func @transform_1(%arg0: i32) -> (i32, i32) {
    %c0_i32 = arith.constant 0 : i32
    %c0_i32_0 = arith.constant 0 : i32
    return %arg0, %c0_i32 : i32, i32
  }
}

</mosaic_0001>

<sc_bundles>
// kernel: _dist_mult_sc.5.cloned.1.call-start
scs
__scs_entry_jumppad:
0x0: {  	(pc) =	sbr.rel $0x88, $3  }
0x1: {  	(tag) =	ssettag $0x0;
	lr =	simm.s32 $0x1  }
0x2: {  	[smem:$0x3F9D] =	sst lr;
	_ =	strace $0xD0000000  }
0x3: {  	_ = 	snop  }
0x4: {  	_ = 	snop  }
0x5: {  	_ = 	snop  }
0x6: {  	_ = 	snop  }
0x7: {  	_ = 	snop  }
__scs_overlays_trampoline_lowered:
0x8: {  	[smem:$0x3FAC] =	sst s0  }
0x9: {  	[smem:$0x3FAD] =	sst s1  }
0xa: {  	[smem:$0x3FAE] =	sst s2  }
0xb: {  	[smem:$0x3FAF] =	sst s3  }
0xc: {  	[smem:$0x3FB0] =	sst s4  }
0xd: {  	[smem:$0x3FB1] =	sst s5  }
0xe: {  	[smem:$0x3FB2] =	sst s6  }
0xf: {  	[smem:$0x3FB3] =	sst s7  }
0x10: {  	[smem:$0x3FB4] =	sst s8  }
0x11: {  	[smem:$0x3FB5] =	sst s9;
	s0 =	simm.s32 @!p0 $0x0  }
0x12: {  	s1 =	sld [smem:$0x3F9B];
	s0 =	simm.s32 @p0 $0x1  }
0x13: {  	[smem:$0x3FB6] =	sst s0;
	s0 =	simm.s32 @!p1 $0x0  }
0x14: {  	s2 =	sld [smem:$0x3F9A];
	s0 =	simm.s32 @p1 $0x1  }
0x15: {  	[smem:$0x3FB7] =	sst s0;
	s0 =	simm.s32 @!p2 $0x0  }
0x16: {  	s3 =	sld [smem:$0x3FDB];
	s0 =	simm.s32 @p2 $0x1  }
0x17: {  	s4 =	simm.s32 $0x1BF5;
	[smem:$0x3FB9] =	sst s0  }
0x18: {  	s0 =	sld [smem:$0x3F9C];
	_ =	swait.ge [sflag:s4], $0x0  }
0x19: {  	s7 =	sld [smem:$0x3F9D]  }
0x1a: {  	s8 =	sadd.s32 $0xFFFFE003, lr  }
0x1b: {  	s9 =	sadd.s32 $0xFFFFFEF7, lr;
	s5 =	simm.s32 $0xFFFFFFFF;
	p2 =	slt.u32 s8, $0xFFFFF086  }
0x1c: {  	p1 =	slt.u32 s9, $0xF7A;
	s5 =	simm.s32 @!p2 $0x0  }
0x1d: {  	s5 =	simm.s32 @p1 $0x1;
	p0 =	seq.s32 s7, s2  }
0x1e: {  	s7 =	smul.u32 @!p0 $0xF7A, s2;
	p2 =	seq.s32 @!p0 s5, $0x0  }
0x1f: {  	s9 =	smul.u32 $0xF7A, s1;
	s8 =	simm.s32 @!p0 $0x1BF5;
	p2 =	por !p2, p0  }
0x20: {  	[sflag:s8] =	ssyncset.s32 @!p0 $0xFFFFF086;
	s6 =	sadd.s32 @!p0 s3, s7;
	s7 =	simm.s32 @!p0 $0x108  }
0x21: {  	s3 =	sadd.s32 s3, s9;
	s6 =	sadd.s32 @!p0 $0x88, s6;
	s7 =	simm.s32 @p2 $0x1082  }
0x22: {  	[simem:s7], [sflag:s8] =	dma.local @!p0 [hbm:s6], $0xF7A  }
0x23: {  	s9 =	sor.u32 $0xD0000000, s2;
	s6 =	simm.s32 $0x108;
	_ =	swait.ge @!p0 [sflag:s8], $0x0  }
0x24: {  	s3 =	sadd.s32 $0x88, s3;
	s6 =	simm.s32 @!p1 $0x1082;
	[sflag:s4] =	ssyncset.s32 $0xFFFFF086  }
0x25: {  	[simem:s6], [sflag:s4] =	dma.local [hbm:s3], $0xF7A  }
0x26: {  	[smem:$0x3F9D] =	sst s1;
	(tag) =	ssettag s2;
	_ =	strace s9  }
0x27: {  	s1 =	sld [smem:$0x3FAD]  }
0x28: {  	s2 =	sld [smem:$0x3FAE]  }
0x29: {  	s4 =	sld [smem:$0x3FB0]  }
0x2a: {  	p0 =	seq.s32 s5, $0x0;
	s5 =	sld [smem:$0x3FB1]  }
0x2b: {  	s6 =	sld [smem:$0x3FB2]  }
0x2c: {  	s7 =	sld [smem:$0x3FB3]  }
0x2d: {  	s3 =	simm.s32 $0x108;
	s8 =	sld [smem:$0x3FB4]  }
0x2e: {  	s3 =	simm.s32 @!p0 $0x1082;
	s9 =	sld [smem:$0x3FB5]  }
0x2f: {  	lr =	sadd.s32 s0, s3;
	s0 =	sld [smem:$0x3FAC]  }
0x30: {  	s3 =	sld [smem:$0x3FAF]  }
0x31: {  	[smem:$0x3FB8] =	sst s10  }
0x32: {  	s10 =	sld [smem:$0x3FB6];
	_ =	sdelay $0x3  }
0x33: {  	p0 =	seq.s32 s10, $0x1;
	s10 =	sld [smem:$0x3FB8];
	_ =	sdelay $0x3  }
0x34: {  	[smem:$0x3FB8] =	sst s10  }
0x35: {  	s10 =	sld [smem:$0x3FB7];
	_ =	sdelay $0x3  }
0x36: {  	p1 =	seq.s32 s10, $0x1;
	s10 =	sld [smem:$0x3FB8];
	_ =	sdelay $0x3  }
0x37: {  	[smem:$0x3FB8] =	sst s10  }
0x38: {  	s10 =	sld [smem:$0x3FB9]  }
0x39: {  	_ = 	snop;
	(pc) =	sbr.ind lr, $3  }
0x3a: {  	_ = 	snop  }
0x3b: {  	_ = 	snop  }
0x3c: {  	p2 =	seq.s32 s10, $0x1;
	s10 =	sld [smem:$0x3FB8]  }
0x3d: {  	_ =	shalt  }
0x3e: {  	_ =	shalt  }
0x3f: {  	_ =	shalt  }
0x40: {  	_ =	shalt  }
0x41: {  	_ =	shalt  }
0x42: {  	_ =	shalt  }
0x43: {  	_ =	shalt  }
0x44: {  	_ =	shalt  }
0x45: {  	_ =	shalt  }
0x46: {  	_ =	shalt  }
0x47: {  	_ =	shalt  }
0x48: {  	_ =	shalt  }
0x49: {  	_ =	shalt  }
0x4a: {  	_ =	shalt  }
0x4b: {  	_ =	shalt  }
0x4c: {  	_ =	shalt  }
0x4d: {  	_ =	shalt  }
0x4e: {  	_ =	shalt  }
0x4f: {  	_ =	shalt  }
0x50: {  	_ =	shalt  }
0x51: {  	_ =	shalt  }
0x52: {  	_ =	shalt  }
0x53: {  	_ =	shalt  }
0x54: {  	_ =	shalt  }
0x55: {  	_ =	shalt  }
0x56: {  	_ =	shalt  }
0x57: {  	_ =	shalt  }
0x58: {  	_ =	shalt  }
0x59: {  	_ =	shalt  }
0x5a: {  	_ =	shalt  }
0x5b: {  	_ =	shalt  }
0x5c: {  	_ =	shalt  }
0x5d: {  	_ =	shalt  }
0x5e: {  	_ =	shalt  }
0x5f: {  	_ =	shalt  }
0x60: {  	_ =	shalt  }
0x61: {  	_ =	shalt  }
0x62: {  	_ =	shalt  }
0x63: {  	_ =	shalt  }
0x64: {  	_ =	shalt  }
0x65: {  	_ =	shalt  }
0x66: {  	_ =	shalt  }
0x67: {  	_ =	shalt  }
0x68: {  	_ =	shalt  }
0x69: {  	_ =	shalt  }
0x6a: {  	_ =	shalt  }
0x6b: {  	_ =	shalt  }
0x6c: {  	_ =	shalt  }
0x6d: {  	_ =	shalt  }
0x6e: {  	_ =	shalt  }
0x6f: {  	_ =	shalt  }
0x70: {  	_ =	shalt  }
0x71: {  	_ =	shalt  }
0x72: {  	_ =	shalt  }
0x73: {  	_ =	shalt  }
0x74: {  	_ =	shalt  }
0x75: {  	_ =	shalt  }
0x76: {  	_ =	shalt  }
0x77: {  	_ =	shalt  }
0x78: {  	_ =	shalt  }
0x79: {  	_ =	shalt  }
0x7a: {  	_ =	shalt  }
0x7b: {  	_ =	shalt  }
0x7c: {  	_ =	shalt  }
0x7d: {  	_ =	shalt  }
0x7e: {  	_ =	shalt  }
0x7f: {  	_ =	shalt  }
0x80: {  	_ =	shalt  }
0x81: {  	_ =	shalt  }
0x82: {  	_ =	shalt  }
0x83: {  	_ =	shalt  }
0x84: {  	_ =	shalt  }
0x85: {  	_ =	shalt  }
0x86: {  	_ =	shalt  }
0x87: {  	_ =	shalt  }
.Lfunc_end0:
.L_simem_size_0:
called_computation_lowered:
.L_overlay_start_0:
0x88: {  	s2 =	sld [smem:$0x3FD9]  }
0x89: {  	s3 =	sld [smem:$0x3FFE];
	_ =	sdelay $0x1  }
0x8a: {  	s1 =	srdreg.scid  }
0x8b: {  	s0 =	sand.u32 $0x1, s1  }
0x8c: {  	s17 =	sshll.u32 s0, $0xA;
	s2 =	sadd.s32 s3, s2  }
0x8d: {  	s2 =	sadd.s32 s2, s17  }
0x8e: {  	[smem:$0x3FC4] =	sst s2  }
0x8f: {  	_ = 	snop  }
0x90: {  	s2 =	sld [smem:$0x3FC8]  }
0x91: {  	s18 =	sld [smem:$0x3FD0];
	(tm) =	ssettm $0x1  }
0x92: {  	s4 =	sld [smem:$0x3FFB];
	_ =	sdelay $0x3  }
0x93: {  	_ =	strace s4  }
0x94: {  	s4 =	sld [smem:$0x3FFC];
	_ =	sdelay $0x3  }
0x95: {  	_ =	strace s4  }
0x96: {  	s4 =	sld [smem:$0x3FFD];
	_ =	sdelay $0x3  }
0x97: {  	_ =	strace s4  }
0x98: {  	_ =	strace $0x8FFFFFFF  }
0x99: {  	s19 =	sld [smem:$0x3FDB];
	_ =	sdelay $0x1  }
0x9a: {  	s5 =	simm.s32 $_scs_section_size  }
0x9b: {  	s6 =	simm.s32 $_size__tile_overlayer_lowered;
	s7 =	simm.s32 $_tile_overlayer_lowered  }
0x9c: {  	s22 =	simm.s32 $0x1BFF;
	s21 =	sshll.u32 s7, $0x1;
	s4 =	sadd.s32 s5, s19  }
0x9d: {  	s8 =	simm.s32 $0x0;
	s20 =	sshll.u32 s6, $0x1;
	s6 =	sadd.s32 s21, s4  }
0x9e: {  	[timem:s8], [sflag:s22] =	dma.local [hbm:s6], s20  }
0x9f: {  	_ =	swait.ge [sflag:s22], s20  }
0xa0: {  	s5 =	ssub.s32 $0x0, s20;
	[sflag:s22] =	ssyncset.done $0x0  }
0xa1: {  	[sflag:s22] =	ssyncadd.s32 s5;
	_ =	sdelay $0x1  }
0xa2: {  	s23 =	simm.s32 $0x1B8B  }
0xa3: {  	_ =	swait.ge [sflag:s23], $0x1  }
0xa4: {  	[sflag:s23] =	ssyncset.done $0x0  }
0xa5: {  	s25 =	simm.s32 $0x1B8E;
	s24 =	sld [smem:$0x3FFE];
	[sflag:s23] =	ssyncadd.s32 $0xFFFFFFFF  }
0xa6: {  	s26 =	simm.s32 $execute0_lowered;
	[smem:$0x3FD2] =	sst s25  }
0xa7: {  	s6 =	sshll.u32 s26, $0x1;
	_ =	strace $0x80000046;
	[dreg:$0x1] =	wrdreg $0xFFFFFFFF  }
0xa8: {  	s28 =	simm.s32 $_size_execute0_lowered;
	s4 =	sadd.s32 s4, s6;
	[dreg:$0x0] =	wrdreg $0x0  }
0xa9: {  	s6 =	sshll.u32 s28, $0x1;
	[dreg:$0x2] =	wrdreg s4  }
0xaa: {  	[dreg:$0x3] =	wrdreg s6  }
0xab: {  	[dreg:$0x4] =	wrdreg $0xC0  }
0xac: {  	_ =	task [dreg:s8], $0x5FFFF  }
0xad: {  	[dreg:$0x1] =	wrdreg $0xFFFFFFFF  }
0xae: {  	[dreg:$0x0] =	wrdreg $0x60  }
0xaf: {  	[dreg:$0x2] =	wrdreg s24  }
0xb0: {  	[dreg:$0x3] =	wrdreg s2  }
0xb1: {  	[dreg:$0x4] =	wrdreg s18  }
0xb2: {  	[dreg:$0x5] =	wrdreg $0x1B4800  }
0xb3: {  	[dreg:$0x6] =	wrdreg $0x9  }
0xb4: {  	_ =	task.clear_ibuf [dreg:s8], $0x7FFFF;
	_ =	strace $0x90000046  }
0xb5: {  	s29 =	simm.s32 $0x9;
	_ =	strace $0x80000048  }
0xb6: {  	_ =	swait.ge [sflag:s29], $0x1  }
0xb7: {  	[sflag:s29] =	ssyncadd.s32 $0xFFFFFFFF  }
0xb8: {  	_ =	strace $0x90000048  }
0xb9: {  	_ =	sfence  }
0xba: {  	s30 =	sld [smem:$0x0];
	_ =	sdelay $0x2  }
0xbb: {  	s31 =	sshll.u32 s1, $0xD;
	s1 =	sshrl.u32 s1, $0x2  }
0xbc: {  	s3 =	sand.u32 $0x4000, s31;
	s1 =	sadd.s32 s1, s30  }
0xbd: {  	s0 =	sor.u32 s3, s0;
	s1 =	sshll.u32 s1, $0x11  }
0xbe: {  	s0 =	sor.u32 s1, s0  }
0xbf: {  	s0 =	sadd.s32 $0x8F2B, s0  }
0xc0: {  	[sflag:s0] =	ssyncadd.remote.s32 $0x1  }
0xc1: {  	_ =	sfence.sel $0xFFFF  }
0xc2: {  	[dreg:$0x0] =	wrdreg $0xFFFFFFFF;
	(pc) =	sbr.abs _section_cstart, $3  }
0xc3: {  	[dreg:$0x1] =	wrdreg $0xFFFFFFFF  }
0xc4: {  	_ =	task.clear_ibuf [dreg:s8], $0x2FFFF;
	_ =	strace $0x9FFFFFFF  }
0xc5: {  	(tm) =	ssettm $0x7FFFFFFF  }
tec
execute0_lowered:
.L_overlay_start_1:
0x0: {  	(tag) =	ssettag $0x1  }
0x1: {  	v0 =	vimm.s32 $0x787  }
0x2: {  	vm14 =	vcmask $0x300;
	vm13 =	vcmask $0x704;
	vm12 =	vcmask $0xB08  }
0x3: {  	vm11 =	vcmask $0xF0C;
	vm10 =	vcmask $0x1310;
	vm9 =	vcmask $0x1714  }
0x4: {  	vm8 =	vcmask $0x1B18;
	vm5 =	vcmask $0x1F1C;
	v2 =	vimm.s32 $0xF87  }
0x5: {  	vm0 =	vcmask $0x2320;
	v3 =	vimm.s32 $0x1787;
	vm1 =	vcmask $0x2724  }
0x6: {  	vm2 =	vcmask $0x2B28;
	vm3 =	vcmask $0x2F2C;
	vm4 =	vcmask $0x3330  }
0x7: {  	vm6 =	vcmask $0x3734;
	vm7 =	vcmask $0x3B38;
	v7 =	vimm.s32 $0x1F87  }
0x8: {  	v8 =	vimm.s32 $0x2787;
	v9 =	vimm.s32 $0x2F87;
	v0 =	vsel vm14, $0x0, v0  }
0x9: {  	v2 =	vsel vm14, $0x800, v2;
	v3 =	vsel vm14, $0x1000, v3;
	v7 =	vsel vm14, $0x1800, v7  }
0xa: {  	v8 =	vsel vm14, $0x2000, v8;
	v9 =	vsel vm14, $0x2800, v9;
	v0 =	vsel vm13, $0x81, v0  }
0xb: {  	v2 =	vsel vm13, $0x881, v2;
	v3 =	vsel vm13, $0x1081, v3;
	v7 =	vsel vm13, $0x1881, v7  }
0xc: {  	v8 =	vsel vm13, $0x2081, v8;
	v9 =	vsel vm13, $0x2881, v9;
	v0 =	vsel vm12, $0x102, v0  }
0xd: {  	v2 =	vsel vm12, $0x902, v2;
	v3 =	vsel vm12, $0x1102, v3;
	v7 =	vsel vm12, $0x1902, v7  }
0xe: {  	v8 =	vsel vm12, $0x2102, v8;
	v9 =	vsel vm12, $0x2902, v9;
	v0 =	vsel vm11, $0x183, v0  }
0xf: {  	v2 =	vsel vm11, $0x983, v2;
	v3 =	vsel vm11, $0x1183, v3;
	v7 =	vsel vm11, $0x1983, v7  }
0x10: {  	v8 =	vsel vm11, $0x2183, v8;
	v9 =	vsel vm11, $0x2983, v9;
	v0 =	vsel vm10, $0x204, v0  }
0x11: {  	v2 =	vsel vm10, $0xA04, v2;
	v3 =	vsel vm10, $0x1204, v3;
	v7 =	vsel vm10, $0x1A04, v7  }
0x12: {  	v8 =	vsel vm10, $0x2204, v8;
	v9 =	vsel vm10, $0x2A04, v9;
	v0 =	vsel vm9, $0x285, v0  }
0x13: {  	v2 =	vsel vm9, $0xA85, v2;
	v3 =	vsel vm9, $0x1285, v3;
	v7 =	vsel vm9, $0x1A85, v7  }
0x14: {  	v8 =	vsel vm9, $0x2285, v8;
	v9 =	vsel vm9, $0x2A85, v9;
	v1 =	vsel vm8, $0x306, v0  }
0x15: {  	s0 =	rddreg [dreg:$0x0];
	v0 =	vlaneseq.u32;
	v2 =	vsel vm8, $0xB06, v2;
	v3 =	vsel vm8, $0x1306, v3  }
0x16: {  	s2 =	rddreg [dreg:$0x1];
	s1 =	srdreg.scid;
	v7 =	vsel vm8, $0x1B06, v7;
	v8 =	vsel vm8, $0x2306, v8;
	v9 =	vsel vm8, $0x2B06, v9  }
0x17: {  	s5 =	stileid.u32;
	s6 =	rddreg [dreg:$0x2];
	v1 =	vsel vm5, $0x387, v1;
	v2 =	vsel vm5, $0xB87, v2;
	v3 =	vsel vm5, $0x1387, v3  }
0x18: {  	s8 =	simm.s32 $0x0;
	s16 =	simm.s32 $0x60;
	s17 =	simm.s32 $0x6F60;
	v7 =	vsel vm5, $0x1B87, v7;
	v8 =	vsel vm5, $0x2387, v8;
	v9 =	vsel vm5, $0x2B87, v9  }
0x19: {  	s19 =	simm.s32 $0xCF60;
	s28 =	simm.s32 $0x6;
	s29 =	simm.s32 $0x9F60;
	v1 =	vsel vm0, $0x400, v1;
	v2 =	vsel vm0, $0xC00, v2;
	v3 =	vsel vm0, $0x1400, v3  }
0x1a: {  	s30 =	simm.s32 $0xFF60;
	s4 =	sand.u32 $0x1, s1;
	s1 =	rddreg [dreg:$0x3];
	v7 =	vsel vm0, $0x1C00, v7;
	v8 =	vsel vm0, $0x2400, v8;
	v9 =	vsel vm0, $0x2C00, v9  }
0x1b: {  	s31 =	simm.s32 $0x15F60;
	s3 =	sshll.u32 s5, $0x1;
	[smem:$0x7FF] =	sst s8;
	v1 =	vsel vm1, $0x481, v1;
	v2 =	vsel vm1, $0xC81, v2;
	v3 =	vsel vm1, $0x1481, v3  }
0x1c: {  	s21 =	sadd.s32 $0x800, s0;
	s25 =	sadd.s32 $0xD7DC, s0;
	s26 =	sadd.s32 $0x8FDC, s2;
	v7 =	vsel vm1, $0x1C81, v7;
	v8 =	vsel vm1, $0x2481, v8;
	v9 =	vsel vm1, $0x2C81, v9  }
0x1d: {  	s13 =	sadd.s32 $0x8FDC, s6;
	_ =	strace $0x80000047;
	[dreg:$0x5] =	wrdreg s21;
	v1 =	vsel vm2, $0x502, v1;
	v2 =	vsel vm2, $0xD02, v2;
	v7 =	vsel vm2, $0x1D02, v7  }
0x1e: {  	p1 =	sne.s32 s5, $0x0;
	s7 =	sor.u32 s4, s3;
	[dreg:$0x9] =	wrdreg s25;
	v8 =	vsel vm2, $0x2502, v8;
	v9 =	vsel vm2, $0x2D02, v9;
	v1 =	vsel vm3, $0x583, v1  }
0x1f: {  	s9 =	ssub.s32 $0x2, s4;
	s4 =	simm.s32 $0x38;
	[dreg:$0xb] =	wrdreg s26;
	v7 =	vsel vm3, $0x1D83, v7;
	v8 =	vsel vm3, $0x2583, v8;
	v9 =	vsel vm3, $0x2D83, v9  }
0x20: {  	s15 =	sshrl.u32 @!p1 s1, $0x3;
	s21 =	simm.s32 $0x12F60;
	s25 =	simm.s32 $0x2;
	v1 =	vsel vm4, $0x604, v1;
	v7 =	vsel vm4, $0x1E04, v7;
	v8 =	vsel vm4, $0x2604, v8  }
0x21: {  	s3 =	smul.u32 $0x2520, s7;
	s10 =	sshrl.u32 s9, $0x1;
	p0 =	seq.s32 s7, $0x1F;
	v11 =	vsel vm4, $0x2E04, v9;
	v4 =	vsel vm6, $0x685, v1;
	v1 =	vsel vm3, $0xD83, v2  }
0x22: {  	s26 =	simm.s32 $0x4;
	s22 =	ssub.s32 s9, s10;
	s4 =	simm.s32 @!p0 $0x63;
	v2 =	vsel vm2, $0x1502, v3;
	v7 =	vsel vm6, $0x1E85, v7;
	v10 =	vsel vm6, $0x2685, v8  }
0x23: {  	s12 =	sshrl.u32 s3, $0x3;
	s3 =	sadd.s32 $0x16E00, s0;
	s14 =	smax.u32 s22, $0x1;
	v11 =	vsel vm6, $0x2E85, v11;
	v3 =	vsel vm4, $0xE04, v1;
	v2 =	vsel vm3, $0x1583, v2  }
.Ltmp0:
0x24: {  	s22 =	simm.s32 $0x1;
	s24 =	sadd.s32 s2, s12;
	v1 =	vmul.u32 $0x80, v0;
	v7 =	vsel vm7, $0x1F06, v7;
	v9 =	vsel vm7, $0x2706, v10;
	(pc) =	sbr.rel .LBB2_1-.Ltmp0, $4  }
0x25: {  	s20 =	sadd.s32 s12, s0;
	s0 =	sadd.s32 $0x16A58, s0;
	[dreg:$0x8] =	wrdreg s24;
	v11 =	vsel vm7, $0x2F06, v11;
	v3 =	vsel vm6, $0xE85, v3;
	v5 =	vsel vm4, $0x1604, v2  }
0x26: {  	s12 =	sadd.s32 s6, s12;
	s23 =	sadd.s32 $0x4800, s20;
	[dreg:$0xa] =	wrdreg s0;
	v2 =	vsel vm7, $0x706, v4;
	v3 =	vsel vm7, $0xF06, v3;
	v5 =	vsel vm6, $0x1685, v5  }
0x27: {  	s8 =	sadd.s32 $0xDA7C, s20;
	s24 =	simm.s32 $0x5;
	[dreg:$0x6] =	wrdreg s23;
	v4 =	vor.u32 $0x800, v1;
	v6 =	vor.u32 $0x1000, v1;
	v8 =	vor.u32 $0x1800, v1  }
0x28: {  	s0 =	simm.s32 $0x0;
	[dreg:$0x7] =	wrdreg s8;
	s23 =	simm.s32 $0x3;
	v10 =	vor.u32 $0x2000, v1;
	v12 =	vor.u32 $0x2800, v1;
	v5 =	vsel vm7, $0x1706, v5  }
.LBB2_32:
0x29: {  	s2 =	simm.s32 @p0 $0x0;
	s5 =	simm.s32 @p0 $0x18F60  }
0x2a: {  	[hbm4b:s13+s2] =	stream.linear.scatter @p0 [tilespmem:s5], [sflag:$0x8], $0x1500, $0x38;
	[tilespmem:$0x1D3C0] =	vst v63  }
0x2b: {  	s2 =	simm.s32 @p0 $0x8  }
0x2c: {  	_ =	swait.ge @p0 [sflag:s2], $0x1500  }
0x2d: {  	s0 =	sadd.s32 $0x1, s0;
	s5 =	simm.s32 @!p0 $0x18F60;
	[sflag:s2] =	ssyncset.done @p0 $0x0  }
0x2e: {  	p2 =	sne.s32 s0, s14;
	[sflag:s2] =	ssyncadd.s32 @p0 $0xFFFFEB00;
	s2 =	simm.s32 @!p0 $0x0  }
0x2f: {  	[hbm4b:s12+s2] =	stream.linear.scatter @!p0 [tilespmem:s5], [sflag:$0x8], $0x2520, $0x38;
	[tilespmem:$0x1D3C0] =	vst v63  }
.Ltmp1:
0x30: {  	_ = 	snop;
	(pc) =	sbr.rel @!p2 .LBB2_33-.Ltmp1, $4  }
0x31: {  	s2 =	simm.s32 @!p0 $0x8  }
0x32: {  	_ =	swait.ge @!p0 [sflag:s2], $0x2520  }
0x33: {  	[sflag:s2] =	ssyncset.done @!p0 $0x0  }
0x34: {  	[sflag:s2] =	ssyncadd.s32 @!p0 $0xFFFFDAE0  }
.LBB2_1:
0x35: {  	s2 =	simm.s32 @!p1 $0x1C08;
	s5 =	rddreg [dreg:$0x5]  }
0x36: {  	[spmem:s15], [sflag:s2] =	dma.local @!p1 [hbm:s5], $0x3E80  }
0x37: {  	s2 =	simm.s32 @!p1 $0x8  }
0x38: {  	_ =	swait.ge @!p1 [sflag:s2], $0x3E80  }
0x39: {  	[sflag:s2] =	ssyncset.done @!p1 $0x0  }
0x3a: {  	[sflag:s2] =	ssyncadd.s32 @!p1 $0xFFFFC180  }
0x3b: {  	[bflag:$0x0] =	sbarrier.arrive $0xFFFF  }
0x3c: {  	s2 =	simm.s32 @p0 $0x0;
	s5 =	rddreg [dreg:$0x9]  }
0x3d: {  	[tilespmem:s2], [sflag:$0x7] =	stream.linear.gather @p0 [hbm4b:s5+s2], $0x1500, $0x38;
	[tilespmem:$0x1D3C0] =	vst v63  }
0x3e: {  	s6 =	rddreg [dreg:$0xa];
	s5 =	simm.s32 @p0 $0x2520  }
0x3f: {  	[tilespmem:s5], [sflag:$0x7] =	stream.linear.gather @p0 [hbm4b:s6+s2], $0x1500, $0x38;
	[tilespmem:$0x1D3C0] =	vst v63  }
0x40: {  	s5 =	simm.s32 @p0 $0x4A40;
	s6 =	rddreg [dreg:$0xb]  }
0x41: {  	[tilespmem:s5], [sflag:$0x7] =	stream.linear.gather @p0 [hbm4b:s6+s2], $0x1500, $0x38;
	[tilespmem:$0x1D3C0] =	vst v63  }
0x42: {  	s2 =	simm.s32 @p0 $0x7  }
0x43: {  	_ =	swait.ge @p0 [sflag:s2], $0x1500  }
0x44: {  	[sflag:s2] =	ssyncset.done @p0 $0x0  }
0x45: {  	[sflag:s2] =	ssyncadd.s32 @p0 $0xFFFFEB00  }
0x46: {  	_ =	swait.ge @p0 [sflag:s2], $0x1500  }
0x47: {  	[sflag:s2] =	ssyncset.done @p0 $0x0  }
0x48: {  	[sflag:s2] =	ssyncadd.s32 @p0 $0xFFFFEB00  }
0x49: {  	_ =	swait.ge @p0 [sflag:s2], $0x1500  }
0x4a: {  	[sflag:s2] =	ssyncset.done @p0 $0x0  }
0x4b: {  	s5 =	rddreg [dreg:$0x6];
	[sflag:s2] =	ssyncadd.s32 @p0 $0xFFFFEB00;
	s2 =	simm.s32 @!p0 $0x0  }
0x4c: {  	[tilespmem:s2], [sflag:$0x7] =	stream.linear.gather @!p0 [hbm4b:s5+s2], $0x2520, $0x38;
	[tilespmem:$0x1D3C0] =	vst v63  }
0x4d: {  	s6 =	rddreg [dreg:$0x7];
	s5 =	simm.s32 @!p0 $0x2520  }
0x4e: {  	[tilespmem:s5], [sflag:$0x7] =	stream.linear.gather @!p0 [hbm4b:s6+s2], $0x2520, $0x38;
	[tilespmem:$0x1D3C0] =	vst v63  }
0x4f: {  	s5 =	simm.s32 @!p0 $0x4A40;
	s6 =	rddreg [dreg:$0x8]  }
0x50: {  	[tilespmem:s5], [sflag:$0x7] =	stream.linear.gather @!p0 [hbm4b:s6+s2], $0x2520, $0x38;
	[tilespmem:$0x1D3C0] =	vst v63  }
0x51: {  	s2 =	simm.s32 @!p0 $0x7  }
0x52: {  	_ =	swait.ge @!p0 [sflag:s2], $0x2520  }
0x53: {  	[sflag:s2] =	ssyncset.done @!p0 $0x0  }
0x54: {  	[sflag:s2] =	ssyncadd.s32 @!p0 $0xFFFFDAE0  }
0x55: {  	_ =	swait.ge @!p0 [sflag:s2], $0x2520  }
0x56: {  	[sflag:s2] =	ssyncset.done @!p0 $0x0  }
0x57: {  	[sflag:s2] =	ssyncadd.s32 @!p0 $0xFFFFDAE0  }
0x58: {  	_ =	swait.ge @!p0 [sflag:s2], $0x2520  }
0x59: {  	[sflag:s2] =	ssyncset.done @!p0 $0x0  }
0x5a: {  	s11 =	simm.s32 $0x0;
	[sflag:s2] =	ssyncadd.s32 @!p0 $0xFFFFDAE0  }
0x5b: {  	[tilespmem:s17], [sflag:$0x1] =	stream.indirect.gather [hbm4b:s3+s16], $0x80, s11, s16, $0xb8;
	[tilespmem:$0x1D3C0] =	vst v63  }
.Ltmp2:
0x5c: {  	_ = 	snop;
	(pc) =	sbr.rel .LBB2_2-.Ltmp2, $4  }
0x5d: {  	s18 =	simm.s32 $0x2520  }
0x5e: {  	[tilespmem:s19], [sflag:$0x3] =	stream.indirect.gather [hbm4b:s3+s16], $0x80, s18, s16, $0xb8;
	[tilespmem:$0x1D3C0] =	vst v63  }
0x5f: {  	s20 =	simm.s32 $0x4A40;
	s18 =	simm.s32 $0x0  }
0x60: {  	[tilespmem:s21], [sflag:$0x5] =	stream.indirect.gather [spmem:s1], $0x80, s20, s16, $0xb8;
	[tilespmem:$0x1D3C0] =	vst v63  }
.LBB2_30:
0x61: {  	_ =	sdelay $0x3  }
0x62: {  	v31 =	vld.idx.msk [tilespmem:v16+s30+$0x0], $0xffff  }
0x63: {  	v27 =	vor.u32 v11, v27;
	v32 =	vld.idx.msk [tilespmem:v17+s30+$0x0], $0xffff  }
0x64: {  	v33 =	vld.idx.msk [tilespmem:v18+s30+$0x0], $0xffff  }
0x65: {  	v34 =	vld.idx.msk [tilespmem:v20+s30+$0x0], $0xffff  }
0x66: {  	v35 =	vld.idx.msk [tilespmem:v22+s30+$0x0], $0xffff  }
0x67: {  	v48 =	vld.idx.msk [tilespmem:v22+s29+$0x0], $0xffff  }
0x68: {  	v37 =	vld.idx.msk [tilespmem:v27+s29+$0x0], $0xffff  }
0x69: {  	v47 =	vld.idx.msk [tilespmem:v27+s31+$0x0], $0xffff  }
0x6a: {  	v28 =	vadd.bf16 v29, v28;
	v15 =	vmul.bf16 v15, v30;
	v21 =	vmul.bf16 v24, v21;
	v49 =	vld.idx.msk [tilespmem:v22+s31+$0x0], $0xffff  }
0x6b: {  	v13 =	vmul.bf16 v23, v13;
	v36 =	vld.idx.msk [tilespmem:v27+s30+$0x0], $0xffff  }
0x6c: {  	v50 =	vld.idx.msk [tilespmem:v20+s29+$0x0], $0xffff;
	s5 =	sadd.s32 $0xFFFFFFFF, s5;
	v15 =	vadd.bf16 v15, v28;
	v21 =	vmul.bf16 v26, v21  }
0x6d: {  	v51 =	vld.idx.msk [tilespmem:v20+s31+$0x0], $0xffff;
	v52 =	vadd.s32 s5, v0;
	v13 =	vmul.bf16 v25, v13  }
0x6e: {  	v53 =	vld.idx.msk [tilespmem:v18+s29+$0x0], $0xffff;
	v15 =	vadd.bf16 v21, v15;
	v21 =	vand.u32 $0x7F, v52;
	v24 =	vmul.bf16 v47, v37  }
0x6f: {  	v54 =	vld.idx.msk [tilespmem:v18+s31+$0x0], $0xffff;
	v21 =	vor.u32 v12, v21  }
0x70: {  	v55 =	vld.idx.msk [tilespmem:v17+s31+$0x0], $0xffff;
	v22 =	vmul.bf16 v49, v48;
	v13 =	vadd.bf16 v13, v15;
	v24 =	vmul.bf16 v36, v24  }
0x71: {  	v15 =	vld.idx.msk [tilespmem:v17+s29+$0x0], $0xffff  }
0x72: {  	v56 =	vld.idx.msk [tilespmem:v16+s29+$0x0], $0xffff;
	v20 =	vmul.bf16 v51, v50;
	v22 =	vmul.bf16 v35, v22;
	v13 =	vadd.bf16 v24, v13  }
0x73: {  	v57 =	vld.idx.msk [tilespmem:v16+s31+$0x0], $0xffff  }
0x74: {  	v18 =	vmul.bf16 v54, v53;
	v20 =	vmul.bf16 v34, v20;
	v58 =	vld.idx.msk [tilespmem:v21+s29+$0x0], $0xffff;
	v13 =	vadd.bf16 v22, v13  }
0x75: {  	v59 =	vld.idx.msk [tilespmem:v21+s31+$0x0], $0xffff  }
0x76: {  	v60 =	vld.idx.msk [tilespmem:v14+s31+$0x0], $0xffff;
	v18 =	vmul.bf16 v33, v18;
	v15 =	vmul.bf16 v55, v15;
	v13 =	vadd.bf16 v20, v13  }
0x77: {  	v61 =	vld.idx.msk [tilespmem:v21+s30+$0x0], $0xffff  }
0x78: {  	v16 =	vmul.bf16 v57, v56;
	v15 =	vmul.bf16 v32, v15;
	v13 =	vadd.bf16 v18, v13  }
0x79: {  	v14 =	vld.idx.msk [tilespmem:v14+s30+$0x0], $0xffff  }
0x7a: {  	v62 =	vmul.bf16 v59, v58;
	v13 =	vadd.bf16 v15, v13;
	v15 =	vmul.bf16 v31, v16;
	_ =	sdelay $0x1  }
0x7b: {  	v63 =	vmul.bf16 v60, v19;
	v13 =	vadd.bf16 v15, v13;
	v15 =	vmul.bf16 v61, v62;
	_ =	sdelay $0x1  }
0x7c: {  	v14 =	vmul.bf16 v14, v63;
	v13 =	vadd.bf16 v15, v13;
	_ =	sdelay $0x1  }
0x7d: {  	v13 =	vadd.bf16 v14, v13;
	_ =	sdelay $0x1  }
0x7e: {  	v14 =	vshll.u32 v13, $0x10;
	v13 =	vand.u32 $0xFFFF0000, v13  }
0x7f: {  	v13 =	vadd.f32 v13, v14;
	_ =	sdelay $0x1  }
0x80: {  	v13 =	vsub.f32 $0.0e+00, v13;
	_ =	sdelay $0x1  }
0x81: {  	v13 =	vmul.f32 $1.442695020e+00, v13;
	_ =	sdelay $0x1  }
0x82: {  	(erf) = vpow2.f32 v13;
	_ =	sdelay $0x8  }
0x83: {  	v13 =	vpop (erf)  }
0x84: {  	v13 =	vadd.f32 $1.000000000e+00, v13;
	_ =	sdelay $0x1  }
0x85: {  	(erf) = vrcp.f32 v13;
	_ =	sdelay $0x8  }
0x86: {  	v13 =	vpop (erf)  }
0x87: {  	[tilespmem:s2+$0x18FB0] =	vst v13  }
.LBB2_31:
0x88: {  	s18 =	sadd.s32 $0x1, s18  }
0x89: {  	p2 =	sne.s32 s18, $0x32  }
.Ltmp3:
0x8a: {  	_ = 	snop;
	(pc) =	sbr.rel @!p2 .LBB2_32-.Ltmp3, $1  }
0x8b: {  	_ =	sdelay $0x3  }
.LBB2_2:
0x8c: {  	s2 =	sshll.u32 s18, $0x1  }
0x8d: {  	p2 =	slt.u32 s2, s4  }
.Ltmp4:
0x8e: {  	_ = 	snop;
	(pc) =	sbr.rel @!p2 .LBB2_3-.Ltmp4, $1  }
0x8f: {  	_ =	sdelay $0x3  }
0x90: {  	_ =	swait.ge [sflag:s22], $0x3000  }
0x91: {  	[sflag:s22] =	ssyncset.done $0x0  }
0x92: {  	[sflag:s22] =	ssyncadd.s32 $0xFFFFD000  }
0x93: {  	_ =	swait.ge [sflag:s23], $0x3000  }
0x94: {  	s20 =	sor.u32 $0x1, s2;
	s9 =	simm.s32 $0x7;
	[sflag:s23] =	ssyncset.done $0x0  }
0x95: {  	s10 =	simm.s32 $0x5;
	s11 =	simm.s32 $0x4;
	[sflag:s23] =	ssyncadd.s32 $0xFFFFD000  }
0x96: {  	p2 =	sge.u32 s20, s4;
	v13 =	vadd.s32 s9, v0;
	s9 =	simm.s32 $0x3;
	_ =	swait.ge [sflag:s24], $0x3000  }
0x97: {  	v14 =	vadd.s32 s10, v0;
	s10 =	simm.s32 $0x2;
	s5 =	smul.u32 @!p2 $0x60, s20;
	[sflag:s24] =	ssyncset.done $0x0  }
0x98: {  	s6 =	simm.s32 @!p2 $0x60;
	s7 =	simm.s32 @!p2 $0x9F60;
	v13 =	vand.u32 $0x7F, v13;
	[sflag:s24] =	ssyncadd.s32 $0xFFFFD000  }
0x99: {  	v15 =	vadd.s32 s11, v0;
	v14 =	vand.u32 $0x7F, v14;
	v19 =	vor.u32 v1, v13;
	[tilespmem:s7], [sflag:$0x2] =	stream.indirect.gather @!p2 [hbm4b:s3+s6], $0x80, s5, s6, $0xb8;
	[tilespmem:$0x1D3C0] =	vst v63  }
0x9a: {  	s11 =	simm.s32 $0x1;
	s8 =	simm.s32 @!p2 $0xFF60;
	v15 =	vand.u32 $0x7F, v15;
	v13 =	vadd.s32 s9, v0;
	v16 =	vor.u32 v1, v14;
	s7 =	sadd.s32 @!p2 $0x2520, s5  }
0x9b: {  	v14 =	vadd.s32 s10, v0;
	v17 =	vor.u32 v1, v15;
	v13 =	vand.u32 $0x7F, v13;
	[tilespmem:s8], [sflag:$0x4] =	stream.indirect.gather @!p2 [hbm4b:s3+s6], $0x80, s7, s6, $0xb8;
	[tilespmem:$0x1D3C0] =	vst v63  }
0x9c: {  	s9 =	simm.s32 $0x0;
	v15 =	vadd.s32 s11, v0;
	v14 =	vand.u32 $0x7F, v14;
	v18 =	vor.u32 v1, v13;
	s5 =	sadd.s32 @!p2 $0x4A40, s5;
	s7 =	simm.s32 @!p2 $0x15F60  }
0x9d: {  	v15 =	vand.u32 $0x7F, v15;
	v13 =	vadd.s32 s9, v0;
	v14 =	vor.u32 v1, v14;
	[tilespmem:s7], [sflag:$0x6] =	stream.indirect.gather @!p2 [spmem:s1], $0x80, s5, s6, $0xb8;
	[tilespmem:$0x1D3C0] =	vst v63  }
0x9e: {  	v21 =	vor.u32 v1, v15;
	v20 =	vand.u32 $0x78, v13;
	v13 =	vld.idx.msk [tilespmem:v19+s17+$0x0], $0xffff  }
0x9f: {  	v20 =	vor.u32 v2, v20;
	v15 =	vld.idx.msk [tilespmem:v16+s19+$0x0], $0xffff  }
0xa0: {  	v29 =	vld.idx.msk [tilespmem:v17+s19+$0x0], $0xffff  }
0xa1: {  	v22 =	vld.idx.msk [tilespmem:v18+s19+$0x0], $0xffff  }
0xa2: {  	v23 =	vld.idx.msk [tilespmem:v14+s19+$0x0], $0xffff  }
0xa3: {  	v24 =	vld.idx.msk [tilespmem:v21+s19+$0x0], $0xffff  }
0xa4: {  	v25 =	vld.idx.msk [tilespmem:v20+s19+$0x0], $0xffff  }
0xa5: {  	v26 =	vld.idx.msk [tilespmem:v20+s17+$0x0], $0xffff  }
0xa6: {  	v20 =	vld.idx.msk [tilespmem:v20+s21+$0x0], $0xffff  }
0xa7: {  	v27 =	vld.idx.msk [tilespmem:v21+s17+$0x0], $0xffff  }
0xa8: {  	v21 =	vld.idx.msk [tilespmem:v21+s21+$0x0], $0xffff  }
0xa9: {  	s10 =	simm.s32 $0xD;
	s11 =	simm.s32 $0xC;
	v28 =	vld.idx.msk [tilespmem:v14+s17+$0x0], $0xffff  }
0xaa: {  	v30 =	vimm.bf16 $0.0e+00;
	v33 =	vadd.s32 s10, v0;
	s10 =	simm.s32 $0xB;
	v35 =	vadd.s32 s11, v0;
	s11 =	simm.s32 $0x8;
	s9 =	simm.s32 $0x6;
	v32 =	vld.idx.msk [tilespmem:v14+s21+$0x0], $0xffff  }
0xab: {  	v38 =	vadd.s32 s10, v0;
	v40 =	vadd.s32 s11, v0;
	s5 =	simm.s32 $0xF;
	v14 =	vadd.s32 s9, v0;
	v34 =	vld.idx.msk [tilespmem:v18+s17+$0x0], $0xffff  }
0xac: {  	s8 =	simm.s32 $0x9;
	v31 =	vadd.s32 s5, v0;
	v18 =	vld.idx.msk [tilespmem:v18+s21+$0x0], $0xffff;
	v14 =	vand.u32 $0x7F, v14;
	v20 =	vmul.bf16 v20, v26  }
0xad: {  	v36 =	vadd.s32 s8, v0;
	v39 =	vld.idx.msk [tilespmem:v17+s17+$0x0], $0xffff;
	v31 =	vand.u32 $0x7F, v31;
	v26 =	vor.u32 v1, v14  }
0xae: {  	v21 =	vmul.bf16 v21, v27;
	v14 =	vor.u32 v1, v31;
	v31 =	vld.idx.msk [tilespmem:v16+s17+$0x0], $0xffff;
	v20 =	vmul.bf16 v25, v20  }
0xaf: {  	v60 =	vand.u32 $0x7F, v38;
	v61 =	vand.u32 $0x7F, v36;
	v28 =	vmul.bf16 v32, v28;
	v25 =	vld.idx.msk [tilespmem:v17+s21+$0x0], $0xffff  }
0xb0: {  	s9 =	simm.s32 $0xA;
	v27 =	vand.u32 $0x7F, v33;
	v24 =	vmul.bf16 v24, v21;
	v20 =	vadd.bf16 v20, v30;
	v30 =	vld.idx.msk [tilespmem:v16+s21+$0x0], $0xffff  }
0xb1: {  	v37 =	vadd.s32 s9, v0;
	v16 =	vor.u32 v1, v27;
	v27 =	vmul.bf16 v23, v28;
	v23 =	vld.idx.msk [tilespmem:v19+s21+$0x0], $0xffff  }
0xb2: {  	v17 =	vand.u32 $0x7F, v35;
	v28 =	vmul.bf16 v18, v34;
	v21 =	vld.idx.msk [tilespmem:v26+s17+$0x0], $0xffff;
	v20 =	vadd.bf16 v24, v20  }
0xb3: {  	v59 =	vand.u32 $0x7F, v37;
	v17 =	vor.u32 v1, v17;
	v18 =	vor.u32 v1, v60;
	v24 =	vld.idx.msk [tilespmem:v26+s21+$0x0], $0xffff  }
0xb4: {  	v28 =	vmul.bf16 v22, v28;
	v26 =	vld.idx.msk [tilespmem:v26+s19+$0x0], $0xffff;
	v63 =	vmul.bf16 v25, v39;
	v62 =	vadd.bf16 v27, v20  }
0xb5: {  	v22 =	vor.u32 v1, v61;
	v25 =	vld.idx.msk [tilespmem:v19+s19+$0x0], $0xffff;
	v27 =	vand.u32 $0x78, v40;
	v20 =	vor.u32 v1, v59  }
0xb6: {  	s6 =	simm.s32 $0x17;
	v19 =	vld.idx.msk [tilespmem:v14+s17+$0x0], $0xffff;
	v29 =	vmul.bf16 v29, v63;
	v30 =	vmul.bf16 v30, v31;
	v28 =	vadd.bf16 v28, v62  }
.LBB2_5:
0xb7: {  	p2 =	sne.s32 s6, $0x7F;
	v27 =	vor.u32 v2, v27;
	v31 =	vld.idx.msk [tilespmem:v16+s19+$0x0], $0xffff  }
0xb8: {  	v21 =	vmul.bf16 v24, v21;
	v32 =	vld.idx.msk [tilespmem:v17+s19+$0x0], $0xffff;
	v28 =	vadd.bf16 v29, v28;
	v15 =	vmul.bf16 v15, v30  }
0xb9: {  	v29 =	vld.idx.msk [tilespmem:v18+s19+$0x0], $0xffff  }
0xba: {  	v21 =	vmul.bf16 v26, v21;
	v24 =	vld.idx.msk [tilespmem:v20+s19+$0x0], $0xffff;
	v30 =	vadd.bf16 v15, v28;
	v28 =	vmul.bf16 v23, v13  }
0xbb: {  	v23 =	vld.idx.msk [tilespmem:v22+s19+$0x0], $0xffff  }
0xbc: {  	v13 =	vmov v19;
	v26 =	vld.idx.msk [tilespmem:v27+s19+$0x0], $0xffff;
	v21 =	vadd.bf16 v21, v30;
	v25 =	vmul.bf16 v25, v28  }
0xbd: {  	v15 =	vmov v31;
	v19 =	vld.idx.msk [tilespmem:v27+s17+$0x0], $0xffff  }
0xbe: {  	v27 =	vld.idx.msk [tilespmem:v27+s21+$0x0], $0xffff;
	v21 =	vadd.bf16 v25, v21  }
0xbf: {  	v25 =	vld.idx.msk [tilespmem:v22+s17+$0x0], $0xffff  }
0xc0: {  	v22 =	vld.idx.msk [tilespmem:v22+s21+$0x0], $0xffff  }
0xc1: {  	s7 =	sadd.s32 $0xFFFFFFFF, s5;
	s5 =	smov.u32 s6;
	v28 =	vld.idx.msk [tilespmem:v20+s17+$0x0], $0xffff  }
0xc2: {  	s8 =	sadd.s32 $0xFFFFFFFE, s6;
	v30 =	vadd.s32 s6, v0;
	v31 =	vadd.s32 s7, v0;
	v20 =	vld.idx.msk [tilespmem:v20+s21+$0x0], $0xffff  }
0xc3: {  	v33 =	vadd.s32 s8, v0;
	s7 =	sadd.s32 $0xFFFFFFFD, s6;
	v30 =	vand.u32 $0x7F, v30;
	v31 =	vand.u32 $0x7F, v31;
	v34 =	vld.idx.msk [tilespmem:v18+s17+$0x0], $0xffff  }
0xc4: {  	s9 =	sadd.s32 $0xFFFFFFFB, s6;
	s10 =	sadd.s32 $0xFFFFFFFC, s6;
	s8 =	sadd.s32 $0xFFFFFFFA, s6;
	v35 =	vadd.s32 s7, v0;
	v19 =	vmul.bf16 v27, v19;
	v27 =	vor.u32 v1, v31;
	v18 =	vld.idx.msk [tilespmem:v18+s21+$0x0], $0xffff  }
0xc5: {  	v36 =	vadd.s32 s9, v0;
	v37 =	vadd.s32 s10, v0;
	s7 =	sadd.s32 $0xFFFFFFF9, s6;
	v31 =	vadd.s32 s8, v0;
	v38 =	vld.idx.msk [tilespmem:v17+s17+$0x0], $0xffff  }
0xc6: {  	v39 =	vadd.s32 s7, v0;
	v19 =	vmul.bf16 v26, v19;
	v22 =	vmul.bf16 v22, v25;
	v25 =	vld.idx.msk [tilespmem:v17+s21+$0x0], $0xffff  }
0xc7: {  	v30 =	vor.u32 v1, v30;
	v26 =	vand.u32 $0x7F, v33;
	v17 =	vand.u32 $0x7F, v35;
	v33 =	vld.idx.msk [tilespmem:v16+s17+$0x0], $0xffff  }
0xc8: {  	v19 =	vadd.bf16 v19, v21;
	v22 =	vmul.bf16 v23, v22;
	v20 =	vmul.bf16 v20, v28;
	v35 =	vld.idx.msk [tilespmem:v16+s21+$0x0], $0xffff  }
0xc9: {  	v28 =	vand.u32 $0x7F, v36;
	v23 =	vand.u32 $0x7F, v37;
	v16 =	vor.u32 v1, v26;
	v21 =	vld.idx.msk [tilespmem:v27+s17+$0x0], $0xffff  }
.Ltmp5:
0xca: {  	v19 =	vadd.bf16 v22, v19;
	v20 =	vmul.bf16 v24, v20;
	v22 =	vmul.bf16 v18, v34;
	v24 =	vld.idx.msk [tilespmem:v27+s21+$0x0], $0xffff;
	(pc) =	sbr.rel @p2 .LBB2_5-.Ltmp5, $4  }
0xcb: {  	v31 =	vand.u32 $0x7F, v31;
	v17 =	vor.u32 v1, v17;
	v18 =	vor.u32 v1, v23;
	v23 =	vld.idx.msk [tilespmem:v14+s21+$0x0], $0xffff  }
0xcc: {  	v34 =	vadd.bf16 v20, v19;
	v29 =	vmul.bf16 v29, v22;
	v36 =	vmul.bf16 v25, v38;
	v26 =	vld.idx.msk [tilespmem:v27+s19+$0x0], $0xffff  }
0xcd: {  	v22 =	vor.u32 v1, v31;
	v20 =	vor.u32 v1, v28;
	v27 =	vand.u32 $0x78, v39;
	v25 =	vld.idx.msk [tilespmem:v14+s19+$0x0], $0xffff;
	v14 =	vmovc v30  }
0xce: {  	s6 =	sadd.s32 $0x8, s6;
	v28 =	vadd.bf16 v29, v34;
	v29 =	vmul.bf16 v32, v36;
	v19 =	vld.idx.msk [tilespmem:v30+s17+$0x0], $0xffff;
	v30 =	vmul.bf16 v35, v33  }
0xcf: {  	_ =	sdelay $0x3  }
0xd0: {  	v27 =	vor.u32 v2, v27;
	v31 =	vld.idx.msk [tilespmem:v16+s19+$0x0], $0xffff  }
0xd1: {  	v32 =	vld.idx.msk [tilespmem:v17+s19+$0x0], $0xffff  }
0xd2: {  	v33 =	vld.idx.msk [tilespmem:v18+s19+$0x0], $0xffff  }
0xd3: {  	v34 =	vld.idx.msk [tilespmem:v20+s19+$0x0], $0xffff  }
0xd4: {  	v35 =	vld.idx.msk [tilespmem:v22+s19+$0x0], $0xffff  }
0xd5: {  	v36 =	vld.idx.msk [tilespmem:v27+s19+$0x0], $0xffff  }
0xd6: {  	v37 =	vld.idx.msk [tilespmem:v27+s17+$0x0], $0xffff  }
0xd7: {  	v21 =	vmul.bf16 v24, v21;
	v28 =	vadd.bf16 v29, v28;
	v15 =	vmul.bf16 v15, v30;
	v24 =	vld.idx.msk [tilespmem:v27+s21+$0x0], $0xffff  }
0xd8: {  	v27 =	vld.idx.msk [tilespmem:v22+s17+$0x0], $0xffff  }
0xd9: {  	v21 =	vmul.bf16 v26, v21;
	v15 =	vadd.bf16 v15, v28;
	v22 =	vld.idx.msk [tilespmem:v22+s21+$0x0], $0xffff  }
0xda: {  	s5 =	sadd.s32 $0xFFFFFFFF, s5;
	v13 =	vmul.bf16 v23, v13;
	v23 =	vld.idx.msk [tilespmem:v20+s17+$0x0], $0xffff  }
0xdb: {  	v20 =	vld.idx.msk [tilespmem:v20+s21+$0x0], $0xffff;
	v15 =	vadd.bf16 v21, v15;
	v21 =	vadd.s32 s5, v0  }
0xdc: {  	v13 =	vmul.bf16 v25, v13;
	v25 =	vld.idx.msk [tilespmem:v18+s17+$0x0], $0xffff;
	v21 =	vand.u32 $0x7F, v21;
	v24 =	vmul.bf16 v24, v37  }
0xdd: {  	v18 =	vld.idx.msk [tilespmem:v18+s21+$0x0], $0xffff;
	v21 =	vor.u32 v1, v21  }
0xde: {  	v13 =	vadd.bf16 v13, v15;
	v15 =	vld.idx.msk [tilespmem:v17+s17+$0x0], $0xffff;
	v22 =	vmul.bf16 v22, v27;
	v24 =	vmul.bf16 v36, v24  }
0xdf: {  	v17 =	vld.idx.msk [tilespmem:v17+s21+$0x0], $0xffff  }
0xe0: {  	v26 =	vld.idx.msk [tilespmem:v16+s17+$0x0], $0xffff;
	v20 =	vmul.bf16 v20, v23;
	v22 =	vmul.bf16 v35, v22;
	v13 =	vadd.bf16 v24, v13  }
0xe1: {  	v16 =	vld.idx.msk [tilespmem:v16+s21+$0x0], $0xffff  }
0xe2: {  	v20 =	vmul.bf16 v34, v20;
	v18 =	vmul.bf16 v18, v25;
	v23 =	vld.idx.msk [tilespmem:v21+s17+$0x0], $0xffff;
	v13 =	vadd.bf16 v22, v13  }
0xe3: {  	v22 =	vld.idx.msk [tilespmem:v21+s21+$0x0], $0xffff  }
0xe4: {  	v18 =	vmul.bf16 v33, v18;
	v15 =	vmul.bf16 v17, v15;
	v17 =	vld.idx.msk [tilespmem:v21+s19+$0x0], $0xffff;
	v13 =	vadd.bf16 v20, v13  }
0xe5: {  	v24 =	vld.idx.msk [tilespmem:v14+s21+$0x0], $0xffff  }
0xe6: {  	v16 =	vmul.bf16 v16, v26;
	v15 =	vmul.bf16 v32, v15;
	v13 =	vadd.bf16 v18, v13  }
0xe7: {  	v14 =	vld.idx.msk [tilespmem:v14+s19+$0x0], $0xffff  }
0xe8: {  	v13 =	vadd.bf16 v15, v13;
	v15 =	vmul.bf16 v31, v16;
	v16 =	vmul.bf16 v22, v23;
	_ =	sdelay $0x1  }
0xe9: {  	v13 =	vadd.bf16 v15, v13;
	v15 =	vmul.bf16 v17, v16;
	v16 =	vmul.bf16 v24, v19;
	_ =	sdelay $0x1  }
0xea: {  	v13 =	vadd.bf16 v15, v13;
	v14 =	vmul.bf16 v14, v16;
	_ =	sdelay $0x1  }
0xeb: {  	v13 =	vadd.bf16 v14, v13;
	_ =	sdelay $0x1  }
0xec: {  	v14 =	vshll.u32 v13, $0x10;
	v13 =	vand.u32 $0xFFFF0000, v13  }
0xed: {  	v13 =	vadd.f32 v13, v14;
	_ =	sdelay $0x1  }
0xee: {  	v13 =	vsub.f32 $0.0e+00, v13;
	_ =	sdelay $0x1  }
0xef: {  	v13 =	vmul.f32 $1.442695020e+00, v13;
	_ =	sdelay $0x1  }
0xf0: {  	(erf) = vpow2.f32 v13;
	_ =	sdelay $0x8  }
0xf1: {  	v13 =	vpop (erf)  }
0xf2: {  	v13 =	vadd.f32 $1.000000000e+00, v13;
	_ =	sdelay $0x1  }
0xf3: {  	(erf) = vrcp.f32 v13;
	_ =	sdelay $0x2  }
0xf4: {  	s8 =	simm.s32 $0x7  }
0xf5: {  	s6 =	simm.s32 $0x5;
	s9 =	simm.s32 $0x4;
	v13 =	vadd.s32 s8, v0  }
0xf6: {  	v15 =	vadd.s32 s9, v0;
	v14 =	vadd.s32 s6, v0;
	v13 =	vand.u32 $0x7F, v13  }
0xf7: {  	s7 =	simm.s32 $0x2;
	v15 =	vand.u32 $0x7F, v15;
	v14 =	vand.u32 $0x7F, v14;
	v19 =	vor.u32 v4, v13  }
0xf8: {  	s10 =	simm.s32 $0x3;
	s11 =	smul.u32 $0x300, s18;
	v16 =	vor.u32 v4, v14;
	v14 =	vadd.s32 s7, v0  }
0xf9: {  	v17 =	vor.u32 v4, v15;
	v14 =	vand.u32 $0x7F, v14;
	v13 =	vadd.s32 s10, v0  }
0xfa: {  	s5 =	sshra.s32 s11, $0x2;
	s9 =	simm.s32 $0x0;
	v14 =	vor.u32 v4, v14;
	s8 =	simm.s32 $0x1;
	v13 =	vand.u32 $0x7F, v13;
	v15 =	vpop (erf)  }
0xfb: {  	v18 =	vadd.s32 s8, v0;
	v20 =	vor.u32 v4, v13;
	v13 =	vadd.s32 s9, v0;
	[tilespmem:s5+$0x18F60] =	vst v15  }
0xfc: {  	v15 =	vand.u32 $0x7F, v18;
	v18 =	vand.u32 $0x78, v13;
	v13 =	vld.idx.msk [tilespmem:v19+s17+$0x0], $0xffff  }
0xfd: {  	v21 =	vor.u32 v4, v15;
	v15 =	vld.idx.msk [tilespmem:v16+s19+$0x0], $0xffff  }
0xfe: {  	v18 =	vor.u32 v3, v18;
	v29 =	vld.idx.msk [tilespmem:v17+s19+$0x0], $0xffff  }
0xff: {  	v23 =	vld.idx.msk [tilespmem:v14+s19+$0x0], $0xffff  }
0x100: {  	v28 =	vld.idx.msk [tilespmem:v14+s17+$0x0], $0xffff  }
0x101: {  	v53 =	vld.idx.msk [tilespmem:v14+s21+$0x0], $0xffff  }
0x102: {  	v24 =	vld.idx.msk [tilespmem:v21+s19+$0x0], $0xffff  }
0x103: {  	v25 =	vld.idx.msk [tilespmem:v18+s19+$0x0], $0xffff  }
0x104: {  	v26 =	vld.idx.msk [tilespmem:v18+s17+$0x0], $0xffff  }
0x105: {  	v18 =	vld.idx.msk [tilespmem:v18+s21+$0x0], $0xffff  }
0x106: {  	s11 =	simm.s32 $0xC;
	v27 =	vld.idx.msk [tilespmem:v21+s17+$0x0], $0xffff  }
0x107: {  	v56 =	vadd.s32 s11, v0;
	s11 =	simm.s32 $0x8;
	v21 =	vld.idx.msk [tilespmem:v21+s21+$0x0], $0xffff  }
0x108: {  	v30 =	vimm.bf16 $0.0e+00;
	v40 =	vadd.s32 s11, v0;
	s6 =	simm.s32 $0xF;
	s10 =	simm.s32 $0x6;
	v22 =	vld.idx.msk [tilespmem:v20+s19+$0x0], $0xffff  }
0x109: {  	v31 =	vadd.s32 s6, v0;
	s8 =	simm.s32 $0xD;
	v14 =	vadd.s32 s10, v0;
	v55 =	vld.idx.msk [tilespmem:v20+s17+$0x0], $0xffff;
	v28 =	vmul.bf16 v53, v28  }
0x10a: {  	v54 =	vadd.s32 s8, v0;
	s8 =	simm.s32 $0x9;
	v20 =	vld.idx.msk [tilespmem:v20+s21+$0x0], $0xffff;
	v14 =	vand.u32 $0x7F, v14;
	v18 =	vmul.bf16 v18, v26  }
0x10b: {  	v57 =	vadd.s32 s8, v0;
	s9 =	simm.s32 $0xA;
	v39 =	vld.idx.msk [tilespmem:v17+s17+$0x0], $0xffff;
	v28 =	vmul.bf16 v23, v28;
	v26 =	vor.u32 v4, v14  }
0x10c: {  	v58 =	vadd.s32 s9, v0;
	v23 =	vld.idx.msk [tilespmem:v19+s21+$0x0], $0xffff;
	v21 =	vmul.bf16 v21, v27;
	v18 =	vmul.bf16 v25, v18  }
0x10d: {  	v31 =	vand.u32 $0x7F, v31;
	v61 =	vand.u32 $0x7F, v57;
	v59 =	vand.u32 $0x7F, v58;
	v25 =	vld.idx.msk [tilespmem:v17+s21+$0x0], $0xffff  }
0x10e: {  	s10 =	simm.s32 $0xB;
	v14 =	vor.u32 v4, v31;
	v31 =	vld.idx.msk [tilespmem:v16+s17+$0x0], $0xffff;
	v24 =	vmul.bf16 v24, v21;
	v18 =	vadd.bf16 v18, v30  }
0x10f: {  	v38 =	vadd.s32 s10, v0;
	v20 =	vmul.bf16 v20, v55;
	v27 =	vand.u32 $0x7F, v54;
	v30 =	vld.idx.msk [tilespmem:v16+s21+$0x0], $0xffff  }
0x110: {  	v17 =	vand.u32 $0x7F, v56;
	v16 =	vor.u32 v4, v27;
	v21 =	vld.idx.msk [tilespmem:v26+s17+$0x0], $0xffff;
	v27 =	vadd.bf16 v24, v18  }
0x111: {  	v60 =	vand.u32 $0x7F, v38;
	v62 =	vmul.bf16 v22, v20;
	v17 =	vor.u32 v4, v17;
	v24 =	vld.idx.msk [tilespmem:v26+s21+$0x0], $0xffff  }
0x112: {  	v18 =	vor.u32 v4, v60;
	v26 =	vld.idx.msk [tilespmem:v26+s19+$0x0], $0xffff;
	v63 =	vmul.bf16 v25, v39;
	v28 =	vadd.bf16 v28, v27  }
0x113: {  	v22 =	vor.u32 v4, v61;
	v20 =	vor.u32 v4, v59;
	v25 =	vld.idx.msk [tilespmem:v19+s19+$0x0], $0xffff;
	v27 =	vand.u32 $0x78, v40  }
0x114: {  	s7 =	simm.s32 $0x17;
	v19 =	vld.idx.msk [tilespmem:v14+s17+$0x0], $0xffff;
	v29 =	vmul.bf16 v29, v63;
	v30 =	vmul.bf16 v30, v31;
	v28 =	vadd.bf16 v62, v28  }
.LBB2_7:
0x115: {  	p2 =	sne.s32 s7, $0x7F;
	v27 =	vor.u32 v3, v27;
	v31 =	vld.idx.msk [tilespmem:v16+s19+$0x0], $0xffff  }
0x116: {  	v21 =	vmul.bf16 v24, v21;
	v32 =	vld.idx.msk [tilespmem:v17+s19+$0x0], $0xffff;
	v28 =	vadd.bf16 v29, v28;
	v15 =	vmul.bf16 v15, v30  }
0x117: {  	v29 =	vld.idx.msk [tilespmem:v18+s19+$0x0], $0xffff  }
0x118: {  	v21 =	vmul.bf16 v26, v21;
	v24 =	vld.idx.msk [tilespmem:v20+s19+$0x0], $0xffff;
	v30 =	vadd.bf16 v15, v28;
	v28 =	vmul.bf16 v23, v13  }
0x119: {  	v23 =	vld.idx.msk [tilespmem:v22+s19+$0x0], $0xffff  }
0x11a: {  	v13 =	vmov v19;
	v26 =	vld.idx.msk [tilespmem:v27+s19+$0x0], $0xffff;
	v21 =	vadd.bf16 v21, v30;
	v25 =	vmul.bf16 v25, v28  }
0x11b: {  	v15 =	vmov v31;
	v19 =	vld.idx.msk [tilespmem:v27+s17+$0x0], $0xffff  }
0x11c: {  	v27 =	vld.idx.msk [tilespmem:v27+s21+$0x0], $0xffff;
	v21 =	vadd.bf16 v25, v21  }
0x11d: {  	v25 =	vld.idx.msk [tilespmem:v22+s17+$0x0], $0xffff  }
0x11e: {  	v22 =	vld.idx.msk [tilespmem:v22+s21+$0x0], $0xffff  }
0x11f: {  	s8 =	sadd.s32 $0xFFFFFFFF, s6;
	s6 =	smov.u32 s7;
	v28 =	vld.idx.msk [tilespmem:v20+s17+$0x0], $0xffff  }
0x120: {  	s9 =	sadd.s32 $0xFFFFFFFE, s7;
	v30 =	vadd.s32 s7, v0;
	v31 =	vadd.s32 s8, v0;
	v20 =	vld.idx.msk [tilespmem:v20+s21+$0x0], $0xffff  }
0x121: {  	v33 =	vadd.s32 s9, v0;
	s8 =	sadd.s32 $0xFFFFFFFD, s7;
	v30 =	vand.u32 $0x7F, v30;
	v31 =	vand.u32 $0x7F, v31;
	v34 =	vld.idx.msk [tilespmem:v18+s17+$0x0], $0xffff  }
0x122: {  	s10 =	sadd.s32 $0xFFFFFFFB, s7;
	s11 =	sadd.s32 $0xFFFFFFFC, s7;
	s9 =	sadd.s32 $0xFFFFFFFA, s7;
	v35 =	vadd.s32 s8, v0;
	v19 =	vmul.bf16 v27, v19;
	v27 =	vor.u32 v4, v31;
	v18 =	vld.idx.msk [tilespmem:v18+s21+$0x0], $0xffff  }
0x123: {  	v36 =	vadd.s32 s10, v0;
	v37 =	vadd.s32 s11, v0;
	s8 =	sadd.s32 $0xFFFFFFF9, s7;
	v31 =	vadd.s32 s9, v0;
	v38 =	vld.idx.msk [tilespmem:v17+s17+$0x0], $0xffff  }
0x124: {  	v39 =	vadd.s32 s8, v0;
	v19 =	vmul.bf16 v26, v19;
	v22 =	vmul.bf16 v22, v25;
	v25 =	vld.idx.msk [tilespmem:v17+s21+$0x0], $0xffff  }
0x125: {  	v30 =	vor.u32 v4, v30;
	v26 =	vand.u32 $0x7F, v33;
	v17 =	vand.u32 $0x7F, v35;
	v33 =	vld.idx.msk [tilespmem:v16+s17+$0x0], $0xffff  }
0x126: {  	v19 =	vadd.bf16 v19, v21;
	v22 =	vmul.bf16 v23, v22;
	v20 =	vmul.bf16 v20, v28;
	v35 =	vld.idx.msk [tilespmem:v16+s21+$0x0], $0xffff  }
0x127: {  	v28 =	vand.u32 $0x7F, v36;
	v23 =	vand.u32 $0x7F, v37;
	v16 =	vor.u32 v4, v26;
	v21 =	vld.idx.msk [tilespmem:v27+s17+$0x0], $0xffff  }
.Ltmp6:
0x128: {  	v19 =	vadd.bf16 v22, v19;
	v20 =	vmul.bf16 v24, v20;
	v22 =	vmul.bf16 v18, v34;
	v24 =	vld.idx.msk [tilespmem:v27+s21+$0x0], $0xffff;
	(pc) =	sbr.rel @p2 .LBB2_7-.Ltmp6, $4  }
0x129: {  	v31 =	vand.u32 $0x7F, v31;
	v17 =	vor.u32 v4, v17;
	v18 =	vor.u32 v4, v23;
	v23 =	vld.idx.msk [tilespmem:v14+s21+$0x0], $0xffff  }
0x12a: {  	v34 =	vadd.bf16 v20, v19;
	v29 =	vmul.bf16 v29, v22;
	v36 =	vmul.bf16 v25, v38;
	v26 =	vld.idx.msk [tilespmem:v27+s19+$0x0], $0xffff  }
0x12b: {  	v22 =	vor.u32 v4, v31;
	v20 =	vor.u32 v4, v28;
	v27 =	vand.u32 $0x78, v39;
	v25 =	vld.idx.msk [tilespmem:v14+s19+$0x0], $0xffff;
	v14 =	vmovc v30  }
0x12c: {  	s7 =	sadd.s32 $0x8, s7;
	v28 =	vadd.bf16 v29, v34;
	v29 =	vmul.bf16 v32, v36;
	v19 =	vld.idx.msk [tilespmem:v30+s17+$0x0], $0xffff;
	v30 =	vmul.bf16 v35, v33  }
0x12d: {  	_ =	sdelay $0x3  }
0x12e: {  	v27 =	vor.u32 v3, v27;
	v31 =	vld.idx.msk [tilespmem:v16+s19+$0x0], $0xffff  }
0x12f: {  	v32 =	vld.idx.msk [tilespmem:v17+s19+$0x0], $0xffff  }
0x130: {  	v33 =	vld.idx.msk [tilespmem:v18+s19+$0x0], $0xffff  }
0x131: {  	v34 =	vld.idx.msk [tilespmem:v20+s19+$0x0], $0xffff  }
0x132: {  	v35 =	vld.idx.msk [tilespmem:v22+s19+$0x0], $0xffff  }
0x133: {  	v36 =	vld.idx.msk [tilespmem:v27+s19+$0x0], $0xffff  }
0x134: {  	v37 =	vld.idx.msk [tilespmem:v27+s17+$0x0], $0xffff  }
0x135: {  	v21 =	vmul.bf16 v24, v21;
	v28 =	vadd.bf16 v29, v28;
	v15 =	vmul.bf16 v15, v30;
	v24 =	vld.idx.msk [tilespmem:v27+s21+$0x0], $0xffff  }
0x136: {  	v27 =	vld.idx.msk [tilespmem:v22+s17+$0x0], $0xffff  }
0x137: {  	v21 =	vmul.bf16 v26, v21;
	v15 =	vadd.bf16 v15, v28;
	v22 =	vld.idx.msk [tilespmem:v22+s21+$0x0], $0xffff  }
0x138: {  	s6 =	sadd.s32 $0xFFFFFFFF, s6;
	v13 =	vmul.bf16 v23, v13;
	v23 =	vld.idx.msk [tilespmem:v20+s17+$0x0], $0xffff  }
0x139: {  	v20 =	vld.idx.msk [tilespmem:v20+s21+$0x0], $0xffff;
	v15 =	vadd.bf16 v21, v15;
	v21 =	vadd.s32 s6, v0  }
0x13a: {  	v13 =	vmul.bf16 v25, v13;
	v25 =	vld.idx.msk [tilespmem:v18+s17+$0x0], $0xffff;
	v21 =	vand.u32 $0x7F, v21;
	v24 =	vmul.bf16 v24, v37  }
0x13b: {  	v18 =	vld.idx.msk [tilespmem:v18+s21+$0x0], $0xffff;
	v21 =	vor.u32 v4, v21  }
0x13c: {  	v13 =	vadd.bf16 v13, v15;
	v15 =	vld.idx.msk [tilespmem:v17+s17+$0x0], $0xffff;
	v22 =	vmul.bf16 v22, v27;
	v24 =	vmul.bf16 v36, v24  }
0x13d: {  	v17 =	vld.idx.msk [tilespmem:v17+s21+$0x0], $0xffff  }
0x13e: {  	v26 =	vld.idx.msk [tilespmem:v16+s17+$0x0], $0xffff;
	v20 =	vmul.bf16 v20, v23;
	v22 =	vmul.bf16 v35, v22;
	v13 =	vadd.bf16 v24, v13  }
0x13f: {  	v16 =	vld.idx.msk [tilespmem:v16+s21+$0x0], $0xffff  }
0x140: {  	v20 =	vmul.bf16 v34, v20;
	v18 =	vmul.bf16 v18, v25;
	v23 =	vld.idx.msk [tilespmem:v21+s17+$0x0], $0xffff;
	v13 =	vadd.bf16 v22, v13  }
0x141: {  	v22 =	vld.idx.msk [tilespmem:v21+s21+$0x0], $0xffff  }
0x142: {  	v18 =	vmul.bf16 v33, v18;
	v15 =	vmul.bf16 v17, v15;
	v17 =	vld.idx.msk [tilespmem:v21+s19+$0x0], $0xffff;
	v13 =	vadd.bf16 v20, v13  }
0x143: {  	v24 =	vld.idx.msk [tilespmem:v14+s21+$0x0], $0xffff  }
0x144: {  	v16 =	vmul.bf16 v16, v26;
	v15 =	vmul.bf16 v32, v15;
	v13 =	vadd.bf16 v18, v13  }
0x145: {  	v14 =	vld.idx.msk [tilespmem:v14+s19+$0x0], $0xffff  }
0x146: {  	v13 =	vadd.bf16 v15, v13;
	v15 =	vmul.bf16 v31, v16;
	v16 =	vmul.bf16 v22, v23;
	_ =	sdelay $0x1  }
0x147: {  	v13 =	vadd.bf16 v15, v13;
	v15 =	vmul.bf16 v17, v16;
	v16 =	vmul.bf16 v24, v19;
	_ =	sdelay $0x1  }
0x148: {  	v13 =	vadd.bf16 v15, v13;
	v14 =	vmul.bf16 v14, v16;
	_ =	sdelay $0x1  }
0x149: {  	v13 =	vadd.bf16 v14, v13;
	_ =	sdelay $0x1  }
0x14a: {  	v14 =	vshll.u32 v13, $0x10;
	v13 =	vand.u32 $0xFFFF0000, v13  }
0x14b: {  	v13 =	vadd.f32 v13, v14;
	_ =	sdelay $0x1  }
0x14c: {  	v13 =	vsub.f32 $0.0e+00, v13;
	_ =	sdelay $0x1  }
0x14d: {  	v13 =	vmul.f32 $1.442695020e+00, v13;
	_ =	sdelay $0x1  }
0x14e: {  	(erf) = vpow2.f32 v13;
	_ =	sdelay $0x8  }
0x14f: {  	v13 =	vpop (erf)  }
0x150: {  	v13 =	vadd.f32 $1.000000000e+00, v13;
	_ =	sdelay $0x1  }
0x151: {  	(erf) = vrcp.f32 v13;
	_ =	sdelay $0x2  }
0x152: {  	s8 =	simm.s32 $0x7  }
0x153: {  	s7 =	simm.s32 $0x5;
	s9 =	simm.s32 $0x4;
	v13 =	vadd.s32 s8, v0  }
0x154: {  	v15 =	vadd.s32 s9, v0;
	v14 =	vadd.s32 s7, v0;
	v13 =	vand.u32 $0x7F, v13  }
0x155: {  	s11 =	simm.s32 $0x2;
	v15 =	vand.u32 $0x7F, v15;
	v14 =	vand.u32 $0x7F, v14;
	v19 =	vor.u32 v6, v13  }
0x156: {  	s10 =	simm.s32 $0x3;
	v16 =	vor.u32 v6, v14;
	v14 =	vadd.s32 s11, v0  }
0x157: {  	v17 =	vor.u32 v6, v15;
	v14 =	vand.u32 $0x7F, v14;
	v13 =	vadd.s32 s10, v0  }
0x158: {  	s9 =	simm.s32 $0x0;
	v14 =	vor.u32 v6, v14;
	s8 =	simm.s32 $0x1;
	v13 =	vand.u32 $0x7F, v13;
	v15 =	vpop (erf)  }
0x159: {  	v18 =	vadd.s32 s8, v0;
	v20 =	vor.u32 v6, v13;
	v13 =	vadd.s32 s9, v0;
	[tilespmem:s5+$0x18F70] =	vst v15  }
0x15a: {  	v15 =	vand.u32 $0x7F, v18;
	v18 =	vand.u32 $0x78, v13;
	v13 =	vld.idx.msk [tilespmem:v19+s17+$0x0], $0xffff  }
0x15b: {  	v21 =	vor.u32 v6, v15;
	v15 =	vld.idx.msk [tilespmem:v16+s19+$0x0], $0xffff  }
0x15c: {  	v18 =	vor.u32 v5, v18;
	v29 =	vld.idx.msk [tilespmem:v17+s19+$0x0], $0xffff  }
0x15d: {  	v23 =	vld.idx.msk [tilespmem:v14+s19+$0x0], $0xffff  }
0x15e: {  	v28 =	vld.idx.msk [tilespmem:v14+s17+$0x0], $0xffff  }
0x15f: {  	v53 =	vld.idx.msk [tilespmem:v14+s21+$0x0], $0xffff  }
0x160: {  	v24 =	vld.idx.msk [tilespmem:v21+s19+$0x0], $0xffff  }
0x161: {  	v25 =	vld.idx.msk [tilespmem:v18+s19+$0x0], $0xffff  }
0x162: {  	v26 =	vld.idx.msk [tilespmem:v18+s17+$0x0], $0xffff  }
0x163: {  	v18 =	vld.idx.msk [tilespmem:v18+s21+$0x0], $0xffff  }
0x164: {  	s6 =	simm.s32 $0xF;
	v27 =	vld.idx.msk [tilespmem:v21+s17+$0x0], $0xffff  }
0x165: {  	v31 =	vadd.s32 s6, v0;
	v21 =	vld.idx.msk [tilespmem:v21+s21+$0x0], $0xffff  }
0x166: {  	v30 =	vimm.bf16 $0.0e+00;
	v31 =	vand.u32 $0x7F, v31;
	s11 =	simm.s32 $0xC;
	s10 =	simm.s32 $0x6;
	v22 =	vld.idx.msk [tilespmem:v20+s19+$0x0], $0xffff  }
0x167: {  	v56 =	vadd.s32 s11, v0;
	s8 =	simm.s32 $0xD;
	v14 =	vadd.s32 s10, v0;
	v55 =	vld.idx.msk [tilespmem:v20+s17+$0x0], $0xffff;
	v28 =	vmul.bf16 v53, v28  }
0x168: {  	v54 =	vadd.s32 s8, v0;
	s8 =	simm.s32 $0x9;
	v20 =	vld.idx.msk [tilespmem:v20+s21+$0x0], $0xffff;
	v14 =	vand.u32 $0x7F, v14;
	v18 =	vmul.bf16 v18, v26  }
0x169: {  	v57 =	vadd.s32 s8, v0;
	s9 =	simm.s32 $0xA;
	v39 =	vld.idx.msk [tilespmem:v17+s17+$0x0], $0xffff;
	v28 =	vmul.bf16 v23, v28;
	v26 =	vor.u32 v6, v14  }
0x16a: {  	s11 =	simm.s32 $0x8;
	v58 =	vadd.s32 s9, v0;
	v23 =	vld.idx.msk [tilespmem:v19+s21+$0x0], $0xffff;
	v21 =	vmul.bf16 v21, v27;
	v18 =	vmul.bf16 v25, v18  }
0x16b: {  	v40 =	vadd.s32 s11, v0;
	v61 =	vand.u32 $0x7F, v57;
	v59 =	vand.u32 $0x7F, v58;
	v25 =	vld.idx.msk [tilespmem:v17+s21+$0x0], $0xffff  }
0x16c: {  	s10 =	simm.s32 $0xB;
	v14 =	vor.u32 v6, v31;
	v31 =	vld.idx.msk [tilespmem:v16+s17+$0x0], $0xffff;
	v24 =	vmul.bf16 v24, v21;
	v18 =	vadd.bf16 v18, v30  }
0x16d: {  	v38 =	vadd.s32 s10, v0;
	v20 =	vmul.bf16 v20, v55;
	v27 =	vand.u32 $0x7F, v54;
	v30 =	vld.idx.msk [tilespmem:v16+s21+$0x0], $0xffff  }
0x16e: {  	v17 =	vand.u32 $0x7F, v56;
	v16 =	vor.u32 v6, v27;
	v21 =	vld.idx.msk [tilespmem:v26+s17+$0x0], $0xffff;
	v27 =	vadd.bf16 v24, v18  }
0x16f: {  	v60 =	vand.u32 $0x7F, v38;
	v62 =	vmul.bf16 v22, v20;
	v17 =	vor.u32 v6, v17;
	v24 =	vld.idx.msk [tilespmem:v26+s21+$0x0], $0xffff  }
0x170: {  	v18 =	vor.u32 v6, v60;
	v26 =	vld.idx.msk [tilespmem:v26+s19+$0x0], $0xffff;
	v63 =	vmul.bf16 v25, v39;
	v28 =	vadd.bf16 v28, v27  }
0x171: {  	v22 =	vor.u32 v6, v61;
	v20 =	vor.u32 v6, v59;
	v25 =	vld.idx.msk [tilespmem:v19+s19+$0x0], $0xffff;
	v27 =	vand.u32 $0x78, v40  }
0x172: {  	s7 =	simm.s32 $0x17;
	v19 =	vld.idx.msk [tilespmem:v14+s17+$0x0], $0xffff;
	v29 =	vmul.bf16 v29, v63;
	v30 =	vmul.bf16 v30, v31;
	v28 =	vadd.bf16 v62, v28  }
.LBB2_9:
0x173: {  	p2 =	sne.s32 s7, $0x7F;
	v27 =	vor.u32 v5, v27;
	v31 =	vld.idx.msk [tilespmem:v16+s19+$0x0], $0xffff  }
0x174: {  	v21 =	vmul.bf16 v24, v21;
	v32 =	vld.idx.msk [tilespmem:v17+s19+$0x0], $0xffff;
	v28 =	vadd.bf16 v29, v28;
	v15 =	vmul.bf16 v15, v30  }
0x175: {  	v29 =	vld.idx.msk [tilespmem:v18+s19+$0x0], $0xffff  }
0x176: {  	v21 =	vmul.bf16 v26, v21;
	v24 =	vld.idx.msk [tilespmem:v20+s19+$0x0], $0xffff;
	v30 =	vadd.bf16 v15, v28;
	v28 =	vmul.bf16 v23, v13  }
0x177: {  	v23 =	vld.idx.msk [tilespmem:v22+s19+$0x0], $0xffff  }
0x178: {  	v13 =	vmov v19;
	v26 =	vld.idx.msk [tilespmem:v27+s19+$0x0], $0xffff;
	v21 =	vadd.bf16 v21, v30;
	v25 =	vmul.bf16 v25, v28  }
0x179: {  	v15 =	vmov v31;
	v19 =	vld.idx.msk [tilespmem:v27+s17+$0x0], $0xffff  }
0x17a: {  	v27 =	vld.idx.msk [tilespmem:v27+s21+$0x0], $0xffff;
	v21 =	vadd.bf16 v25, v21  }
0x17b: {  	v25 =	vld.idx.msk [tilespmem:v22+s17+$0x0], $0xffff  }
0x17c: {  	v22 =	vld.idx.msk [tilespmem:v22+s21+$0x0], $0xffff  }
0x17d: {  	s8 =	sadd.s32 $0xFFFFFFFF, s6;
	s6 =	smov.u32 s7;
	v28 =	vld.idx.msk [tilespmem:v20+s17+$0x0], $0xffff  }
0x17e: {  	s9 =	sadd.s32 $0xFFFFFFFE, s7;
	v30 =	vadd.s32 s7, v0;
	v31 =	vadd.s32 s8, v0;
	v20 =	vld.idx.msk [tilespmem:v20+s21+$0x0], $0xffff  }
0x17f: {  	v33 =	vadd.s32 s9, v0;
	s8 =	sadd.s32 $0xFFFFFFFD, s7;
	v30 =	vand.u32 $0x7F, v30;
	v31 =	vand.u32 $0x7F, v31;
	v34 =	vld.idx.msk [tilespmem:v18+s17+$0x0], $0xffff  }
0x180: {  	s10 =	sadd.s32 $0xFFFFFFFB, s7;
	s11 =	sadd.s32 $0xFFFFFFFC, s7;
	s9 =	sadd.s32 $0xFFFFFFFA, s7;
	v35 =	vadd.s32 s8, v0;
	v19 =	vmul.bf16 v27, v19;
	v27 =	vor.u32 v6, v31;
	v18 =	vld.idx.msk [tilespmem:v18+s21+$0x0], $0xffff  }
0x181: {  	v36 =	vadd.s32 s10, v0;
	v37 =	vadd.s32 s11, v0;
	s8 =	sadd.s32 $0xFFFFFFF9, s7;
	v31 =	vadd.s32 s9, v0;
	v38 =	vld.idx.msk [tilespmem:v17+s17+$0x0], $0xffff  }
0x182: {  	v39 =	vadd.s32 s8, v0;
	v19 =	vmul.bf16 v26, v19;
	v22 =	vmul.bf16 v22, v25;
	v25 =	vld.idx.msk [tilespmem:v17+s21+$0x0], $0xffff  }
0x183: {  	v30 =	vor.u32 v6, v30;
	v26 =	vand.u32 $0x7F, v33;
	v17 =	vand.u32 $0x7F, v35;
	v33 =	vld.idx.msk [tilespmem:v16+s17+$0x0], $0xffff  }
0x184: {  	v19 =	vadd.bf16 v19, v21;
	v22 =	vmul.bf16 v23, v22;
	v20 =	vmul.bf16 v20, v28;
	v35 =	vld.idx.msk [tilespmem:v16+s21+$0x0], $0xffff  }
0x185: {  	v28 =	vand.u32 $0x7F, v36;
	v23 =	vand.u32 $0x7F, v37;
	v16 =	vor.u32 v6, v26;
	v21 =	vld.idx.msk [tilespmem:v27+s17+$0x0], $0xffff  }
.Ltmp7:
0x186: {  	v19 =	vadd.bf16 v22, v19;
	v20 =	vmul.bf16 v24, v20;
	v22 =	vmul.bf16 v18, v34;
	v24 =	vld.idx.msk [tilespmem:v27+s21+$0x0], $0xffff;
	(pc) =	sbr.rel @p2 .LBB2_9-.Ltmp7, $4  }
0x187: {  	v31 =	vand.u32 $0x7F, v31;
	v17 =	vor.u32 v6, v17;
	v18 =	vor.u32 v6, v23;
	v23 =	vld.idx.msk [tilespmem:v14+s21+$0x0], $0xffff  }
0x188: {  	v34 =	vadd.bf16 v20, v19;
	v29 =	vmul.bf16 v29, v22;
	v36 =	vmul.bf16 v25, v38;
	v26 =	vld.idx.msk [tilespmem:v27+s19+$0x0], $0xffff  }
0x189: {  	v22 =	vor.u32 v6, v31;
	v20 =	vor.u32 v6, v28;
	v27 =	vand.u32 $0x78, v39;
	v25 =	vld.idx.msk [tilespmem:v14+s19+$0x0], $0xffff;
	v14 =	vmovc v30  }
0x18a: {  	s7 =	sadd.s32 $0x8, s7;
	v28 =	vadd.bf16 v29, v34;
	v29 =	vmul.bf16 v32, v36;
	v19 =	vld.idx.msk [tilespmem:v30+s17+$0x0], $0xffff;
	v30 =	vmul.bf16 v35, v33  }
0x18b: {  	_ =	sdelay $0x3  }
0x18c: {  	v27 =	vor.u32 v5, v27;
	v31 =	vld.idx.msk [tilespmem:v16+s19+$0x0], $0xffff  }
0x18d: {  	v32 =	vld.idx.msk [tilespmem:v17+s19+$0x0], $0xffff  }
0x18e: {  	v33 =	vld.idx.msk [tilespmem:v18+s19+$0x0], $0xffff  }
0x18f: {  	v34 =	vld.idx.msk [tilespmem:v20+s19+$0x0], $0xffff  }
0x190: {  	v35 =	vld.idx.msk [tilespmem:v22+s19+$0x0], $0xffff  }
0x191: {  	v36 =	vld.idx.msk [tilespmem:v27+s19+$0x0], $0xffff  }
0x192: {  	v37 =	vld.idx.msk [tilespmem:v27+s17+$0x0], $0xffff  }
0x193: {  	v21 =	vmul.bf16 v24, v21;
	v28 =	vadd.bf16 v29, v28;
	v15 =	vmul.bf16 v15, v30;
	v24 =	vld.idx.msk [tilespmem:v27+s21+$0x0], $0xffff  }
0x194: {  	v27 =	vld.idx.msk [tilespmem:v22+s17+$0x0], $0xffff  }
0x195: {  	v21 =	vmul.bf16 v26, v21;
	v15 =	vadd.bf16 v15, v28;
	v22 =	vld.idx.msk [tilespmem:v22+s21+$0x0], $0xffff  }
0x196: {  	s6 =	sadd.s32 $0xFFFFFFFF, s6;
	v13 =	vmul.bf16 v23, v13;
	v23 =	vld.idx.msk [tilespmem:v20+s17+$0x0], $0xffff  }
0x197: {  	v20 =	vld.idx.msk [tilespmem:v20+s21+$0x0], $0xffff;
	v15 =	vadd.bf16 v21, v15;
	v21 =	vadd.s32 s6, v0  }
0x198: {  	v13 =	vmul.bf16 v25, v13;
	v25 =	vld.idx.msk [tilespmem:v18+s17+$0x0], $0xffff;
	v21 =	vand.u32 $0x7F, v21;
	v24 =	vmul.bf16 v24, v37  }
0x199: {  	v18 =	vld.idx.msk [tilespmem:v18+s21+$0x0], $0xffff;
	v21 =	vor.u32 v6, v21  }
0x19a: {  	v13 =	vadd.bf16 v13, v15;
	v15 =	vld.idx.msk [tilespmem:v17+s17+$0x0], $0xffff;
	v22 =	vmul.bf16 v22, v27;
	v24 =	vmul.bf16 v36, v24  }
0x19b: {  	v17 =	vld.idx.msk [tilespmem:v17+s21+$0x0], $0xffff  }
0x19c: {  	v26 =	vld.idx.msk [tilespmem:v16+s17+$0x0], $0xffff;
	v20 =	vmul.bf16 v20, v23;
	v22 =	vmul.bf16 v35, v22;
	v13 =	vadd.bf16 v24, v13  }
0x19d: {  	v16 =	vld.idx.msk [tilespmem:v16+s21+$0x0], $0xffff  }
0x19e: {  	v20 =	vmul.bf16 v34, v20;
	v18 =	vmul.bf16 v18, v25;
	v23 =	vld.idx.msk [tilespmem:v21+s17+$0x0], $0xffff;
	v13 =	vadd.bf16 v22, v13  }
0x19f: {  	v22 =	vld.idx.msk [tilespmem:v21+s21+$0x0], $0xffff  }
0x1a0: {  	v18 =	vmul.bf16 v33, v18;
	v15 =	vmul.bf16 v17, v15;
	v17 =	vld.idx.msk [tilespmem:v21+s19+$0x0], $0xffff;
	v13 =	vadd.bf16 v20, v13  }
0x1a1: {  	v24 =	vld.idx.msk [tilespmem:v14+s21+$0x0], $0xffff  }
0x1a2: {  	v16 =	vmul.bf16 v16, v26;
	v15 =	vmul.bf16 v32, v15;
	v13 =	vadd.bf16 v18, v13  }
0x1a3: {  	v14 =	vld.idx.msk [tilespmem:v14+s19+$0x0], $0xffff  }
0x1a4: {  	v13 =	vadd.bf16 v15, v13;
	v15 =	vmul.bf16 v31, v16;
	v16 =	vmul.bf16 v22, v23;
	_ =	sdelay $0x1  }
0x1a5: {  	v13 =	vadd.bf16 v15, v13;
	v15 =	vmul.bf16 v17, v16;
	v16 =	vmul.bf16 v24, v19;
	_ =	sdelay $0x1  }
0x1a6: {  	v13 =	vadd.bf16 v15, v13;
	v14 =	vmul.bf16 v14, v16;
	_ =	sdelay $0x1  }
0x1a7: {  	v13 =	vadd.bf16 v14, v13;
	_ =	sdelay $0x1  }
0x1a8: {  	v14 =	vshll.u32 v13, $0x10;
	v13 =	vand.u32 $0xFFFF0000, v13  }
0x1a9: {  	v13 =	vadd.f32 v13, v14;
	_ =	sdelay $0x1  }
0x1aa: {  	v13 =	vsub.f32 $0.0e+00, v13;
	_ =	sdelay $0x1  }
0x1ab: {  	v13 =	vmul.f32 $1.442695020e+00, v13;
	_ =	sdelay $0x1  }
0x1ac: {  	(erf) = vpow2.f32 v13;
	_ =	sdelay $0x8  }
0x1ad: {  	v13 =	vpop (erf)  }
0x1ae: {  	v13 =	vadd.f32 $1.000000000e+00, v13;
	_ =	sdelay $0x1  }
0x1af: {  	(erf) = vrcp.f32 v13;
	_ =	sdelay $0x2  }
0x1b0: {  	s8 =	simm.s32 $0x7  }
0x1b1: {  	s7 =	simm.s32 $0x5;
	s9 =	simm.s32 $0x4;
	v13 =	vadd.s32 s8, v0  }
0x1b2: {  	v15 =	vadd.s32 s9, v0;
	v14 =	vadd.s32 s7, v0;
	v13 =	vand.u32 $0x7F, v13  }
0x1b3: {  	s11 =	simm.s32 $0x2;
	v15 =	vand.u32 $0x7F, v15;
	v14 =	vand.u32 $0x7F, v14;
	v19 =	vor.u32 v8, v13  }
0x1b4: {  	s10 =	simm.s32 $0x3;
	v16 =	vor.u32 v8, v14;
	v14 =	vadd.s32 s11, v0  }
0x1b5: {  	v17 =	vor.u32 v8, v15;
	v14 =	vand.u32 $0x7F, v14;
	v13 =	vadd.s32 s10, v0  }
0x1b6: {  	s9 =	simm.s32 $0x0;
	v14 =	vor.u32 v8, v14;
	s8 =	simm.s32 $0x1;
	v13 =	vand.u32 $0x7F, v13;
	v15 =	vpop (erf)  }
0x1b7: {  	v18 =	vadd.s32 s8, v0;
	v20 =	vor.u32 v8, v13;
	v13 =	vadd.s32 s9, v0;
	[tilespmem:s5+$0x18F80] =	vst v15  }
0x1b8: {  	v15 =	vand.u32 $0x7F, v18;
	v18 =	vand.u32 $0x78, v13;
	v13 =	vld.idx.msk [tilespmem:v19+s17+$0x0], $0xffff  }
0x1b9: {  	v21 =	vor.u32 v8, v15;
	v15 =	vld.idx.msk [tilespmem:v16+s19+$0x0], $0xffff  }
0x1ba: {  	v18 =	vor.u32 v7, v18;
	v29 =	vld.idx.msk [tilespmem:v17+s19+$0x0], $0xffff  }
0x1bb: {  	v23 =	vld.idx.msk [tilespmem:v14+s19+$0x0], $0xffff  }
0x1bc: {  	v28 =	vld.idx.msk [tilespmem:v14+s17+$0x0], $0xffff  }
0x1bd: {  	v53 =	vld.idx.msk [tilespmem:v14+s21+$0x0], $0xffff  }
0x1be: {  	v24 =	vld.idx.msk [tilespmem:v21+s19+$0x0], $0xffff  }
0x1bf: {  	v25 =	vld.idx.msk [tilespmem:v18+s19+$0x0], $0xffff  }
0x1c0: {  	v26 =	vld.idx.msk [tilespmem:v18+s17+$0x0], $0xffff  }
0x1c1: {  	v18 =	vld.idx.msk [tilespmem:v18+s21+$0x0], $0xffff  }
0x1c2: {  	s6 =	simm.s32 $0xF;
	v27 =	vld.idx.msk [tilespmem:v21+s17+$0x0], $0xffff  }
0x1c3: {  	v31 =	vadd.s32 s6, v0;
	v21 =	vld.idx.msk [tilespmem:v21+s21+$0x0], $0xffff  }
0x1c4: {  	v30 =	vimm.bf16 $0.0e+00;
	v31 =	vand.u32 $0x7F, v31;
	s11 =	simm.s32 $0xC;
	s10 =	simm.s32 $0x6;
	v22 =	vld.idx.msk [tilespmem:v20+s19+$0x0], $0xffff  }
0x1c5: {  	v56 =	vadd.s32 s11, v0;
	s8 =	simm.s32 $0xD;
	v14 =	vadd.s32 s10, v0;
	v55 =	vld.idx.msk [tilespmem:v20+s17+$0x0], $0xffff;
	v28 =	vmul.bf16 v53, v28  }
0x1c6: {  	v54 =	vadd.s32 s8, v0;
	s8 =	simm.s32 $0x9;
	v20 =	vld.idx.msk [tilespmem:v20+s21+$0x0], $0xffff;
	v14 =	vand.u32 $0x7F, v14;
	v18 =	vmul.bf16 v18, v26  }
0x1c7: {  	v57 =	vadd.s32 s8, v0;
	s9 =	simm.s32 $0xA;
	v39 =	vld.idx.msk [tilespmem:v17+s17+$0x0], $0xffff;
	v28 =	vmul.bf16 v23, v28;
	v26 =	vor.u32 v8, v14  }
0x1c8: {  	s11 =	simm.s32 $0x8;
	v58 =	vadd.s32 s9, v0;
	v23 =	vld.idx.msk [tilespmem:v19+s21+$0x0], $0xffff;
	v21 =	vmul.bf16 v21, v27;
	v18 =	vmul.bf16 v25, v18  }
0x1c9: {  	v40 =	vadd.s32 s11, v0;
	v61 =	vand.u32 $0x7F, v57;
	v59 =	vand.u32 $0x7F, v58;
	v25 =	vld.idx.msk [tilespmem:v17+s21+$0x0], $0xffff  }
0x1ca: {  	s10 =	simm.s32 $0xB;
	v14 =	vor.u32 v8, v31;
	v31 =	vld.idx.msk [tilespmem:v16+s17+$0x0], $0xffff;
	v24 =	vmul.bf16 v24, v21;
	v18 =	vadd.bf16 v18, v30  }
0x1cb: {  	v38 =	vadd.s32 s10, v0;
	v20 =	vmul.bf16 v20, v55;
	v27 =	vand.u32 $0x7F, v54;
	v30 =	vld.idx.msk [tilespmem:v16+s21+$0x0], $0xffff  }
0x1cc: {  	v17 =	vand.u32 $0x7F, v56;
	v16 =	vor.u32 v8, v27;
	v21 =	vld.idx.msk [tilespmem:v26+s17+$0x0], $0xffff;
	v27 =	vadd.bf16 v24, v18  }
0x1cd: {  	v60 =	vand.u32 $0x7F, v38;
	v62 =	vmul.bf16 v22, v20;
	v17 =	vor.u32 v8, v17;
	v24 =	vld.idx.msk [tilespmem:v26+s21+$0x0], $0xffff  }
0x1ce: {  	v18 =	vor.u32 v8, v60;
	v26 =	vld.idx.msk [tilespmem:v26+s19+$0x0], $0xffff;
	v63 =	vmul.bf16 v25, v39;
	v28 =	vadd.bf16 v28, v27  }
0x1cf: {  	v22 =	vor.u32 v8, v61;
	v20 =	vor.u32 v8, v59;
	v25 =	vld.idx.msk [tilespmem:v19+s19+$0x0], $0xffff;
	v27 =	vand.u32 $0x78, v40  }
0x1d0: {  	s7 =	simm.s32 $0x17;
	v19 =	vld.idx.msk [tilespmem:v14+s17+$0x0], $0xffff;
	v29 =	vmul.bf16 v29, v63;
	v30 =	vmul.bf16 v30, v31;
	v28 =	vadd.bf16 v62, v28  }
.LBB2_11:
0x1d1: {  	p2 =	sne.s32 s7, $0x7F;
	v27 =	vor.u32 v7, v27;
	v31 =	vld.idx.msk [tilespmem:v16+s19+$0x0], $0xffff  }
0x1d2: {  	v21 =	vmul.bf16 v24, v21;
	v32 =	vld.idx.msk [tilespmem:v17+s19+$0x0], $0xffff;
	v28 =	vadd.bf16 v29, v28;
	v15 =	vmul.bf16 v15, v30  }
0x1d3: {  	v29 =	vld.idx.msk [tilespmem:v18+s19+$0x0], $0xffff  }
0x1d4: {  	v21 =	vmul.bf16 v26, v21;
	v24 =	vld.idx.msk [tilespmem:v20+s19+$0x0], $0xffff;
	v30 =	vadd.bf16 v15, v28;
	v28 =	vmul.bf16 v23, v13  }
0x1d5: {  	v23 =	vld.idx.msk [tilespmem:v22+s19+$0x0], $0xffff  }
0x1d6: {  	v13 =	vmov v19;
	v26 =	vld.idx.msk [tilespmem:v27+s19+$0x0], $0xffff;
	v21 =	vadd.bf16 v21, v30;
	v25 =	vmul.bf16 v25, v28  }
0x1d7: {  	v15 =	vmov v31;
	v19 =	vld.idx.msk [tilespmem:v27+s17+$0x0], $0xffff  }
0x1d8: {  	v27 =	vld.idx.msk [tilespmem:v27+s21+$0x0], $0xffff;
	v21 =	vadd.bf16 v25, v21  }
0x1d9: {  	v25 =	vld.idx.msk [tilespmem:v22+s17+$0x0], $0xffff  }
0x1da: {  	v22 =	vld.idx.msk [tilespmem:v22+s21+$0x0], $0xffff  }
0x1db: {  	s8 =	sadd.s32 $0xFFFFFFFF, s6;
	s6 =	smov.u32 s7;
	v28 =	vld.idx.msk [tilespmem:v20+s17+$0x0], $0xffff  }
0x1dc: {  	s9 =	sadd.s32 $0xFFFFFFFE, s7;
	v30 =	vadd.s32 s7, v0;
	v31 =	vadd.s32 s8, v0;
	v20 =	vld.idx.msk [tilespmem:v20+s21+$0x0], $0xffff  }
0x1dd: {  	v33 =	vadd.s32 s9, v0;
	s8 =	sadd.s32 $0xFFFFFFFD, s7;
	v30 =	vand.u32 $0x7F, v30;
	v31 =	vand.u32 $0x7F, v31;
	v34 =	vld.idx.msk [tilespmem:v18+s17+$0x0], $0xffff  }
0x1de: {  	s10 =	sadd.s32 $0xFFFFFFFB, s7;
	s11 =	sadd.s32 $0xFFFFFFFC, s7;
	s9 =	sadd.s32 $0xFFFFFFFA, s7;
	v35 =	vadd.s32 s8, v0;
	v19 =	vmul.bf16 v27, v19;
	v27 =	vor.u32 v8, v31;
	v18 =	vld.idx.msk [tilespmem:v18+s21+$0x0], $0xffff  }
0x1df: {  	v36 =	vadd.s32 s10, v0;
	v37 =	vadd.s32 s11, v0;
	s8 =	sadd.s32 $0xFFFFFFF9, s7;
	v31 =	vadd.s32 s9, v0;
	v38 =	vld.idx.msk [tilespmem:v17+s17+$0x0], $0xffff  }
0x1e0: {  	v39 =	vadd.s32 s8, v0;
	v19 =	vmul.bf16 v26, v19;
	v22 =	vmul.bf16 v22, v25;
	v25 =	vld.idx.msk [tilespmem:v17+s21+$0x0], $0xffff  }
0x1e1: {  	v30 =	vor.u32 v8, v30;
	v26 =	vand.u32 $0x7F, v33;
	v17 =	vand.u32 $0x7F, v35;
	v33 =	vld.idx.msk [tilespmem:v16+s17+$0x0], $0xffff  }
0x1e2: {  	v19 =	vadd.bf16 v19, v21;
	v22 =	vmul.bf16 v23, v22;
	v20 =	vmul.bf16 v20, v28;
	v35 =	vld.idx.msk [tilespmem:v16+s21+$0x0], $0xffff  }
0x1e3: {  	v28 =	vand.u32 $0x7F, v36;
	v23 =	vand.u32 $0x7F, v37;
	v16 =	vor.u32 v8, v26;
	v21 =	vld.idx.msk [tilespmem:v27+s17+$0x0], $0xffff  }
.Ltmp8:
0x1e4: {  	v19 =	vadd.bf16 v22, v19;
	v20 =	vmul.bf16 v24, v20;
	v22 =	vmul.bf16 v18, v34;
	v24 =	vld.idx.msk [tilespmem:v27+s21+$0x0], $0xffff;
	(pc) =	sbr.rel @p2 .LBB2_11-.Ltmp8, $4  }
0x1e5: {  	v31 =	vand.u32 $0x7F, v31;
	v17 =	vor.u32 v8, v17;
	v18 =	vor.u32 v8, v23;
	v23 =	vld.idx.msk [tilespmem:v14+s21+$0x0], $0xffff  }
0x1e6: {  	v34 =	vadd.bf16 v20, v19;
	v29 =	vmul.bf16 v29, v22;
	v36 =	vmul.bf16 v25, v38;
	v26 =	vld.idx.msk [tilespmem:v27+s19+$0x0], $0xffff  }
0x1e7: {  	v22 =	vor.u32 v8, v31;
	v20 =	vor.u32 v8, v28;
	v27 =	vand.u32 $0x78, v39;
	v25 =	vld.idx.msk [tilespmem:v14+s19+$0x0], $0xffff;
	v14 =	vmovc v30  }
0x1e8: {  	s7 =	sadd.s32 $0x8, s7;
	v28 =	vadd.bf16 v29, v34;
	v29 =	vmul.bf16 v32, v36;
	v19 =	vld.idx.msk [tilespmem:v30+s17+$0x0], $0xffff;
	v30 =	vmul.bf16 v35, v33  }
0x1e9: {  	_ =	sdelay $0x3  }
0x1ea: {  	v27 =	vor.u32 v7, v27;
	v31 =	vld.idx.msk [tilespmem:v16+s19+$0x0], $0xffff  }
0x1eb: {  	v32 =	vld.idx.msk [tilespmem:v17+s19+$0x0], $0xffff  }
0x1ec: {  	v33 =	vld.idx.msk [tilespmem:v18+s19+$0x0], $0xffff  }
0x1ed: {  	v34 =	vld.idx.msk [tilespmem:v20+s19+$0x0], $0xffff  }
0x1ee: {  	v35 =	vld.idx.msk [tilespmem:v22+s19+$0x0], $0xffff  }
0x1ef: {  	v36 =	vld.idx.msk [tilespmem:v27+s19+$0x0], $0xffff  }
0x1f0: {  	v37 =	vld.idx.msk [tilespmem:v27+s17+$0x0], $0xffff  }
0x1f1: {  	v21 =	vmul.bf16 v24, v21;
	v28 =	vadd.bf16 v29, v28;
	v15 =	vmul.bf16 v15, v30;
	v24 =	vld.idx.msk [tilespmem:v27+s21+$0x0], $0xffff  }
0x1f2: {  	v27 =	vld.idx.msk [tilespmem:v22+s17+$0x0], $0xffff  }
0x1f3: {  	v21 =	vmul.bf16 v26, v21;
	v15 =	vadd.bf16 v15, v28;
	v22 =	vld.idx.msk [tilespmem:v22+s21+$0x0], $0xffff  }
0x1f4: {  	s6 =	sadd.s32 $0xFFFFFFFF, s6;
	v13 =	vmul.bf16 v23, v13;
	v23 =	vld.idx.msk [tilespmem:v20+s17+$0x0], $0xffff  }
0x1f5: {  	v20 =	vld.idx.msk [tilespmem:v20+s21+$0x0], $0xffff;
	v15 =	vadd.bf16 v21, v15;
	v21 =	vadd.s32 s6, v0  }
0x1f6: {  	v13 =	vmul.bf16 v25, v13;
	v25 =	vld.idx.msk [tilespmem:v18+s17+$0x0], $0xffff;
	v21 =	vand.u32 $0x7F, v21;
	v24 =	vmul.bf16 v24, v37  }
0x1f7: {  	v18 =	vld.idx.msk [tilespmem:v18+s21+$0x0], $0xffff;
	v21 =	vor.u32 v8, v21  }
0x1f8: {  	v13 =	vadd.bf16 v13, v15;
	v15 =	vld.idx.msk [tilespmem:v17+s17+$0x0], $0xffff;
	v22 =	vmul.bf16 v22, v27;
	v24 =	vmul.bf16 v36, v24  }
0x1f9: {  	v17 =	vld.idx.msk [tilespmem:v17+s21+$0x0], $0xffff  }
0x1fa: {  	v26 =	vld.idx.msk [tilespmem:v16+s17+$0x0], $0xffff;
	v20 =	vmul.bf16 v20, v23;
	v22 =	vmul.bf16 v35, v22;
	v13 =	vadd.bf16 v24, v13  }
0x1fb: {  	v16 =	vld.idx.msk [tilespmem:v16+s21+$0x0], $0xffff  }
0x1fc: {  	v20 =	vmul.bf16 v34, v20;
	v18 =	vmul.bf16 v18, v25;
	v23 =	vld.idx.msk [tilespmem:v21+s17+$0x0], $0xffff;
	v13 =	vadd.bf16 v22, v13  }
0x1fd: {  	v22 =	vld.idx.msk [tilespmem:v21+s21+$0x0], $0xffff  }
0x1fe: {  	v18 =	vmul.bf16 v33, v18;
	v15 =	vmul.bf16 v17, v15;
	v17 =	vld.idx.msk [tilespmem:v21+s19+$0x0], $0xffff;
	v13 =	vadd.bf16 v20, v13  }
0x1ff: {  	v24 =	vld.idx.msk [tilespmem:v14+s21+$0x0], $0xffff  }
0x200: {  	v16 =	vmul.bf16 v16, v26;
	v15 =	vmul.bf16 v32, v15;
	v13 =	vadd.bf16 v18, v13  }
0x201: {  	v14 =	vld.idx.msk [tilespmem:v14+s19+$0x0], $0xffff  }
0x202: {  	v13 =	vadd.bf16 v15, v13;
	v15 =	vmul.bf16 v31, v16;
	v16 =	vmul.bf16 v22, v23;
	_ =	sdelay $0x1  }
0x203: {  	v13 =	vadd.bf16 v15, v13;
	v15 =	vmul.bf16 v17, v16;
	v16 =	vmul.bf16 v24, v19;
	_ =	sdelay $0x1  }
0x204: {  	v13 =	vadd.bf16 v15, v13;
	v14 =	vmul.bf16 v14, v16;
	_ =	sdelay $0x1  }
0x205: {  	v13 =	vadd.bf16 v14, v13;
	_ =	sdelay $0x1  }
0x206: {  	v14 =	vshll.u32 v13, $0x10;
	v13 =	vand.u32 $0xFFFF0000, v13  }
0x207: {  	v13 =	vadd.f32 v13, v14;
	_ =	sdelay $0x1  }
0x208: {  	v13 =	vsub.f32 $0.0e+00, v13;
	_ =	sdelay $0x1  }
0x209: {  	v13 =	vmul.f32 $1.442695020e+00, v13;
	_ =	sdelay $0x1  }
0x20a: {  	(erf) = vpow2.f32 v13;
	_ =	sdelay $0x8  }
0x20b: {  	v13 =	vpop (erf)  }
0x20c: {  	v13 =	vadd.f32 $1.000000000e+00, v13;
	_ =	sdelay $0x1  }
0x20d: {  	(erf) = vrcp.f32 v13;
	_ =	sdelay $0x2  }
0x20e: {  	s8 =	simm.s32 $0x7  }
0x20f: {  	s7 =	simm.s32 $0x5;
	s9 =	simm.s32 $0x4;
	v13 =	vadd.s32 s8, v0  }
0x210: {  	v15 =	vadd.s32 s9, v0;
	v14 =	vadd.s32 s7, v0;
	v13 =	vand.u32 $0x7F, v13  }
0x211: {  	s11 =	simm.s32 $0x2;
	v15 =	vand.u32 $0x7F, v15;
	v14 =	vand.u32 $0x7F, v14;
	v19 =	vor.u32 v10, v13  }
0x212: {  	s10 =	simm.s32 $0x3;
	v16 =	vor.u32 v10, v14;
	v14 =	vadd.s32 s11, v0  }
0x213: {  	v17 =	vor.u32 v10, v15;
	v14 =	vand.u32 $0x7F, v14;
	v13 =	vadd.s32 s10, v0  }
0x214: {  	s9 =	simm.s32 $0x0;
	v14 =	vor.u32 v10, v14;
	s8 =	simm.s32 $0x1;
	v13 =	vand.u32 $0x7F, v13;
	v15 =	vpop (erf)  }
0x215: {  	v18 =	vadd.s32 s8, v0;
	v20 =	vor.u32 v10, v13;
	v13 =	vadd.s32 s9, v0;
	[tilespmem:s5+$0x18F90] =	vst v15  }
0x216: {  	v15 =	vand.u32 $0x7F, v18;
	v18 =	vand.u32 $0x78, v13;
	v13 =	vld.idx.msk [tilespmem:v19+s17+$0x0], $0xffff  }
0x217: {  	v21 =	vor.u32 v10, v15;
	v15 =	vld.idx.msk [tilespmem:v16+s19+$0x0], $0xffff  }
0x218: {  	v18 =	vor.u32 v9, v18;
	v29 =	vld.idx.msk [tilespmem:v17+s19+$0x0], $0xffff  }
0x219: {  	v23 =	vld.idx.msk [tilespmem:v14+s19+$0x0], $0xffff  }
0x21a: {  	v28 =	vld.idx.msk [tilespmem:v14+s17+$0x0], $0xffff  }
0x21b: {  	v53 =	vld.idx.msk [tilespmem:v14+s21+$0x0], $0xffff  }
0x21c: {  	v24 =	vld.idx.msk [tilespmem:v21+s19+$0x0], $0xffff  }
0x21d: {  	v25 =	vld.idx.msk [tilespmem:v18+s19+$0x0], $0xffff  }
0x21e: {  	v26 =	vld.idx.msk [tilespmem:v18+s17+$0x0], $0xffff  }
0x21f: {  	v18 =	vld.idx.msk [tilespmem:v18+s21+$0x0], $0xffff  }
0x220: {  	s6 =	simm.s32 $0xF;
	v27 =	vld.idx.msk [tilespmem:v21+s17+$0x0], $0xffff  }
0x221: {  	v31 =	vadd.s32 s6, v0;
	v21 =	vld.idx.msk [tilespmem:v21+s21+$0x0], $0xffff  }
0x222: {  	v30 =	vimm.bf16 $0.0e+00;
	v31 =	vand.u32 $0x7F, v31;
	s11 =	simm.s32 $0xC;
	s10 =	simm.s32 $0x6;
	v22 =	vld.idx.msk [tilespmem:v20+s19+$0x0], $0xffff  }
0x223: {  	v56 =	vadd.s32 s11, v0;
	s8 =	simm.s32 $0xD;
	v14 =	vadd.s32 s10, v0;
	v55 =	vld.idx.msk [tilespmem:v20+s17+$0x0], $0xffff;
	v28 =	vmul.bf16 v53, v28  }
0x224: {  	v54 =	vadd.s32 s8, v0;
	s8 =	simm.s32 $0x9;
	v20 =	vld.idx.msk [tilespmem:v20+s21+$0x0], $0xffff;
	v14 =	vand.u32 $0x7F, v14;
	v18 =	vmul.bf16 v18, v26  }
0x225: {  	v57 =	vadd.s32 s8, v0;
	s9 =	simm.s32 $0xA;
	v39 =	vld.idx.msk [tilespmem:v17+s17+$0x0], $0xffff;
	v28 =	vmul.bf16 v23, v28;
	v26 =	vor.u32 v10, v14  }
0x226: {  	s11 =	simm.s32 $0x8;
	v58 =	vadd.s32 s9, v0;
	v23 =	vld.idx.msk [tilespmem:v19+s21+$0x0], $0xffff;
	v21 =	vmul.bf16 v21, v27;
	v18 =	vmul.bf16 v25, v18  }
0x227: {  	v40 =	vadd.s32 s11, v0;
	v61 =	vand.u32 $0x7F, v57;
	v59 =	vand.u32 $0x7F, v58;
	v25 =	vld.idx.msk [tilespmem:v17+s21+$0x0], $0xffff  }
0x228: {  	s10 =	simm.s32 $0xB;
	v14 =	vor.u32 v10, v31;
	v31 =	vld.idx.msk [tilespmem:v16+s17+$0x0], $0xffff;
	v24 =	vmul.bf16 v24, v21;
	v18 =	vadd.bf16 v18, v30  }
0x229: {  	v38 =	vadd.s32 s10, v0;
	v20 =	vmul.bf16 v20, v55;
	v27 =	vand.u32 $0x7F, v54;
	v30 =	vld.idx.msk [tilespmem:v16+s21+$0x0], $0xffff  }
0x22a: {  	v17 =	vand.u32 $0x7F, v56;
	v16 =	vor.u32 v10, v27;
	v21 =	vld.idx.msk [tilespmem:v26+s17+$0x0], $0xffff;
	v27 =	vadd.bf16 v24, v18  }
0x22b: {  	v60 =	vand.u32 $0x7F, v38;
	v62 =	vmul.bf16 v22, v20;
	v17 =	vor.u32 v10, v17;
	v24 =	vld.idx.msk [tilespmem:v26+s21+$0x0], $0xffff  }
0x22c: {  	v18 =	vor.u32 v10, v60;
	v26 =	vld.idx.msk [tilespmem:v26+s19+$0x0], $0xffff;
	v63 =	vmul.bf16 v25, v39;
	v28 =	vadd.bf16 v28, v27  }
0x22d: {  	v22 =	vor.u32 v10, v61;
	v20 =	vor.u32 v10, v59;
	v25 =	vld.idx.msk [tilespmem:v19+s19+$0x0], $0xffff;
	v27 =	vand.u32 $0x78, v40  }
0x22e: {  	s7 =	simm.s32 $0x17;
	v19 =	vld.idx.msk [tilespmem:v14+s17+$0x0], $0xffff;
	v29 =	vmul.bf16 v29, v63;
	v30 =	vmul.bf16 v30, v31;
	v28 =	vadd.bf16 v62, v28  }
.LBB2_13:
0x22f: {  	p2 =	sne.s32 s7, $0x7F;
	v27 =	vor.u32 v9, v27;
	v31 =	vld.idx.msk [tilespmem:v16+s19+$0x0], $0xffff  }
0x230: {  	v21 =	vmul.bf16 v24, v21;
	v32 =	vld.idx.msk [tilespmem:v17+s19+$0x0], $0xffff;
	v28 =	vadd.bf16 v29, v28;
	v15 =	vmul.bf16 v15, v30  }
0x231: {  	v29 =	vld.idx.msk [tilespmem:v18+s19+$0x0], $0xffff  }
0x232: {  	v21 =	vmul.bf16 v26, v21;
	v24 =	vld.idx.msk [tilespmem:v20+s19+$0x0], $0xffff;
	v30 =	vadd.bf16 v15, v28;
	v28 =	vmul.bf16 v23, v13  }
0x233: {  	v23 =	vld.idx.msk [tilespmem:v22+s19+$0x0], $0xffff  }
0x234: {  	v13 =	vmov v19;
	v26 =	vld.idx.msk [tilespmem:v27+s19+$0x0], $0xffff;
	v21 =	vadd.bf16 v21, v30;
	v25 =	vmul.bf16 v25, v28  }
0x235: {  	v15 =	vmov v31;
	v19 =	vld.idx.msk [tilespmem:v27+s17+$0x0], $0xffff  }
0x236: {  	v27 =	vld.idx.msk [tilespmem:v27+s21+$0x0], $0xffff;
	v21 =	vadd.bf16 v25, v21  }
0x237: {  	v25 =	vld.idx.msk [tilespmem:v22+s17+$0x0], $0xffff  }
0x238: {  	v22 =	vld.idx.msk [tilespmem:v22+s21+$0x0], $0xffff  }
0x239: {  	s8 =	sadd.s32 $0xFFFFFFFF, s6;
	s6 =	smov.u32 s7;
	v28 =	vld.idx.msk [tilespmem:v20+s17+$0x0], $0xffff  }
0x23a: {  	s9 =	sadd.s32 $0xFFFFFFFE, s7;
	v30 =	vadd.s32 s7, v0;
	v31 =	vadd.s32 s8, v0;
	v20 =	vld.idx.msk [tilespmem:v20+s21+$0x0], $0xffff  }
0x23b: {  	v33 =	vadd.s32 s9, v0;
	s8 =	sadd.s32 $0xFFFFFFFD, s7;
	v30 =	vand.u32 $0x7F, v30;
	v31 =	vand.u32 $0x7F, v31;
	v34 =	vld.idx.msk [tilespmem:v18+s17+$0x0], $0xffff  }
0x23c: {  	s10 =	sadd.s32 $0xFFFFFFFB, s7;
	s11 =	sadd.s32 $0xFFFFFFFC, s7;
	s9 =	sadd.s32 $0xFFFFFFFA, s7;
	v35 =	vadd.s32 s8, v0;
	v19 =	vmul.bf16 v27, v19;
	v27 =	vor.u32 v10, v31;
	v18 =	vld.idx.msk [tilespmem:v18+s21+$0x0], $0xffff  }
0x23d: {  	v36 =	vadd.s32 s10, v0;
	v37 =	vadd.s32 s11, v0;
	s8 =	sadd.s32 $0xFFFFFFF9, s7;
	v31 =	vadd.s32 s9, v0;
	v38 =	vld.idx.msk [tilespmem:v17+s17+$0x0], $0xffff  }
0x23e: {  	v39 =	vadd.s32 s8, v0;
	v19 =	vmul.bf16 v26, v19;
	v22 =	vmul.bf16 v22, v25;
	v25 =	vld.idx.msk [tilespmem:v17+s21+$0x0], $0xffff  }
0x23f: {  	v30 =	vor.u32 v10, v30;
	v26 =	vand.u32 $0x7F, v33;
	v17 =	vand.u32 $0x7F, v35;
	v33 =	vld.idx.msk [tilespmem:v16+s17+$0x0], $0xffff  }
0x240: {  	v19 =	vadd.bf16 v19, v21;
	v22 =	vmul.bf16 v23, v22;
	v20 =	vmul.bf16 v20, v28;
	v35 =	vld.idx.msk [tilespmem:v16+s21+$0x0], $0xffff  }
0x241: {  	v28 =	vand.u32 $0x7F, v36;
	v23 =	vand.u32 $0x7F, v37;
	v16 =	vor.u32 v10, v26;
	v21 =	vld.idx.msk [tilespmem:v27+s17+$0x0], $0xffff  }
.Ltmp9:
0x242: {  	v19 =	vadd.bf16 v22, v19;
	v20 =	vmul.bf16 v24, v20;
	v22 =	vmul.bf16 v18, v34;
	v24 =	vld.idx.msk [tilespmem:v27+s21+$0x0], $0xffff;
	(pc) =	sbr.rel @p2 .LBB2_13-.Ltmp9, $4  }
0x243: {  	v31 =	vand.u32 $0x7F, v31;
	v17 =	vor.u32 v10, v17;
	v18 =	vor.u32 v10, v23;
	v23 =	vld.idx.msk [tilespmem:v14+s21+$0x0], $0xffff  }
0x244: {  	v34 =	vadd.bf16 v20, v19;
	v29 =	vmul.bf16 v29, v22;
	v36 =	vmul.bf16 v25, v38;
	v26 =	vld.idx.msk [tilespmem:v27+s19+$0x0], $0xffff  }
0x245: {  	v22 =	vor.u32 v10, v31;
	v20 =	vor.u32 v10, v28;
	v27 =	vand.u32 $0x78, v39;
	v25 =	vld.idx.msk [tilespmem:v14+s19+$0x0], $0xffff;
	v14 =	vmovc v30  }
0x246: {  	s7 =	sadd.s32 $0x8, s7;
	v28 =	vadd.bf16 v29, v34;
	v29 =	vmul.bf16 v32, v36;
	v19 =	vld.idx.msk [tilespmem:v30+s17+$0x0], $0xffff;
	v30 =	vmul.bf16 v35, v33  }
0x247: {  	_ =	sdelay $0x3  }
0x248: {  	v27 =	vor.u32 v9, v27;
	v31 =	vld.idx.msk [tilespmem:v16+s19+$0x0], $0xffff  }
0x249: {  	v32 =	vld.idx.msk [tilespmem:v17+s19+$0x0], $0xffff  }
0x24a: {  	v33 =	vld.idx.msk [tilespmem:v18+s19+$0x0], $0xffff  }
0x24b: {  	v34 =	vld.idx.msk [tilespmem:v20+s19+$0x0], $0xffff  }
0x24c: {  	v35 =	vld.idx.msk [tilespmem:v22+s19+$0x0], $0xffff  }
0x24d: {  	v36 =	vld.idx.msk [tilespmem:v27+s19+$0x0], $0xffff  }
0x24e: {  	v37 =	vld.idx.msk [tilespmem:v27+s17+$0x0], $0xffff  }
0x24f: {  	v21 =	vmul.bf16 v24, v21;
	v28 =	vadd.bf16 v29, v28;
	v15 =	vmul.bf16 v15, v30;
	v24 =	vld.idx.msk [tilespmem:v27+s21+$0x0], $0xffff  }
0x250: {  	v27 =	vld.idx.msk [tilespmem:v22+s17+$0x0], $0xffff  }
0x251: {  	v21 =	vmul.bf16 v26, v21;
	v15 =	vadd.bf16 v15, v28;
	v22 =	vld.idx.msk [tilespmem:v22+s21+$0x0], $0xffff  }
0x252: {  	s6 =	sadd.s32 $0xFFFFFFFF, s6;
	v13 =	vmul.bf16 v23, v13;
	v23 =	vld.idx.msk [tilespmem:v20+s17+$0x0], $0xffff  }
0x253: {  	v20 =	vld.idx.msk [tilespmem:v20+s21+$0x0], $0xffff;
	v15 =	vadd.bf16 v21, v15;
	v21 =	vadd.s32 s6, v0  }
0x254: {  	v13 =	vmul.bf16 v25, v13;
	v25 =	vld.idx.msk [tilespmem:v18+s17+$0x0], $0xffff;
	v21 =	vand.u32 $0x7F, v21;
	v24 =	vmul.bf16 v24, v37  }
0x255: {  	v18 =	vld.idx.msk [tilespmem:v18+s21+$0x0], $0xffff;
	v21 =	vor.u32 v10, v21  }
0x256: {  	v13 =	vadd.bf16 v13, v15;
	v15 =	vld.idx.msk [tilespmem:v17+s17+$0x0], $0xffff;
	v22 =	vmul.bf16 v22, v27;
	v24 =	vmul.bf16 v36, v24  }
0x257: {  	v17 =	vld.idx.msk [tilespmem:v17+s21+$0x0], $0xffff  }
0x258: {  	v26 =	vld.idx.msk [tilespmem:v16+s17+$0x0], $0xffff;
	v20 =	vmul.bf16 v20, v23;
	v22 =	vmul.bf16 v35, v22;
	v13 =	vadd.bf16 v24, v13  }
0x259: {  	v16 =	vld.idx.msk [tilespmem:v16+s21+$0x0], $0xffff  }
0x25a: {  	v20 =	vmul.bf16 v34, v20;
	v18 =	vmul.bf16 v18, v25;
	v23 =	vld.idx.msk [tilespmem:v21+s17+$0x0], $0xffff;
	v13 =	vadd.bf16 v22, v13  }
0x25b: {  	v22 =	vld.idx.msk [tilespmem:v21+s21+$0x0], $0xffff  }
0x25c: {  	v18 =	vmul.bf16 v33, v18;
	v15 =	vmul.bf16 v17, v15;
	v17 =	vld.idx.msk [tilespmem:v21+s19+$0x0], $0xffff;
	v13 =	vadd.bf16 v20, v13  }
0x25d: {  	v24 =	vld.idx.msk [tilespmem:v14+s21+$0x0], $0xffff  }
0x25e: {  	v16 =	vmul.bf16 v16, v26;
	v15 =	vmul.bf16 v32, v15;
	v13 =	vadd.bf16 v18, v13  }
0x25f: {  	v14 =	vld.idx.msk [tilespmem:v14+s19+$0x0], $0xffff  }
0x260: {  	v13 =	vadd.bf16 v15, v13;
	v15 =	vmul.bf16 v31, v16;
	v16 =	vmul.bf16 v22, v23;
	_ =	sdelay $0x1  }
0x261: {  	v13 =	vadd.bf16 v15, v13;
	v15 =	vmul.bf16 v17, v16;
	v16 =	vmul.bf16 v24, v19;
	_ =	sdelay $0x1  }
0x262: {  	v13 =	vadd.bf16 v15, v13;
	v14 =	vmul.bf16 v14, v16;
	_ =	sdelay $0x1  }
0x263: {  	v13 =	vadd.bf16 v14, v13;
	_ =	sdelay $0x1  }
0x264: {  	v14 =	vshll.u32 v13, $0x10;
	v13 =	vand.u32 $0xFFFF0000, v13  }
0x265: {  	v13 =	vadd.f32 v13, v14;
	_ =	sdelay $0x1  }
0x266: {  	v13 =	vsub.f32 $0.0e+00, v13;
	_ =	sdelay $0x1  }
0x267: {  	v13 =	vmul.f32 $1.442695020e+00, v13;
	_ =	sdelay $0x1  }
0x268: {  	(erf) = vpow2.f32 v13;
	_ =	sdelay $0x8  }
0x269: {  	v13 =	vpop (erf)  }
0x26a: {  	v13 =	vadd.f32 $1.000000000e+00, v13;
	_ =	sdelay $0x1  }
0x26b: {  	(erf) = vrcp.f32 v13;
	_ =	sdelay $0x2  }
0x26c: {  	s8 =	simm.s32 $0x7  }
0x26d: {  	s7 =	simm.s32 $0x5;
	s9 =	simm.s32 $0x4;
	v13 =	vadd.s32 s8, v0  }
0x26e: {  	v15 =	vadd.s32 s9, v0;
	v14 =	vadd.s32 s7, v0;
	v13 =	vand.u32 $0x7F, v13  }
0x26f: {  	s11 =	simm.s32 $0x2;
	v15 =	vand.u32 $0x7F, v15;
	v14 =	vand.u32 $0x7F, v14;
	v19 =	vor.u32 v12, v13  }
0x270: {  	s10 =	simm.s32 $0x3;
	v16 =	vor.u32 v12, v14;
	v14 =	vadd.s32 s11, v0  }
0x271: {  	v17 =	vor.u32 v12, v15;
	v14 =	vand.u32 $0x7F, v14;
	v13 =	vadd.s32 s10, v0  }
0x272: {  	s9 =	simm.s32 $0x0;
	v14 =	vor.u32 v12, v14;
	s8 =	simm.s32 $0x1;
	v13 =	vand.u32 $0x7F, v13;
	v15 =	vpop (erf)  }
0x273: {  	v18 =	vadd.s32 s8, v0;
	v20 =	vor.u32 v12, v13;
	v13 =	vadd.s32 s9, v0;
	[tilespmem:s5+$0x18FA0] =	vst v15  }
0x274: {  	v15 =	vand.u32 $0x7F, v18;
	v18 =	vand.u32 $0x78, v13;
	v13 =	vld.idx.msk [tilespmem:v19+s17+$0x0], $0xffff  }
0x275: {  	v21 =	vor.u32 v12, v15;
	v15 =	vld.idx.msk [tilespmem:v16+s19+$0x0], $0xffff  }
0x276: {  	v18 =	vor.u32 v11, v18;
	v29 =	vld.idx.msk [tilespmem:v17+s19+$0x0], $0xffff  }
0x277: {  	v23 =	vld.idx.msk [tilespmem:v14+s19+$0x0], $0xffff  }
0x278: {  	v28 =	vld.idx.msk [tilespmem:v14+s17+$0x0], $0xffff  }
0x279: {  	v53 =	vld.idx.msk [tilespmem:v14+s21+$0x0], $0xffff  }
0x27a: {  	v24 =	vld.idx.msk [tilespmem:v21+s19+$0x0], $0xffff  }
0x27b: {  	v25 =	vld.idx.msk [tilespmem:v18+s19+$0x0], $0xffff  }
0x27c: {  	v26 =	vld.idx.msk [tilespmem:v18+s17+$0x0], $0xffff  }
0x27d: {  	v18 =	vld.idx.msk [tilespmem:v18+s21+$0x0], $0xffff  }
0x27e: {  	s6 =	simm.s32 $0xF;
	v27 =	vld.idx.msk [tilespmem:v21+s17+$0x0], $0xffff  }
0x27f: {  	v31 =	vadd.s32 s6, v0;
	v21 =	vld.idx.msk [tilespmem:v21+s21+$0x0], $0xffff  }
0x280: {  	v30 =	vimm.bf16 $0.0e+00;
	v31 =	vand.u32 $0x7F, v31;
	s11 =	simm.s32 $0xC;
	s10 =	simm.s32 $0x6;
	v22 =	vld.idx.msk [tilespmem:v20+s19+$0x0], $0xffff  }
0x281: {  	v56 =	vadd.s32 s11, v0;
	s8 =	simm.s32 $0xD;
	v14 =	vadd.s32 s10, v0;
	v55 =	vld.idx.msk [tilespmem:v20+s17+$0x0], $0xffff;
	v28 =	vmul.bf16 v53, v28  }
0x282: {  	v54 =	vadd.s32 s8, v0;
	s8 =	simm.s32 $0x9;
	v20 =	vld.idx.msk [tilespmem:v20+s21+$0x0], $0xffff;
	v14 =	vand.u32 $0x7F, v14;
	v18 =	vmul.bf16 v18, v26  }
0x283: {  	v57 =	vadd.s32 s8, v0;
	s9 =	simm.s32 $0xA;
	v39 =	vld.idx.msk [tilespmem:v17+s17+$0x0], $0xffff;
	v28 =	vmul.bf16 v23, v28;
	v26 =	vor.u32 v12, v14  }
0x284: {  	s11 =	simm.s32 $0x8;
	v58 =	vadd.s32 s9, v0;
	v23 =	vld.idx.msk [tilespmem:v19+s21+$0x0], $0xffff;
	v21 =	vmul.bf16 v21, v27;
	v18 =	vmul.bf16 v25, v18  }
0x285: {  	v40 =	vadd.s32 s11, v0;
	v61 =	vand.u32 $0x7F, v57;
	v59 =	vand.u32 $0x7F, v58;
	v25 =	vld.idx.msk [tilespmem:v17+s21+$0x0], $0xffff  }
0x286: {  	s10 =	simm.s32 $0xB;
	v14 =	vor.u32 v12, v31;
	v31 =	vld.idx.msk [tilespmem:v16+s17+$0x0], $0xffff;
	v24 =	vmul.bf16 v24, v21;
	v18 =	vadd.bf16 v18, v30  }
0x287: {  	v38 =	vadd.s32 s10, v0;
	v20 =	vmul.bf16 v20, v55;
	v27 =	vand.u32 $0x7F, v54;
	v30 =	vld.idx.msk [tilespmem:v16+s21+$0x0], $0xffff  }
0x288: {  	v17 =	vand.u32 $0x7F, v56;
	v16 =	vor.u32 v12, v27;
	v21 =	vld.idx.msk [tilespmem:v26+s17+$0x0], $0xffff;
	v27 =	vadd.bf16 v24, v18  }
0x289: {  	v60 =	vand.u32 $0x7F, v38;
	v62 =	vmul.bf16 v22, v20;
	v17 =	vor.u32 v12, v17;
	v24 =	vld.idx.msk [tilespmem:v26+s21+$0x0], $0xffff  }
0x28a: {  	v18 =	vor.u32 v12, v60;
	v26 =	vld.idx.msk [tilespmem:v26+s19+$0x0], $0xffff;
	v63 =	vmul.bf16 v25, v39;
	v28 =	vadd.bf16 v28, v27  }
0x28b: {  	v22 =	vor.u32 v12, v61;
	v20 =	vor.u32 v12, v59;
	v25 =	vld.idx.msk [tilespmem:v19+s19+$0x0], $0xffff;
	v27 =	vand.u32 $0x78, v40  }
0x28c: {  	s7 =	simm.s32 $0x17;
	v19 =	vld.idx.msk [tilespmem:v14+s17+$0x0], $0xffff;
	v29 =	vmul.bf16 v29, v63;
	v30 =	vmul.bf16 v30, v31;
	v28 =	vadd.bf16 v62, v28  }
.LBB2_15:
0x28d: {  	p2 =	sne.s32 s7, $0x7F;
	v27 =	vor.u32 v11, v27;
	v31 =	vld.idx.msk [tilespmem:v16+s19+$0x0], $0xffff  }
0x28e: {  	v21 =	vmul.bf16 v24, v21;
	v32 =	vld.idx.msk [tilespmem:v17+s19+$0x0], $0xffff;
	v28 =	vadd.bf16 v29, v28;
	v15 =	vmul.bf16 v15, v30  }
0x28f: {  	v29 =	vld.idx.msk [tilespmem:v18+s19+$0x0], $0xffff  }
0x290: {  	v21 =	vmul.bf16 v26, v21;
	v24 =	vld.idx.msk [tilespmem:v20+s19+$0x0], $0xffff;
	v30 =	vadd.bf16 v15, v28;
	v28 =	vmul.bf16 v23, v13  }
0x291: {  	v23 =	vld.idx.msk [tilespmem:v22+s19+$0x0], $0xffff  }
0x292: {  	v13 =	vmov v19;
	v26 =	vld.idx.msk [tilespmem:v27+s19+$0x0], $0xffff;
	v21 =	vadd.bf16 v21, v30;
	v25 =	vmul.bf16 v25, v28  }
0x293: {  	v15 =	vmov v31;
	v19 =	vld.idx.msk [tilespmem:v27+s17+$0x0], $0xffff  }
0x294: {  	v27 =	vld.idx.msk [tilespmem:v27+s21+$0x0], $0xffff;
	v21 =	vadd.bf16 v25, v21  }
0x295: {  	v25 =	vld.idx.msk [tilespmem:v22+s17+$0x0], $0xffff  }
0x296: {  	v22 =	vld.idx.msk [tilespmem:v22+s21+$0x0], $0xffff  }
0x297: {  	s8 =	sadd.s32 $0xFFFFFFFF, s6;
	s6 =	smov.u32 s7;
	v28 =	vld.idx.msk [tilespmem:v20+s17+$0x0], $0xffff  }
0x298: {  	s9 =	sadd.s32 $0xFFFFFFFE, s7;
	v30 =	vadd.s32 s7, v0;
	v31 =	vadd.s32 s8, v0;
	v20 =	vld.idx.msk [tilespmem:v20+s21+$0x0], $0xffff  }
0x299: {  	v33 =	vadd.s32 s9, v0;
	s8 =	sadd.s32 $0xFFFFFFFD, s7;
	v30 =	vand.u32 $0x7F, v30;
	v31 =	vand.u32 $0x7F, v31;
	v34 =	vld.idx.msk [tilespmem:v18+s17+$0x0], $0xffff  }
0x29a: {  	s10 =	sadd.s32 $0xFFFFFFFB, s7;
	s11 =	sadd.s32 $0xFFFFFFFC, s7;
	s9 =	sadd.s32 $0xFFFFFFFA, s7;
	v35 =	vadd.s32 s8, v0;
	v19 =	vmul.bf16 v27, v19;
	v27 =	vor.u32 v12, v31;
	v18 =	vld.idx.msk [tilespmem:v18+s21+$0x0], $0xffff  }
0x29b: {  	v36 =	vadd.s32 s10, v0;
	v37 =	vadd.s32 s11, v0;
	s8 =	sadd.s32 $0xFFFFFFF9, s7;
	v31 =	vadd.s32 s9, v0;
	v38 =	vld.idx.msk [tilespmem:v17+s17+$0x0], $0xffff  }
0x29c: {  	v39 =	vadd.s32 s8, v0;
	v19 =	vmul.bf16 v26, v19;
	v22 =	vmul.bf16 v22, v25;
	v25 =	vld.idx.msk [tilespmem:v17+s21+$0x0], $0xffff  }
0x29d: {  	v30 =	vor.u32 v12, v30;
	v26 =	vand.u32 $0x7F, v33;
	v17 =	vand.u32 $0x7F, v35;
	v33 =	vld.idx.msk [tilespmem:v16+s17+$0x0], $0xffff  }
0x29e: {  	v19 =	vadd.bf16 v19, v21;
	v22 =	vmul.bf16 v23, v22;
	v20 =	vmul.bf16 v20, v28;
	v35 =	vld.idx.msk [tilespmem:v16+s21+$0x0], $0xffff  }
0x29f: {  	v28 =	vand.u32 $0x7F, v36;
	v23 =	vand.u32 $0x7F, v37;
	v16 =	vor.u32 v12, v26;
	v21 =	vld.idx.msk [tilespmem:v27+s17+$0x0], $0xffff  }
.Ltmp10:
0x2a0: {  	v19 =	vadd.bf16 v22, v19;
	v20 =	vmul.bf16 v24, v20;
	v22 =	vmul.bf16 v18, v34;
	v24 =	vld.idx.msk [tilespmem:v27+s21+$0x0], $0xffff;
	(pc) =	sbr.rel @p2 .LBB2_15-.Ltmp10, $4  }
0x2a1: {  	v31 =	vand.u32 $0x7F, v31;
	v17 =	vor.u32 v12, v17;
	v18 =	vor.u32 v12, v23;
	v23 =	vld.idx.msk [tilespmem:v14+s21+$0x0], $0xffff  }
0x2a2: {  	v34 =	vadd.bf16 v20, v19;
	v29 =	vmul.bf16 v29, v22;
	v36 =	vmul.bf16 v25, v38;
	v26 =	vld.idx.msk [tilespmem:v27+s19+$0x0], $0xffff  }
0x2a3: {  	v22 =	vor.u32 v12, v31;
	v20 =	vor.u32 v12, v28;
	v27 =	vand.u32 $0x78, v39;
	v25 =	vld.idx.msk [tilespmem:v14+s19+$0x0], $0xffff;
	v14 =	vmovc v30  }
0x2a4: {  	s7 =	sadd.s32 $0x8, s7;
	v28 =	vadd.bf16 v29, v34;
	v29 =	vmul.bf16 v32, v36;
	v19 =	vld.idx.msk [tilespmem:v30+s17+$0x0], $0xffff;
	v30 =	vmul.bf16 v35, v33  }
0x2a5: {  	_ =	sdelay $0x3  }
0x2a6: {  	v31 =	vld.idx.msk [tilespmem:v16+s19+$0x0], $0xffff  }
0x2a7: {  	v27 =	vor.u32 v11, v27;
	v32 =	vld.idx.msk [tilespmem:v17+s19+$0x0], $0xffff  }
0x2a8: {  	v33 =	vld.idx.msk [tilespmem:v18+s19+$0x0], $0xffff  }
0x2a9: {  	v34 =	vld.idx.msk [tilespmem:v20+s19+$0x0], $0xffff  }
0x2aa: {  	v35 =	vld.idx.msk [tilespmem:v22+s19+$0x0], $0xffff  }
0x2ab: {  	v48 =	vld.idx.msk [tilespmem:v22+s17+$0x0], $0xffff  }
0x2ac: {  	v37 =	vld.idx.msk [tilespmem:v27+s17+$0x0], $0xffff  }
0x2ad: {  	v47 =	vld.idx.msk [tilespmem:v27+s21+$0x0], $0xffff  }
0x2ae: {  	v21 =	vmul.bf16 v24, v21;
	v49 =	vld.idx.msk [tilespmem:v22+s21+$0x0], $0xffff;
	v28 =	vadd.bf16 v29, v28;
	v15 =	vmul.bf16 v15, v30  }
0x2af: {  	v13 =	vmul.bf16 v23, v13;
	v36 =	vld.idx.msk [tilespmem:v27+s19+$0x0], $0xffff  }
0x2b0: {  	v50 =	vld.idx.msk [tilespmem:v20+s17+$0x0], $0xffff;
	s6 =	sadd.s32 $0xFFFFFFFF, s6;
	v21 =	vmul.bf16 v26, v21;
	v15 =	vadd.bf16 v15, v28  }
0x2b1: {  	v51 =	vld.idx.msk [tilespmem:v20+s21+$0x0], $0xffff;
	v52 =	vadd.s32 s6, v0;
	v13 =	vmul.bf16 v25, v13  }
0x2b2: {  	v53 =	vld.idx.msk [tilespmem:v18+s17+$0x0], $0xffff;
	v15 =	vadd.bf16 v21, v15;
	v21 =	vand.u32 $0x7F, v52;
	v24 =	vmul.bf16 v47, v37  }
0x2b3: {  	v54 =	vld.idx.msk [tilespmem:v18+s21+$0x0], $0xffff;
	v21 =	vor.u32 v12, v21  }
0x2b4: {  	v55 =	vld.idx.msk [tilespmem:v17+s21+$0x0], $0xffff;
	v22 =	vmul.bf16 v49, v48;
	v13 =	vadd.bf16 v13, v15;
	v24 =	vmul.bf16 v36, v24  }
0x2b5: {  	v15 =	vld.idx.msk [tilespmem:v17+s17+$0x0], $0xffff  }
0x2b6: {  	v56 =	vld.idx.msk [tilespmem:v16+s17+$0x0], $0xffff;
	v20 =	vmul.bf16 v51, v50;
	v22 =	vmul.bf16 v35, v22;
	v13 =	vadd.bf16 v24, v13  }
0x2b7: {  	v57 =	vld.idx.msk [tilespmem:v16+s21+$0x0], $0xffff  }
0x2b8: {  	v18 =	vmul.bf16 v54, v53;
	v20 =	vmul.bf16 v34, v20;
	v58 =	vld.idx.msk [tilespmem:v21+s17+$0x0], $0xffff;
	v13 =	vadd.bf16 v22, v13  }
0x2b9: {  	v59 =	vld.idx.msk [tilespmem:v21+s21+$0x0], $0xffff  }
0x2ba: {  	v60 =	vld.idx.msk [tilespmem:v14+s21+$0x0], $0xffff;
	v18 =	vmul.bf16 v33, v18;
	v15 =	vmul.bf16 v55, v15;
	v13 =	vadd.bf16 v20, v13  }
0x2bb: {  	v61 =	vld.idx.msk [tilespmem:v21+s19+$0x0], $0xffff  }
0x2bc: {  	v16 =	vmul.bf16 v57, v56;
	v15 =	vmul.bf16 v32, v15;
	v13 =	vadd.bf16 v18, v13  }
0x2bd: {  	v14 =	vld.idx.msk [tilespmem:v14+s19+$0x0], $0xffff  }
0x2be: {  	v62 =	vmul.bf16 v59, v58;
	v13 =	vadd.bf16 v15, v13;
	v15 =	vmul.bf16 v31, v16;
	_ =	sdelay $0x1  }
0x2bf: {  	v63 =	vmul.bf16 v60, v19;
	v13 =	vadd.bf16 v15, v13;
	v15 =	vmul.bf16 v61, v62;
	_ =	sdelay $0x1  }
0x2c0: {  	v14 =	vmul.bf16 v14, v63;
	v13 =	vadd.bf16 v15, v13;
	_ =	sdelay $0x1  }
0x2c1: {  	v13 =	vadd.bf16 v14, v13;
	_ =	sdelay $0x1  }
0x2c2: {  	v14 =	vshll.u32 v13, $0x10;
	v13 =	vand.u32 $0xFFFF0000, v13  }
0x2c3: {  	v13 =	vadd.f32 v13, v14;
	_ =	sdelay $0x1  }
0x2c4: {  	v13 =	vsub.f32 $0.0e+00, v13;
	_ =	sdelay $0x1  }
0x2c5: {  	v13 =	vmul.f32 $1.442695020e+00, v13;
	_ =	sdelay $0x1  }
0x2c6: {  	(erf) = vpow2.f32 v13;
	_ =	sdelay $0x8  }
0x2c7: {  	v13 =	vpop (erf)  }
0x2c8: {  	v13 =	vadd.f32 $1.000000000e+00, v13;
	_ =	sdelay $0x1  }
0x2c9: {  	(erf) = vrcp.f32 v13;
	_ =	sdelay $0x5  }
.Ltmp11:
0x2ca: {  	_ = 	snop;
	(pc) =	sbr.rel .LBB2_17-.Ltmp11, $3  }
0x2cb: {  	_ =	sdelay $0x1  }
0x2cc: {  	v13 =	vpop (erf)  }
0x2cd: {  	[tilespmem:s5+$0x18FB0] =	vst v13  }
.LBB2_3:
0x2ce: {  	s20 =	sor.u32 $0x1, s2  }
.LBB2_17:
0x2cf: {  	p2 =	sge.u32 s20, s4  }
.Ltmp12:
0x2d0: {  	_ = 	snop;
	(pc) =	sbr.rel @p2 .LBB2_31-.Ltmp12, $1  }
0x2d1: {  	_ =	sdelay $0x3  }
0x2d2: {  	_ =	swait.ge [sflag:s25], $0x3000  }
0x2d3: {  	[sflag:s25] =	ssyncset.done $0x0  }
0x2d4: {  	[sflag:s25] =	ssyncadd.s32 $0xFFFFD000  }
0x2d5: {  	_ =	swait.ge [sflag:s26], $0x3000  }
0x2d6: {  	s2 =	sadd.s32 $0x2, s2;
	s8 =	simm.s32 $0x7;
	[sflag:s26] =	ssyncset.done $0x0  }
0x2d7: {  	s9 =	simm.s32 $0x5;
	s10 =	simm.s32 $0x4;
	[sflag:s26] =	ssyncadd.s32 $0xFFFFD000  }
0x2d8: {  	s11 =	simm.s32 $0x3;
	p2 =	sge.u32 s2, s4;
	_ =	swait.ge [sflag:s28], $0x3000  }
0x2d9: {  	v13 =	vadd.s32 s8, v0;
	s8 =	simm.s32 $0x2;
	s2 =	smul.u32 @!p2 $0x60, s2;
	[sflag:s28] =	ssyncset.done $0x0  }
0x2da: {  	v14 =	vadd.s32 s9, v0;
	s5 =	simm.s32 @!p2 $0x60;
	s6 =	simm.s32 @!p2 $0x6F60;
	v13 =	vand.u32 $0x7F, v13;
	[sflag:s28] =	ssyncadd.s32 $0xFFFFD000  }
0x2db: {  	v15 =	vadd.s32 s10, v0;
	v14 =	vand.u32 $0x7F, v14;
	v19 =	vor.u32 v1, v13;
	[tilespmem:s6], [sflag:$0x1] =	stream.indirect.gather @!p2 [hbm4b:s3+s5], $0x80, s2, s5, $0xb8;
	[tilespmem:$0x1D3C0] =	vst v63  }
0x2dc: {  	s9 =	simm.s32 $0x1;
	s7 =	simm.s32 @!p2 $0xCF60;
	v15 =	vand.u32 $0x7F, v15;
	v13 =	vadd.s32 s11, v0;
	v16 =	vor.u32 v1, v14;
	s6 =	sadd.s32 @!p2 $0x2520, s2  }
0x2dd: {  	v14 =	vadd.s32 s8, v0;
	v17 =	vor.u32 v1, v15;
	v13 =	vand.u32 $0x7F, v13;
	[tilespmem:s7], [sflag:$0x3] =	stream.indirect.gather @!p2 [hbm4b:s3+s5], $0x80, s6, s5, $0xb8;
	[tilespmem:$0x1D3C0] =	vst v63  }
0x2de: {  	s8 =	simm.s32 $0x0;
	v15 =	vadd.s32 s9, v0;
	v14 =	vand.u32 $0x7F, v14;
	v18 =	vor.u32 v1, v13;
	s2 =	sadd.s32 @!p2 $0x4A40, s2;
	s6 =	simm.s32 @!p2 $0x12F60  }
0x2df: {  	v15 =	vand.u32 $0x7F, v15;
	v13 =	vadd.s32 s8, v0;
	v14 =	vor.u32 v1, v14;
	[tilespmem:s6], [sflag:$0x5] =	stream.indirect.gather @!p2 [spmem:s1], $0x80, s2, s5, $0xb8;
	[tilespmem:$0x1D3C0] =	vst v63  }
0x2e0: {  	v21 =	vor.u32 v1, v15;
	v20 =	vand.u32 $0x78, v13;
	v13 =	vld.idx.msk [tilespmem:v19+s29+$0x0], $0xffff  }
0x2e1: {  	v20 =	vor.u32 v2, v20;
	v15 =	vld.idx.msk [tilespmem:v16+s30+$0x0], $0xffff  }
0x2e2: {  	v29 =	vld.idx.msk [tilespmem:v17+s30+$0x0], $0xffff  }
0x2e3: {  	v22 =	vld.idx.msk [tilespmem:v18+s30+$0x0], $0xffff  }
0x2e4: {  	v23 =	vld.idx.msk [tilespmem:v14+s30+$0x0], $0xffff  }
0x2e5: {  	v24 =	vld.idx.msk [tilespmem:v21+s30+$0x0], $0xffff  }
0x2e6: {  	v25 =	vld.idx.msk [tilespmem:v20+s30+$0x0], $0xffff  }
0x2e7: {  	v26 =	vld.idx.msk [tilespmem:v20+s29+$0x0], $0xffff  }
0x2e8: {  	v20 =	vld.idx.msk [tilespmem:v20+s31+$0x0], $0xffff  }
0x2e9: {  	v27 =	vld.idx.msk [tilespmem:v21+s29+$0x0], $0xffff  }
0x2ea: {  	v21 =	vld.idx.msk [tilespmem:v21+s31+$0x0], $0xffff  }
0x2eb: {  	s11 =	simm.s32 $0xD;
	s9 =	simm.s32 $0xA;
	v28 =	vld.idx.msk [tilespmem:v14+s29+$0x0], $0xffff  }
0x2ec: {  	v30 =	vimm.bf16 $0.0e+00;
	s10 =	simm.s32 $0x6;
	v33 =	vadd.s32 s11, v0;
	s11 =	simm.s32 $0x8;
	v37 =	vadd.s32 s9, v0;
	v32 =	vld.idx.msk [tilespmem:v14+s31+$0x0], $0xffff  }
0x2ed: {  	v40 =	vadd.s32 s11, v0;
	v59 =	vand.u32 $0x7F, v37;
	s2 =	simm.s32 $0xF;
	v14 =	vadd.s32 s10, v0;
	v34 =	vld.idx.msk [tilespmem:v18+s29+$0x0], $0xffff  }
0x2ee: {  	s8 =	simm.s32 $0x9;
	v31 =	vadd.s32 s2, v0;
	v18 =	vld.idx.msk [tilespmem:v18+s31+$0x0], $0xffff;
	v14 =	vand.u32 $0x7F, v14;
	v20 =	vmul.bf16 v20, v26  }
0x2ef: {  	v36 =	vadd.s32 s8, v0;
	v39 =	vld.idx.msk [tilespmem:v17+s29+$0x0], $0xffff;
	v31 =	vand.u32 $0x7F, v31;
	v26 =	vor.u32 v1, v14  }
0x2f0: {  	s7 =	simm.s32 $0xC;
	s10 =	simm.s32 $0xB;
	v21 =	vmul.bf16 v21, v27;
	v14 =	vor.u32 v1, v31;
	v31 =	vld.idx.msk [tilespmem:v16+s29+$0x0], $0xffff;
	v20 =	vmul.bf16 v25, v20  }
0x2f1: {  	v35 =	vadd.s32 s7, v0;
	v38 =	vadd.s32 s10, v0;
	v28 =	vmul.bf16 v32, v28;
	v25 =	vld.idx.msk [tilespmem:v17+s31+$0x0], $0xffff  }
0x2f2: {  	v27 =	vand.u32 $0x7F, v33;
	v24 =	vmul.bf16 v24, v21;
	v20 =	vadd.bf16 v20, v30;
	v30 =	vld.idx.msk [tilespmem:v16+s31+$0x0], $0xffff  }
0x2f3: {  	v60 =	vand.u32 $0x7F, v38;
	v16 =	vor.u32 v1, v27;
	v27 =	vmul.bf16 v23, v28;
	v23 =	vld.idx.msk [tilespmem:v19+s31+$0x0], $0xffff  }
0x2f4: {  	v17 =	vand.u32 $0x7F, v35;
	v28 =	vmul.bf16 v18, v34;
	v21 =	vld.idx.msk [tilespmem:v26+s29+$0x0], $0xffff;
	v20 =	vadd.bf16 v24, v20  }
0x2f5: {  	v61 =	vand.u32 $0x7F, v36;
	v17 =	vor.u32 v1, v17;
	v18 =	vor.u32 v1, v60;
	v24 =	vld.idx.msk [tilespmem:v26+s31+$0x0], $0xffff  }
0x2f6: {  	v28 =	vmul.bf16 v22, v28;
	v26 =	vld.idx.msk [tilespmem:v26+s30+$0x0], $0xffff;
	v63 =	vmul.bf16 v25, v39;
	v62 =	vadd.bf16 v27, v20  }
0x2f7: {  	v22 =	vor.u32 v1, v61;
	v25 =	vld.idx.msk [tilespmem:v19+s30+$0x0], $0xffff;
	v27 =	vand.u32 $0x78, v40;
	v20 =	vor.u32 v1, v59  }
0x2f8: {  	s5 =	simm.s32 $0x17;
	v19 =	vld.idx.msk [tilespmem:v14+s29+$0x0], $0xffff;
	v29 =	vmul.bf16 v29, v63;
	v30 =	vmul.bf16 v30, v31;
	v28 =	vadd.bf16 v28, v62  }
.LBB2_19:
0x2f9: {  	p2 =	sne.s32 s5, $0x7F;
	v27 =	vor.u32 v2, v27;
	v31 =	vld.idx.msk [tilespmem:v16+s30+$0x0], $0xffff  }
0x2fa: {  	v21 =	vmul.bf16 v24, v21;
	v32 =	vld.idx.msk [tilespmem:v17+s30+$0x0], $0xffff;
	v28 =	vadd.bf16 v29, v28;
	v15 =	vmul.bf16 v15, v30  }
0x2fb: {  	v29 =	vld.idx.msk [tilespmem:v18+s30+$0x0], $0xffff  }
0x2fc: {  	v21 =	vmul.bf16 v26, v21;
	v24 =	vld.idx.msk [tilespmem:v20+s30+$0x0], $0xffff;
	v30 =	vadd.bf16 v15, v28;
	v28 =	vmul.bf16 v23, v13  }
0x2fd: {  	v23 =	vld.idx.msk [tilespmem:v22+s30+$0x0], $0xffff  }
0x2fe: {  	v13 =	vmov v19;
	v26 =	vld.idx.msk [tilespmem:v27+s30+$0x0], $0xffff;
	v21 =	vadd.bf16 v21, v30;
	v25 =	vmul.bf16 v25, v28  }
0x2ff: {  	v15 =	vmov v31;
	v19 =	vld.idx.msk [tilespmem:v27+s29+$0x0], $0xffff  }
0x300: {  	v27 =	vld.idx.msk [tilespmem:v27+s31+$0x0], $0xffff;
	v21 =	vadd.bf16 v25, v21  }
0x301: {  	v25 =	vld.idx.msk [tilespmem:v22+s29+$0x0], $0xffff  }
0x302: {  	v22 =	vld.idx.msk [tilespmem:v22+s31+$0x0], $0xffff  }
0x303: {  	s6 =	sadd.s32 $0xFFFFFFFF, s2;
	s2 =	smov.u32 s5;
	v28 =	vld.idx.msk [tilespmem:v20+s29+$0x0], $0xffff  }
0x304: {  	s7 =	sadd.s32 $0xFFFFFFFE, s5;
	v30 =	vadd.s32 s5, v0;
	v31 =	vadd.s32 s6, v0;
	v20 =	vld.idx.msk [tilespmem:v20+s31+$0x0], $0xffff  }
0x305: {  	v33 =	vadd.s32 s7, v0;
	s6 =	sadd.s32 $0xFFFFFFFD, s5;
	v30 =	vand.u32 $0x7F, v30;
	v31 =	vand.u32 $0x7F, v31;
	v34 =	vld.idx.msk [tilespmem:v18+s29+$0x0], $0xffff  }
0x306: {  	s8 =	sadd.s32 $0xFFFFFFFB, s5;
	s9 =	sadd.s32 $0xFFFFFFFC, s5;
	s7 =	sadd.s32 $0xFFFFFFFA, s5;
	v35 =	vadd.s32 s6, v0;
	v19 =	vmul.bf16 v27, v19;
	v27 =	vor.u32 v1, v31;
	v18 =	vld.idx.msk [tilespmem:v18+s31+$0x0], $0xffff  }
0x307: {  	v36 =	vadd.s32 s8, v0;
	v37 =	vadd.s32 s9, v0;
	s6 =	sadd.s32 $0xFFFFFFF9, s5;
	v31 =	vadd.s32 s7, v0;
	v38 =	vld.idx.msk [tilespmem:v17+s29+$0x0], $0xffff  }
0x308: {  	v39 =	vadd.s32 s6, v0;
	v19 =	vmul.bf16 v26, v19;
	v22 =	vmul.bf16 v22, v25;
	v25 =	vld.idx.msk [tilespmem:v17+s31+$0x0], $0xffff  }
0x309: {  	v30 =	vor.u32 v1, v30;
	v26 =	vand.u32 $0x7F, v33;
	v17 =	vand.u32 $0x7F, v35;
	v33 =	vld.idx.msk [tilespmem:v16+s29+$0x0], $0xffff  }
0x30a: {  	v19 =	vadd.bf16 v19, v21;
	v22 =	vmul.bf16 v23, v22;
	v20 =	vmul.bf16 v20, v28;
	v35 =	vld.idx.msk [tilespmem:v16+s31+$0x0], $0xffff  }
0x30b: {  	v28 =	vand.u32 $0x7F, v36;
	v23 =	vand.u32 $0x7F, v37;
	v16 =	vor.u32 v1, v26;
	v21 =	vld.idx.msk [tilespmem:v27+s29+$0x0], $0xffff  }
.Ltmp13:
0x30c: {  	v19 =	vadd.bf16 v22, v19;
	v20 =	vmul.bf16 v24, v20;
	v22 =	vmul.bf16 v18, v34;
	v24 =	vld.idx.msk [tilespmem:v27+s31+$0x0], $0xffff;
	(pc) =	sbr.rel @p2 .LBB2_19-.Ltmp13, $4  }
0x30d: {  	v31 =	vand.u32 $0x7F, v31;
	v17 =	vor.u32 v1, v17;
	v18 =	vor.u32 v1, v23;
	v23 =	vld.idx.msk [tilespmem:v14+s31+$0x0], $0xffff  }
0x30e: {  	v34 =	vadd.bf16 v20, v19;
	v29 =	vmul.bf16 v29, v22;
	v36 =	vmul.bf16 v25, v38;
	v26 =	vld.idx.msk [tilespmem:v27+s30+$0x0], $0xffff  }
0x30f: {  	v22 =	vor.u32 v1, v31;
	v20 =	vor.u32 v1, v28;
	v27 =	vand.u32 $0x78, v39;
	v25 =	vld.idx.msk [tilespmem:v14+s30+$0x0], $0xffff;
	v14 =	vmovc v30  }
0x310: {  	s5 =	sadd.s32 $0x8, s5;
	v28 =	vadd.bf16 v29, v34;
	v29 =	vmul.bf16 v32, v36;
	v19 =	vld.idx.msk [tilespmem:v30+s29+$0x0], $0xffff;
	v30 =	vmul.bf16 v35, v33  }
0x311: {  	_ =	sdelay $0x3  }
0x312: {  	v27 =	vor.u32 v2, v27;
	v31 =	vld.idx.msk [tilespmem:v16+s30+$0x0], $0xffff  }
0x313: {  	v32 =	vld.idx.msk [tilespmem:v17+s30+$0x0], $0xffff  }
0x314: {  	v33 =	vld.idx.msk [tilespmem:v18+s30+$0x0], $0xffff  }
0x315: {  	v34 =	vld.idx.msk [tilespmem:v20+s30+$0x0], $0xffff  }
0x316: {  	v35 =	vld.idx.msk [tilespmem:v22+s30+$0x0], $0xffff  }
0x317: {  	v36 =	vld.idx.msk [tilespmem:v27+s30+$0x0], $0xffff  }
0x318: {  	v37 =	vld.idx.msk [tilespmem:v27+s29+$0x0], $0xffff  }
0x319: {  	v21 =	vmul.bf16 v24, v21;
	v28 =	vadd.bf16 v29, v28;
	v15 =	vmul.bf16 v15, v30;
	v24 =	vld.idx.msk [tilespmem:v27+s31+$0x0], $0xffff  }
0x31a: {  	v27 =	vld.idx.msk [tilespmem:v22+s29+$0x0], $0xffff  }
0x31b: {  	v21 =	vmul.bf16 v26, v21;
	v15 =	vadd.bf16 v15, v28;
	v22 =	vld.idx.msk [tilespmem:v22+s31+$0x0], $0xffff  }
0x31c: {  	s2 =	sadd.s32 $0xFFFFFFFF, s2;
	v13 =	vmul.bf16 v23, v13;
	v23 =	vld.idx.msk [tilespmem:v20+s29+$0x0], $0xffff  }
0x31d: {  	v20 =	vld.idx.msk [tilespmem:v20+s31+$0x0], $0xffff;
	v15 =	vadd.bf16 v21, v15;
	v21 =	vadd.s32 s2, v0  }
0x31e: {  	v13 =	vmul.bf16 v25, v13;
	v25 =	vld.idx.msk [tilespmem:v18+s29+$0x0], $0xffff;
	v21 =	vand.u32 $0x7F, v21;
	v24 =	vmul.bf16 v24, v37  }
0x31f: {  	v18 =	vld.idx.msk [tilespmem:v18+s31+$0x0], $0xffff;
	v21 =	vor.u32 v1, v21  }
0x320: {  	v13 =	vadd.bf16 v13, v15;
	v15 =	vld.idx.msk [tilespmem:v17+s29+$0x0], $0xffff;
	v22 =	vmul.bf16 v22, v27;
	v24 =	vmul.bf16 v36, v24  }
0x321: {  	v17 =	vld.idx.msk [tilespmem:v17+s31+$0x0], $0xffff  }
0x322: {  	v26 =	vld.idx.msk [tilespmem:v16+s29+$0x0], $0xffff;
	v20 =	vmul.bf16 v20, v23;
	v22 =	vmul.bf16 v35, v22;
	v13 =	vadd.bf16 v24, v13  }
0x323: {  	v16 =	vld.idx.msk [tilespmem:v16+s31+$0x0], $0xffff  }
0x324: {  	v20 =	vmul.bf16 v34, v20;
	v18 =	vmul.bf16 v18, v25;
	v23 =	vld.idx.msk [tilespmem:v21+s29+$0x0], $0xffff;
	v13 =	vadd.bf16 v22, v13  }
0x325: {  	v22 =	vld.idx.msk [tilespmem:v21+s31+$0x0], $0xffff  }
0x326: {  	v18 =	vmul.bf16 v33, v18;
	v15 =	vmul.bf16 v17, v15;
	v17 =	vld.idx.msk [tilespmem:v21+s30+$0x0], $0xffff;
	v13 =	vadd.bf16 v20, v13  }
0x327: {  	v24 =	vld.idx.msk [tilespmem:v14+s31+$0x0], $0xffff  }
0x328: {  	v16 =	vmul.bf16 v16, v26;
	v15 =	vmul.bf16 v32, v15;
	v13 =	vadd.bf16 v18, v13  }
0x329: {  	v14 =	vld.idx.msk [tilespmem:v14+s30+$0x0], $0xffff  }
0x32a: {  	v13 =	vadd.bf16 v15, v13;
	v15 =	vmul.bf16 v31, v16;
	v16 =	vmul.bf16 v22, v23;
	_ =	sdelay $0x1  }
0x32b: {  	v13 =	vadd.bf16 v15, v13;
	v15 =	vmul.bf16 v17, v16;
	v16 =	vmul.bf16 v24, v19;
	_ =	sdelay $0x1  }
0x32c: {  	v13 =	vadd.bf16 v15, v13;
	v14 =	vmul.bf16 v14, v16;
	_ =	sdelay $0x1  }
0x32d: {  	v13 =	vadd.bf16 v14, v13;
	_ =	sdelay $0x1  }
0x32e: {  	v14 =	vshll.u32 v13, $0x10;
	v13 =	vand.u32 $0xFFFF0000, v13  }
0x32f: {  	v13 =	vadd.f32 v13, v14;
	_ =	sdelay $0x1  }
0x330: {  	v13 =	vsub.f32 $0.0e+00, v13;
	_ =	sdelay $0x1  }
0x331: {  	v13 =	vmul.f32 $1.442695020e+00, v13;
	_ =	sdelay $0x1  }
0x332: {  	(erf) = vpow2.f32 v13;
	_ =	sdelay $0x8  }
0x333: {  	v13 =	vpop (erf)  }
0x334: {  	v13 =	vadd.f32 $1.000000000e+00, v13;
	_ =	sdelay $0x1  }
0x335: {  	(erf) = vrcp.f32 v13;
	_ =	sdelay $0x2  }
0x336: {  	s9 =	simm.s32 $0x7  }
0x337: {  	s5 =	simm.s32 $0x5;
	s10 =	simm.s32 $0x4;
	v13 =	vadd.s32 s9, v0  }
0x338: {  	v15 =	vadd.s32 s10, v0;
	v14 =	vadd.s32 s5, v0;
	v13 =	vand.u32 $0x7F, v13  }
0x339: {  	s6 =	simm.s32 $0x2;
	v15 =	vand.u32 $0x7F, v15;
	v14 =	vand.u32 $0x7F, v14;
	v19 =	vor.u32 v4, v13  }
0x33a: {  	s11 =	simm.s32 $0x3;
	s20 =	smul.u32 $0x180, s20;
	v16 =	vor.u32 v4, v14;
	v14 =	vadd.s32 s6, v0  }
0x33b: {  	v17 =	vor.u32 v4, v15;
	v14 =	vand.u32 $0x7F, v14;
	v13 =	vadd.s32 s11, v0  }
0x33c: {  	s7 =	simm.s32 $0x1;
	s8 =	simm.s32 $0x0;
	s2 =	sshra.s32 s20, $0x2;
	v14 =	vor.u32 v4, v14;
	v13 =	vand.u32 $0x7F, v13;
	v15 =	vpop (erf)  }
0x33d: {  	v18 =	vadd.s32 s7, v0;
	v20 =	vor.u32 v4, v13;
	v13 =	vadd.s32 s8, v0;
	[tilespmem:s2+$0x18F60] =	vst v15  }
0x33e: {  	v15 =	vand.u32 $0x7F, v18;
	v18 =	vand.u32 $0x78, v13;
	v13 =	vld.idx.msk [tilespmem:v19+s29+$0x0], $0xffff  }
0x33f: {  	v21 =	vor.u32 v4, v15;
	v15 =	vld.idx.msk [tilespmem:v16+s30+$0x0], $0xffff  }
0x340: {  	v18 =	vor.u32 v3, v18;
	v29 =	vld.idx.msk [tilespmem:v17+s30+$0x0], $0xffff  }
0x341: {  	v23 =	vld.idx.msk [tilespmem:v14+s30+$0x0], $0xffff  }
0x342: {  	v28 =	vld.idx.msk [tilespmem:v14+s29+$0x0], $0xffff  }
0x343: {  	v53 =	vld.idx.msk [tilespmem:v14+s31+$0x0], $0xffff  }
0x344: {  	v24 =	vld.idx.msk [tilespmem:v21+s30+$0x0], $0xffff  }
0x345: {  	v25 =	vld.idx.msk [tilespmem:v18+s30+$0x0], $0xffff  }
0x346: {  	v26 =	vld.idx.msk [tilespmem:v18+s29+$0x0], $0xffff  }
0x347: {  	v18 =	vld.idx.msk [tilespmem:v18+s31+$0x0], $0xffff  }
0x348: {  	v27 =	vld.idx.msk [tilespmem:v21+s29+$0x0], $0xffff  }
0x349: {  	s20 =	simm.s32 $0x8;
	s7 =	simm.s32 $0xD;
	v21 =	vld.idx.msk [tilespmem:v21+s31+$0x0], $0xffff  }
0x34a: {  	v30 =	vimm.bf16 $0.0e+00;
	v40 =	vadd.s32 s20, v0;
	v54 =	vadd.s32 s7, v0;
	s10 =	simm.s32 $0xC;
	s9 =	simm.s32 $0x6;
	v22 =	vld.idx.msk [tilespmem:v20+s30+$0x0], $0xffff  }
0x34b: {  	v56 =	vadd.s32 s10, v0;
	s5 =	simm.s32 $0xF;
	v14 =	vadd.s32 s9, v0;
	v55 =	vld.idx.msk [tilespmem:v20+s29+$0x0], $0xffff;
	v28 =	vmul.bf16 v53, v28  }
0x34c: {  	v31 =	vadd.s32 s5, v0;
	s11 =	simm.s32 $0x9;
	v20 =	vld.idx.msk [tilespmem:v20+s31+$0x0], $0xffff;
	v14 =	vand.u32 $0x7F, v14;
	v18 =	vmul.bf16 v18, v26  }
0x34d: {  	v57 =	vadd.s32 s11, v0;
	s8 =	simm.s32 $0xA;
	v39 =	vld.idx.msk [tilespmem:v17+s29+$0x0], $0xffff;
	v28 =	vmul.bf16 v23, v28;
	v26 =	vor.u32 v4, v14  }
0x34e: {  	v58 =	vadd.s32 s8, v0;
	v23 =	vld.idx.msk [tilespmem:v19+s31+$0x0], $0xffff;
	v21 =	vmul.bf16 v21, v27;
	v18 =	vmul.bf16 v25, v18  }
0x34f: {  	v31 =	vand.u32 $0x7F, v31;
	v61 =	vand.u32 $0x7F, v57;
	v59 =	vand.u32 $0x7F, v58;
	v25 =	vld.idx.msk [tilespmem:v17+s31+$0x0], $0xffff  }
0x350: {  	s9 =	simm.s32 $0xB;
	v14 =	vor.u32 v4, v31;
	v31 =	vld.idx.msk [tilespmem:v16+s29+$0x0], $0xffff;
	v24 =	vmul.bf16 v24, v21;
	v18 =	vadd.bf16 v18, v30  }
0x351: {  	v38 =	vadd.s32 s9, v0;
	v20 =	vmul.bf16 v20, v55;
	v27 =	vand.u32 $0x7F, v54;
	v30 =	vld.idx.msk [tilespmem:v16+s31+$0x0], $0xffff  }
0x352: {  	v17 =	vand.u32 $0x7F, v56;
	v16 =	vor.u32 v4, v27;
	v21 =	vld.idx.msk [tilespmem:v26+s29+$0x0], $0xffff;
	v27 =	vadd.bf16 v24, v18  }
0x353: {  	v60 =	vand.u32 $0x7F, v38;
	v62 =	vmul.bf16 v22, v20;
	v17 =	vor.u32 v4, v17;
	v24 =	vld.idx.msk [tilespmem:v26+s31+$0x0], $0xffff  }
0x354: {  	v18 =	vor.u32 v4, v60;
	v26 =	vld.idx.msk [tilespmem:v26+s30+$0x0], $0xffff;
	v63 =	vmul.bf16 v25, v39;
	v28 =	vadd.bf16 v28, v27  }
0x355: {  	v22 =	vor.u32 v4, v61;
	v20 =	vor.u32 v4, v59;
	v25 =	vld.idx.msk [tilespmem:v19+s30+$0x0], $0xffff;
	v27 =	vand.u32 $0x78, v40  }
0x356: {  	s6 =	simm.s32 $0x17;
	v19 =	vld.idx.msk [tilespmem:v14+s29+$0x0], $0xffff;
	v29 =	vmul.bf16 v29, v63;
	v30 =	vmul.bf16 v30, v31;
	v28 =	vadd.bf16 v62, v28  }
.LBB2_21:
0x357: {  	p2 =	sne.s32 s6, $0x7F;
	v27 =	vor.u32 v3, v27;
	v31 =	vld.idx.msk [tilespmem:v16+s30+$0x0], $0xffff  }
0x358: {  	v21 =	vmul.bf16 v24, v21;
	v32 =	vld.idx.msk [tilespmem:v17+s30+$0x0], $0xffff;
	v28 =	vadd.bf16 v29, v28;
	v15 =	vmul.bf16 v15, v30  }
0x359: {  	v29 =	vld.idx.msk [tilespmem:v18+s30+$0x0], $0xffff  }
0x35a: {  	v21 =	vmul.bf16 v26, v21;
	v24 =	vld.idx.msk [tilespmem:v20+s30+$0x0], $0xffff;
	v30 =	vadd.bf16 v15, v28;
	v28 =	vmul.bf16 v23, v13  }
0x35b: {  	v23 =	vld.idx.msk [tilespmem:v22+s30+$0x0], $0xffff  }
0x35c: {  	v13 =	vmov v19;
	v26 =	vld.idx.msk [tilespmem:v27+s30+$0x0], $0xffff;
	v21 =	vadd.bf16 v21, v30;
	v25 =	vmul.bf16 v25, v28  }
0x35d: {  	v15 =	vmov v31;
	v19 =	vld.idx.msk [tilespmem:v27+s29+$0x0], $0xffff  }
0x35e: {  	v27 =	vld.idx.msk [tilespmem:v27+s31+$0x0], $0xffff;
	v21 =	vadd.bf16 v25, v21  }
0x35f: {  	v25 =	vld.idx.msk [tilespmem:v22+s29+$0x0], $0xffff  }
0x360: {  	v22 =	vld.idx.msk [tilespmem:v22+s31+$0x0], $0xffff  }
0x361: {  	s7 =	sadd.s32 $0xFFFFFFFF, s5;
	s5 =	smov.u32 s6;
	v28 =	vld.idx.msk [tilespmem:v20+s29+$0x0], $0xffff  }
0x362: {  	s8 =	sadd.s32 $0xFFFFFFFE, s6;
	v30 =	vadd.s32 s6, v0;
	v31 =	vadd.s32 s7, v0;
	v20 =	vld.idx.msk [tilespmem:v20+s31+$0x0], $0xffff  }
0x363: {  	v33 =	vadd.s32 s8, v0;
	s7 =	sadd.s32 $0xFFFFFFFD, s6;
	v30 =	vand.u32 $0x7F, v30;
	v31 =	vand.u32 $0x7F, v31;
	v34 =	vld.idx.msk [tilespmem:v18+s29+$0x0], $0xffff  }
0x364: {  	s9 =	sadd.s32 $0xFFFFFFFB, s6;
	s10 =	sadd.s32 $0xFFFFFFFC, s6;
	s8 =	sadd.s32 $0xFFFFFFFA, s6;
	v35 =	vadd.s32 s7, v0;
	v19 =	vmul.bf16 v27, v19;
	v27 =	vor.u32 v4, v31;
	v18 =	vld.idx.msk [tilespmem:v18+s31+$0x0], $0xffff  }
0x365: {  	v36 =	vadd.s32 s9, v0;
	v37 =	vadd.s32 s10, v0;
	s7 =	sadd.s32 $0xFFFFFFF9, s6;
	v31 =	vadd.s32 s8, v0;
	v38 =	vld.idx.msk [tilespmem:v17+s29+$0x0], $0xffff  }
0x366: {  	v39 =	vadd.s32 s7, v0;
	v19 =	vmul.bf16 v26, v19;
	v22 =	vmul.bf16 v22, v25;
	v25 =	vld.idx.msk [tilespmem:v17+s31+$0x0], $0xffff  }
0x367: {  	v30 =	vor.u32 v4, v30;
	v26 =	vand.u32 $0x7F, v33;
	v17 =	vand.u32 $0x7F, v35;
	v33 =	vld.idx.msk [tilespmem:v16+s29+$0x0], $0xffff  }
0x368: {  	v19 =	vadd.bf16 v19, v21;
	v22 =	vmul.bf16 v23, v22;
	v20 =	vmul.bf16 v20, v28;
	v35 =	vld.idx.msk [tilespmem:v16+s31+$0x0], $0xffff  }
0x369: {  	v28 =	vand.u32 $0x7F, v36;
	v23 =	vand.u32 $0x7F, v37;
	v16 =	vor.u32 v4, v26;
	v21 =	vld.idx.msk [tilespmem:v27+s29+$0x0], $0xffff  }
.Ltmp14:
0x36a: {  	v19 =	vadd.bf16 v22, v19;
	v20 =	vmul.bf16 v24, v20;
	v22 =	vmul.bf16 v18, v34;
	v24 =	vld.idx.msk [tilespmem:v27+s31+$0x0], $0xffff;
	(pc) =	sbr.rel @p2 .LBB2_21-.Ltmp14, $4  }
0x36b: {  	v31 =	vand.u32 $0x7F, v31;
	v17 =	vor.u32 v4, v17;
	v18 =	vor.u32 v4, v23;
	v23 =	vld.idx.msk [tilespmem:v14+s31+$0x0], $0xffff  }
0x36c: {  	v34 =	vadd.bf16 v20, v19;
	v29 =	vmul.bf16 v29, v22;
	v36 =	vmul.bf16 v25, v38;
	v26 =	vld.idx.msk [tilespmem:v27+s30+$0x0], $0xffff  }
0x36d: {  	v22 =	vor.u32 v4, v31;
	v20 =	vor.u32 v4, v28;
	v27 =	vand.u32 $0x78, v39;
	v25 =	vld.idx.msk [tilespmem:v14+s30+$0x0], $0xffff;
	v14 =	vmovc v30  }
0x36e: {  	s6 =	sadd.s32 $0x8, s6;
	v28 =	vadd.bf16 v29, v34;
	v29 =	vmul.bf16 v32, v36;
	v19 =	vld.idx.msk [tilespmem:v30+s29+$0x0], $0xffff;
	v30 =	vmul.bf16 v35, v33  }
0x36f: {  	_ =	sdelay $0x3  }
0x370: {  	v27 =	vor.u32 v3, v27;
	v31 =	vld.idx.msk [tilespmem:v16+s30+$0x0], $0xffff  }
0x371: {  	v32 =	vld.idx.msk [tilespmem:v17+s30+$0x0], $0xffff  }
0x372: {  	v33 =	vld.idx.msk [tilespmem:v18+s30+$0x0], $0xffff  }
0x373: {  	v34 =	vld.idx.msk [tilespmem:v20+s30+$0x0], $0xffff  }
0x374: {  	v35 =	vld.idx.msk [tilespmem:v22+s30+$0x0], $0xffff  }
0x375: {  	v36 =	vld.idx.msk [tilespmem:v27+s30+$0x0], $0xffff  }
0x376: {  	v37 =	vld.idx.msk [tilespmem:v27+s29+$0x0], $0xffff  }
0x377: {  	v21 =	vmul.bf16 v24, v21;
	v28 =	vadd.bf16 v29, v28;
	v15 =	vmul.bf16 v15, v30;
	v24 =	vld.idx.msk [tilespmem:v27+s31+$0x0], $0xffff  }
0x378: {  	v27 =	vld.idx.msk [tilespmem:v22+s29+$0x0], $0xffff  }
0x379: {  	v21 =	vmul.bf16 v26, v21;
	v15 =	vadd.bf16 v15, v28;
	v22 =	vld.idx.msk [tilespmem:v22+s31+$0x0], $0xffff  }
0x37a: {  	s5 =	sadd.s32 $0xFFFFFFFF, s5;
	v13 =	vmul.bf16 v23, v13;
	v23 =	vld.idx.msk [tilespmem:v20+s29+$0x0], $0xffff  }
0x37b: {  	v20 =	vld.idx.msk [tilespmem:v20+s31+$0x0], $0xffff;
	v15 =	vadd.bf16 v21, v15;
	v21 =	vadd.s32 s5, v0  }
0x37c: {  	v13 =	vmul.bf16 v25, v13;
	v25 =	vld.idx.msk [tilespmem:v18+s29+$0x0], $0xffff;
	v21 =	vand.u32 $0x7F, v21;
	v24 =	vmul.bf16 v24, v37  }
0x37d: {  	v18 =	vld.idx.msk [tilespmem:v18+s31+$0x0], $0xffff;
	v21 =	vor.u32 v4, v21  }
0x37e: {  	v13 =	vadd.bf16 v13, v15;
	v15 =	vld.idx.msk [tilespmem:v17+s29+$0x0], $0xffff;
	v22 =	vmul.bf16 v22, v27;
	v24 =	vmul.bf16 v36, v24  }
0x37f: {  	v17 =	vld.idx.msk [tilespmem:v17+s31+$0x0], $0xffff  }
0x380: {  	v26 =	vld.idx.msk [tilespmem:v16+s29+$0x0], $0xffff;
	v20 =	vmul.bf16 v20, v23;
	v22 =	vmul.bf16 v35, v22;
	v13 =	vadd.bf16 v24, v13  }
0x381: {  	v16 =	vld.idx.msk [tilespmem:v16+s31+$0x0], $0xffff  }
0x382: {  	v20 =	vmul.bf16 v34, v20;
	v18 =	vmul.bf16 v18, v25;
	v23 =	vld.idx.msk [tilespmem:v21+s29+$0x0], $0xffff;
	v13 =	vadd.bf16 v22, v13  }
0x383: {  	v22 =	vld.idx.msk [tilespmem:v21+s31+$0x0], $0xffff  }
0x384: {  	v18 =	vmul.bf16 v33, v18;
	v15 =	vmul.bf16 v17, v15;
	v17 =	vld.idx.msk [tilespmem:v21+s30+$0x0], $0xffff;
	v13 =	vadd.bf16 v20, v13  }
0x385: {  	v24 =	vld.idx.msk [tilespmem:v14+s31+$0x0], $0xffff  }
0x386: {  	v16 =	vmul.bf16 v16, v26;
	v15 =	vmul.bf16 v32, v15;
	v13 =	vadd.bf16 v18, v13  }
0x387: {  	v14 =	vld.idx.msk [tilespmem:v14+s30+$0x0], $0xffff  }
0x388: {  	v13 =	vadd.bf16 v15, v13;
	v15 =	vmul.bf16 v31, v16;
	v16 =	vmul.bf16 v22, v23;
	_ =	sdelay $0x1  }
0x389: {  	v13 =	vadd.bf16 v15, v13;
	v15 =	vmul.bf16 v17, v16;
	v16 =	vmul.bf16 v24, v19;
	_ =	sdelay $0x1  }
0x38a: {  	v13 =	vadd.bf16 v15, v13;
	v14 =	vmul.bf16 v14, v16;
	_ =	sdelay $0x1  }
0x38b: {  	v13 =	vadd.bf16 v14, v13;
	_ =	sdelay $0x1  }
0x38c: {  	v14 =	vshll.u32 v13, $0x10;
	v13 =	vand.u32 $0xFFFF0000, v13  }
0x38d: {  	v13 =	vadd.f32 v13, v14;
	_ =	sdelay $0x1  }
0x38e: {  	v13 =	vsub.f32 $0.0e+00, v13;
	_ =	sdelay $0x1  }
0x38f: {  	v13 =	vmul.f32 $1.442695020e+00, v13;
	_ =	sdelay $0x1  }
0x390: {  	(erf) = vpow2.f32 v13;
	_ =	sdelay $0x8  }
0x391: {  	v13 =	vpop (erf)  }
0x392: {  	v13 =	vadd.f32 $1.000000000e+00, v13;
	_ =	sdelay $0x1  }
0x393: {  	(erf) = vrcp.f32 v13;
	_ =	sdelay $0x2  }
0x394: {  	s9 =	simm.s32 $0x7  }
0x395: {  	s6 =	simm.s32 $0x5;
	s10 =	simm.s32 $0x4;
	v13 =	vadd.s32 s9, v0  }
0x396: {  	v15 =	vadd.s32 s10, v0;
	v14 =	vadd.s32 s6, v0;
	v13 =	vand.u32 $0x7F, v13  }
0x397: {  	s20 =	simm.s32 $0x2;
	v15 =	vand.u32 $0x7F, v15;
	v14 =	vand.u32 $0x7F, v14;
	v19 =	vor.u32 v6, v13  }
0x398: {  	s11 =	simm.s32 $0x3;
	v16 =	vor.u32 v6, v14;
	v14 =	vadd.s32 s20, v0  }
0x399: {  	v17 =	vor.u32 v6, v15;
	v14 =	vand.u32 $0x7F, v14;
	v13 =	vadd.s32 s11, v0  }
0x39a: {  	s7 =	simm.s32 $0x1;
	s8 =	simm.s32 $0x0;
	v14 =	vor.u32 v6, v14;
	v13 =	vand.u32 $0x7F, v13;
	v15 =	vpop (erf)  }
0x39b: {  	v18 =	vadd.s32 s7, v0;
	v20 =	vor.u32 v6, v13;
	v13 =	vadd.s32 s8, v0;
	[tilespmem:s2+$0x18F70] =	vst v15  }
0x39c: {  	v15 =	vand.u32 $0x7F, v18;
	v18 =	vand.u32 $0x78, v13;
	v13 =	vld.idx.msk [tilespmem:v19+s29+$0x0], $0xffff  }
0x39d: {  	v21 =	vor.u32 v6, v15;
	v15 =	vld.idx.msk [tilespmem:v16+s30+$0x0], $0xffff  }
0x39e: {  	v18 =	vor.u32 v5, v18;
	v29 =	vld.idx.msk [tilespmem:v17+s30+$0x0], $0xffff  }
0x39f: {  	v23 =	vld.idx.msk [tilespmem:v14+s30+$0x0], $0xffff  }
0x3a0: {  	v28 =	vld.idx.msk [tilespmem:v14+s29+$0x0], $0xffff  }
0x3a1: {  	v53 =	vld.idx.msk [tilespmem:v14+s31+$0x0], $0xffff  }
0x3a2: {  	v24 =	vld.idx.msk [tilespmem:v21+s30+$0x0], $0xffff  }
0x3a3: {  	v25 =	vld.idx.msk [tilespmem:v18+s30+$0x0], $0xffff  }
0x3a4: {  	v26 =	vld.idx.msk [tilespmem:v18+s29+$0x0], $0xffff  }
0x3a5: {  	v18 =	vld.idx.msk [tilespmem:v18+s31+$0x0], $0xffff  }
0x3a6: {  	v27 =	vld.idx.msk [tilespmem:v21+s29+$0x0], $0xffff  }
0x3a7: {  	s5 =	simm.s32 $0xF;
	s7 =	simm.s32 $0xD;
	v21 =	vld.idx.msk [tilespmem:v21+s31+$0x0], $0xffff  }
0x3a8: {  	v30 =	vimm.bf16 $0.0e+00;
	v54 =	vadd.s32 s7, v0;
	v31 =	vadd.s32 s5, v0;
	s9 =	simm.s32 $0x6;
	v22 =	vld.idx.msk [tilespmem:v20+s30+$0x0], $0xffff  }
0x3a9: {  	v31 =	vand.u32 $0x7F, v31;
	s10 =	simm.s32 $0xC;
	v14 =	vadd.s32 s9, v0;
	v55 =	vld.idx.msk [tilespmem:v20+s29+$0x0], $0xffff;
	v28 =	vmul.bf16 v53, v28  }
0x3aa: {  	v56 =	vadd.s32 s10, v0;
	s11 =	simm.s32 $0x9;
	v20 =	vld.idx.msk [tilespmem:v20+s31+$0x0], $0xffff;
	v14 =	vand.u32 $0x7F, v14;
	v18 =	vmul.bf16 v18, v26  }
0x3ab: {  	v57 =	vadd.s32 s11, v0;
	s8 =	simm.s32 $0xA;
	v39 =	vld.idx.msk [tilespmem:v17+s29+$0x0], $0xffff;
	v28 =	vmul.bf16 v23, v28;
	v26 =	vor.u32 v6, v14  }
0x3ac: {  	s20 =	simm.s32 $0x8;
	v58 =	vadd.s32 s8, v0;
	v23 =	vld.idx.msk [tilespmem:v19+s31+$0x0], $0xffff;
	v21 =	vmul.bf16 v21, v27;
	v18 =	vmul.bf16 v25, v18  }
0x3ad: {  	v40 =	vadd.s32 s20, v0;
	v61 =	vand.u32 $0x7F, v57;
	v59 =	vand.u32 $0x7F, v58;
	v25 =	vld.idx.msk [tilespmem:v17+s31+$0x0], $0xffff  }
0x3ae: {  	s9 =	simm.s32 $0xB;
	v14 =	vor.u32 v6, v31;
	v31 =	vld.idx.msk [tilespmem:v16+s29+$0x0], $0xffff;
	v24 =	vmul.bf16 v24, v21;
	v18 =	vadd.bf16 v18, v30  }
0x3af: {  	v38 =	vadd.s32 s9, v0;
	v20 =	vmul.bf16 v20, v55;
	v27 =	vand.u32 $0x7F, v54;
	v30 =	vld.idx.msk [tilespmem:v16+s31+$0x0], $0xffff  }
0x3b0: {  	v17 =	vand.u32 $0x7F, v56;
	v16 =	vor.u32 v6, v27;
	v21 =	vld.idx.msk [tilespmem:v26+s29+$0x0], $0xffff;
	v27 =	vadd.bf16 v24, v18  }
0x3b1: {  	v60 =	vand.u32 $0x7F, v38;
	v62 =	vmul.bf16 v22, v20;
	v17 =	vor.u32 v6, v17;
	v24 =	vld.idx.msk [tilespmem:v26+s31+$0x0], $0xffff  }
0x3b2: {  	v18 =	vor.u32 v6, v60;
	v26 =	vld.idx.msk [tilespmem:v26+s30+$0x0], $0xffff;
	v63 =	vmul.bf16 v25, v39;
	v28 =	vadd.bf16 v28, v27  }
0x3b3: {  	v22 =	vor.u32 v6, v61;
	v20 =	vor.u32 v6, v59;
	v25 =	vld.idx.msk [tilespmem:v19+s30+$0x0], $0xffff;
	v27 =	vand.u32 $0x78, v40  }
0x3b4: {  	s6 =	simm.s32 $0x17;
	v19 =	vld.idx.msk [tilespmem:v14+s29+$0x0], $0xffff;
	v29 =	vmul.bf16 v29, v63;
	v30 =	vmul.bf16 v30, v31;
	v28 =	vadd.bf16 v62, v28  }
.LBB2_23:
0x3b5: {  	p2 =	sne.s32 s6, $0x7F;
	v27 =	vor.u32 v5, v27;
	v31 =	vld.idx.msk [tilespmem:v16+s30+$0x0], $0xffff  }
0x3b6: {  	v21 =	vmul.bf16 v24, v21;
	v32 =	vld.idx.msk [tilespmem:v17+s30+$0x0], $0xffff;
	v28 =	vadd.bf16 v29, v28;
	v15 =	vmul.bf16 v15, v30  }
0x3b7: {  	v29 =	vld.idx.msk [tilespmem:v18+s30+$0x0], $0xffff  }
0x3b8: {  	v21 =	vmul.bf16 v26, v21;
	v24 =	vld.idx.msk [tilespmem:v20+s30+$0x0], $0xffff;
	v30 =	vadd.bf16 v15, v28;
	v28 =	vmul.bf16 v23, v13  }
0x3b9: {  	v23 =	vld.idx.msk [tilespmem:v22+s30+$0x0], $0xffff  }
0x3ba: {  	v13 =	vmov v19;
	v26 =	vld.idx.msk [tilespmem:v27+s30+$0x0], $0xffff;
	v21 =	vadd.bf16 v21, v30;
	v25 =	vmul.bf16 v25, v28  }
0x3bb: {  	v15 =	vmov v31;
	v19 =	vld.idx.msk [tilespmem:v27+s29+$0x0], $0xffff  }
0x3bc: {  	v27 =	vld.idx.msk [tilespmem:v27+s31+$0x0], $0xffff;
	v21 =	vadd.bf16 v25, v21  }
0x3bd: {  	v25 =	vld.idx.msk [tilespmem:v22+s29+$0x0], $0xffff  }
0x3be: {  	v22 =	vld.idx.msk [tilespmem:v22+s31+$0x0], $0xffff  }
0x3bf: {  	s7 =	sadd.s32 $0xFFFFFFFF, s5;
	s5 =	smov.u32 s6;
	v28 =	vld.idx.msk [tilespmem:v20+s29+$0x0], $0xffff  }
0x3c0: {  	s8 =	sadd.s32 $0xFFFFFFFE, s6;
	v30 =	vadd.s32 s6, v0;
	v31 =	vadd.s32 s7, v0;
	v20 =	vld.idx.msk [tilespmem:v20+s31+$0x0], $0xffff  }
0x3c1: {  	v33 =	vadd.s32 s8, v0;
	s7 =	sadd.s32 $0xFFFFFFFD, s6;
	v30 =	vand.u32 $0x7F, v30;
	v31 =	vand.u32 $0x7F, v31;
	v34 =	vld.idx.msk [tilespmem:v18+s29+$0x0], $0xffff  }
0x3c2: {  	s9 =	sadd.s32 $0xFFFFFFFB, s6;
	s10 =	sadd.s32 $0xFFFFFFFC, s6;
	s8 =	sadd.s32 $0xFFFFFFFA, s6;
	v35 =	vadd.s32 s7, v0;
	v19 =	vmul.bf16 v27, v19;
	v27 =	vor.u32 v6, v31;
	v18 =	vld.idx.msk [tilespmem:v18+s31+$0x0], $0xffff  }
0x3c3: {  	v36 =	vadd.s32 s9, v0;
	v37 =	vadd.s32 s10, v0;
	s7 =	sadd.s32 $0xFFFFFFF9, s6;
	v31 =	vadd.s32 s8, v0;
	v38 =	vld.idx.msk [tilespmem:v17+s29+$0x0], $0xffff  }
0x3c4: {  	v39 =	vadd.s32 s7, v0;
	v19 =	vmul.bf16 v26, v19;
	v22 =	vmul.bf16 v22, v25;
	v25 =	vld.idx.msk [tilespmem:v17+s31+$0x0], $0xffff  }
0x3c5: {  	v30 =	vor.u32 v6, v30;
	v26 =	vand.u32 $0x7F, v33;
	v17 =	vand.u32 $0x7F, v35;
	v33 =	vld.idx.msk [tilespmem:v16+s29+$0x0], $0xffff  }
0x3c6: {  	v19 =	vadd.bf16 v19, v21;
	v22 =	vmul.bf16 v23, v22;
	v20 =	vmul.bf16 v20, v28;
	v35 =	vld.idx.msk [tilespmem:v16+s31+$0x0], $0xffff  }
0x3c7: {  	v28 =	vand.u32 $0x7F, v36;
	v23 =	vand.u32 $0x7F, v37;
	v16 =	vor.u32 v6, v26;
	v21 =	vld.idx.msk [tilespmem:v27+s29+$0x0], $0xffff  }
.Ltmp15:
0x3c8: {  	v19 =	vadd.bf16 v22, v19;
	v20 =	vmul.bf16 v24, v20;
	v22 =	vmul.bf16 v18, v34;
	v24 =	vld.idx.msk [tilespmem:v27+s31+$0x0], $0xffff;
	(pc) =	sbr.rel @p2 .LBB2_23-.Ltmp15, $4  }
0x3c9: {  	v31 =	vand.u32 $0x7F, v31;
	v17 =	vor.u32 v6, v17;
	v18 =	vor.u32 v6, v23;
	v23 =	vld.idx.msk [tilespmem:v14+s31+$0x0], $0xffff  }
0x3ca: {  	v34 =	vadd.bf16 v20, v19;
	v29 =	vmul.bf16 v29, v22;
	v36 =	vmul.bf16 v25, v38;
	v26 =	vld.idx.msk [tilespmem:v27+s30+$0x0], $0xffff  }
0x3cb: {  	v22 =	vor.u32 v6, v31;
	v20 =	vor.u32 v6, v28;
	v27 =	vand.u32 $0x78, v39;
	v25 =	vld.idx.msk [tilespmem:v14+s30+$0x0], $0xffff;
	v14 =	vmovc v30  }
0x3cc: {  	s6 =	sadd.s32 $0x8, s6;
	v28 =	vadd.bf16 v29, v34;
	v29 =	vmul.bf16 v32, v36;
	v19 =	vld.idx.msk [tilespmem:v30+s29+$0x0], $0xffff;
	v30 =	vmul.bf16 v35, v33  }
0x3cd: {  	_ =	sdelay $0x3  }
0x3ce: {  	v27 =	vor.u32 v5, v27;
	v31 =	vld.idx.msk [tilespmem:v16+s30+$0x0], $0xffff  }
0x3cf: {  	v32 =	vld.idx.msk [tilespmem:v17+s30+$0x0], $0xffff  }
0x3d0: {  	v33 =	vld.idx.msk [tilespmem:v18+s30+$0x0], $0xffff  }
0x3d1: {  	v34 =	vld.idx.msk [tilespmem:v20+s30+$0x0], $0xffff  }
0x3d2: {  	v35 =	vld.idx.msk [tilespmem:v22+s30+$0x0], $0xffff  }
0x3d3: {  	v36 =	vld.idx.msk [tilespmem:v27+s30+$0x0], $0xffff  }
0x3d4: {  	v37 =	vld.idx.msk [tilespmem:v27+s29+$0x0], $0xffff  }
0x3d5: {  	v21 =	vmul.bf16 v24, v21;
	v28 =	vadd.bf16 v29, v28;
	v15 =	vmul.bf16 v15, v30;
	v24 =	vld.idx.msk [tilespmem:v27+s31+$0x0], $0xffff  }
0x3d6: {  	v27 =	vld.idx.msk [tilespmem:v22+s29+$0x0], $0xffff  }
0x3d7: {  	v21 =	vmul.bf16 v26, v21;
	v15 =	vadd.bf16 v15, v28;
	v22 =	vld.idx.msk [tilespmem:v22+s31+$0x0], $0xffff  }
0x3d8: {  	s5 =	sadd.s32 $0xFFFFFFFF, s5;
	v13 =	vmul.bf16 v23, v13;
	v23 =	vld.idx.msk [tilespmem:v20+s29+$0x0], $0xffff  }
0x3d9: {  	v20 =	vld.idx.msk [tilespmem:v20+s31+$0x0], $0xffff;
	v15 =	vadd.bf16 v21, v15;
	v21 =	vadd.s32 s5, v0  }
0x3da: {  	v13 =	vmul.bf16 v25, v13;
	v25 =	vld.idx.msk [tilespmem:v18+s29+$0x0], $0xffff;
	v21 =	vand.u32 $0x7F, v21;
	v24 =	vmul.bf16 v24, v37  }
0x3db: {  	v18 =	vld.idx.msk [tilespmem:v18+s31+$0x0], $0xffff;
	v21 =	vor.u32 v6, v21  }
0x3dc: {  	v13 =	vadd.bf16 v13, v15;
	v15 =	vld.idx.msk [tilespmem:v17+s29+$0x0], $0xffff;
	v22 =	vmul.bf16 v22, v27;
	v24 =	vmul.bf16 v36, v24  }
0x3dd: {  	v17 =	vld.idx.msk [tilespmem:v17+s31+$0x0], $0xffff  }
0x3de: {  	v26 =	vld.idx.msk [tilespmem:v16+s29+$0x0], $0xffff;
	v20 =	vmul.bf16 v20, v23;
	v22 =	vmul.bf16 v35, v22;
	v13 =	vadd.bf16 v24, v13  }
0x3df: {  	v16 =	vld.idx.msk [tilespmem:v16+s31+$0x0], $0xffff  }
0x3e0: {  	v20 =	vmul.bf16 v34, v20;
	v18 =	vmul.bf16 v18, v25;
	v23 =	vld.idx.msk [tilespmem:v21+s29+$0x0], $0xffff;
	v13 =	vadd.bf16 v22, v13  }
0x3e1: {  	v22 =	vld.idx.msk [tilespmem:v21+s31+$0x0], $0xffff  }
0x3e2: {  	v18 =	vmul.bf16 v33, v18;
	v15 =	vmul.bf16 v17, v15;
	v17 =	vld.idx.msk [tilespmem:v21+s30+$0x0], $0xffff;
	v13 =	vadd.bf16 v20, v13  }
0x3e3: {  	v24 =	vld.idx.msk [tilespmem:v14+s31+$0x0], $0xffff  }
0x3e4: {  	v16 =	vmul.bf16 v16, v26;
	v15 =	vmul.bf16 v32, v15;
	v13 =	vadd.bf16 v18, v13  }
0x3e5: {  	v14 =	vld.idx.msk [tilespmem:v14+s30+$0x0], $0xffff  }
0x3e6: {  	v13 =	vadd.bf16 v15, v13;
	v15 =	vmul.bf16 v31, v16;
	v16 =	vmul.bf16 v22, v23;
	_ =	sdelay $0x1  }
0x3e7: {  	v13 =	vadd.bf16 v15, v13;
	v15 =	vmul.bf16 v17, v16;
	v16 =	vmul.bf16 v24, v19;
	_ =	sdelay $0x1  }
0x3e8: {  	v13 =	vadd.bf16 v15, v13;
	v14 =	vmul.bf16 v14, v16;
	_ =	sdelay $0x1  }
0x3e9: {  	v13 =	vadd.bf16 v14, v13;
	_ =	sdelay $0x1  }
0x3ea: {  	v14 =	vshll.u32 v13, $0x10;
	v13 =	vand.u32 $0xFFFF0000, v13  }
0x3eb: {  	v13 =	vadd.f32 v13, v14;
	_ =	sdelay $0x1  }
0x3ec: {  	v13 =	vsub.f32 $0.0e+00, v13;
	_ =	sdelay $0x1  }
0x3ed: {  	v13 =	vmul.f32 $1.442695020e+00, v13;
	_ =	sdelay $0x1  }
0x3ee: {  	(erf) = vpow2.f32 v13;
	_ =	sdelay $0x8  }
0x3ef: {  	v13 =	vpop (erf)  }
0x3f0: {  	v13 =	vadd.f32 $1.000000000e+00, v13;
	_ =	sdelay $0x1  }
0x3f1: {  	(erf) = vrcp.f32 v13;
	_ =	sdelay $0x2  }
0x3f2: {  	s9 =	simm.s32 $0x7  }
0x3f3: {  	s6 =	simm.s32 $0x5;
	s10 =	simm.s32 $0x4;
	v13 =	vadd.s32 s9, v0  }
0x3f4: {  	v15 =	vadd.s32 s10, v0;
	v14 =	vadd.s32 s6, v0;
	v13 =	vand.u32 $0x7F, v13  }
0x3f5: {  	s20 =	simm.s32 $0x2;
	v15 =	vand.u32 $0x7F, v15;
	v14 =	vand.u32 $0x7F, v14;
	v19 =	vor.u32 v8, v13  }
0x3f6: {  	s11 =	simm.s32 $0x3;
	v16 =	vor.u32 v8, v14;
	v14 =	vadd.s32 s20, v0  }
0x3f7: {  	v17 =	vor.u32 v8, v15;
	v14 =	vand.u32 $0x7F, v14;
	v13 =	vadd.s32 s11, v0  }
0x3f8: {  	s7 =	simm.s32 $0x1;
	s8 =	simm.s32 $0x0;
	v14 =	vor.u32 v8, v14;
	v13 =	vand.u32 $0x7F, v13;
	v15 =	vpop (erf)  }
0x3f9: {  	v18 =	vadd.s32 s7, v0;
	v20 =	vor.u32 v8, v13;
	v13 =	vadd.s32 s8, v0;
	[tilespmem:s2+$0x18F80] =	vst v15  }
0x3fa: {  	v15 =	vand.u32 $0x7F, v18;
	v18 =	vand.u32 $0x78, v13;
	v13 =	vld.idx.msk [tilespmem:v19+s29+$0x0], $0xffff  }
0x3fb: {  	v21 =	vor.u32 v8, v15;
	v15 =	vld.idx.msk [tilespmem:v16+s30+$0x0], $0xffff  }
0x3fc: {  	v18 =	vor.u32 v7, v18;
	v29 =	vld.idx.msk [tilespmem:v17+s30+$0x0], $0xffff  }
0x3fd: {  	v23 =	vld.idx.msk [tilespmem:v14+s30+$0x0], $0xffff  }
0x3fe: {  	v28 =	vld.idx.msk [tilespmem:v14+s29+$0x0], $0xffff  }
0x3ff: {  	v53 =	vld.idx.msk [tilespmem:v14+s31+$0x0], $0xffff  }
0x400: {  	v24 =	vld.idx.msk [tilespmem:v21+s30+$0x0], $0xffff  }
0x401: {  	v25 =	vld.idx.msk [tilespmem:v18+s30+$0x0], $0xffff  }
0x402: {  	v26 =	vld.idx.msk [tilespmem:v18+s29+$0x0], $0xffff  }
0x403: {  	v18 =	vld.idx.msk [tilespmem:v18+s31+$0x0], $0xffff  }
0x404: {  	v27 =	vld.idx.msk [tilespmem:v21+s29+$0x0], $0xffff  }
0x405: {  	s5 =	simm.s32 $0xF;
	s7 =	simm.s32 $0xD;
	v21 =	vld.idx.msk [tilespmem:v21+s31+$0x0], $0xffff  }
0x406: {  	v30 =	vimm.bf16 $0.0e+00;
	v54 =	vadd.s32 s7, v0;
	v31 =	vadd.s32 s5, v0;
	s9 =	simm.s32 $0x6;
	v22 =	vld.idx.msk [tilespmem:v20+s30+$0x0], $0xffff  }
0x407: {  	v31 =	vand.u32 $0x7F, v31;
	s10 =	simm.s32 $0xC;
	v14 =	vadd.s32 s9, v0;
	v55 =	vld.idx.msk [tilespmem:v20+s29+$0x0], $0xffff;
	v28 =	vmul.bf16 v53, v28  }
0x408: {  	v56 =	vadd.s32 s10, v0;
	s11 =	simm.s32 $0x9;
	v20 =	vld.idx.msk [tilespmem:v20+s31+$0x0], $0xffff;
	v14 =	vand.u32 $0x7F, v14;
	v18 =	vmul.bf16 v18, v26  }
0x409: {  	v57 =	vadd.s32 s11, v0;
	s8 =	simm.s32 $0xA;
	v39 =	vld.idx.msk [tilespmem:v17+s29+$0x0], $0xffff;
	v28 =	vmul.bf16 v23, v28;
	v26 =	vor.u32 v8, v14  }
0x40a: {  	s20 =	simm.s32 $0x8;
	v58 =	vadd.s32 s8, v0;
	v23 =	vld.idx.msk [tilespmem:v19+s31+$0x0], $0xffff;
	v21 =	vmul.bf16 v21, v27;
	v18 =	vmul.bf16 v25, v18  }
0x40b: {  	v40 =	vadd.s32 s20, v0;
	v61 =	vand.u32 $0x7F, v57;
	v59 =	vand.u32 $0x7F, v58;
	v25 =	vld.idx.msk [tilespmem:v17+s31+$0x0], $0xffff  }
0x40c: {  	s9 =	simm.s32 $0xB;
	v14 =	vor.u32 v8, v31;
	v31 =	vld.idx.msk [tilespmem:v16+s29+$0x0], $0xffff;
	v24 =	vmul.bf16 v24, v21;
	v18 =	vadd.bf16 v18, v30  }
0x40d: {  	v38 =	vadd.s32 s9, v0;
	v20 =	vmul.bf16 v20, v55;
	v27 =	vand.u32 $0x7F, v54;
	v30 =	vld.idx.msk [tilespmem:v16+s31+$0x0], $0xffff  }
0x40e: {  	v17 =	vand.u32 $0x7F, v56;
	v16 =	vor.u32 v8, v27;
	v21 =	vld.idx.msk [tilespmem:v26+s29+$0x0], $0xffff;
	v27 =	vadd.bf16 v24, v18  }
0x40f: {  	v60 =	vand.u32 $0x7F, v38;
	v62 =	vmul.bf16 v22, v20;
	v17 =	vor.u32 v8, v17;
	v24 =	vld.idx.msk [tilespmem:v26+s31+$0x0], $0xffff  }
0x410: {  	v18 =	vor.u32 v8, v60;
	v26 =	vld.idx.msk [tilespmem:v26+s30+$0x0], $0xffff;
	v63 =	vmul.bf16 v25, v39;
	v28 =	vadd.bf16 v28, v27  }
0x411: {  	v22 =	vor.u32 v8, v61;
	v20 =	vor.u32 v8, v59;
	v25 =	vld.idx.msk [tilespmem:v19+s30+$0x0], $0xffff;
	v27 =	vand.u32 $0x78, v40  }
0x412: {  	s6 =	simm.s32 $0x17;
	v19 =	vld.idx.msk [tilespmem:v14+s29+$0x0], $0xffff;
	v29 =	vmul.bf16 v29, v63;
	v30 =	vmul.bf16 v30, v31;
	v28 =	vadd.bf16 v62, v28  }
.LBB2_25:
0x413: {  	p2 =	sne.s32 s6, $0x7F;
	v27 =	vor.u32 v7, v27;
	v31 =	vld.idx.msk [tilespmem:v16+s30+$0x0], $0xffff  }
0x414: {  	v21 =	vmul.bf16 v24, v21;
	v32 =	vld.idx.msk [tilespmem:v17+s30+$0x0], $0xffff;
	v28 =	vadd.bf16 v29, v28;
	v15 =	vmul.bf16 v15, v30  }
0x415: {  	v29 =	vld.idx.msk [tilespmem:v18+s30+$0x0], $0xffff  }
0x416: {  	v21 =	vmul.bf16 v26, v21;
	v24 =	vld.idx.msk [tilespmem:v20+s30+$0x0], $0xffff;
	v30 =	vadd.bf16 v15, v28;
	v28 =	vmul.bf16 v23, v13  }
0x417: {  	v23 =	vld.idx.msk [tilespmem:v22+s30+$0x0], $0xffff  }
0x418: {  	v13 =	vmov v19;
	v26 =	vld.idx.msk [tilespmem:v27+s30+$0x0], $0xffff;
	v21 =	vadd.bf16 v21, v30;
	v25 =	vmul.bf16 v25, v28  }
0x419: {  	v15 =	vmov v31;
	v19 =	vld.idx.msk [tilespmem:v27+s29+$0x0], $0xffff  }
0x41a: {  	v27 =	vld.idx.msk [tilespmem:v27+s31+$0x0], $0xffff;
	v21 =	vadd.bf16 v25, v21  }
0x41b: {  	v25 =	vld.idx.msk [tilespmem:v22+s29+$0x0], $0xffff  }
0x41c: {  	v22 =	vld.idx.msk [tilespmem:v22+s31+$0x0], $0xffff  }
0x41d: {  	s7 =	sadd.s32 $0xFFFFFFFF, s5;
	s5 =	smov.u32 s6;
	v28 =	vld.idx.msk [tilespmem:v20+s29+$0x0], $0xffff  }
0x41e: {  	s8 =	sadd.s32 $0xFFFFFFFE, s6;
	v30 =	vadd.s32 s6, v0;
	v31 =	vadd.s32 s7, v0;
	v20 =	vld.idx.msk [tilespmem:v20+s31+$0x0], $0xffff  }
0x41f: {  	v33 =	vadd.s32 s8, v0;
	s7 =	sadd.s32 $0xFFFFFFFD, s6;
	v30 =	vand.u32 $0x7F, v30;
	v31 =	vand.u32 $0x7F, v31;
	v34 =	vld.idx.msk [tilespmem:v18+s29+$0x0], $0xffff  }
0x420: {  	s9 =	sadd.s32 $0xFFFFFFFB, s6;
	s10 =	sadd.s32 $0xFFFFFFFC, s6;
	s8 =	sadd.s32 $0xFFFFFFFA, s6;
	v35 =	vadd.s32 s7, v0;
	v19 =	vmul.bf16 v27, v19;
	v27 =	vor.u32 v8, v31;
	v18 =	vld.idx.msk [tilespmem:v18+s31+$0x0], $0xffff  }
0x421: {  	v36 =	vadd.s32 s9, v0;
	v37 =	vadd.s32 s10, v0;
	s7 =	sadd.s32 $0xFFFFFFF9, s6;
	v31 =	vadd.s32 s8, v0;
	v38 =	vld.idx.msk [tilespmem:v17+s29+$0x0], $0xffff  }
0x422: {  	v39 =	vadd.s32 s7, v0;
	v19 =	vmul.bf16 v26, v19;
	v22 =	vmul.bf16 v22, v25;
	v25 =	vld.idx.msk [tilespmem:v17+s31+$0x0], $0xffff  }
0x423: {  	v30 =	vor.u32 v8, v30;
	v26 =	vand.u32 $0x7F, v33;
	v17 =	vand.u32 $0x7F, v35;
	v33 =	vld.idx.msk [tilespmem:v16+s29+$0x0], $0xffff  }
0x424: {  	v19 =	vadd.bf16 v19, v21;
	v22 =	vmul.bf16 v23, v22;
	v20 =	vmul.bf16 v20, v28;
	v35 =	vld.idx.msk [tilespmem:v16+s31+$0x0], $0xffff  }
0x425: {  	v28 =	vand.u32 $0x7F, v36;
	v23 =	vand.u32 $0x7F, v37;
	v16 =	vor.u32 v8, v26;
	v21 =	vld.idx.msk [tilespmem:v27+s29+$0x0], $0xffff  }
.Ltmp16:
0x426: {  	v19 =	vadd.bf16 v22, v19;
	v20 =	vmul.bf16 v24, v20;
	v22 =	vmul.bf16 v18, v34;
	v24 =	vld.idx.msk [tilespmem:v27+s31+$0x0], $0xffff;
	(pc) =	sbr.rel @p2 .LBB2_25-.Ltmp16, $4  }
0x427: {  	v31 =	vand.u32 $0x7F, v31;
	v17 =	vor.u32 v8, v17;
	v18 =	vor.u32 v8, v23;
	v23 =	vld.idx.msk [tilespmem:v14+s31+$0x0], $0xffff  }
0x428: {  	v34 =	vadd.bf16 v20, v19;
	v29 =	vmul.bf16 v29, v22;
	v36 =	vmul.bf16 v25, v38;
	v26 =	vld.idx.msk [tilespmem:v27+s30+$0x0], $0xffff  }
0x429: {  	v22 =	vor.u32 v8, v31;
	v20 =	vor.u32 v8, v28;
	v27 =	vand.u32 $0x78, v39;
	v25 =	vld.idx.msk [tilespmem:v14+s30+$0x0], $0xffff;
	v14 =	vmovc v30  }
0x42a: {  	s6 =	sadd.s32 $0x8, s6;
	v28 =	vadd.bf16 v29, v34;
	v29 =	vmul.bf16 v32, v36;
	v19 =	vld.idx.msk [tilespmem:v30+s29+$0x0], $0xffff;
	v30 =	vmul.bf16 v35, v33  }
0x42b: {  	_ =	sdelay $0x3  }
0x42c: {  	v27 =	vor.u32 v7, v27;
	v31 =	vld.idx.msk [tilespmem:v16+s30+$0x0], $0xffff  }
0x42d: {  	v32 =	vld.idx.msk [tilespmem:v17+s30+$0x0], $0xffff  }
0x42e: {  	v33 =	vld.idx.msk [tilespmem:v18+s30+$0x0], $0xffff  }
0x42f: {  	v34 =	vld.idx.msk [tilespmem:v20+s30+$0x0], $0xffff  }
0x430: {  	v35 =	vld.idx.msk [tilespmem:v22+s30+$0x0], $0xffff  }
0x431: {  	v36 =	vld.idx.msk [tilespmem:v27+s30+$0x0], $0xffff  }
0x432: {  	v37 =	vld.idx.msk [tilespmem:v27+s29+$0x0], $0xffff  }
0x433: {  	v21 =	vmul.bf16 v24, v21;
	v28 =	vadd.bf16 v29, v28;
	v15 =	vmul.bf16 v15, v30;
	v24 =	vld.idx.msk [tilespmem:v27+s31+$0x0], $0xffff  }
0x434: {  	v27 =	vld.idx.msk [tilespmem:v22+s29+$0x0], $0xffff  }
0x435: {  	v21 =	vmul.bf16 v26, v21;
	v15 =	vadd.bf16 v15, v28;
	v22 =	vld.idx.msk [tilespmem:v22+s31+$0x0], $0xffff  }
0x436: {  	s5 =	sadd.s32 $0xFFFFFFFF, s5;
	v13 =	vmul.bf16 v23, v13;
	v23 =	vld.idx.msk [tilespmem:v20+s29+$0x0], $0xffff  }
0x437: {  	v20 =	vld.idx.msk [tilespmem:v20+s31+$0x0], $0xffff;
	v15 =	vadd.bf16 v21, v15;
	v21 =	vadd.s32 s5, v0  }
0x438: {  	v13 =	vmul.bf16 v25, v13;
	v25 =	vld.idx.msk [tilespmem:v18+s29+$0x0], $0xffff;
	v21 =	vand.u32 $0x7F, v21;
	v24 =	vmul.bf16 v24, v37  }
0x439: {  	v18 =	vld.idx.msk [tilespmem:v18+s31+$0x0], $0xffff;
	v21 =	vor.u32 v8, v21  }
0x43a: {  	v13 =	vadd.bf16 v13, v15;
	v15 =	vld.idx.msk [tilespmem:v17+s29+$0x0], $0xffff;
	v22 =	vmul.bf16 v22, v27;
	v24 =	vmul.bf16 v36, v24  }
0x43b: {  	v17 =	vld.idx.msk [tilespmem:v17+s31+$0x0], $0xffff  }
0x43c: {  	v26 =	vld.idx.msk [tilespmem:v16+s29+$0x0], $0xffff;
	v20 =	vmul.bf16 v20, v23;
	v22 =	vmul.bf16 v35, v22;
	v13 =	vadd.bf16 v24, v13  }
0x43d: {  	v16 =	vld.idx.msk [tilespmem:v16+s31+$0x0], $0xffff  }
0x43e: {  	v20 =	vmul.bf16 v34, v20;
	v18 =	vmul.bf16 v18, v25;
	v23 =	vld.idx.msk [tilespmem:v21+s29+$0x0], $0xffff;
	v13 =	vadd.bf16 v22, v13  }
0x43f: {  	v22 =	vld.idx.msk [tilespmem:v21+s31+$0x0], $0xffff  }
0x440: {  	v18 =	vmul.bf16 v33, v18;
	v15 =	vmul.bf16 v17, v15;
	v17 =	vld.idx.msk [tilespmem:v21+s30+$0x0], $0xffff;
	v13 =	vadd.bf16 v20, v13  }
0x441: {  	v24 =	vld.idx.msk [tilespmem:v14+s31+$0x0], $0xffff  }
0x442: {  	v16 =	vmul.bf16 v16, v26;
	v15 =	vmul.bf16 v32, v15;
	v13 =	vadd.bf16 v18, v13  }
0x443: {  	v14 =	vld.idx.msk [tilespmem:v14+s30+$0x0], $0xffff  }
0x444: {  	v13 =	vadd.bf16 v15, v13;
	v15 =	vmul.bf16 v31, v16;
	v16 =	vmul.bf16 v22, v23;
	_ =	sdelay $0x1  }
0x445: {  	v13 =	vadd.bf16 v15, v13;
	v15 =	vmul.bf16 v17, v16;
	v16 =	vmul.bf16 v24, v19;
	_ =	sdelay $0x1  }
0x446: {  	v13 =	vadd.bf16 v15, v13;
	v14 =	vmul.bf16 v14, v16;
	_ =	sdelay $0x1  }
0x447: {  	v13 =	vadd.bf16 v14, v13;
	_ =	sdelay $0x1  }
0x448: {  	v14 =	vshll.u32 v13, $0x10;
	v13 =	vand.u32 $0xFFFF0000, v13  }
0x449: {  	v13 =	vadd.f32 v13, v14;
	_ =	sdelay $0x1  }
0x44a: {  	v13 =	vsub.f32 $0.0e+00, v13;
	_ =	sdelay $0x1  }
0x44b: {  	v13 =	vmul.f32 $1.442695020e+00, v13;
	_ =	sdelay $0x1  }
0x44c: {  	(erf) = vpow2.f32 v13;
	_ =	sdelay $0x8  }
0x44d: {  	v13 =	vpop (erf)  }
0x44e: {  	v13 =	vadd.f32 $1.000000000e+00, v13;
	_ =	sdelay $0x1  }
0x44f: {  	(erf) = vrcp.f32 v13;
	_ =	sdelay $0x2  }
0x450: {  	s9 =	simm.s32 $0x7  }
0x451: {  	s6 =	simm.s32 $0x5;
	s10 =	simm.s32 $0x4;
	v13 =	vadd.s32 s9, v0  }
0x452: {  	v15 =	vadd.s32 s10, v0;
	v14 =	vadd.s32 s6, v0;
	v13 =	vand.u32 $0x7F, v13  }
0x453: {  	s20 =	simm.s32 $0x2;
	v15 =	vand.u32 $0x7F, v15;
	v14 =	vand.u32 $0x7F, v14;
	v19 =	vor.u32 v10, v13  }
0x454: {  	s11 =	simm.s32 $0x3;
	v16 =	vor.u32 v10, v14;
	v14 =	vadd.s32 s20, v0  }
0x455: {  	v17 =	vor.u32 v10, v15;
	v14 =	vand.u32 $0x7F, v14;
	v13 =	vadd.s32 s11, v0  }
0x456: {  	s7 =	simm.s32 $0x1;
	s8 =	simm.s32 $0x0;
	v14 =	vor.u32 v10, v14;
	v13 =	vand.u32 $0x7F, v13;
	v15 =	vpop (erf)  }
0x457: {  	v18 =	vadd.s32 s7, v0;
	v20 =	vor.u32 v10, v13;
	v13 =	vadd.s32 s8, v0;
	[tilespmem:s2+$0x18F90] =	vst v15  }
0x458: {  	v15 =	vand.u32 $0x7F, v18;
	v18 =	vand.u32 $0x78, v13;
	v13 =	vld.idx.msk [tilespmem:v19+s29+$0x0], $0xffff  }
0x459: {  	v21 =	vor.u32 v10, v15;
	v15 =	vld.idx.msk [tilespmem:v16+s30+$0x0], $0xffff  }
0x45a: {  	v18 =	vor.u32 v9, v18;
	v29 =	vld.idx.msk [tilespmem:v17+s30+$0x0], $0xffff  }
0x45b: {  	v23 =	vld.idx.msk [tilespmem:v14+s30+$0x0], $0xffff  }
0x45c: {  	v28 =	vld.idx.msk [tilespmem:v14+s29+$0x0], $0xffff  }
0x45d: {  	v53 =	vld.idx.msk [tilespmem:v14+s31+$0x0], $0xffff  }
0x45e: {  	v24 =	vld.idx.msk [tilespmem:v21+s30+$0x0], $0xffff  }
0x45f: {  	v25 =	vld.idx.msk [tilespmem:v18+s30+$0x0], $0xffff  }
0x460: {  	v26 =	vld.idx.msk [tilespmem:v18+s29+$0x0], $0xffff  }
0x461: {  	v18 =	vld.idx.msk [tilespmem:v18+s31+$0x0], $0xffff  }
0x462: {  	v27 =	vld.idx.msk [tilespmem:v21+s29+$0x0], $0xffff  }
0x463: {  	s5 =	simm.s32 $0xF;
	s7 =	simm.s32 $0xD;
	v21 =	vld.idx.msk [tilespmem:v21+s31+$0x0], $0xffff  }
0x464: {  	v30 =	vimm.bf16 $0.0e+00;
	v54 =	vadd.s32 s7, v0;
	v31 =	vadd.s32 s5, v0;
	s9 =	simm.s32 $0x6;
	v22 =	vld.idx.msk [tilespmem:v20+s30+$0x0], $0xffff  }
0x465: {  	v31 =	vand.u32 $0x7F, v31;
	s10 =	simm.s32 $0xC;
	v14 =	vadd.s32 s9, v0;
	v55 =	vld.idx.msk [tilespmem:v20+s29+$0x0], $0xffff;
	v28 =	vmul.bf16 v53, v28  }
0x466: {  	v56 =	vadd.s32 s10, v0;
	s11 =	simm.s32 $0x9;
	v20 =	vld.idx.msk [tilespmem:v20+s31+$0x0], $0xffff;
	v14 =	vand.u32 $0x7F, v14;
	v18 =	vmul.bf16 v18, v26  }
0x467: {  	v57 =	vadd.s32 s11, v0;
	s8 =	simm.s32 $0xA;
	v39 =	vld.idx.msk [tilespmem:v17+s29+$0x0], $0xffff;
	v28 =	vmul.bf16 v23, v28;
	v26 =	vor.u32 v10, v14  }
0x468: {  	s20 =	simm.s32 $0x8;
	v58 =	vadd.s32 s8, v0;
	v23 =	vld.idx.msk [tilespmem:v19+s31+$0x0], $0xffff;
	v21 =	vmul.bf16 v21, v27;
	v18 =	vmul.bf16 v25, v18  }
0x469: {  	v40 =	vadd.s32 s20, v0;
	v61 =	vand.u32 $0x7F, v57;
	v59 =	vand.u32 $0x7F, v58;
	v25 =	vld.idx.msk [tilespmem:v17+s31+$0x0], $0xffff  }
0x46a: {  	s9 =	simm.s32 $0xB;
	v14 =	vor.u32 v10, v31;
	v31 =	vld.idx.msk [tilespmem:v16+s29+$0x0], $0xffff;
	v24 =	vmul.bf16 v24, v21;
	v18 =	vadd.bf16 v18, v30  }
0x46b: {  	v38 =	vadd.s32 s9, v0;
	v20 =	vmul.bf16 v20, v55;
	v27 =	vand.u32 $0x7F, v54;
	v30 =	vld.idx.msk [tilespmem:v16+s31+$0x0], $0xffff  }
0x46c: {  	v17 =	vand.u32 $0x7F, v56;
	v16 =	vor.u32 v10, v27;
	v21 =	vld.idx.msk [tilespmem:v26+s29+$0x0], $0xffff;
	v27 =	vadd.bf16 v24, v18  }
0x46d: {  	v60 =	vand.u32 $0x7F, v38;
	v62 =	vmul.bf16 v22, v20;
	v17 =	vor.u32 v10, v17;
	v24 =	vld.idx.msk [tilespmem:v26+s31+$0x0], $0xffff  }
0x46e: {  	v18 =	vor.u32 v10, v60;
	v26 =	vld.idx.msk [tilespmem:v26+s30+$0x0], $0xffff;
	v63 =	vmul.bf16 v25, v39;
	v28 =	vadd.bf16 v28, v27  }
0x46f: {  	v22 =	vor.u32 v10, v61;
	v20 =	vor.u32 v10, v59;
	v25 =	vld.idx.msk [tilespmem:v19+s30+$0x0], $0xffff;
	v27 =	vand.u32 $0x78, v40  }
0x470: {  	s6 =	simm.s32 $0x17;
	v19 =	vld.idx.msk [tilespmem:v14+s29+$0x0], $0xffff;
	v29 =	vmul.bf16 v29, v63;
	v30 =	vmul.bf16 v30, v31;
	v28 =	vadd.bf16 v62, v28  }
.LBB2_27:
0x471: {  	p2 =	sne.s32 s6, $0x7F;
	v27 =	vor.u32 v9, v27;
	v31 =	vld.idx.msk [tilespmem:v16+s30+$0x0], $0xffff  }
0x472: {  	v21 =	vmul.bf16 v24, v21;
	v32 =	vld.idx.msk [tilespmem:v17+s30+$0x0], $0xffff;
	v28 =	vadd.bf16 v29, v28;
	v15 =	vmul.bf16 v15, v30  }
0x473: {  	v29 =	vld.idx.msk [tilespmem:v18+s30+$0x0], $0xffff  }
0x474: {  	v21 =	vmul.bf16 v26, v21;
	v24 =	vld.idx.msk [tilespmem:v20+s30+$0x0], $0xffff;
	v30 =	vadd.bf16 v15, v28;
	v28 =	vmul.bf16 v23, v13  }
0x475: {  	v23 =	vld.idx.msk [tilespmem:v22+s30+$0x0], $0xffff  }
0x476: {  	v13 =	vmov v19;
	v26 =	vld.idx.msk [tilespmem:v27+s30+$0x0], $0xffff;
	v21 =	vadd.bf16 v21, v30;
	v25 =	vmul.bf16 v25, v28  }
0x477: {  	v15 =	vmov v31;
	v19 =	vld.idx.msk [tilespmem:v27+s29+$0x0], $0xffff  }
0x478: {  	v27 =	vld.idx.msk [tilespmem:v27+s31+$0x0], $0xffff;
	v21 =	vadd.bf16 v25, v21  }
0x479: {  	v25 =	vld.idx.msk [tilespmem:v22+s29+$0x0], $0xffff  }
0x47a: {  	v22 =	vld.idx.msk [tilespmem:v22+s31+$0x0], $0xffff  }
0x47b: {  	s7 =	sadd.s32 $0xFFFFFFFF, s5;
	s5 =	smov.u32 s6;
	v28 =	vld.idx.msk [tilespmem:v20+s29+$0x0], $0xffff  }
0x47c: {  	s8 =	sadd.s32 $0xFFFFFFFE, s6;
	v30 =	vadd.s32 s6, v0;
	v31 =	vadd.s32 s7, v0;
	v20 =	vld.idx.msk [tilespmem:v20+s31+$0x0], $0xffff  }
0x47d: {  	v33 =	vadd.s32 s8, v0;
	s7 =	sadd.s32 $0xFFFFFFFD, s6;
	v30 =	vand.u32 $0x7F, v30;
	v31 =	vand.u32 $0x7F, v31;
	v34 =	vld.idx.msk [tilespmem:v18+s29+$0x0], $0xffff  }
0x47e: {  	s9 =	sadd.s32 $0xFFFFFFFB, s6;
	s10 =	sadd.s32 $0xFFFFFFFC, s6;
	s8 =	sadd.s32 $0xFFFFFFFA, s6;
	v35 =	vadd.s32 s7, v0;
	v19 =	vmul.bf16 v27, v19;
	v27 =	vor.u32 v10, v31;
	v18 =	vld.idx.msk [tilespmem:v18+s31+$0x0], $0xffff  }
0x47f: {  	v36 =	vadd.s32 s9, v0;
	v37 =	vadd.s32 s10, v0;
	s7 =	sadd.s32 $0xFFFFFFF9, s6;
	v31 =	vadd.s32 s8, v0;
	v38 =	vld.idx.msk [tilespmem:v17+s29+$0x0], $0xffff  }
0x480: {  	v39 =	vadd.s32 s7, v0;
	v19 =	vmul.bf16 v26, v19;
	v22 =	vmul.bf16 v22, v25;
	v25 =	vld.idx.msk [tilespmem:v17+s31+$0x0], $0xffff  }
0x481: {  	v30 =	vor.u32 v10, v30;
	v26 =	vand.u32 $0x7F, v33;
	v17 =	vand.u32 $0x7F, v35;
	v33 =	vld.idx.msk [tilespmem:v16+s29+$0x0], $0xffff  }
0x482: {  	v19 =	vadd.bf16 v19, v21;
	v22 =	vmul.bf16 v23, v22;
	v20 =	vmul.bf16 v20, v28;
	v35 =	vld.idx.msk [tilespmem:v16+s31+$0x0], $0xffff  }
0x483: {  	v28 =	vand.u32 $0x7F, v36;
	v23 =	vand.u32 $0x7F, v37;
	v16 =	vor.u32 v10, v26;
	v21 =	vld.idx.msk [tilespmem:v27+s29+$0x0], $0xffff  }
.Ltmp17:
0x484: {  	v19 =	vadd.bf16 v22, v19;
	v20 =	vmul.bf16 v24, v20;
	v22 =	vmul.bf16 v18, v34;
	v24 =	vld.idx.msk [tilespmem:v27+s31+$0x0], $0xffff;
	(pc) =	sbr.rel @p2 .LBB2_27-.Ltmp17, $4  }
0x485: {  	v31 =	vand.u32 $0x7F, v31;
	v17 =	vor.u32 v10, v17;
	v18 =	vor.u32 v10, v23;
	v23 =	vld.idx.msk [tilespmem:v14+s31+$0x0], $0xffff  }
0x486: {  	v34 =	vadd.bf16 v20, v19;
	v29 =	vmul.bf16 v29, v22;
	v36 =	vmul.bf16 v25, v38;
	v26 =	vld.idx.msk [tilespmem:v27+s30+$0x0], $0xffff  }
0x487: {  	v22 =	vor.u32 v10, v31;
	v20 =	vor.u32 v10, v28;
	v27 =	vand.u32 $0x78, v39;
	v25 =	vld.idx.msk [tilespmem:v14+s30+$0x0], $0xffff;
	v14 =	vmovc v30  }
0x488: {  	s6 =	sadd.s32 $0x8, s6;
	v28 =	vadd.bf16 v29, v34;
	v29 =	vmul.bf16 v32, v36;
	v19 =	vld.idx.msk [tilespmem:v30+s29+$0x0], $0xffff;
	v30 =	vmul.bf16 v35, v33  }
0x489: {  	_ =	sdelay $0x3  }
0x48a: {  	v27 =	vor.u32 v9, v27;
	v31 =	vld.idx.msk [tilespmem:v16+s30+$0x0], $0xffff  }
0x48b: {  	v32 =	vld.idx.msk [tilespmem:v17+s30+$0x0], $0xffff  }
0x48c: {  	v33 =	vld.idx.msk [tilespmem:v18+s30+$0x0], $0xffff  }
0x48d: {  	v34 =	vld.idx.msk [tilespmem:v20+s30+$0x0], $0xffff  }
0x48e: {  	v35 =	vld.idx.msk [tilespmem:v22+s30+$0x0], $0xffff  }
0x48f: {  	v36 =	vld.idx.msk [tilespmem:v27+s30+$0x0], $0xffff  }
0x490: {  	v37 =	vld.idx.msk [tilespmem:v27+s29+$0x0], $0xffff  }
0x491: {  	v21 =	vmul.bf16 v24, v21;
	v28 =	vadd.bf16 v29, v28;
	v15 =	vmul.bf16 v15, v30;
	v24 =	vld.idx.msk [tilespmem:v27+s31+$0x0], $0xffff  }
0x492: {  	v27 =	vld.idx.msk [tilespmem:v22+s29+$0x0], $0xffff  }
0x493: {  	v21 =	vmul.bf16 v26, v21;
	v15 =	vadd.bf16 v15, v28;
	v22 =	vld.idx.msk [tilespmem:v22+s31+$0x0], $0xffff  }
0x494: {  	s5 =	sadd.s32 $0xFFFFFFFF, s5;
	v13 =	vmul.bf16 v23, v13;
	v23 =	vld.idx.msk [tilespmem:v20+s29+$0x0], $0xffff  }
0x495: {  	v20 =	vld.idx.msk [tilespmem:v20+s31+$0x0], $0xffff;
	v15 =	vadd.bf16 v21, v15;
	v21 =	vadd.s32 s5, v0  }
0x496: {  	v13 =	vmul.bf16 v25, v13;
	v25 =	vld.idx.msk [tilespmem:v18+s29+$0x0], $0xffff;
	v21 =	vand.u32 $0x7F, v21;
	v24 =	vmul.bf16 v24, v37  }
0x497: {  	v18 =	vld.idx.msk [tilespmem:v18+s31+$0x0], $0xffff;
	v21 =	vor.u32 v10, v21  }
0x498: {  	v13 =	vadd.bf16 v13, v15;
	v15 =	vld.idx.msk [tilespmem:v17+s29+$0x0], $0xffff;
	v22 =	vmul.bf16 v22, v27;
	v24 =	vmul.bf16 v36, v24  }
0x499: {  	v17 =	vld.idx.msk [tilespmem:v17+s31+$0x0], $0xffff  }
0x49a: {  	v26 =	vld.idx.msk [tilespmem:v16+s29+$0x0], $0xffff;
	v20 =	vmul.bf16 v20, v23;
	v22 =	vmul.bf16 v35, v22;
	v13 =	vadd.bf16 v24, v13  }
0x49b: {  	v16 =	vld.idx.msk [tilespmem:v16+s31+$0x0], $0xffff  }
0x49c: {  	v20 =	vmul.bf16 v34, v20;
	v18 =	vmul.bf16 v18, v25;
	v23 =	vld.idx.msk [tilespmem:v21+s29+$0x0], $0xffff;
	v13 =	vadd.bf16 v22, v13  }
0x49d: {  	v22 =	vld.idx.msk [tilespmem:v21+s31+$0x0], $0xffff  }
0x49e: {  	v18 =	vmul.bf16 v33, v18;
	v15 =	vmul.bf16 v17, v15;
	v17 =	vld.idx.msk [tilespmem:v21+s30+$0x0], $0xffff;
	v13 =	vadd.bf16 v20, v13  }
0x49f: {  	v24 =	vld.idx.msk [tilespmem:v14+s31+$0x0], $0xffff  }
0x4a0: {  	v16 =	vmul.bf16 v16, v26;
	v15 =	vmul.bf16 v32, v15;
	v13 =	vadd.bf16 v18, v13  }
0x4a1: {  	v14 =	vld.idx.msk [tilespmem:v14+s30+$0x0], $0xffff  }
0x4a2: {  	v13 =	vadd.bf16 v15, v13;
	v15 =	vmul.bf16 v31, v16;
	v16 =	vmul.bf16 v22, v23;
	_ =	sdelay $0x1  }
0x4a3: {  	v13 =	vadd.bf16 v15, v13;
	v15 =	vmul.bf16 v17, v16;
	v16 =	vmul.bf16 v24, v19;
	_ =	sdelay $0x1  }
0x4a4: {  	v13 =	vadd.bf16 v15, v13;
	v14 =	vmul.bf16 v14, v16;
	_ =	sdelay $0x1  }
0x4a5: {  	v13 =	vadd.bf16 v14, v13;
	_ =	sdelay $0x1  }
0x4a6: {  	v14 =	vshll.u32 v13, $0x10;
	v13 =	vand.u32 $0xFFFF0000, v13  }
0x4a7: {  	v13 =	vadd.f32 v13, v14;
	_ =	sdelay $0x1  }
0x4a8: {  	v13 =	vsub.f32 $0.0e+00, v13;
	_ =	sdelay $0x1  }
0x4a9: {  	v13 =	vmul.f32 $1.442695020e+00, v13;
	_ =	sdelay $0x1  }
0x4aa: {  	(erf) = vpow2.f32 v13;
	_ =	sdelay $0x8  }
0x4ab: {  	v13 =	vpop (erf)  }
0x4ac: {  	v13 =	vadd.f32 $1.000000000e+00, v13;
	_ =	sdelay $0x1  }
0x4ad: {  	(erf) = vrcp.f32 v13;
	_ =	sdelay $0x2  }
0x4ae: {  	s9 =	simm.s32 $0x7  }
0x4af: {  	s6 =	simm.s32 $0x5;
	s10 =	simm.s32 $0x4;
	v13 =	vadd.s32 s9, v0  }
0x4b0: {  	v15 =	vadd.s32 s10, v0;
	v14 =	vadd.s32 s6, v0;
	v13 =	vand.u32 $0x7F, v13  }
0x4b1: {  	s20 =	simm.s32 $0x2;
	v15 =	vand.u32 $0x7F, v15;
	v14 =	vand.u32 $0x7F, v14;
	v19 =	vor.u32 v12, v13  }
0x4b2: {  	s11 =	simm.s32 $0x3;
	v16 =	vor.u32 v12, v14;
	v14 =	vadd.s32 s20, v0  }
0x4b3: {  	v17 =	vor.u32 v12, v15;
	v14 =	vand.u32 $0x7F, v14;
	v13 =	vadd.s32 s11, v0  }
0x4b4: {  	s7 =	simm.s32 $0x1;
	s8 =	simm.s32 $0x0;
	v14 =	vor.u32 v12, v14;
	v13 =	vand.u32 $0x7F, v13;
	v15 =	vpop (erf)  }
0x4b5: {  	v18 =	vadd.s32 s7, v0;
	v20 =	vor.u32 v12, v13;
	v13 =	vadd.s32 s8, v0;
	[tilespmem:s2+$0x18FA0] =	vst v15  }
0x4b6: {  	v15 =	vand.u32 $0x7F, v18;
	v18 =	vand.u32 $0x78, v13;
	v13 =	vld.idx.msk [tilespmem:v19+s29+$0x0], $0xffff  }
0x4b7: {  	v21 =	vor.u32 v12, v15;
	v15 =	vld.idx.msk [tilespmem:v16+s30+$0x0], $0xffff  }
0x4b8: {  	v18 =	vor.u32 v11, v18;
	v29 =	vld.idx.msk [tilespmem:v17+s30+$0x0], $0xffff  }
0x4b9: {  	v23 =	vld.idx.msk [tilespmem:v14+s30+$0x0], $0xffff  }
0x4ba: {  	v28 =	vld.idx.msk [tilespmem:v14+s29+$0x0], $0xffff  }
0x4bb: {  	v53 =	vld.idx.msk [tilespmem:v14+s31+$0x0], $0xffff  }
0x4bc: {  	v24 =	vld.idx.msk [tilespmem:v21+s30+$0x0], $0xffff  }
0x4bd: {  	v25 =	vld.idx.msk [tilespmem:v18+s30+$0x0], $0xffff  }
0x4be: {  	v26 =	vld.idx.msk [tilespmem:v18+s29+$0x0], $0xffff  }
0x4bf: {  	v18 =	vld.idx.msk [tilespmem:v18+s31+$0x0], $0xffff  }
0x4c0: {  	v27 =	vld.idx.msk [tilespmem:v21+s29+$0x0], $0xffff  }
0x4c1: {  	s5 =	simm.s32 $0xF;
	s7 =	simm.s32 $0xD;
	v21 =	vld.idx.msk [tilespmem:v21+s31+$0x0], $0xffff  }
0x4c2: {  	v30 =	vimm.bf16 $0.0e+00;
	v54 =	vadd.s32 s7, v0;
	v31 =	vadd.s32 s5, v0;
	s9 =	simm.s32 $0x6;
	v22 =	vld.idx.msk [tilespmem:v20+s30+$0x0], $0xffff  }
0x4c3: {  	v31 =	vand.u32 $0x7F, v31;
	s10 =	simm.s32 $0xC;
	v14 =	vadd.s32 s9, v0;
	v55 =	vld.idx.msk [tilespmem:v20+s29+$0x0], $0xffff;
	v28 =	vmul.bf16 v53, v28  }
0x4c4: {  	v56 =	vadd.s32 s10, v0;
	s11 =	simm.s32 $0x9;
	v20 =	vld.idx.msk [tilespmem:v20+s31+$0x0], $0xffff;
	v14 =	vand.u32 $0x7F, v14;
	v18 =	vmul.bf16 v18, v26  }
0x4c5: {  	v57 =	vadd.s32 s11, v0;
	s8 =	simm.s32 $0xA;
	v39 =	vld.idx.msk [tilespmem:v17+s29+$0x0], $0xffff;
	v28 =	vmul.bf16 v23, v28;
	v26 =	vor.u32 v12, v14  }
0x4c6: {  	s20 =	simm.s32 $0x8;
	v58 =	vadd.s32 s8, v0;
	v23 =	vld.idx.msk [tilespmem:v19+s31+$0x0], $0xffff;
	v21 =	vmul.bf16 v21, v27;
	v18 =	vmul.bf16 v25, v18  }
0x4c7: {  	v40 =	vadd.s32 s20, v0;
	v61 =	vand.u32 $0x7F, v57;
	v59 =	vand.u32 $0x7F, v58;
	v25 =	vld.idx.msk [tilespmem:v17+s31+$0x0], $0xffff  }
0x4c8: {  	s9 =	simm.s32 $0xB;
	v14 =	vor.u32 v12, v31;
	v31 =	vld.idx.msk [tilespmem:v16+s29+$0x0], $0xffff;
	v24 =	vmul.bf16 v24, v21;
	v18 =	vadd.bf16 v18, v30  }
0x4c9: {  	v38 =	vadd.s32 s9, v0;
	v20 =	vmul.bf16 v20, v55;
	v27 =	vand.u32 $0x7F, v54;
	v30 =	vld.idx.msk [tilespmem:v16+s31+$0x0], $0xffff  }
0x4ca: {  	v17 =	vand.u32 $0x7F, v56;
	v16 =	vor.u32 v12, v27;
	v21 =	vld.idx.msk [tilespmem:v26+s29+$0x0], $0xffff;
	v27 =	vadd.bf16 v24, v18  }
0x4cb: {  	v60 =	vand.u32 $0x7F, v38;
	v62 =	vmul.bf16 v22, v20;
	v17 =	vor.u32 v12, v17;
	v24 =	vld.idx.msk [tilespmem:v26+s31+$0x0], $0xffff  }
0x4cc: {  	v18 =	vor.u32 v12, v60;
	v26 =	vld.idx.msk [tilespmem:v26+s30+$0x0], $0xffff;
	v63 =	vmul.bf16 v25, v39;
	v28 =	vadd.bf16 v28, v27  }
0x4cd: {  	v22 =	vor.u32 v12, v61;
	v20 =	vor.u32 v12, v59;
	v25 =	vld.idx.msk [tilespmem:v19+s30+$0x0], $0xffff;
	v27 =	vand.u32 $0x78, v40  }
0x4ce: {  	s6 =	simm.s32 $0x17;
	v19 =	vld.idx.msk [tilespmem:v14+s29+$0x0], $0xffff;
	v29 =	vmul.bf16 v29, v63;
	v30 =	vmul.bf16 v30, v31;
	v28 =	vadd.bf16 v62, v28  }
.LBB2_29:
0x4cf: {  	p2 =	sne.s32 s6, $0x7F;
	v27 =	vor.u32 v11, v27;
	v31 =	vld.idx.msk [tilespmem:v16+s30+$0x0], $0xffff  }
0x4d0: {  	v28 =	vadd.bf16 v29, v28;
	v15 =	vmul.bf16 v15, v30;
	v21 =	vmul.bf16 v24, v21;
	v32 =	vld.idx.msk [tilespmem:v17+s30+$0x0], $0xffff  }
0x4d1: {  	v29 =	vld.idx.msk [tilespmem:v18+s30+$0x0], $0xffff  }
0x4d2: {  	v30 =	vadd.bf16 v15, v28;
	v21 =	vmul.bf16 v26, v21;
	v28 =	vmul.bf16 v23, v13;
	v24 =	vld.idx.msk [tilespmem:v20+s30+$0x0], $0xffff  }
0x4d3: {  	v23 =	vld.idx.msk [tilespmem:v22+s30+$0x0], $0xffff  }
0x4d4: {  	v13 =	vmov v19;
	v21 =	vadd.bf16 v21, v30;
	v25 =	vmul.bf16 v25, v28;
	v26 =	vld.idx.msk [tilespmem:v27+s30+$0x0], $0xffff  }
0x4d5: {  	v15 =	vmov v31;
	v19 =	vld.idx.msk [tilespmem:v27+s29+$0x0], $0xffff  }
0x4d6: {  	v21 =	vadd.bf16 v25, v21;
	v27 =	vld.idx.msk [tilespmem:v27+s31+$0x0], $0xffff  }
0x4d7: {  	v25 =	vld.idx.msk [tilespmem:v22+s29+$0x0], $0xffff  }
0x4d8: {  	v22 =	vld.idx.msk [tilespmem:v22+s31+$0x0], $0xffff  }
0x4d9: {  	s7 =	sadd.s32 $0xFFFFFFFF, s5;
	s5 =	smov.u32 s6;
	v28 =	vld.idx.msk [tilespmem:v20+s29+$0x0], $0xffff  }
0x4da: {  	s8 =	sadd.s32 $0xFFFFFFFE, s6;
	v30 =	vadd.s32 s6, v0;
	v31 =	vadd.s32 s7, v0;
	v20 =	vld.idx.msk [tilespmem:v20+s31+$0x0], $0xffff  }
0x4db: {  	v33 =	vadd.s32 s8, v0;
	s7 =	sadd.s32 $0xFFFFFFFD, s6;
	v30 =	vand.u32 $0x7F, v30;
	v31 =	vand.u32 $0x7F, v31;
	v34 =	vld.idx.msk [tilespmem:v18+s29+$0x0], $0xffff  }
0x4dc: {  	s9 =	sadd.s32 $0xFFFFFFFB, s6;
	s10 =	sadd.s32 $0xFFFFFFFC, s6;
	s8 =	sadd.s32 $0xFFFFFFFA, s6;
	v35 =	vadd.s32 s7, v0;
	v19 =	vmul.bf16 v27, v19;
	v27 =	vor.u32 v12, v31;
	v18 =	vld.idx.msk [tilespmem:v18+s31+$0x0], $0xffff  }
0x4dd: {  	v36 =	vadd.s32 s9, v0;
	v37 =	vadd.s32 s10, v0;
	s7 =	sadd.s32 $0xFFFFFFF9, s6;
	v31 =	vadd.s32 s8, v0;
	v38 =	vld.idx.msk [tilespmem:v17+s29+$0x0], $0xffff  }
0x4de: {  	v39 =	vadd.s32 s7, v0;
	v19 =	vmul.bf16 v26, v19;
	v22 =	vmul.bf16 v22, v25;
	v25 =	vld.idx.msk [tilespmem:v17+s31+$0x0], $0xffff  }
0x4df: {  	v30 =	vor.u32 v12, v30;
	v26 =	vand.u32 $0x7F, v33;
	v17 =	vand.u32 $0x7F, v35;
	v33 =	vld.idx.msk [tilespmem:v16+s29+$0x0], $0xffff  }
0x4e0: {  	v19 =	vadd.bf16 v19, v21;
	v22 =	vmul.bf16 v23, v22;
	v20 =	vmul.bf16 v20, v28;
	v35 =	vld.idx.msk [tilespmem:v16+s31+$0x0], $0xffff  }
0x4e1: {  	v28 =	vand.u32 $0x7F, v36;
	v23 =	vand.u32 $0x7F, v37;
	v16 =	vor.u32 v12, v26;
	v21 =	vld.idx.msk [tilespmem:v27+s29+$0x0], $0xffff  }
.Ltmp18:
0x4e2: {  	v19 =	vadd.bf16 v22, v19;
	v20 =	vmul.bf16 v24, v20;
	v22 =	vmul.bf16 v18, v34;
	v24 =	vld.idx.msk [tilespmem:v27+s31+$0x0], $0xffff;
	(pc) =	sbr.rel @p2 .LBB2_29-.Ltmp18, $4  }
0x4e3: {  	v31 =	vand.u32 $0x7F, v31;
	v17 =	vor.u32 v12, v17;
	v18 =	vor.u32 v12, v23;
	v23 =	vld.idx.msk [tilespmem:v14+s31+$0x0], $0xffff  }
0x4e4: {  	v34 =	vadd.bf16 v20, v19;
	v29 =	vmul.bf16 v29, v22;
	v36 =	vmul.bf16 v25, v38;
	v26 =	vld.idx.msk [tilespmem:v27+s30+$0x0], $0xffff  }
0x4e5: {  	v22 =	vor.u32 v12, v31;
	v20 =	vor.u32 v12, v28;
	v27 =	vand.u32 $0x78, v39;
	v25 =	vld.idx.msk [tilespmem:v14+s30+$0x0], $0xffff;
	v14 =	vmovc v30  }
0x4e6: {  	s6 =	sadd.s32 $0x8, s6;
	v28 =	vadd.bf16 v29, v34;
	v29 =	vmul.bf16 v32, v36;
	v19 =	vld.idx.msk [tilespmem:v30+s29+$0x0], $0xffff;
	v30 =	vmul.bf16 v35, v33  }
.Ltmp19:
0x4e7: {  	_ = 	snop;
	(pc) =	sbr.rel .LBB2_30-.Ltmp19, $1  }
0x4e8: {  	_ =	sdelay $0x3  }
.LBB2_33:
0x4e9: {  	_ =	sfence.sel $0x180000  }
0x4ea: {  	[bflag:$0x0] =	sbarrier.arrive $0xFFFF  }
0x4eb: {  	_ =	strace $0x90000047  }
0x4ec: {  	[bflag:$0x2] =	sbarrier.arrive $0xFFFF  }
0x4ed: {  	s0 =	rddreg [dreg:$0x4]  }
0x4ee: {  	s0 =	sadd.s32 @!p1 $0x100000, s0  }
0x4ef: {  	[sflag:s0] =	ssyncadd.tile.s32 @!p1 $0x1;
	_ =	shalt  }
.Lfunc_end2:
_tile_overlayer_lowered:
.L_overlay_start_2:
0x4f0: {  	(tag) =	ssettag $0x2  }
0x4f1: {  	s0 =	rddreg [dreg:$0x0];
	s2 =	stileid.u32  }
0x4f2: {  	s1 =	rddreg [dreg:$0x1];
	p0 =	sne.s32 s2, $0x0  }
0x4f3: {  	s3 =	rddreg [dreg:$0x2];
	[bflag:$0x3] =	sbarrier.arrive $0xFFFF;
	s2 =	simm.s32 @!p0 $0x1C08  }
0x4f4: {  	[timem:s3], [sflag:s2] =	dma.local @!p0 [hbm:s0], s1  }
0x4f5: {  	s0 =	simm.s32 @!p0 $0x8  }
0x4f6: {  	_ =	swait.ge @!p0 [sflag:s0], s1  }
0x4f7: {  	s1 =	ssub.s32 @!p0 $0x0, s1;
	[sflag:s0] =	ssyncset.done @!p0 $0x0  }
0x4f8: {  	[sflag:s0] =	ssyncadd.s32 @!p0 s1  }
0x4f9: {  	[bflag:$0x3] =	sbarrier.arrive $0xFFFF  }
0x4fa: {  	_ =	shalt  }

</sc_bundles>
